<compile_context>
chip_gen: v7x
topology: tpu7x:2x2x1
jax: 0.10.2.dev20260603
libtpu: 0.0.44.dev20260713+nightly
codegen_flags: <defaults>
</compile_context>

<pallas_src>
import functools

import jax
import jax.numpy as jnp
from jax import lax
from jax.experimental import pallas as pl
from jax.experimental.pallas import tpu as pltpu
from jax.experimental.pallas import tpu_sc as plsc

N = 10000
E = 320000
D = 128
H = 16

NC = 2
NS = 16
NW = NC * NS
CH = 128
NCH = 80
EPW = NCH * CH
EP = NW * EPW
NBUF = 4
NACC = 1
RB = 624
RREM = N - NS * RB



def _mm1_body(x_ref, w_ref, b_ref, o_ref):
    o_ref[...] = lax.dot_general(
        x_ref[...], w_ref[...],
        (((1,), (1,)), ((), ())),
        preferred_element_type=jnp.float32,
    ) + b_ref[...]


def _combine_relu_body(p_ref, o_ref):
    o_ref[...] = jnp.maximum(jnp.sum(p_ref[...], axis=0), 0.0)


def _mm2_body(p_ref, w_ref, b_ref, degp_ref, o_ref):
    s = jnp.sum(p_ref[...], axis=0)
    deg = jnp.sum(degp_ref[...], axis=1, keepdims=True)
    o_ref[...] = lax.dot_general(
        s, w_ref[...],
        (((1,), (1,)), ((), ())),
        preferred_element_type=jnp.float32,
    ) + deg * b_ref[...]



def _make_spmm(compute_deg: bool):
    mesh = plsc.VectorSubcoreMesh(core_axis_name="c", subcore_axis_name="s")

    out_type = [jax.ShapeDtypeStruct((NC * NACC, N, H), jnp.float32)]
    scratch = [
        pltpu.VMEM_SHARED((NACC * N, H), jnp.float32),
    ]
    scratch += [
        pltpu.VMEM((NCH, CH), jnp.int32),
        pltpu.VMEM((NCH, CH), jnp.int32),
        pltpu.VMEM((NCH, CH), jnp.float32),
    ]
    scratch += [pltpu.VMEM((CH, H), jnp.float32) for _ in range(2 * NBUF)]
    scratch += [pltpu.SemaphoreType.DMA for _ in range(2 * NBUF)]
    if compute_deg:
        out_type.append(jax.ShapeDtypeStruct((NC * NACC * N,), jnp.float32))
        scratch.append(pltpu.VMEM_SHARED((NACC * N,), jnp.float32))
        scratch.append(pltpu.VMEM((RB,), jnp.float32))
        scratch.append(pltpu.SemaphoreType.DMA)

    @functools.partial(
        pl.kernel, out_type=out_type, mesh=mesh, scratch_types=scratch,
        compiler_params=pltpu.CompilerParams(use_tc_tiling_on_sc=False))
    def spmm(*refs):
        n_out = 2 if compute_deg else 1
        y_hbm, rows_hbm, cols_hbm, w_hbm, z_hbm = refs[:5]
        out_hbm = refs[5]
        if compute_deg:
            deg_hbm = refs[6]
        k = 5 + n_out
        acc = refs[k]; k += 1
        cols_all, rows_all, w_all = refs[k:k + 3]; k += 3
        g = refs[k:k + NBUF]; k += NBUF
        s = refs[k:k + NBUF]; k += NBUF
        gsem = refs[k:k + NBUF]; k += NBUF
        ssem = refs[k:k + NBUF]; k += NBUF
        if compute_deg:
            deg_v = refs[k]; k += 1
            zb, dsem = refs[k:k + 2]

        cid = lax.axis_index("c")
        sid = lax.axis_index("s")
        wid = sid * NC + cid

        pltpu.sync_copy(cols_hbm.at[wid], cols_all)
        pltpu.sync_copy(rows_hbm.at[wid], rows_all)
        pltpu.sync_copy(w_hbm.at[wid], w_all)

        if NACC > 1:
            bank_off = (sid % NACC) * N

            def adj(i, c):
                q, r = i // (CH // 16), i % (CH // 16)
                rows_all[q, pl.ds(r * 16, 16)] = (
                    rows_all[q, pl.ds(r * 16, 16)] + bank_off)
                return c

            lax.fori_loop(0, NCH * (CH // 16), adj, 0)

        for a in range(NACC):
            pltpu.sync_copy(z_hbm.at[pl.ds(sid * RB, RB)],
                            acc.at[pl.ds(a * N + sid * RB, RB)])

        @pl.when(sid == 0)
        def _():
            for a in range(NACC):
                pltpu.sync_copy(z_hbm.at[pl.ds(NS * RB, RREM)],
                                acc.at[pl.ds(a * N + NS * RB, RREM)])
        if compute_deg:
            zv = jnp.zeros((16,), jnp.float32)

            def zbody(i, c):
                zb[pl.ds(i * 16, 16)] = zv
                return c

            lax.fori_loop(0, RB // 16, zbody, 0)
            for a in range(NACC):
                pltpu.sync_copy(zb, deg_v.at[pl.ds(a * N + sid * RB, RB)])

            @pl.when(sid == 0)
            def _():
                for a in range(NACC):
                    pltpu.sync_copy(zb.at[pl.ds(0, RREM)],
                                    deg_v.at[pl.ds(a * N + NS * RB, RREM)])

        for b in range(NBUF):
            pltpu.async_copy(y_hbm.at[cols_all.at[b]], g[b], gsem[b])
        plsc.subcore_barrier()

        def process(c, b):
            pltpu.make_async_copy(y_hbm.at[cols_all.at[c]], g[b],
                                  gsem[b]).wait()

            @pl.when(c >= NBUF)
            def _():
                pltpu.make_async_copy(s[b], acc.at[rows_all.at[c - NBUF]],
                                      ssem[b]).wait()

            def sbody(jj, cr):
                wvec = w_all[c, pl.ds(jj * 16, 16)]
                base = jj * 16
                for l in range(16):
                    s[b][base + l, :] = g[b][base + l, :] * wvec[l]
                return cr

            lax.fori_loop(0, CH // 16, sbody, 0)

            @pl.when(c + NBUF < NCH)
            def _():
                pltpu.async_copy(y_hbm.at[cols_all.at[c + NBUF]], g[b],
                                 gsem[b])

            pltpu.async_copy(s[b], acc.at[rows_all.at[c]], ssem[b],
                             add=True)
            if compute_deg:
                pltpu.async_copy(w_all.at[c], deg_v.at[rows_all.at[c]],
                                 dsem, add=True)

        def outer(i, carry):
            for b in range(NBUF):
                process(i * NBUF + b, b)
            return carry

        lax.fori_loop(0, NCH // NBUF, outer, 0)

        for b in range(NBUF):
            pltpu.make_async_copy(s[b], acc.at[rows_all.at[NCH - NBUF + b]],
                                  ssem[b]).wait()
        if compute_deg:
            def dwait(c, carry):
                pltpu.make_async_copy(w_all.at[c], deg_v.at[rows_all.at[c]],
                                      dsem).wait()
                return carry

            lax.fori_loop(0, NCH, dwait, 0)

        plsc.subcore_barrier()
        for a in range(NACC):
            pltpu.sync_copy(acc.at[pl.ds(a * N + sid * RB, RB)],
                            out_hbm.at[cid * NACC + a, pl.ds(sid * RB, RB)])

        @pl.when(sid == 0)
        def _():
            for a in range(NACC):
                pltpu.sync_copy(
                    acc.at[pl.ds(a * N + NS * RB, RREM)],
                    out_hbm.at[cid * NACC + a, pl.ds(NS * RB, RREM)])

        if compute_deg:
            for a in range(NACC):
                off = (cid * NACC + a) * N
                pltpu.sync_copy(deg_v.at[pl.ds(a * N + sid * RB, RB)], zb)
                pltpu.sync_copy(zb, deg_hbm.at[pl.ds(off + sid * RB, RB)])

            @pl.when(sid == 0)
            def _():
                for a in range(NACC):
                    off = (cid * NACC + a) * N
                    pltpu.sync_copy(deg_v.at[pl.ds(a * N + NS * RB, RREM)],
                                    zb.at[pl.ds(0, RREM)])
                    pltpu.sync_copy(zb.at[pl.ds(0, RREM)],
                                    deg_hbm.at[pl.ds(off + NS * RB, RREM)])

    return spmm


_spmm_deg = _make_spmm(True)
_spmm_nodeg = _make_spmm(False)



def kernel(X, edge_index, edge_weight, W1, b1, Wout, bout):
    pad = EP - E
    rows = jnp.concatenate(
        [edge_index[0], jnp.zeros((pad,), jnp.int32)]).reshape(NW, NCH, CH)
    cols = jnp.concatenate(
        [edge_index[1], jnp.zeros((pad,), jnp.int32)]).reshape(NW, NCH, CH)
    w = jnp.concatenate(
        [edge_weight, jnp.zeros((pad,), jnp.float32)]).reshape(NW, NCH, CH)
    zeros = jnp.zeros((N, H), jnp.float32)

    y1 = pl.pallas_call(
        _mm1_body,
        out_shape=jax.ShapeDtypeStruct((N, H), jnp.float32),
    )(X, W1, b1.reshape(1, H))

    p1, deg_parts = _spmm_deg(y1, rows, cols, w, zeros)

    h = pl.pallas_call(
        _combine_relu_body,
        out_shape=jax.ShapeDtypeStruct((N, H), jnp.float32),
    )(p1)

    (p2,) = _spmm_nodeg(h, rows, cols, w, zeros)

    out = pl.pallas_call(
        _mm2_body,
        out_shape=jax.ShapeDtypeStruct((N, D), jnp.float32),
    )(p2, Wout, bout.reshape(1, D), deg_parts.reshape(NC * NACC, N).T)

    return out

# --- scband reference (transcript-rebuilt; emitter-appended) ---
"""Pipeline reference for scband-gcn-88175678587115 (READ-ONLY COPY).

The authoritative reference and input builder live on the scoring server;
editing this copy changes nothing except your own understanding.
"""

import jax, jax.numpy as jnp
import numpy as np

N = 10000
E = 320000
D = 128
H = 16


def setup_inputs(seed: int = 0) -> dict:
    key = jax.random.key(seed)
    ks = jax.random.split(key, 8)
    X = jax.random.normal(ks[0], (N, D), dtype=jnp.float32)
    edge_index = jax.random.randint(ks[1], (2, E), 0, N, dtype=jnp.int32)
    edge_weight = jax.random.uniform(ks[2], (E,), dtype=jnp.float32)
    # Learned parameters (per init_kwargs: in=128, hidden=16, out=128, num_layers=2)
    W1 = jax.random.normal(ks[3], (H, D), dtype=jnp.float32) * 0.05
    b1 = jnp.zeros((H,), dtype=jnp.float32)
    Wout = jax.random.normal(ks[4], (D, H), dtype=jnp.float32) * 0.05
    bout = jnp.zeros((D,), dtype=jnp.float32)
    return {
        "X": X,
        "edge_index": edge_index,
        "edge_weight": edge_weight,
        "W1": W1,
        "b1": b1,
        "Wout": Wout,
        "bout": bout,
    }


def reference(X, edge_index, edge_weight, W1, b1, Wout, bout):
    rows = edge_index[0]  # destination nodes (A_norm COO rows)
    cols = edge_index[1]  # source nodes      (A_norm COO cols)

    def spmm(Y):
        # out[i] = sum_{e: rows[e]==i} edge_weight[e] * Y[cols[e]]
        gathered = edge_weight[:, None] * jnp.take(Y, cols, axis=0)
        return jax.ops.segment_sum(gathered, rows, num_segments=N)

    # layer 1 (the single hidden Linear for num_layers=2)
    h = spmm(X @ W1.T + b1)
    h = jax.nn.relu(h)
    # output conv
    out = spmm(h @ Wout.T + bout)
    return out

if __name__ == "__main__":
    import jax
    _d = setup_inputs()
    print(jax.jit(kernel)(*tuple(_d.values())))

</pallas_src>

<mosaic_0001>
#map = affine_map<(d0, d1) -> (0, 0)>
#map1 = affine_map<(d0, d1) -> (0, 0, 0)>
#map2 = affine_map<(d0, d1) -> (0)>
module attributes {stable_mosaic.version = 14 : i64} {
  func.func @spmm(%arg0: i32, %arg1: i32, %arg2: memref<10000x16xf32, #tpu.memory_space<hbm>>, %arg3: memref<32x80x128xi32, #tpu.memory_space<hbm>>, %arg4: memref<32x80x128xi32, #tpu.memory_space<hbm>>, %arg5: memref<32x80x128xf32, #tpu.memory_space<hbm>>, %arg6: memref<10000x16xf32, #tpu.memory_space<hbm>>, %arg7: memref<2x10000x16xf32, #tpu.memory_space<hbm>>, %arg8: memref<20000xf32, #tpu.memory_space<hbm>>, %arg9: memref<10000x16xf32, #tpu.memory_space<vmem_shared>>, %arg10: memref<80x128xi32, #tpu.memory_space<vmem>>, %arg11: memref<80x128xi32, #tpu.memory_space<vmem>>, %arg12: memref<80x128xf32, #tpu.memory_space<vmem>>, %arg13: memref<128x16xf32, #tpu.memory_space<vmem>>, %arg14: memref<128x16xf32, #tpu.memory_space<vmem>>, %arg15: memref<128x16xf32, #tpu.memory_space<vmem>>, %arg16: memref<128x16xf32, #tpu.memory_space<vmem>>, %arg17: memref<128x16xf32, #tpu.memory_space<vmem>>, %arg18: memref<128x16xf32, #tpu.memory_space<vmem>>, %arg19: memref<128x16xf32, #tpu.memory_space<vmem>>, %arg20: memref<128x16xf32, #tpu.memory_space<vmem>>, %arg21: memref<!tpu.dma_semaphore, #tpu.memory_space<semaphore_mem>>, %arg22: memref<!tpu.dma_semaphore, #tpu.memory_space<semaphore_mem>>, %arg23: memref<!tpu.dma_semaphore, #tpu.memory_space<semaphore_mem>>, %arg24: memref<!tpu.dma_semaphore, #tpu.memory_space<semaphore_mem>>, %arg25: memref<!tpu.dma_semaphore, #tpu.memory_space<semaphore_mem>>, %arg26: memref<!tpu.dma_semaphore, #tpu.memory_space<semaphore_mem>>, %arg27: memref<!tpu.dma_semaphore, #tpu.memory_space<semaphore_mem>>, %arg28: memref<!tpu.dma_semaphore, #tpu.memory_space<semaphore_mem>>, %arg29: memref<10000xf32, #tpu.memory_space<vmem_shared>>, %arg30: memref<624xf32, #tpu.memory_space<vmem>>, %arg31: memref<!tpu.dma_semaphore, #tpu.memory_space<semaphore_mem>>) attributes {dimension_semantics = [#tpu.dimension_semantics<core_parallel>, #tpu.dimension_semantics<subcore_parallel>], iteration_bounds = array<i64: 2, 16>, scalar_prefetch = 0 : i64, scratch_operands = 23 : i64, tpu.core_type = #tpu.core_type<sc_vector_subcore>, window_params = [{transform_indices = #map}, {transform_indices = #map1}, {transform_indices = #map1}, {transform_indices = #map1}, {transform_indices = #map}, {transform_indices = #map1}, {transform_indices = #map2}]} {
    %mul3A = arith.constant 2 : i32
    %mul3A_0 = arith.muli %arg1, %mul3A : i32
    %add3A = arith.addi %mul3A_0, %arg0 : i32
    "tpu.region"() ({
      %run_scoped3A = tpu.sem_alloc : memref<!tpu.dma_semaphore, #tpu.memory_space<semaphore_mem>>
      %dma_start3A_124 = arith.constant 0 : i32
      %dma_start3A_125 = arith.constant 0 : i32
      %dma_start3A_126 = tpu.memref_slice %arg4[%add3A, %dma_start3A_124, %dma_start3A_125] : memref<32x80x128xi32, #tpu.memory_space<hbm>> -> memref<1x80x128xi32, #tpu.memory_space<hbm>>
      %dma_start3A_127 = tpu.memref_squeeze %dma_start3A_126 : memref<1x80x128xi32, #tpu.memory_space<hbm>> -> memref<80x128xi32, #tpu.memory_space<hbm>>
      %dma_start3A_128 = arith.constant 0 : i32
      %dma_start3A_129 = arith.constant 0 : i32
      %dma_start3A_130 = tpu.memref_slice %arg4[%add3A, %dma_start3A_128, %dma_start3A_129] : memref<32x80x128xi32, #tpu.memory_space<hbm>> -> memref<1x80x128xi32, #tpu.memory_space<hbm>>
      %dma_start3A_131 = tpu.memref_squeeze %dma_start3A_130 : memref<1x80x128xi32, #tpu.memory_space<hbm>> -> memref<80x128xi32, #tpu.memory_space<hbm>>
      tpu.enqueue_dma source(%dma_start3A_131 : memref<80x128xi32, #tpu.memory_space<hbm>>) target(%arg10 : memref<80x128xi32, #tpu.memory_space<vmem>>) target_semaphore(%run_scoped3A : memref<!tpu.dma_semaphore, #tpu.memory_space<semaphore_mem>>)
      %dma_wait3A_132 = arith.constant 0 : i32
      %dma_wait3A_133 = arith.constant 0 : i32
      %dma_wait3A_134 = tpu.memref_slice %arg4[%add3A, %dma_wait3A_132, %dma_wait3A_133] : memref<32x80x128xi32, #tpu.memory_space<hbm>> -> memref<1x80x128xi32, #tpu.memory_space<hbm>>
      %dma_wait3A_135 = tpu.memref_squeeze %dma_wait3A_134 : memref<1x80x128xi32, #tpu.memory_space<hbm>> -> memref<80x128xi32, #tpu.memory_space<hbm>>
      %dma_wait3A_136 = arith.constant 0 : i32
      %dma_wait3A_137 = arith.constant 0 : i32
      %dma_wait3A_138 = tpu.memref_slice %arg4[%add3A, %dma_wait3A_136, %dma_wait3A_137] : memref<32x80x128xi32, #tpu.memory_space<hbm>> -> memref<1x80x128xi32, #tpu.memory_space<hbm>>
      %dma_wait3A_139 = tpu.memref_squeeze %dma_wait3A_138 : memref<1x80x128xi32, #tpu.memory_space<hbm>> -> memref<80x128xi32, #tpu.memory_space<hbm>>
      tpu.wait_dma2 semaphore(%run_scoped3A : memref<!tpu.dma_semaphore, #tpu.memory_space<semaphore_mem>>) src(%dma_wait3A_139 : memref<80x128xi32, #tpu.memory_space<hbm>>) dst(%arg10 : memref<80x128xi32, #tpu.memory_space<vmem>>)
      tpu.yield
    }) : () -> ()
    "tpu.region"() ({
      %run_scoped3A = tpu.sem_alloc : memref<!tpu.dma_semaphore, #tpu.memory_space<semaphore_mem>>
      %dma_start3A_124 = arith.constant 0 : i32
      %dma_start3A_125 = arith.constant 0 : i32
      %dma_start3A_126 = tpu.memref_slice %arg3[%add3A, %dma_start3A_124, %dma_start3A_125] : memref<32x80x128xi32, #tpu.memory_space<hbm>> -> memref<1x80x128xi32, #tpu.memory_space<hbm>>
      %dma_start3A_127 = tpu.memref_squeeze %dma_start3A_126 : memref<1x80x128xi32, #tpu.memory_space<hbm>> -> memref<80x128xi32, #tpu.memory_space<hbm>>
      %dma_start3A_128 = arith.constant 0 : i32
      %dma_start3A_129 = arith.constant 0 : i32
      %dma_start3A_130 = tpu.memref_slice %arg3[%add3A, %dma_start3A_128, %dma_start3A_129] : memref<32x80x128xi32, #tpu.memory_space<hbm>> -> memref<1x80x128xi32, #tpu.memory_space<hbm>>
      %dma_start3A_131 = tpu.memref_squeeze %dma_start3A_130 : memref<1x80x128xi32, #tpu.memory_space<hbm>> -> memref<80x128xi32, #tpu.memory_space<hbm>>
      tpu.enqueue_dma source(%dma_start3A_131 : memref<80x128xi32, #tpu.memory_space<hbm>>) target(%arg11 : memref<80x128xi32, #tpu.memory_space<vmem>>) target_semaphore(%run_scoped3A : memref<!tpu.dma_semaphore, #tpu.memory_space<semaphore_mem>>)
      %dma_wait3A_132 = arith.constant 0 : i32
      %dma_wait3A_133 = arith.constant 0 : i32
      %dma_wait3A_134 = tpu.memref_slice %arg3[%add3A, %dma_wait3A_132, %dma_wait3A_133] : memref<32x80x128xi32, #tpu.memory_space<hbm>> -> memref<1x80x128xi32, #tpu.memory_space<hbm>>
      %dma_wait3A_135 = tpu.memref_squeeze %dma_wait3A_134 : memref<1x80x128xi32, #tpu.memory_space<hbm>> -> memref<80x128xi32, #tpu.memory_space<hbm>>
      %dma_wait3A_136 = arith.constant 0 : i32
      %dma_wait3A_137 = arith.constant 0 : i32
      %dma_wait3A_138 = tpu.memref_slice %arg3[%add3A, %dma_wait3A_136, %dma_wait3A_137] : memref<32x80x128xi32, #tpu.memory_space<hbm>> -> memref<1x80x128xi32, #tpu.memory_space<hbm>>
      %dma_wait3A_139 = tpu.memref_squeeze %dma_wait3A_138 : memref<1x80x128xi32, #tpu.memory_space<hbm>> -> memref<80x128xi32, #tpu.memory_space<hbm>>
      tpu.wait_dma2 semaphore(%run_scoped3A : memref<!tpu.dma_semaphore, #tpu.memory_space<semaphore_mem>>) src(%dma_wait3A_139 : memref<80x128xi32, #tpu.memory_space<hbm>>) dst(%arg11 : memref<80x128xi32, #tpu.memory_space<vmem>>)
      tpu.yield
    }) : () -> ()
    "tpu.region"() ({
      %run_scoped3A = tpu.sem_alloc : memref<!tpu.dma_semaphore, #tpu.memory_space<semaphore_mem>>
      %dma_start3A_124 = arith.constant 0 : i32
      %dma_start3A_125 = arith.constant 0 : i32
      %dma_start3A_126 = tpu.memref_slice %arg5[%add3A, %dma_start3A_124, %dma_start3A_125] : memref<32x80x128xf32, #tpu.memory_space<hbm>> -> memref<1x80x128xf32, #tpu.memory_space<hbm>>
      %dma_start3A_127 = tpu.memref_squeeze %dma_start3A_126 : memref<1x80x128xf32, #tpu.memory_space<hbm>> -> memref<80x128xf32, #tpu.memory_space<hbm>>
      %dma_start3A_128 = arith.constant 0 : i32
      %dma_start3A_129 = arith.constant 0 : i32
      %dma_start3A_130 = tpu.memref_slice %arg5[%add3A, %dma_start3A_128, %dma_start3A_129] : memref<32x80x128xf32, #tpu.memory_space<hbm>> -> memref<1x80x128xf32, #tpu.memory_space<hbm>>
      %dma_start3A_131 = tpu.memref_squeeze %dma_start3A_130 : memref<1x80x128xf32, #tpu.memory_space<hbm>> -> memref<80x128xf32, #tpu.memory_space<hbm>>
      tpu.enqueue_dma source(%dma_start3A_131 : memref<80x128xf32, #tpu.memory_space<hbm>>) target(%arg12 : memref<80x128xf32, #tpu.memory_space<vmem>>) target_semaphore(%run_scoped3A : memref<!tpu.dma_semaphore, #tpu.memory_space<semaphore_mem>>)
      %dma_wait3A_132 = arith.constant 0 : i32
      %dma_wait3A_133 = arith.constant 0 : i32
      %dma_wait3A_134 = tpu.memref_slice %arg5[%add3A, %dma_wait3A_132, %dma_wait3A_133] : memref<32x80x128xf32, #tpu.memory_space<hbm>> -> memref<1x80x128xf32, #tpu.memory_space<hbm>>
      %dma_wait3A_135 = tpu.memref_squeeze %dma_wait3A_134 : memref<1x80x128xf32, #tpu.memory_space<hbm>> -> memref<80x128xf32, #tpu.memory_space<hbm>>
      %dma_wait3A_136 = arith.constant 0 : i32
      %dma_wait3A_137 = arith.constant 0 : i32
      %dma_wait3A_138 = tpu.memref_slice %arg5[%add3A, %dma_wait3A_136, %dma_wait3A_137] : memref<32x80x128xf32, #tpu.memory_space<hbm>> -> memref<1x80x128xf32, #tpu.memory_space<hbm>>
      %dma_wait3A_139 = tpu.memref_squeeze %dma_wait3A_138 : memref<1x80x128xf32, #tpu.memory_space<hbm>> -> memref<80x128xf32, #tpu.memory_space<hbm>>
      tpu.wait_dma2 semaphore(%run_scoped3A : memref<!tpu.dma_semaphore, #tpu.memory_space<semaphore_mem>>) src(%dma_wait3A_139 : memref<80x128xf32, #tpu.memory_space<hbm>>) dst(%arg12 : memref<80x128xf32, #tpu.memory_space<vmem>>)
      tpu.yield
    }) : () -> ()
    %mul3A_1 = arith.constant 624 : i32
    %mul3A_2 = arith.muli %arg1, %mul3A_1 : i32
    %mul3A_3 = arith.constant 624 : i32
    %mul3A_4 = arith.muli %arg1, %mul3A_3 : i32
    %add3A_5 = arith.constant 0 : i32
    %add3A_6 = arith.addi %add3A_5, %mul3A_4 : i32
    "tpu.region"() ({
      %run_scoped3A = tpu.sem_alloc : memref<!tpu.dma_semaphore, #tpu.memory_space<semaphore_mem>>
      %dma_start3A_124 = arith.constant 0 : i32
      %dma_start3A_125 = tpu.memref_slice %arg9[%add3A_6, %dma_start3A_124] : memref<10000x16xf32, #tpu.memory_space<vmem_shared>> -> memref<624x16xf32, #tpu.memory_space<vmem_shared>>
      %dma_start3A_126 = arith.constant 0 : i32
      %dma_start3A_127 = tpu.memref_slice %arg6[%mul3A_2, %dma_start3A_126] : memref<10000x16xf32, #tpu.memory_space<hbm>> -> memref<624x16xf32, #tpu.memory_space<hbm>>
      tpu.enqueue_dma source(%dma_start3A_127 : memref<624x16xf32, #tpu.memory_space<hbm>>) target(%dma_start3A_125 : memref<624x16xf32, #tpu.memory_space<vmem_shared>>) target_semaphore(%run_scoped3A : memref<!tpu.dma_semaphore, #tpu.memory_space<semaphore_mem>>)
      %dma_wait3A_128 = arith.constant 0 : i32
      %dma_wait3A_129 = tpu.memref_slice %arg9[%add3A_6, %dma_wait3A_128] : memref<10000x16xf32, #tpu.memory_space<vmem_shared>> -> memref<624x16xf32, #tpu.memory_space<vmem_shared>>
      %dma_wait3A_130 = arith.constant 0 : i32
      %dma_wait3A_131 = tpu.memref_slice %arg6[%mul3A_2, %dma_wait3A_130] : memref<10000x16xf32, #tpu.memory_space<hbm>> -> memref<624x16xf32, #tpu.memory_space<hbm>>
      tpu.wait_dma2 semaphore(%run_scoped3A : memref<!tpu.dma_semaphore, #tpu.memory_space<semaphore_mem>>) src(%dma_wait3A_131 : memref<624x16xf32, #tpu.memory_space<hbm>>) dst(%dma_wait3A_129 : memref<624x16xf32, #tpu.memory_space<vmem_shared>>)
      tpu.yield
    }) : () -> ()
    %eq3A = arith.constant 0 : i32
    %eq3A_7 = arith.cmpi eq, %arg1, %eq3A : i32
    %convert_element_type3A = arith.extui %eq3A_7 : i1 to i32
    %cond3A = arith.constant 0 : i32
    %cond3A_8 = arith.cmpi ne, %convert_element_type3A, %cond3A : i32
    scf.if %cond3A_8 {
      "tpu.region"() ({
        %run_scoped3A = tpu.sem_alloc : memref<!tpu.dma_semaphore, #tpu.memory_space<semaphore_mem>>
        %dma_start3A_124 = arith.constant 9984 : i32
        %dma_start3A_125 = arith.constant 0 : i32
        %dma_start3A_126 = tpu.memref_slice %arg9[%dma_start3A_124, %dma_start3A_125] : memref<10000x16xf32, #tpu.memory_space<vmem_shared>> -> memref<16x16xf32, #tpu.memory_space<vmem_shared>>
        %dma_start3A_127 = arith.constant 9984 : i32
        %dma_start3A_128 = arith.constant 0 : i32
        %dma_start3A_129 = tpu.memref_slice %arg6[%dma_start3A_127, %dma_start3A_128] : memref<10000x16xf32, #tpu.memory_space<hbm>> -> memref<16x16xf32, #tpu.memory_space<hbm>>
        tpu.enqueue_dma source(%dma_start3A_129 : memref<16x16xf32, #tpu.memory_space<hbm>>) target(%dma_start3A_126 : memref<16x16xf32, #tpu.memory_space<vmem_shared>>) target_semaphore(%run_scoped3A : memref<!tpu.dma_semaphore, #tpu.memory_space<semaphore_mem>>)
        %dma_wait3A_130 = arith.constant 9984 : i32
        %dma_wait3A_131 = arith.constant 0 : i32
        %dma_wait3A_132 = tpu.memref_slice %arg9[%dma_wait3A_130, %dma_wait3A_131] : memref<10000x16xf32, #tpu.memory_space<vmem_shared>> -> memref<16x16xf32, #tpu.memory_space<vmem_shared>>
        %dma_wait3A_133 = arith.constant 9984 : i32
        %dma_wait3A_134 = arith.constant 0 : i32
        %dma_wait3A_135 = tpu.memref_slice %arg6[%dma_wait3A_133, %dma_wait3A_134] : memref<10000x16xf32, #tpu.memory_space<hbm>> -> memref<16x16xf32, #tpu.memory_space<hbm>>
        tpu.wait_dma2 semaphore(%run_scoped3A : memref<!tpu.dma_semaphore, #tpu.memory_space<semaphore_mem>>) src(%dma_wait3A_135 : memref<16x16xf32, #tpu.memory_space<hbm>>) dst(%dma_wait3A_132 : memref<16x16xf32, #tpu.memory_space<vmem_shared>>)
        tpu.yield
      }) : () -> ()
    } else {
    }
    %broadcast_in_dim3A = arith.constant 0.000000e+00 : f32
    %broadcast_in_dim3A_9 = vector.broadcast %broadcast_in_dim3A : f32 to vector<16xf32>
    %scan3A = arith.constant 0 : i32
    %scan3A_10 = arith.constant 0 : i32
    %scan3A_11 = arith.constant 39 : i32
    %scan3A_12 = arith.addi %scan3A_10, %scan3A_11 : i32
    %scan3A_13 = arith.constant 1 : i32
    scf.for %scan3A_124 = %scan3A_10 to %scan3A_12 step %scan3A_13  : i32 {
      %mul3A_125 = arith.constant 16 : i32
      %mul3A_126 = arith.muli %scan3A_124, %mul3A_125 : i32
      %swap3A = arith.index_cast %mul3A_126 : i32 to index
      %swap3A_127 = tpu.vector_load %arg30[%swap3A] {strides = array<i32>} : memref<624xf32, #tpu.memory_space<vmem>>, vector<16xf32>,
      %swap3A_128 = vector.shape_cast %swap3A_127 : vector<16xf32> to vector<16xf32>
      %swap3A_129 = vector.shape_cast %broadcast_in_dim3A_9 : vector<16xf32> to vector<16xf32>
      tpu.vector_store %arg30[%swap3A], %swap3A_129 {strides = array<i32>} : memref<624xf32, #tpu.memory_space<vmem>>, vector<16xf32>,
    }
    %scan3A_14 = arith.constant 39 : i32
    %mul3A_15 = arith.constant 624 : i32
    %mul3A_16 = arith.muli %arg1, %mul3A_15 : i32
    %add3A_17 = arith.constant 0 : i32
    %add3A_18 = arith.addi %add3A_17, %mul3A_16 : i32
    "tpu.region"() ({
      %run_scoped3A = tpu.sem_alloc : memref<!tpu.dma_semaphore, #tpu.memory_space<semaphore_mem>>
      %dma_start3A_124 = tpu.memref_slice %arg29[%add3A_18] : memref<10000xf32, #tpu.memory_space<vmem_shared>> -> memref<624xf32, #tpu.memory_space<vmem_shared>>
      %dma_start3A_125 = tpu.memref_slice %arg29[%add3A_18] : memref<10000xf32, #tpu.memory_space<vmem_shared>> -> memref<624xf32, #tpu.memory_space<vmem_shared>>
      tpu.enqueue_dma source(%arg30 : memref<624xf32, #tpu.memory_space<vmem>>) target(%dma_start3A_125 : memref<624xf32, #tpu.memory_space<vmem_shared>>) target_semaphore(%run_scoped3A : memref<!tpu.dma_semaphore, #tpu.memory_space<semaphore_mem>>)
      %dma_wait3A_126 = tpu.memref_slice %arg29[%add3A_18] : memref<10000xf32, #tpu.memory_space<vmem_shared>> -> memref<624xf32, #tpu.memory_space<vmem_shared>>
      %dma_wait3A_127 = tpu.memref_slice %arg29[%add3A_18] : memref<10000xf32, #tpu.memory_space<vmem_shared>> -> memref<624xf32, #tpu.memory_space<vmem_shared>>
      tpu.wait_dma2 semaphore(%run_scoped3A : memref<!tpu.dma_semaphore, #tpu.memory_space<semaphore_mem>>) src(%arg30 : memref<624xf32, #tpu.memory_space<vmem>>) dst(%dma_wait3A_127 : memref<624xf32, #tpu.memory_space<vmem_shared>>)
      tpu.yield
    }) : () -> ()
    %eq3A_19 = arith.constant 0 : i32
    %eq3A_20 = arith.cmpi eq, %arg1, %eq3A_19 : i32
    %convert_element_type3A_21 = arith.extui %eq3A_20 : i1 to i32
    %cond3A_22 = arith.constant 0 : i32
    %cond3A_23 = arith.cmpi ne, %convert_element_type3A_21, %cond3A_22 : i32
    scf.if %cond3A_23 {
      "tpu.region"() ({
        %run_scoped3A = tpu.sem_alloc : memref<!tpu.dma_semaphore, #tpu.memory_space<semaphore_mem>>
        %dma_start3A_124 = arith.constant 0 : i32
        %dma_start3A_125 = tpu.memref_slice %arg30[%dma_start3A_124] : memref<624xf32, #tpu.memory_space<vmem>> -> memref<16xf32, #tpu.memory_space<vmem>>
        %dma_start3A_126 = arith.constant 9984 : i32
        %dma_start3A_127 = tpu.memref_slice %arg29[%dma_start3A_126] : memref<10000xf32, #tpu.memory_space<vmem_shared>> -> memref<16xf32, #tpu.memory_space<vmem_shared>>
        %dma_start3A_128 = arith.constant 9984 : i32
        %dma_start3A_129 = tpu.memref_slice %arg29[%dma_start3A_128] : memref<10000xf32, #tpu.memory_space<vmem_shared>> -> memref<16xf32, #tpu.memory_space<vmem_shared>>
        %dma_start3A_130 = arith.constant 0 : i32
        %dma_start3A_131 = tpu.memref_slice %arg30[%dma_start3A_130] : memref<624xf32, #tpu.memory_space<vmem>> -> memref<16xf32, #tpu.memory_space<vmem>>
        tpu.enqueue_dma source(%dma_start3A_131 : memref<16xf32, #tpu.memory_space<vmem>>) target(%dma_start3A_129 : memref<16xf32, #tpu.memory_space<vmem_shared>>) target_semaphore(%run_scoped3A : memref<!tpu.dma_semaphore, #tpu.memory_space<semaphore_mem>>)
        %dma_wait3A_132 = arith.constant 0 : i32
        %dma_wait3A_133 = tpu.memref_slice %arg30[%dma_wait3A_132] : memref<624xf32, #tpu.memory_space<vmem>> -> memref<16xf32, #tpu.memory_space<vmem>>
        %dma_wait3A_134 = arith.constant 9984 : i32
        %dma_wait3A_135 = tpu.memref_slice %arg29[%dma_wait3A_134] : memref<10000xf32, #tpu.memory_space<vmem_shared>> -> memref<16xf32, #tpu.memory_space<vmem_shared>>
        %dma_wait3A_136 = arith.constant 9984 : i32
        %dma_wait3A_137 = tpu.memref_slice %arg29[%dma_wait3A_136] : memref<10000xf32, #tpu.memory_space<vmem_shared>> -> memref<16xf32, #tpu.memory_space<vmem_shared>>
        %dma_wait3A_138 = arith.constant 0 : i32
        %dma_wait3A_139 = tpu.memref_slice %arg30[%dma_wait3A_138] : memref<624xf32, #tpu.memory_space<vmem>> -> memref<16xf32, #tpu.memory_space<vmem>>
        tpu.wait_dma2 semaphore(%run_scoped3A : memref<!tpu.dma_semaphore, #tpu.memory_space<semaphore_mem>>) src(%dma_wait3A_139 : memref<16xf32, #tpu.memory_space<vmem>>) dst(%dma_wait3A_137 : memref<16xf32, #tpu.memory_space<vmem_shared>>)
        tpu.yield
      }) : () -> ()
    } else {
    }
    %dma_start3A = arith.constant 0 : i32
    %dma_start3A_24 = arith.constant 0 : i32
    %dma_start3A_25 = tpu.memref_slice %arg10[%dma_start3A, %dma_start3A_24] : memref<80x128xi32, #tpu.memory_space<vmem>> -> memref<1x128xi32, #tpu.memory_space<vmem>>
    %dma_start3A_26 = tpu.memref_squeeze %dma_start3A_25 : memref<1x128xi32, #tpu.memory_space<vmem>> -> memref<128xi32, #tpu.memory_space<vmem>>
    %dma_start3A_27 = arith.constant 0 : i32
    %dma_start3A_28 = arith.constant 0 : i32
    %dma_start3A_29 = tpu.memref_slice %arg2[%dma_start3A_27, %dma_start3A_28] : memref<10000x16xf32, #tpu.memory_space<hbm>> -> memref<10000x16xf32, #tpu.memory_space<hbm>>
    tpu.enqueue_indirect_dma source(%dma_start3A_29 : memref<10000x16xf32, #tpu.memory_space<hbm>>) target(%arg13 : memref<128x16xf32, #tpu.memory_space<vmem>>) offsets(%dma_start3A_26 : memref<128xi32, #tpu.memory_space<vmem>>) semaphore(%arg21 : memref<!tpu.dma_semaphore, #tpu.memory_space<semaphore_mem>>)
    %dma_start3A_30 = arith.constant 1 : i32
    %dma_start3A_31 = arith.constant 0 : i32
    %dma_start3A_32 = tpu.memref_slice %arg10[%dma_start3A_30, %dma_start3A_31] : memref<80x128xi32, #tpu.memory_space<vmem>> -> memref<1x128xi32, #tpu.memory_space<vmem>>
    %dma_start3A_33 = tpu.memref_squeeze %dma_start3A_32 : memref<1x128xi32, #tpu.memory_space<vmem>> -> memref<128xi32, #tpu.memory_space<vmem>>
    %dma_start3A_34 = arith.constant 0 : i32
    %dma_start3A_35 = arith.constant 0 : i32
    %dma_start3A_36 = tpu.memref_slice %arg2[%dma_start3A_34, %dma_start3A_35] : memref<10000x16xf32, #tpu.memory_space<hbm>> -> memref<10000x16xf32, #tpu.memory_space<hbm>>
    tpu.enqueue_indirect_dma source(%dma_start3A_36 : memref<10000x16xf32, #tpu.memory_space<hbm>>) target(%arg14 : memref<128x16xf32, #tpu.memory_space<vmem>>) offsets(%dma_start3A_33 : memref<128xi32, #tpu.memory_space<vmem>>) semaphore(%arg22 : memref<!tpu.dma_semaphore, #tpu.memory_space<semaphore_mem>>)
    %dma_start3A_37 = arith.constant 2 : i32
    %dma_start3A_38 = arith.constant 0 : i32
    %dma_start3A_39 = tpu.memref_slice %arg10[%dma_start3A_37, %dma_start3A_38] : memref<80x128xi32, #tpu.memory_space<vmem>> -> memref<1x128xi32, #tpu.memory_space<vmem>>
    %dma_start3A_40 = tpu.memref_squeeze %dma_start3A_39 : memref<1x128xi32, #tpu.memory_space<vmem>> -> memref<128xi32, #tpu.memory_space<vmem>>
    %dma_start3A_41 = arith.constant 0 : i32
    %dma_start3A_42 = arith.constant 0 : i32
    %dma_start3A_43 = tpu.memref_slice %arg2[%dma_start3A_41, %dma_start3A_42] : memref<10000x16xf32, #tpu.memory_space<hbm>> -> memref<10000x16xf32, #tpu.memory_space<hbm>>
    tpu.enqueue_indirect_dma source(%dma_start3A_43 : memref<10000x16xf32, #tpu.memory_space<hbm>>) target(%arg15 : memref<128x16xf32, #tpu.memory_space<vmem>>) offsets(%dma_start3A_40 : memref<128xi32, #tpu.memory_space<vmem>>) semaphore(%arg23 : memref<!tpu.dma_semaphore, #tpu.memory_space<semaphore_mem>>)
    %dma_start3A_44 = arith.constant 3 : i32
    %dma_start3A_45 = arith.constant 0 : i32
    %dma_start3A_46 = tpu.memref_slice %arg10[%dma_start3A_44, %dma_start3A_45] : memref<80x128xi32, #tpu.memory_space<vmem>> -> memref<1x128xi32, #tpu.memory_space<vmem>>
    %dma_start3A_47 = tpu.memref_squeeze %dma_start3A_46 : memref<1x128xi32, #tpu.memory_space<vmem>> -> memref<128xi32, #tpu.memory_space<vmem>>
    %dma_start3A_48 = arith.constant 0 : i32
    %dma_start3A_49 = arith.constant 0 : i32
    %dma_start3A_50 = tpu.memref_slice %arg2[%dma_start3A_48, %dma_start3A_49] : memref<10000x16xf32, #tpu.memory_space<hbm>> -> memref<10000x16xf32, #tpu.memory_space<hbm>>
    tpu.enqueue_indirect_dma source(%dma_start3A_50 : memref<10000x16xf32, #tpu.memory_space<hbm>>) target(%arg16 : memref<128x16xf32, #tpu.memory_space<vmem>>) offsets(%dma_start3A_47 : memref<128xi32, #tpu.memory_space<vmem>>) semaphore(%arg24 : memref<!tpu.dma_semaphore, #tpu.memory_space<semaphore_mem>>)
    %barrier3A = arith.constant 0 : index
    tpu.barrier barrier_id(%barrier3A)
    %scan3A_51 = arith.constant 0 : i32
    %scan3A_52 = arith.constant 0 : i32
    %scan3A_53 = arith.constant 20 : i32
    %scan3A_54 = arith.addi %scan3A_52, %scan3A_53 : i32
    %scan3A_55 = arith.constant 1 : i32
    scf.for %scan3A_124 = %scan3A_52 to %scan3A_54 step %scan3A_55  : i32 {
      %mul3A_125 = arith.constant 4 : i32
      %mul3A_126 = arith.muli %scan3A_124, %mul3A_125 : i32
      %add3A_127 = arith.constant 0 : i32
      %add3A_128 = arith.addi %mul3A_126, %add3A_127 : i32
      %dma_wait3A_129 = arith.constant 0 : i32
      %dma_wait3A_130 = tpu.memref_slice %arg10[%add3A_128, %dma_wait3A_129] : memref<80x128xi32, #tpu.memory_space<vmem>> -> memref<1x128xi32, #tpu.memory_space<vmem>>
      %dma_wait3A_131 = tpu.memref_squeeze %dma_wait3A_130 : memref<1x128xi32, #tpu.memory_space<vmem>> -> memref<128xi32, #tpu.memory_space<vmem>>
      %dma_wait3A_132 = arith.constant 0 : i32
      %dma_wait3A_133 = arith.constant 0 : i32
      %dma_wait3A_134 = tpu.memref_slice %arg2[%dma_wait3A_132, %dma_wait3A_133] : memref<10000x16xf32, #tpu.memory_space<hbm>> -> memref<10000x16xf32, #tpu.memory_space<hbm>>
      tpu.wait_indirect_dma semaphore(%arg21 : memref<!tpu.dma_semaphore, #tpu.memory_space<semaphore_mem>>) src(%dma_wait3A_134 : memref<10000x16xf32, #tpu.memory_space<hbm>>) dst(%arg13 : memref<128x16xf32, #tpu.memory_space<vmem>>)
      %ge3A = arith.constant 4 : i32
      %ge3A_135 = arith.cmpi sge, %add3A_128, %ge3A : i32
      %convert_element_type3A_136 = arith.extui %ge3A_135 : i1 to i32
      %cond3A_137 = arith.constant 0 : i32
      %cond3A_138 = arith.cmpi ne, %convert_element_type3A_136, %cond3A_137 : i32
      scf.if %cond3A_138 {
        %sub3A = arith.constant 4 : i32
        %sub3A_291 = arith.subi %add3A_128, %sub3A : i32
        %dma_wait3A_292 = arith.constant 0 : i32
        %dma_wait3A_293 = tpu.memref_slice %arg11[%sub3A_291, %dma_wait3A_292] : memref<80x128xi32, #tpu.memory_space<vmem>> -> memref<1x128xi32, #tpu.memory_space<vmem>>
        %dma_wait3A_294 = tpu.memref_squeeze %dma_wait3A_293 : memref<1x128xi32, #tpu.memory_space<vmem>> -> memref<128xi32, #tpu.memory_space<vmem>>
        %dma_wait3A_295 = arith.constant 0 : i32
        %dma_wait3A_296 = arith.constant 0 : i32
        %dma_wait3A_297 = tpu.memref_slice %arg9[%dma_wait3A_295, %dma_wait3A_296] : memref<10000x16xf32, #tpu.memory_space<vmem_shared>> -> memref<10000x16xf32, #tpu.memory_space<vmem_shared>>
        tpu.wait_indirect_dma semaphore(%arg25 : memref<!tpu.dma_semaphore, #tpu.memory_space<semaphore_mem>>) src(%arg17 : memref<128x16xf32, #tpu.memory_space<vmem>>) dst(%dma_wait3A_297 : memref<10000x16xf32, #tpu.memory_space<vmem_shared>>)
      } else {
      }
      %scan3A_139 = arith.constant 0 : i32
      %scan3A_140 = arith.constant 0 : i32
      %scan3A_141 = arith.constant 8 : i32
      %scan3A_142 = arith.addi %scan3A_140, %scan3A_141 : i32
      %scan3A_143 = arith.constant 1 : i32
      scf.for %scan3A_291 = %scan3A_140 to %scan3A_142 step %scan3A_143  : i32 {
        %mul3A_292 = arith.constant 16 : i32
        %mul3A_293 = arith.muli %scan3A_291, %mul3A_292 : i32
        %get3A = arith.index_cast %add3A_128 : i32 to index
        %get3A_294 = arith.index_cast %mul3A_293 : i32 to index
        %get3A_295 = tpu.vector_load %arg12[%get3A, %get3A_294] {strides = array<i32>} : memref<80x128xf32, #tpu.memory_space<vmem>>, vector<1x16xf32>,
        %get3A_296 = vector.shape_cast %get3A_295 : vector<1x16xf32> to vector<16xf32>
        %mul3A_297 = arith.constant 16 : i32
        %mul3A_298 = arith.muli %scan3A_291, %mul3A_297 : i32
        %add3A_299 = arith.constant 0 : i32
        %add3A_300 = arith.addi %mul3A_298, %add3A_299 : i32
        %get3A_301 = arith.index_cast %add3A_300 : i32 to index
        %get3A_302 = arith.constant 0 : index
        %get3A_303 = tpu.vector_load %arg13[%get3A_301, %get3A_302] {strides = array<i32>} : memref<128x16xf32, #tpu.memory_space<vmem>>, vector<1x16xf32>,
        %get3A_304 = vector.shape_cast %get3A_303 : vector<1x16xf32> to vector<16xf32>
        %slice3A = vector.extract_strided_slice %get3A_296 {offsets = [0], sizes = [1], strides = [1]} : vector<16xf32> to vector<1xf32>
        %squeeze3A = vector.extract %slice3A[0] : f32 from vector<1xf32>
        %mul3A_305 = vector.broadcast %squeeze3A : f32 to vector<16xf32>
        %mul3A_306 = arith.mulf %get3A_304, %mul3A_305 : vector<16xf32>
        %add3A_307 = arith.constant 0 : i32
        %add3A_308 = arith.addi %mul3A_298, %add3A_307 : i32
        %swap3A = arith.index_cast %add3A_308 : i32 to index
        %swap3A_309 = arith.constant 0 : index
        %swap3A_310 = tpu.vector_load %arg17[%swap3A, %swap3A_309] {strides = array<i32>} : memref<128x16xf32, #tpu.memory_space<vmem>>, vector<1x16xf32>,
        %swap3A_311 = vector.shape_cast %swap3A_310 : vector<1x16xf32> to vector<16xf32>
        %swap3A_312 = vector.shape_cast %mul3A_306 : vector<16xf32> to vector<1x16xf32>
        tpu.vector_store %arg17[%swap3A, %swap3A_309], %swap3A_312 {strides = array<i32>} : memref<128x16xf32, #tpu.memory_space<vmem>>, vector<1x16xf32>,
        %add3A_313 = arith.constant 1 : i32
        %add3A_314 = arith.addi %mul3A_298, %add3A_313 : i32
        %get3A_315 = arith.index_cast %add3A_314 : i32 to index
        %get3A_316 = arith.constant 0 : index
        %get3A_317 = tpu.vector_load %arg13[%get3A_315, %get3A_316] {strides = array<i32>} : memref<128x16xf32, #tpu.memory_space<vmem>>, vector<1x16xf32>,
        %get3A_318 = vector.shape_cast %get3A_317 : vector<1x16xf32> to vector<16xf32>
        %slice3A_319 = vector.extract_strided_slice %get3A_296 {offsets = [1], sizes = [1], strides = [1]} : vector<16xf32> to vector<1xf32>
        %squeeze3A_320 = vector.extract %slice3A_319[0] : f32 from vector<1xf32>
        %mul3A_321 = vector.broadcast %squeeze3A_320 : f32 to vector<16xf32>
        %mul3A_322 = arith.mulf %get3A_318, %mul3A_321 : vector<16xf32>
        %add3A_323 = arith.constant 1 : i32
        %add3A_324 = arith.addi %mul3A_298, %add3A_323 : i32
        %swap3A_325 = arith.index_cast %add3A_324 : i32 to index
        %swap3A_326 = arith.constant 0 : index
        %swap3A_327 = tpu.vector_load %arg17[%swap3A_325, %swap3A_326] {strides = array<i32>} : memref<128x16xf32, #tpu.memory_space<vmem>>, vector<1x16xf32>,
        %swap3A_328 = vector.shape_cast %swap3A_327 : vector<1x16xf32> to vector<16xf32>
        %swap3A_329 = vector.shape_cast %mul3A_322 : vector<16xf32> to vector<1x16xf32>
        tpu.vector_store %arg17[%swap3A_325, %swap3A_326], %swap3A_329 {strides = array<i32>} : memref<128x16xf32, #tpu.memory_space<vmem>>, vector<1x16xf32>,
        %add3A_330 = arith.constant 2 : i32
        %add3A_331 = arith.addi %mul3A_298, %add3A_330 : i32
        %get3A_332 = arith.index_cast %add3A_331 : i32 to index
        %get3A_333 = arith.constant 0 : index
        %get3A_334 = tpu.vector_load %arg13[%get3A_332, %get3A_333] {strides = array<i32>} : memref<128x16xf32, #tpu.memory_space<vmem>>, vector<1x16xf32>,
        %get3A_335 = vector.shape_cast %get3A_334 : vector<1x16xf32> to vector<16xf32>
        %slice3A_336 = vector.extract_strided_slice %get3A_296 {offsets = [2], sizes = [1], strides = [1]} : vector<16xf32> to vector<1xf32>
        %squeeze3A_337 = vector.extract %slice3A_336[0] : f32 from vector<1xf32>
        %mul3A_338 = vector.broadcast %squeeze3A_337 : f32 to vector<16xf32>
        %mul3A_339 = arith.mulf %get3A_335, %mul3A_338 : vector<16xf32>
        %add3A_340 = arith.constant 2 : i32
        %add3A_341 = arith.addi %mul3A_298, %add3A_340 : i32
        %swap3A_342 = arith.index_cast %add3A_341 : i32 to index
        %swap3A_343 = arith.constant 0 : index
        %swap3A_344 = tpu.vector_load %arg17[%swap3A_342, %swap3A_343] {strides = array<i32>} : memref<128x16xf32, #tpu.memory_space<vmem>>, vector<1x16xf32>,
        %swap3A_345 = vector.shape_cast %swap3A_344 : vector<1x16xf32> to vector<16xf32>
        %swap3A_346 = vector.shape_cast %mul3A_339 : vector<16xf32> to vector<1x16xf32>
        tpu.vector_store %arg17[%swap3A_342, %swap3A_343], %swap3A_346 {strides = array<i32>} : memref<128x16xf32, #tpu.memory_space<vmem>>, vector<1x16xf32>,
        %add3A_347 = arith.constant 3 : i32
        %add3A_348 = arith.addi %mul3A_298, %add3A_347 : i32
        %get3A_349 = arith.index_cast %add3A_348 : i32 to index
        %get3A_350 = arith.constant 0 : index
        %get3A_351 = tpu.vector_load %arg13[%get3A_349, %get3A_350] {strides = array<i32>} : memref<128x16xf32, #tpu.memory_space<vmem>>, vector<1x16xf32>,
        %get3A_352 = vector.shape_cast %get3A_351 : vector<1x16xf32> to vector<16xf32>
        %slice3A_353 = vector.extract_strided_slice %get3A_296 {offsets = [3], sizes = [1], strides = [1]} : vector<16xf32> to vector<1xf32>
        %squeeze3A_354 = vector.extract %slice3A_353[0] : f32 from vector<1xf32>
        %mul3A_355 = vector.broadcast %squeeze3A_354 : f32 to vector<16xf32>
        %mul3A_356 = arith.mulf %get3A_352, %mul3A_355 : vector<16xf32>
        %add3A_357 = arith.constant 3 : i32
        %add3A_358 = arith.addi %mul3A_298, %add3A_357 : i32
        %swap3A_359 = arith.index_cast %add3A_358 : i32 to index
        %swap3A_360 = arith.constant 0 : index
        %swap3A_361 = tpu.vector_load %arg17[%swap3A_359, %swap3A_360] {strides = array<i32>} : memref<128x16xf32, #tpu.memory_space<vmem>>, vector<1x16xf32>,
        %swap3A_362 = vector.shape_cast %swap3A_361 : vector<1x16xf32> to vector<16xf32>
        %swap3A_363 = vector.shape_cast %mul3A_356 : vector<16xf32> to vector<1x16xf32>
        tpu.vector_store %arg17[%swap3A_359, %swap3A_360], %swap3A_363 {strides = array<i32>} : memref<128x16xf32, #tpu.memory_space<vmem>>, vector<1x16xf32>,
        %add3A_364 = arith.constant 4 : i32
        %add3A_365 = arith.addi %mul3A_298, %add3A_364 : i32
        %get3A_366 = arith.index_cast %add3A_365 : i32 to index
        %get3A_367 = arith.constant 0 : index
        %get3A_368 = tpu.vector_load %arg13[%get3A_366, %get3A_367] {strides = array<i32>} : memref<128x16xf32, #tpu.memory_space<vmem>>, vector<1x16xf32>,
        %get3A_369 = vector.shape_cast %get3A_368 : vector<1x16xf32> to vector<16xf32>
        %slice3A_370 = vector.extract_strided_slice %get3A_296 {offsets = [4], sizes = [1], strides = [1]} : vector<16xf32> to vector<1xf32>
        %squeeze3A_371 = vector.extract %slice3A_370[0] : f32 from vector<1xf32>
        %mul3A_372 = vector.broadcast %squeeze3A_371 : f32 to vector<16xf32>
        %mul3A_373 = arith.mulf %get3A_369, %mul3A_372 : vector<16xf32>
        %add3A_374 = arith.constant 4 : i32
        %add3A_375 = arith.addi %mul3A_298, %add3A_374 : i32
        %swap3A_376 = arith.index_cast %add3A_375 : i32 to index
        %swap3A_377 = arith.constant 0 : index
        %swap3A_378 = tpu.vector_load %arg17[%swap3A_376, %swap3A_377] {strides = array<i32>} : memref<128x16xf32, #tpu.memory_space<vmem>>, vector<1x16xf32>,
        %swap3A_379 = vector.shape_cast %swap3A_378 : vector<1x16xf32> to vector<16xf32>
        %swap3A_380 = vector.shape_cast %mul3A_373 : vector<16xf32> to vector<1x16xf32>
        tpu.vector_store %arg17[%swap3A_376, %swap3A_377], %swap3A_380 {strides = array<i32>} : memref<128x16xf32, #tpu.memory_space<vmem>>, vector<1x16xf32>,
        %add3A_381 = arith.constant 5 : i32
        %add3A_382 = arith.addi %mul3A_298, %add3A_381 : i32
        %get3A_383 = arith.index_cast %add3A_382 : i32 to index
        %get3A_384 = arith.constant 0 : index
        %get3A_385 = tpu.vector_load %arg13[%get3A_383, %get3A_384] {strides = array<i32>} : memref<128x16xf32, #tpu.memory_space<vmem>>, vector<1x16xf32>,
        %get3A_386 = vector.shape_cast %get3A_385 : vector<1x16xf32> to vector<16xf32>
        %slice3A_387 = vector.extract_strided_slice %get3A_296 {offsets = [5], sizes = [1], strides = [1]} : vector<16xf32> to vector<1xf32>
        %squeeze3A_388 = vector.extract %slice3A_387[0] : f32 from vector<1xf32>
        %mul3A_389 = vector.broadcast %squeeze3A_388 : f32 to vector<16xf32>
        %mul3A_390 = arith.mulf %get3A_386, %mul3A_389 : vector<16xf32>
        %add3A_391 = arith.constant 5 : i32
        %add3A_392 = arith.addi %mul3A_298, %add3A_391 : i32
        %swap3A_393 = arith.index_cast %add3A_392 : i32 to index
        %swap3A_394 = arith.constant 0 : index
        %swap3A_395 = tpu.vector_load %arg17[%swap3A_393, %swap3A_394] {strides = array<i32>} : memref<128x16xf32, #tpu.memory_space<vmem>>, vector<1x16xf32>,
        %swap3A_396 = vector.shape_cast %swap3A_395 : vector<1x16xf32> to vector<16xf32>
        %swap3A_397 = vector.shape_cast %mul3A_390 : vector<16xf32> to vector<1x16xf32>
        tpu.vector_store %arg17[%swap3A_393, %swap3A_394], %swap3A_397 {strides = array<i32>} : memref<128x16xf32, #tpu.memory_space<vmem>>, vector<1x16xf32>,
        %add3A_398 = arith.constant 6 : i32
        %add3A_399 = arith.addi %mul3A_298, %add3A_398 : i32
        %get3A_400 = arith.index_cast %add3A_399 : i32 to index
        %get3A_401 = arith.constant 0 : index
        %get3A_402 = tpu.vector_load %arg13[%get3A_400, %get3A_401] {strides = array<i32>} : memref<128x16xf32, #tpu.memory_space<vmem>>, vector<1x16xf32>,
        %get3A_403 = vector.shape_cast %get3A_402 : vector<1x16xf32> to vector<16xf32>
        %slice3A_404 = vector.extract_strided_slice %get3A_296 {offsets = [6], sizes = [1], strides = [1]} : vector<16xf32> to vector<1xf32>
        %squeeze3A_405 = vector.extract %slice3A_404[0] : f32 from vector<1xf32>
        %mul3A_406 = vector.broadcast %squeeze3A_405 : f32 to vector<16xf32>
        %mul3A_407 = arith.mulf %get3A_403, %mul3A_406 : vector<16xf32>
        %add3A_408 = arith.constant 6 : i32
        %add3A_409 = arith.addi %mul3A_298, %add3A_408 : i32
        %swap3A_410 = arith.index_cast %add3A_409 : i32 to index
        %swap3A_411 = arith.constant 0 : index
        %swap3A_412 = tpu.vector_load %arg17[%swap3A_410, %swap3A_411] {strides = array<i32>} : memref<128x16xf32, #tpu.memory_space<vmem>>, vector<1x16xf32>,
        %swap3A_413 = vector.shape_cast %swap3A_412 : vector<1x16xf32> to vector<16xf32>
        %swap3A_414 = vector.shape_cast %mul3A_407 : vector<16xf32> to vector<1x16xf32>
        tpu.vector_store %arg17[%swap3A_410, %swap3A_411], %swap3A_414 {strides = array<i32>} : memref<128x16xf32, #tpu.memory_space<vmem>>, vector<1x16xf32>,
        %add3A_415 = arith.constant 7 : i32
        %add3A_416 = arith.addi %mul3A_298, %add3A_415 : i32
        %get3A_417 = arith.index_cast %add3A_416 : i32 to index
        %get3A_418 = arith.constant 0 : index
        %get3A_419 = tpu.vector_load %arg13[%get3A_417, %get3A_418] {strides = array<i32>} : memref<128x16xf32, #tpu.memory_space<vmem>>, vector<1x16xf32>,
        %get3A_420 = vector.shape_cast %get3A_419 : vector<1x16xf32> to vector<16xf32>
        %slice3A_421 = vector.extract_strided_slice %get3A_296 {offsets = [7], sizes = [1], strides = [1]} : vector<16xf32> to vector<1xf32>
        %squeeze3A_422 = vector.extract %slice3A_421[0] : f32 from vector<1xf32>
        %mul3A_423 = vector.broadcast %squeeze3A_422 : f32 to vector<16xf32>
        %mul3A_424 = arith.mulf %get3A_420, %mul3A_423 : vector<16xf32>
        %add3A_425 = arith.constant 7 : i32
        %add3A_426 = arith.addi %mul3A_298, %add3A_425 : i32
        %swap3A_427 = arith.index_cast %add3A_426 : i32 to index
        %swap3A_428 = arith.constant 0 : index
        %swap3A_429 = tpu.vector_load %arg17[%swap3A_427, %swap3A_428] {strides = array<i32>} : memref<128x16xf32, #tpu.memory_space<vmem>>, vector<1x16xf32>,
        %swap3A_430 = vector.shape_cast %swap3A_429 : vector<1x16xf32> to vector<16xf32>
        %swap3A_431 = vector.shape_cast %mul3A_424 : vector<16xf32> to vector<1x16xf32>
        tpu.vector_store %arg17[%swap3A_427, %swap3A_428], %swap3A_431 {strides = array<i32>} : memref<128x16xf32, #tpu.memory_space<vmem>>, vector<1x16xf32>,
        %add3A_432 = arith.constant 8 : i32
        %add3A_433 = arith.addi %mul3A_298, %add3A_432 : i32
        %get3A_434 = arith.index_cast %add3A_433 : i32 to index
        %get3A_435 = arith.constant 0 : index
        %get3A_436 = tpu.vector_load %arg13[%get3A_434, %get3A_435] {strides = array<i32>} : memref<128x16xf32, #tpu.memory_space<vmem>>, vector<1x16xf32>,
        %get3A_437 = vector.shape_cast %get3A_436 : vector<1x16xf32> to vector<16xf32>
        %slice3A_438 = vector.extract_strided_slice %get3A_296 {offsets = [8], sizes = [1], strides = [1]} : vector<16xf32> to vector<1xf32>
        %squeeze3A_439 = vector.extract %slice3A_438[0] : f32 from vector<1xf32>
        %mul3A_440 = vector.broadcast %squeeze3A_439 : f32 to vector<16xf32>
        %mul3A_441 = arith.mulf %get3A_437, %mul3A_440 : vector<16xf32>
        %add3A_442 = arith.constant 8 : i32
        %add3A_443 = arith.addi %mul3A_298, %add3A_442 : i32
        %swap3A_444 = arith.index_cast %add3A_443 : i32 to index
        %swap3A_445 = arith.constant 0 : index
        %swap3A_446 = tpu.vector_load %arg17[%swap3A_444, %swap3A_445] {strides = array<i32>} : memref<128x16xf32, #tpu.memory_space<vmem>>, vector<1x16xf32>,
        %swap3A_447 = vector.shape_cast %swap3A_446 : vector<1x16xf32> to vector<16xf32>
        %swap3A_448 = vector.shape_cast %mul3A_441 : vector<16xf32> to vector<1x16xf32>
        tpu.vector_store %arg17[%swap3A_444, %swap3A_445], %swap3A_448 {strides = array<i32>} : memref<128x16xf32, #tpu.memory_space<vmem>>, vector<1x16xf32>,
        %add3A_449 = arith.constant 9 : i32
        %add3A_450 = arith.addi %mul3A_298, %add3A_449 : i32
        %get3A_451 = arith.index_cast %add3A_450 : i32 to index
        %get3A_452 = arith.constant 0 : index
        %get3A_453 = tpu.vector_load %arg13[%get3A_451, %get3A_452] {strides = array<i32>} : memref<128x16xf32, #tpu.memory_space<vmem>>, vector<1x16xf32>,
        %get3A_454 = vector.shape_cast %get3A_453 : vector<1x16xf32> to vector<16xf32>
        %slice3A_455 = vector.extract_strided_slice %get3A_296 {offsets = [9], sizes = [1], strides = [1]} : vector<16xf32> to vector<1xf32>
        %squeeze3A_456 = vector.extract %slice3A_455[0] : f32 from vector<1xf32>
        %mul3A_457 = vector.broadcast %squeeze3A_456 : f32 to vector<16xf32>
        %mul3A_458 = arith.mulf %get3A_454, %mul3A_457 : vector<16xf32>
        %add3A_459 = arith.constant 9 : i32
        %add3A_460 = arith.addi %mul3A_298, %add3A_459 : i32
        %swap3A_461 = arith.index_cast %add3A_460 : i32 to index
        %swap3A_462 = arith.constant 0 : index
        %swap3A_463 = tpu.vector_load %arg17[%swap3A_461, %swap3A_462] {strides = array<i32>} : memref<128x16xf32, #tpu.memory_space<vmem>>, vector<1x16xf32>,
        %swap3A_464 = vector.shape_cast %swap3A_463 : vector<1x16xf32> to vector<16xf32>
        %swap3A_465 = vector.shape_cast %mul3A_458 : vector<16xf32> to vector<1x16xf32>
        tpu.vector_store %arg17[%swap3A_461, %swap3A_462], %swap3A_465 {strides = array<i32>} : memref<128x16xf32, #tpu.memory_space<vmem>>, vector<1x16xf32>,
        %add3A_466 = arith.constant 10 : i32
        %add3A_467 = arith.addi %mul3A_298, %add3A_466 : i32
        %get3A_468 = arith.index_cast %add3A_467 : i32 to index
        %get3A_469 = arith.constant 0 : index
        %get3A_470 = tpu.vector_load %arg13[%get3A_468, %get3A_469] {strides = array<i32>} : memref<128x16xf32, #tpu.memory_space<vmem>>, vector<1x16xf32>,
        %get3A_471 = vector.shape_cast %get3A_470 : vector<1x16xf32> to vector<16xf32>
        %slice3A_472 = vector.extract_strided_slice %get3A_296 {offsets = [10], sizes = [1], strides = [1]} : vector<16xf32> to vector<1xf32>
        %squeeze3A_473 = vector.extract %slice3A_472[0] : f32 from vector<1xf32>
        %mul3A_474 = vector.broadcast %squeeze3A_473 : f32 to vector<16xf32>
        %mul3A_475 = arith.mulf %get3A_471, %mul3A_474 : vector<16xf32>
        %add3A_476 = arith.constant 10 : i32
        %add3A_477 = arith.addi %mul3A_298, %add3A_476 : i32
        %swap3A_478 = arith.index_cast %add3A_477 : i32 to index
        %swap3A_479 = arith.constant 0 : index
        %swap3A_480 = tpu.vector_load %arg17[%swap3A_478, %swap3A_479] {strides = array<i32>} : memref<128x16xf32, #tpu.memory_space<vmem>>, vector<1x16xf32>,
        %swap3A_481 = vector.shape_cast %swap3A_480 : vector<1x16xf32> to vector<16xf32>
        %swap3A_482 = vector.shape_cast %mul3A_475 : vector<16xf32> to vector<1x16xf32>
        tpu.vector_store %arg17[%swap3A_478, %swap3A_479], %swap3A_482 {strides = array<i32>} : memref<128x16xf32, #tpu.memory_space<vmem>>, vector<1x16xf32>,
        %add3A_483 = arith.constant 11 : i32
        %add3A_484 = arith.addi %mul3A_298, %add3A_483 : i32
        %get3A_485 = arith.index_cast %add3A_484 : i32 to index
        %get3A_486 = arith.constant 0 : index
        %get3A_487 = tpu.vector_load %arg13[%get3A_485, %get3A_486] {strides = array<i32>} : memref<128x16xf32, #tpu.memory_space<vmem>>, vector<1x16xf32>,
        %get3A_488 = vector.shape_cast %get3A_487 : vector<1x16xf32> to vector<16xf32>
        %slice3A_489 = vector.extract_strided_slice %get3A_296 {offsets = [11], sizes = [1], strides = [1]} : vector<16xf32> to vector<1xf32>
        %squeeze3A_490 = vector.extract %slice3A_489[0] : f32 from vector<1xf32>
        %mul3A_491 = vector.broadcast %squeeze3A_490 : f32 to vector<16xf32>
        %mul3A_492 = arith.mulf %get3A_488, %mul3A_491 : vector<16xf32>
        %add3A_493 = arith.constant 11 : i32
        %add3A_494 = arith.addi %mul3A_298, %add3A_493 : i32
        %swap3A_495 = arith.index_cast %add3A_494 : i32 to index
        %swap3A_496 = arith.constant 0 : index
        %swap3A_497 = tpu.vector_load %arg17[%swap3A_495, %swap3A_496] {strides = array<i32>} : memref<128x16xf32, #tpu.memory_space<vmem>>, vector<1x16xf32>,
        %swap3A_498 = vector.shape_cast %swap3A_497 : vector<1x16xf32> to vector<16xf32>
        %swap3A_499 = vector.shape_cast %mul3A_492 : vector<16xf32> to vector<1x16xf32>
        tpu.vector_store %arg17[%swap3A_495, %swap3A_496], %swap3A_499 {strides = array<i32>} : memref<128x16xf32, #tpu.memory_space<vmem>>, vector<1x16xf32>,
        %add3A_500 = arith.constant 12 : i32
        %add3A_501 = arith.addi %mul3A_298, %add3A_500 : i32
        %get3A_502 = arith.index_cast %add3A_501 : i32 to index
        %get3A_503 = arith.constant 0 : index
        %get3A_504 = tpu.vector_load %arg13[%get3A_502, %get3A_503] {strides = array<i32>} : memref<128x16xf32, #tpu.memory_space<vmem>>, vector<1x16xf32>,
        %get3A_505 = vector.shape_cast %get3A_504 : vector<1x16xf32> to vector<16xf32>
        %slice3A_506 = vector.extract_strided_slice %get3A_296 {offsets = [12], sizes = [1], strides = [1]} : vector<16xf32> to vector<1xf32>
        %squeeze3A_507 = vector.extract %slice3A_506[0] : f32 from vector<1xf32>
        %mul3A_508 = vector.broadcast %squeeze3A_507 : f32 to vector<16xf32>
        %mul3A_509 = arith.mulf %get3A_505, %mul3A_508 : vector<16xf32>
        %add3A_510 = arith.constant 12 : i32
        %add3A_511 = arith.addi %mul3A_298, %add3A_510 : i32
        %swap3A_512 = arith.index_cast %add3A_511 : i32 to index
        %swap3A_513 = arith.constant 0 : index
        %swap3A_514 = tpu.vector_load %arg17[%swap3A_512, %swap3A_513] {strides = array<i32>} : memref<128x16xf32, #tpu.memory_space<vmem>>, vector<1x16xf32>,
        %swap3A_515 = vector.shape_cast %swap3A_514 : vector<1x16xf32> to vector<16xf32>
        %swap3A_516 = vector.shape_cast %mul3A_509 : vector<16xf32> to vector<1x16xf32>
        tpu.vector_store %arg17[%swap3A_512, %swap3A_513], %swap3A_516 {strides = array<i32>} : memref<128x16xf32, #tpu.memory_space<vmem>>, vector<1x16xf32>,
        %add3A_517 = arith.constant 13 : i32
        %add3A_518 = arith.addi %mul3A_298, %add3A_517 : i32
        %get3A_519 = arith.index_cast %add3A_518 : i32 to index
        %get3A_520 = arith.constant 0 : index
        %get3A_521 = tpu.vector_load %arg13[%get3A_519, %get3A_520] {strides = array<i32>} : memref<128x16xf32, #tpu.memory_space<vmem>>, vector<1x16xf32>,
        %get3A_522 = vector.shape_cast %get3A_521 : vector<1x16xf32> to vector<16xf32>
        %slice3A_523 = vector.extract_strided_slice %get3A_296 {offsets = [13], sizes = [1], strides = [1]} : vector<16xf32> to vector<1xf32>
        %squeeze3A_524 = vector.extract %slice3A_523[0] : f32 from vector<1xf32>
        %mul3A_525 = vector.broadcast %squeeze3A_524 : f32 to vector<16xf32>
        %mul3A_526 = arith.mulf %get3A_522, %mul3A_525 : vector<16xf32>
        %add3A_527 = arith.constant 13 : i32
        %add3A_528 = arith.addi %mul3A_298, %add3A_527 : i32
        %swap3A_529 = arith.index_cast %add3A_528 : i32 to index
        %swap3A_530 = arith.constant 0 : index
        %swap3A_531 = tpu.vector_load %arg17[%swap3A_529, %swap3A_530] {strides = array<i32>} : memref<128x16xf32, #tpu.memory_space<vmem>>, vector<1x16xf32>,
        %swap3A_532 = vector.shape_cast %swap3A_531 : vector<1x16xf32> to vector<16xf32>
        %swap3A_533 = vector.shape_cast %mul3A_526 : vector<16xf32> to vector<1x16xf32>
        tpu.vector_store %arg17[%swap3A_529, %swap3A_530], %swap3A_533 {strides = array<i32>} : memref<128x16xf32, #tpu.memory_space<vmem>>, vector<1x16xf32>,
        %add3A_534 = arith.constant 14 : i32
        %add3A_535 = arith.addi %mul3A_298, %add3A_534 : i32
        %get3A_536 = arith.index_cast %add3A_535 : i32 to index
        %get3A_537 = arith.constant 0 : index
        %get3A_538 = tpu.vector_load %arg13[%get3A_536, %get3A_537] {strides = array<i32>} : memref<128x16xf32, #tpu.memory_space<vmem>>, vector<1x16xf32>,
        %get3A_539 = vector.shape_cast %get3A_538 : vector<1x16xf32> to vector<16xf32>
        %slice3A_540 = vector.extract_strided_slice %get3A_296 {offsets = [14], sizes = [1], strides = [1]} : vector<16xf32> to vector<1xf32>
        %squeeze3A_541 = vector.extract %slice3A_540[0] : f32 from vector<1xf32>
        %mul3A_542 = vector.broadcast %squeeze3A_541 : f32 to vector<16xf32>
        %mul3A_543 = arith.mulf %get3A_539, %mul3A_542 : vector<16xf32>
        %add3A_544 = arith.constant 14 : i32
        %add3A_545 = arith.addi %mul3A_298, %add3A_544 : i32
        %swap3A_546 = arith.index_cast %add3A_545 : i32 to index
        %swap3A_547 = arith.constant 0 : index
        %swap3A_548 = tpu.vector_load %arg17[%swap3A_546, %swap3A_547] {strides = array<i32>} : memref<128x16xf32, #tpu.memory_space<vmem>>, vector<1x16xf32>,
        %swap3A_549 = vector.shape_cast %swap3A_548 : vector<1x16xf32> to vector<16xf32>
        %swap3A_550 = vector.shape_cast %mul3A_543 : vector<16xf32> to vector<1x16xf32>
        tpu.vector_store %arg17[%swap3A_546, %swap3A_547], %swap3A_550 {strides = array<i32>} : memref<128x16xf32, #tpu.memory_space<vmem>>, vector<1x16xf32>,
        %add3A_551 = arith.constant 15 : i32
        %add3A_552 = arith.addi %mul3A_298, %add3A_551 : i32
        %get3A_553 = arith.index_cast %add3A_552 : i32 to index
        %get3A_554 = arith.constant 0 : index
        %get3A_555 = tpu.vector_load %arg13[%get3A_553, %get3A_554] {strides = array<i32>} : memref<128x16xf32, #tpu.memory_space<vmem>>, vector<1x16xf32>,
        %get3A_556 = vector.shape_cast %get3A_555 : vector<1x16xf32> to vector<16xf32>
        %slice3A_557 = vector.extract_strided_slice %get3A_296 {offsets = [15], sizes = [1], strides = [1]} : vector<16xf32> to vector<1xf32>
        %squeeze3A_558 = vector.extract %slice3A_557[0] : f32 from vector<1xf32>
        %mul3A_559 = vector.broadcast %squeeze3A_558 : f32 to vector<16xf32>
        %mul3A_560 = arith.mulf %get3A_556, %mul3A_559 : vector<16xf32>
        %add3A_561 = arith.constant 15 : i32
        %add3A_562 = arith.addi %mul3A_298, %add3A_561 : i32
        %swap3A_563 = arith.index_cast %add3A_562 : i32 to index
        %swap3A_564 = arith.constant 0 : index
        %swap3A_565 = tpu.vector_load %arg17[%swap3A_563, %swap3A_564] {strides = array<i32>} : memref<128x16xf32, #tpu.memory_space<vmem>>, vector<1x16xf32>,
        %swap3A_566 = vector.shape_cast %swap3A_565 : vector<1x16xf32> to vector<16xf32>
        %swap3A_567 = vector.shape_cast %mul3A_560 : vector<16xf32> to vector<1x16xf32>
        tpu.vector_store %arg17[%swap3A_563, %swap3A_564], %swap3A_567 {strides = array<i32>} : memref<128x16xf32, #tpu.memory_space<vmem>>, vector<1x16xf32>,
      }
      %scan3A_144 = arith.constant 8 : i32
      %add3A_145 = arith.constant 4 : i32
      %add3A_146 = arith.addi %add3A_128, %add3A_145 : i32
      %lt3A = arith.constant 80 : i32
      %lt3A_147 = arith.cmpi slt, %add3A_146, %lt3A : i32
      %convert_element_type3A_148 = arith.extui %lt3A_147 : i1 to i32
      %cond3A_149 = arith.constant 0 : i32
      %cond3A_150 = arith.cmpi ne, %convert_element_type3A_148, %cond3A_149 : i32
      scf.if %cond3A_150 {
        %add3A_291 = arith.constant 4 : i32
        %add3A_292 = arith.addi %add3A_128, %add3A_291 : i32
        %dma_start3A_293 = arith.constant 0 : i32
        %dma_start3A_294 = tpu.memref_slice %arg10[%add3A_292, %dma_start3A_293] : memref<80x128xi32, #tpu.memory_space<vmem>> -> memref<1x128xi32, #tpu.memory_space<vmem>>
        %dma_start3A_295 = tpu.memref_squeeze %dma_start3A_294 : memref<1x128xi32, #tpu.memory_space<vmem>> -> memref<128xi32, #tpu.memory_space<vmem>>
        %dma_start3A_296 = arith.constant 0 : i32
        %dma_start3A_297 = arith.constant 0 : i32
        %dma_start3A_298 = tpu.memref_slice %arg2[%dma_start3A_296, %dma_start3A_297] : memref<10000x16xf32, #tpu.memory_space<hbm>> -> memref<10000x16xf32, #tpu.memory_space<hbm>>
        tpu.enqueue_indirect_dma source(%dma_start3A_298 : memref<10000x16xf32, #tpu.memory_space<hbm>>) target(%arg13 : memref<128x16xf32, #tpu.memory_space<vmem>>) offsets(%dma_start3A_295 : memref<128xi32, #tpu.memory_space<vmem>>) semaphore(%arg21 : memref<!tpu.dma_semaphore, #tpu.memory_space<semaphore_mem>>)
      } else {
      }
      %dma_start3A_151 = arith.constant 0 : i32
      %dma_start3A_152 = tpu.memref_slice %arg11[%add3A_128, %dma_start3A_151] : memref<80x128xi32, #tpu.memory_space<vmem>> -> memref<1x128xi32, #tpu.memory_space<vmem>>
      %dma_start3A_153 = tpu.memref_squeeze %dma_start3A_152 : memref<1x128xi32, #tpu.memory_space<vmem>> -> memref<128xi32, #tpu.memory_space<vmem>>
      %dma_start3A_154 = arith.constant 0 : i32
      %dma_start3A_155 = arith.constant 0 : i32
      %dma_start3A_156 = tpu.memref_slice %arg9[%dma_start3A_154, %dma_start3A_155] : memref<10000x16xf32, #tpu.memory_space<vmem_shared>> -> memref<10000x16xf32, #tpu.memory_space<vmem_shared>>
      tpu.enqueue_indirect_dma source(%arg17 : memref<128x16xf32, #tpu.memory_space<vmem>>) target(%dma_start3A_156 : memref<10000x16xf32, #tpu.memory_space<vmem_shared>>) offsets(%dma_start3A_153 : memref<128xi32, #tpu.memory_space<vmem>>) semaphore(%arg25 : memref<!tpu.dma_semaphore, #tpu.memory_space<semaphore_mem>>) {add = true}
      %dma_start3A_157 = arith.constant 0 : i32
      %dma_start3A_158 = tpu.memref_slice %arg12[%add3A_128, %dma_start3A_157] : memref<80x128xf32, #tpu.memory_space<vmem>> -> memref<1x128xf32, #tpu.memory_space<vmem>>
      %dma_start3A_159 = tpu.memref_squeeze %dma_start3A_158 : memref<1x128xf32, #tpu.memory_space<vmem>> -> memref<128xf32, #tpu.memory_space<vmem>>
      %dma_start3A_160 = arith.constant 0 : i32
      %dma_start3A_161 = tpu.memref_slice %arg11[%add3A_128, %dma_start3A_160] : memref<80x128xi32, #tpu.memory_space<vmem>> -> memref<1x128xi32, #tpu.memory_space<vmem>>
      %dma_start3A_162 = tpu.memref_squeeze %dma_start3A_161 : memref<1x128xi32, #tpu.memory_space<vmem>> -> memref<128xi32, #tpu.memory_space<vmem>>
      %dma_start3A_163 = arith.constant 0 : i32
      %dma_start3A_164 = tpu.memref_slice %arg29[%dma_start3A_163] : memref<10000xf32, #tpu.memory_space<vmem_shared>> -> memref<10000xf32, #tpu.memory_space<vmem_shared>>
      tpu.enqueue_indirect_dma source(%dma_start3A_159 : memref<128xf32, #tpu.memory_space<vmem>>) target(%dma_start3A_164 : memref<10000xf32, #tpu.memory_space<vmem_shared>>) offsets(%dma_start3A_162 : memref<128xi32, #tpu.memory_space<vmem>>) semaphore(%arg31 : memref<!tpu.dma_semaphore, #tpu.memory_space<semaphore_mem>>) {add = true}
      %mul3A_165 = arith.constant 4 : i32
      %mul3A_166 = arith.muli %scan3A_124, %mul3A_165 : i32
      %add3A_167 = arith.constant 1 : i32
      %add3A_168 = arith.addi %mul3A_166, %add3A_167 : i32
      %dma_wait3A_169 = arith.constant 0 : i32
      %dma_wait3A_170 = tpu.memref_slice %arg10[%add3A_168, %dma_wait3A_169] : memref<80x128xi32, #tpu.memory_space<vmem>> -> memref<1x128xi32, #tpu.memory_space<vmem>>
      %dma_wait3A_171 = tpu.memref_squeeze %dma_wait3A_170 : memref<1x128xi32, #tpu.memory_space<vmem>> -> memref<128xi32, #tpu.memory_space<vmem>>
      %dma_wait3A_172 = arith.constant 0 : i32
      %dma_wait3A_173 = arith.constant 0 : i32
      %dma_wait3A_174 = tpu.memref_slice %arg2[%dma_wait3A_172, %dma_wait3A_173] : memref<10000x16xf32, #tpu.memory_space<hbm>> -> memref<10000x16xf32, #tpu.memory_space<hbm>>
      tpu.wait_indirect_dma semaphore(%arg22 : memref<!tpu.dma_semaphore, #tpu.memory_space<semaphore_mem>>) src(%dma_wait3A_174 : memref<10000x16xf32, #tpu.memory_space<hbm>>) dst(%arg14 : memref<128x16xf32, #tpu.memory_space<vmem>>)
      %ge3A_175 = arith.constant 4 : i32
      %ge3A_176 = arith.cmpi sge, %add3A_168, %ge3A_175 : i32
      %convert_element_type3A_177 = arith.extui %ge3A_176 : i1 to i32
      %cond3A_178 = arith.constant 0 : i32
      %cond3A_179 = arith.cmpi ne, %convert_element_type3A_177, %cond3A_178 : i32
      scf.if %cond3A_179 {
        %sub3A = arith.constant 4 : i32
        %sub3A_291 = arith.subi %add3A_168, %sub3A : i32
        %dma_wait3A_292 = arith.constant 0 : i32
        %dma_wait3A_293 = tpu.memref_slice %arg11[%sub3A_291, %dma_wait3A_292] : memref<80x128xi32, #tpu.memory_space<vmem>> -> memref<1x128xi32, #tpu.memory_space<vmem>>
        %dma_wait3A_294 = tpu.memref_squeeze %dma_wait3A_293 : memref<1x128xi32, #tpu.memory_space<vmem>> -> memref<128xi32, #tpu.memory_space<vmem>>
        %dma_wait3A_295 = arith.constant 0 : i32
        %dma_wait3A_296 = arith.constant 0 : i32
        %dma_wait3A_297 = tpu.memref_slice %arg9[%dma_wait3A_295, %dma_wait3A_296] : memref<10000x16xf32, #tpu.memory_space<vmem_shared>> -> memref<10000x16xf32, #tpu.memory_space<vmem_shared>>
        tpu.wait_indirect_dma semaphore(%arg26 : memref<!tpu.dma_semaphore, #tpu.memory_space<semaphore_mem>>) src(%arg18 : memref<128x16xf32, #tpu.memory_space<vmem>>) dst(%dma_wait3A_297 : memref<10000x16xf32, #tpu.memory_space<vmem_shared>>)
      } else {
      }
      %scan3A_180 = arith.constant 0 : i32
      %scan3A_181 = arith.constant 0 : i32
      %scan3A_182 = arith.constant 8 : i32
      %scan3A_183 = arith.addi %scan3A_181, %scan3A_182 : i32
      %scan3A_184 = arith.constant 1 : i32
      scf.for %scan3A_291 = %scan3A_181 to %scan3A_183 step %scan3A_184  : i32 {
        %mul3A_292 = arith.constant 16 : i32
        %mul3A_293 = arith.muli %scan3A_291, %mul3A_292 : i32
        %get3A = arith.index_cast %add3A_168 : i32 to index
        %get3A_294 = arith.index_cast %mul3A_293 : i32 to index
        %get3A_295 = tpu.vector_load %arg12[%get3A, %get3A_294] {strides = array<i32>} : memref<80x128xf32, #tpu.memory_space<vmem>>, vector<1x16xf32>,
        %get3A_296 = vector.shape_cast %get3A_295 : vector<1x16xf32> to vector<16xf32>
        %mul3A_297 = arith.constant 16 : i32
        %mul3A_298 = arith.muli %scan3A_291, %mul3A_297 : i32
        %add3A_299 = arith.constant 0 : i32
        %add3A_300 = arith.addi %mul3A_298, %add3A_299 : i32
        %get3A_301 = arith.index_cast %add3A_300 : i32 to index
        %get3A_302 = arith.constant 0 : index
        %get3A_303 = tpu.vector_load %arg14[%get3A_301, %get3A_302] {strides = array<i32>} : memref<128x16xf32, #tpu.memory_space<vmem>>, vector<1x16xf32>,
        %get3A_304 = vector.shape_cast %get3A_303 : vector<1x16xf32> to vector<16xf32>
        %slice3A = vector.extract_strided_slice %get3A_296 {offsets = [0], sizes = [1], strides = [1]} : vector<16xf32> to vector<1xf32>
        %squeeze3A = vector.extract %slice3A[0] : f32 from vector<1xf32>
        %mul3A_305 = vector.broadcast %squeeze3A : f32 to vector<16xf32>
        %mul3A_306 = arith.mulf %get3A_304, %mul3A_305 : vector<16xf32>
        %add3A_307 = arith.constant 0 : i32
        %add3A_308 = arith.addi %mul3A_298, %add3A_307 : i32
        %swap3A = arith.index_cast %add3A_308 : i32 to index
        %swap3A_309 = arith.constant 0 : index
        %swap3A_310 = tpu.vector_load %arg18[%swap3A, %swap3A_309] {strides = array<i32>} : memref<128x16xf32, #tpu.memory_space<vmem>>, vector<1x16xf32>,
        %swap3A_311 = vector.shape_cast %swap3A_310 : vector<1x16xf32> to vector<16xf32>
        %swap3A_312 = vector.shape_cast %mul3A_306 : vector<16xf32> to vector<1x16xf32>
        tpu.vector_store %arg18[%swap3A, %swap3A_309], %swap3A_312 {strides = array<i32>} : memref<128x16xf32, #tpu.memory_space<vmem>>, vector<1x16xf32>,
        %add3A_313 = arith.constant 1 : i32
        %add3A_314 = arith.addi %mul3A_298, %add3A_313 : i32
        %get3A_315 = arith.index_cast %add3A_314 : i32 to index
        %get3A_316 = arith.constant 0 : index
        %get3A_317 = tpu.vector_load %arg14[%get3A_315, %get3A_316] {strides = array<i32>} : memref<128x16xf32, #tpu.memory_space<vmem>>, vector<1x16xf32>,
        %get3A_318 = vector.shape_cast %get3A_317 : vector<1x16xf32> to vector<16xf32>
        %slice3A_319 = vector.extract_strided_slice %get3A_296 {offsets = [1], sizes = [1], strides = [1]} : vector<16xf32> to vector<1xf32>
        %squeeze3A_320 = vector.extract %slice3A_319[0] : f32 from vector<1xf32>
        %mul3A_321 = vector.broadcast %squeeze3A_320 : f32 to vector<16xf32>
        %mul3A_322 = arith.mulf %get3A_318, %mul3A_321 : vector<16xf32>
        %add3A_323 = arith.constant 1 : i32
        %add3A_324 = arith.addi %mul3A_298, %add3A_323 : i32
        %swap3A_325 = arith.index_cast %add3A_324 : i32 to index
        %swap3A_326 = arith.constant 0 : index
        %swap3A_327 = tpu.vector_load %arg18[%swap3A_325, %swap3A_326] {strides = array<i32>} : memref<128x16xf32, #tpu.memory_space<vmem>>, vector<1x16xf32>,
        %swap3A_328 = vector.shape_cast %swap3A_327 : vector<1x16xf32> to vector<16xf32>
        %swap3A_329 = vector.shape_cast %mul3A_322 : vector<16xf32> to vector<1x16xf32>
        tpu.vector_store %arg18[%swap3A_325, %swap3A_326], %swap3A_329 {strides = array<i32>} : memref<128x16xf32, #tpu.memory_space<vmem>>, vector<1x16xf32>,
        %add3A_330 = arith.constant 2 : i32
        %add3A_331 = arith.addi %mul3A_298, %add3A_330 : i32
        %get3A_332 = arith.index_cast %add3A_331 : i32 to index
        %get3A_333 = arith.constant 0 : index
        %get3A_334 = tpu.vector_load %arg14[%get3A_332, %get3A_333] {strides = array<i32>} : memref<128x16xf32, #tpu.memory_space<vmem>>, vector<1x16xf32>,
        %get3A_335 = vector.shape_cast %get3A_334 : vector<1x16xf32> to vector<16xf32>
        %slice3A_336 = vector.extract_strided_slice %get3A_296 {offsets = [2], sizes = [1], strides = [1]} : vector<16xf32> to vector<1xf32>
        %squeeze3A_337 = vector.extract %slice3A_336[0] : f32 from vector<1xf32>
        %mul3A_338 = vector.broadcast %squeeze3A_337 : f32 to vector<16xf32>
        %mul3A_339 = arith.mulf %get3A_335, %mul3A_338 : vector<16xf32>
        %add3A_340 = arith.constant 2 : i32
        %add3A_341 = arith.addi %mul3A_298, %add3A_340 : i32
        %swap3A_342 = arith.index_cast %add3A_341 : i32 to index
        %swap3A_343 = arith.constant 0 : index
        %swap3A_344 = tpu.vector_load %arg18[%swap3A_342, %swap3A_343] {strides = array<i32>} : memref<128x16xf32, #tpu.memory_space<vmem>>, vector<1x16xf32>,
        %swap3A_345 = vector.shape_cast %swap3A_344 : vector<1x16xf32> to vector<16xf32>
        %swap3A_346 = vector.shape_cast %mul3A_339 : vector<16xf32> to vector<1x16xf32>
        tpu.vector_store %arg18[%swap3A_342, %swap3A_343], %swap3A_346 {strides = array<i32>} : memref<128x16xf32, #tpu.memory_space<vmem>>, vector<1x16xf32>,
        %add3A_347 = arith.constant 3 : i32
        %add3A_348 = arith.addi %mul3A_298, %add3A_347 : i32
        %get3A_349 = arith.index_cast %add3A_348 : i32 to index
        %get3A_350 = arith.constant 0 : index
        %get3A_351 = tpu.vector_load %arg14[%get3A_349, %get3A_350] {strides = array<i32>} : memref<128x16xf32, #tpu.memory_space<vmem>>, vector<1x16xf32>,
        %get3A_352 = vector.shape_cast %get3A_351 : vector<1x16xf32> to vector<16xf32>
        %slice3A_353 = vector.extract_strided_slice %get3A_296 {offsets = [3], sizes = [1], strides = [1]} : vector<16xf32> to vector<1xf32>
        %squeeze3A_354 = vector.extract %slice3A_353[0] : f32 from vector<1xf32>
        %mul3A_355 = vector.broadcast %squeeze3A_354 : f32 to vector<16xf32>
        %mul3A_356 = arith.mulf %get3A_352, %mul3A_355 : vector<16xf32>
        %add3A_357 = arith.constant 3 : i32
        %add3A_358 = arith.addi %mul3A_298, %add3A_357 : i32
        %swap3A_359 = arith.index_cast %add3A_358 : i32 to index
        %swap3A_360 = arith.constant 0 : index
        %swap3A_361 = tpu.vector_load %arg18[%swap3A_359, %swap3A_360] {strides = array<i32>} : memref<128x16xf32, #tpu.memory_space<vmem>>, vector<1x16xf32>,
        %swap3A_362 = vector.shape_cast %swap3A_361 : vector<1x16xf32> to vector<16xf32>
        %swap3A_363 = vector.shape_cast %mul3A_356 : vector<16xf32> to vector<1x16xf32>
        tpu.vector_store %arg18[%swap3A_359, %swap3A_360], %swap3A_363 {strides = array<i32>} : memref<128x16xf32, #tpu.memory_space<vmem>>, vector<1x16xf32>,
        %add3A_364 = arith.constant 4 : i32
        %add3A_365 = arith.addi %mul3A_298, %add3A_364 : i32
        %get3A_366 = arith.index_cast %add3A_365 : i32 to index
        %get3A_367 = arith.constant 0 : index
        %get3A_368 = tpu.vector_load %arg14[%get3A_366, %get3A_367] {strides = array<i32>} : memref<128x16xf32, #tpu.memory_space<vmem>>, vector<1x16xf32>,
        %get3A_369 = vector.shape_cast %get3A_368 : vector<1x16xf32> to vector<16xf32>
        %slice3A_370 = vector.extract_strided_slice %get3A_296 {offsets = [4], sizes = [1], strides = [1]} : vector<16xf32> to vector<1xf32>
        %squeeze3A_371 = vector.extract %slice3A_370[0] : f32 from vector<1xf32>
        %mul3A_372 = vector.broadcast %squeeze3A_371 : f32 to vector<16xf32>
        %mul3A_373 = arith.mulf %get3A_369, %mul3A_372 : vector<16xf32>
        %add3A_374 = arith.constant 4 : i32
        %add3A_375 = arith.addi %mul3A_298, %add3A_374 : i32
        %swap3A_376 = arith.index_cast %add3A_375 : i32 to index
        %swap3A_377 = arith.constant 0 : index
        %swap3A_378 = tpu.vector_load %arg18[%swap3A_376, %swap3A_377] {strides = array<i32>} : memref<128x16xf32, #tpu.memory_space<vmem>>, vector<1x16xf32>,
        %swap3A_379 = vector.shape_cast %swap3A_378 : vector<1x16xf32> to vector<16xf32>
        %swap3A_380 = vector.shape_cast %mul3A_373 : vector<16xf32> to vector<1x16xf32>
        tpu.vector_store %arg18[%swap3A_376, %swap3A_377], %swap3A_380 {strides = array<i32>} : memref<128x16xf32, #tpu.memory_space<vmem>>, vector<1x16xf32>,
        %add3A_381 = arith.constant 5 : i32
        %add3A_382 = arith.addi %mul3A_298, %add3A_381 : i32
        %get3A_383 = arith.index_cast %add3A_382 : i32 to index
        %get3A_384 = arith.constant 0 : index
        %get3A_385 = tpu.vector_load %arg14[%get3A_383, %get3A_384] {strides = array<i32>} : memref<128x16xf32, #tpu.memory_space<vmem>>, vector<1x16xf32>,
        %get3A_386 = vector.shape_cast %get3A_385 : vector<1x16xf32> to vector<16xf32>
        %slice3A_387 = vector.extract_strided_slice %get3A_296 {offsets = [5], sizes = [1], strides = [1]} : vector<16xf32> to vector<1xf32>
        %squeeze3A_388 = vector.extract %slice3A_387[0] : f32 from vector<1xf32>
        %mul3A_389 = vector.broadcast %squeeze3A_388 : f32 to vector<16xf32>
        %mul3A_390 = arith.mulf %get3A_386, %mul3A_389 : vector<16xf32>
        %add3A_391 = arith.constant 5 : i32
        %add3A_392 = arith.addi %mul3A_298, %add3A_391 : i32
        %swap3A_393 = arith.index_cast %add3A_392 : i32 to index
        %swap3A_394 = arith.constant 0 : index
        %swap3A_395 = tpu.vector_load %arg18[%swap3A_393, %swap3A_394] {strides = array<i32>} : memref<128x16xf32, #tpu.memory_space<vmem>>, vector<1x16xf32>,
        %swap3A_396 = vector.shape_cast %swap3A_395 : vector<1x16xf32> to vector<16xf32>
        %swap3A_397 = vector.shape_cast %mul3A_390 : vector<16xf32> to vector<1x16xf32>
        tpu.vector_store %arg18[%swap3A_393, %swap3A_394], %swap3A_397 {strides = array<i32>} : memref<128x16xf32, #tpu.memory_space<vmem>>, vector<1x16xf32>,
        %add3A_398 = arith.constant 6 : i32
        %add3A_399 = arith.addi %mul3A_298, %add3A_398 : i32
        %get3A_400 = arith.index_cast %add3A_399 : i32 to index
        %get3A_401 = arith.constant 0 : index
        %get3A_402 = tpu.vector_load %arg14[%get3A_400, %get3A_401] {strides = array<i32>} : memref<128x16xf32, #tpu.memory_space<vmem>>, vector<1x16xf32>,
        %get3A_403 = vector.shape_cast %get3A_402 : vector<1x16xf32> to vector<16xf32>
        %slice3A_404 = vector.extract_strided_slice %get3A_296 {offsets = [6], sizes = [1], strides = [1]} : vector<16xf32> to vector<1xf32>
        %squeeze3A_405 = vector.extract %slice3A_404[0] : f32 from vector<1xf32>
        %mul3A_406 = vector.broadcast %squeeze3A_405 : f32 to vector<16xf32>
        %mul3A_407 = arith.mulf %get3A_403, %mul3A_406 : vector<16xf32>
        %add3A_408 = arith.constant 6 : i32
        %add3A_409 = arith.addi %mul3A_298, %add3A_408 : i32
        %swap3A_410 = arith.index_cast %add3A_409 : i32 to index
        %swap3A_411 = arith.constant 0 : index
        %swap3A_412 = tpu.vector_load %arg18[%swap3A_410, %swap3A_411] {strides = array<i32>} : memref<128x16xf32, #tpu.memory_space<vmem>>, vector<1x16xf32>,
        %swap3A_413 = vector.shape_cast %swap3A_412 : vector<1x16xf32> to vector<16xf32>
        %swap3A_414 = vector.shape_cast %mul3A_407 : vector<16xf32> to vector<1x16xf32>
        tpu.vector_store %arg18[%swap3A_410, %swap3A_411], %swap3A_414 {strides = array<i32>} : memref<128x16xf32, #tpu.memory_space<vmem>>, vector<1x16xf32>,
        %add3A_415 = arith.constant 7 : i32
        %add3A_416 = arith.addi %mul3A_298, %add3A_415 : i32
        %get3A_417 = arith.index_cast %add3A_416 : i32 to index
        %get3A_418 = arith.constant 0 : index
        %get3A_419 = tpu.vector_load %arg14[%get3A_417, %get3A_418] {strides = array<i32>} : memref<128x16xf32, #tpu.memory_space<vmem>>, vector<1x16xf32>,
        %get3A_420 = vector.shape_cast %get3A_419 : vector<1x16xf32> to vector<16xf32>
        %slice3A_421 = vector.extract_strided_slice %get3A_296 {offsets = [7], sizes = [1], strides = [1]} : vector<16xf32> to vector<1xf32>
        %squeeze3A_422 = vector.extract %slice3A_421[0] : f32 from vector<1xf32>
        %mul3A_423 = vector.broadcast %squeeze3A_422 : f32 to vector<16xf32>
        %mul3A_424 = arith.mulf %get3A_420, %mul3A_423 : vector<16xf32>
        %add3A_425 = arith.constant 7 : i32
        %add3A_426 = arith.addi %mul3A_298, %add3A_425 : i32
        %swap3A_427 = arith.index_cast %add3A_426 : i32 to index
        %swap3A_428 = arith.constant 0 : index
        %swap3A_429 = tpu.vector_load %arg18[%swap3A_427, %swap3A_428] {strides = array<i32>} : memref<128x16xf32, #tpu.memory_space<vmem>>, vector<1x16xf32>,
        %swap3A_430 = vector.shape_cast %swap3A_429 : vector<1x16xf32> to vector<16xf32>
        %swap3A_431 = vector.shape_cast %mul3A_424 : vector<16xf32> to vector<1x16xf32>
        tpu.vector_store %arg18[%swap3A_427, %swap3A_428], %swap3A_431 {strides = array<i32>} : memref<128x16xf32, #tpu.memory_space<vmem>>, vector<1x16xf32>,
        %add3A_432 = arith.constant 8 : i32
        %add3A_433 = arith.addi %mul3A_298, %add3A_432 : i32
        %get3A_434 = arith.index_cast %add3A_433 : i32 to index
        %get3A_435 = arith.constant 0 : index
        %get3A_436 = tpu.vector_load %arg14[%get3A_434, %get3A_435] {strides = array<i32>} : memref<128x16xf32, #tpu.memory_space<vmem>>, vector<1x16xf32>,
        %get3A_437 = vector.shape_cast %get3A_436 : vector<1x16xf32> to vector<16xf32>
        %slice3A_438 = vector.extract_strided_slice %get3A_296 {offsets = [8], sizes = [1], strides = [1]} : vector<16xf32> to vector<1xf32>
        %squeeze3A_439 = vector.extract %slice3A_438[0] : f32 from vector<1xf32>
        %mul3A_440 = vector.broadcast %squeeze3A_439 : f32 to vector<16xf32>
        %mul3A_441 = arith.mulf %get3A_437, %mul3A_440 : vector<16xf32>
        %add3A_442 = arith.constant 8 : i32
        %add3A_443 = arith.addi %mul3A_298, %add3A_442 : i32
        %swap3A_444 = arith.index_cast %add3A_443 : i32 to index
        %swap3A_445 = arith.constant 0 : index
        %swap3A_446 = tpu.vector_load %arg18[%swap3A_444, %swap3A_445] {strides = array<i32>} : memref<128x16xf32, #tpu.memory_space<vmem>>, vector<1x16xf32>,
        %swap3A_447 = vector.shape_cast %swap3A_446 : vector<1x16xf32> to vector<16xf32>
        %swap3A_448 = vector.shape_cast %mul3A_441 : vector<16xf32> to vector<1x16xf32>
        tpu.vector_store %arg18[%swap3A_444, %swap3A_445], %swap3A_448 {strides = array<i32>} : memref<128x16xf32, #tpu.memory_space<vmem>>, vector<1x16xf32>,
        %add3A_449 = arith.constant 9 : i32
        %add3A_450 = arith.addi %mul3A_298, %add3A_449 : i32
        %get3A_451 = arith.index_cast %add3A_450 : i32 to index
        %get3A_452 = arith.constant 0 : index
        %get3A_453 = tpu.vector_load %arg14[%get3A_451, %get3A_452] {strides = array<i32>} : memref<128x16xf32, #tpu.memory_space<vmem>>, vector<1x16xf32>,
        %get3A_454 = vector.shape_cast %get3A_453 : vector<1x16xf32> to vector<16xf32>
        %slice3A_455 = vector.extract_strided_slice %get3A_296 {offsets = [9], sizes = [1], strides = [1]} : vector<16xf32> to vector<1xf32>
        %squeeze3A_456 = vector.extract %slice3A_455[0] : f32 from vector<1xf32>
        %mul3A_457 = vector.broadcast %squeeze3A_456 : f32 to vector<16xf32>
        %mul3A_458 = arith.mulf %get3A_454, %mul3A_457 : vector<16xf32>
        %add3A_459 = arith.constant 9 : i32
        %add3A_460 = arith.addi %mul3A_298, %add3A_459 : i32
        %swap3A_461 = arith.index_cast %add3A_460 : i32 to index
        %swap3A_462 = arith.constant 0 : index
        %swap3A_463 = tpu.vector_load %arg18[%swap3A_461, %swap3A_462] {strides = array<i32>} : memref<128x16xf32, #tpu.memory_space<vmem>>, vector<1x16xf32>,
        %swap3A_464 = vector.shape_cast %swap3A_463 : vector<1x16xf32> to vector<16xf32>
        %swap3A_465 = vector.shape_cast %mul3A_458 : vector<16xf32> to vector<1x16xf32>
        tpu.vector_store %arg18[%swap3A_461, %swap3A_462], %swap3A_465 {strides = array<i32>} : memref<128x16xf32, #tpu.memory_space<vmem>>, vector<1x16xf32>,
        %add3A_466 = arith.constant 10 : i32
        %add3A_467 = arith.addi %mul3A_298, %add3A_466 : i32
        %get3A_468 = arith.index_cast %add3A_467 : i32 to index
        %get3A_469 = arith.constant 0 : index
        %get3A_470 = tpu.vector_load %arg14[%get3A_468, %get3A_469] {strides = array<i32>} : memref<128x16xf32, #tpu.memory_space<vmem>>, vector<1x16xf32>,
        %get3A_471 = vector.shape_cast %get3A_470 : vector<1x16xf32> to vector<16xf32>
        %slice3A_472 = vector.extract_strided_slice %get3A_296 {offsets = [10], sizes = [1], strides = [1]} : vector<16xf32> to vector<1xf32>
        %squeeze3A_473 = vector.extract %slice3A_472[0] : f32 from vector<1xf32>
        %mul3A_474 = vector.broadcast %squeeze3A_473 : f32 to vector<16xf32>
        %mul3A_475 = arith.mulf %get3A_471, %mul3A_474 : vector<16xf32>
        %add3A_476 = arith.constant 10 : i32
        %add3A_477 = arith.addi %mul3A_298, %add3A_476 : i32
        %swap3A_478 = arith.index_cast %add3A_477 : i32 to index
        %swap3A_479 = arith.constant 0 : index
        %swap3A_480 = tpu.vector_load %arg18[%swap3A_478, %swap3A_479] {strides = array<i32>} : memref<128x16xf32, #tpu.memory_space<vmem>>, vector<1x16xf32>,
        %swap3A_481 = vector.shape_cast %swap3A_480 : vector<1x16xf32> to vector<16xf32>
        %swap3A_482 = vector.shape_cast %mul3A_475 : vector<16xf32> to vector<1x16xf32>
        tpu.vector_store %arg18[%swap3A_478, %swap3A_479], %swap3A_482 {strides = array<i32>} : memref<128x16xf32, #tpu.memory_space<vmem>>, vector<1x16xf32>,
        %add3A_483 = arith.constant 11 : i32
        %add3A_484 = arith.addi %mul3A_298, %add3A_483 : i32
        %get3A_485 = arith.index_cast %add3A_484 : i32 to index
        %get3A_486 = arith.constant 0 : index
        %get3A_487 = tpu.vector_load %arg14[%get3A_485, %get3A_486] {strides = array<i32>} : memref<128x16xf32, #tpu.memory_space<vmem>>, vector<1x16xf32>,
        %get3A_488 = vector.shape_cast %get3A_487 : vector<1x16xf32> to vector<16xf32>
        %slice3A_489 = vector.extract_strided_slice %get3A_296 {offsets = [11], sizes = [1], strides = [1]} : vector<16xf32> to vector<1xf32>
        %squeeze3A_490 = vector.extract %slice3A_489[0] : f32 from vector<1xf32>
        %mul3A_491 = vector.broadcast %squeeze3A_490 : f32 to vector<16xf32>
        %mul3A_492 = arith.mulf %get3A_488, %mul3A_491 : vector<16xf32>
        %add3A_493 = arith.constant 11 : i32
        %add3A_494 = arith.addi %mul3A_298, %add3A_493 : i32
        %swap3A_495 = arith.index_cast %add3A_494 : i32 to index
        %swap3A_496 = arith.constant 0 : index
        %swap3A_497 = tpu.vector_load %arg18[%swap3A_495, %swap3A_496] {strides = array<i32>} : memref<128x16xf32, #tpu.memory_space<vmem>>, vector<1x16xf32>,
        %swap3A_498 = vector.shape_cast %swap3A_497 : vector<1x16xf32> to vector<16xf32>
        %swap3A_499 = vector.shape_cast %mul3A_492 : vector<16xf32> to vector<1x16xf32>
        tpu.vector_store %arg18[%swap3A_495, %swap3A_496], %swap3A_499 {strides = array<i32>} : memref<128x16xf32, #tpu.memory_space<vmem>>, vector<1x16xf32>,
        %add3A_500 = arith.constant 12 : i32
        %add3A_501 = arith.addi %mul3A_298, %add3A_500 : i32
        %get3A_502 = arith.index_cast %add3A_501 : i32 to index
        %get3A_503 = arith.constant 0 : index
        %get3A_504 = tpu.vector_load %arg14[%get3A_502, %get3A_503] {strides = array<i32>} : memref<128x16xf32, #tpu.memory_space<vmem>>, vector<1x16xf32>,
        %get3A_505 = vector.shape_cast %get3A_504 : vector<1x16xf32> to vector<16xf32>
        %slice3A_506 = vector.extract_strided_slice %get3A_296 {offsets = [12], sizes = [1], strides = [1]} : vector<16xf32> to vector<1xf32>
        %squeeze3A_507 = vector.extract %slice3A_506[0] : f32 from vector<1xf32>
        %mul3A_508 = vector.broadcast %squeeze3A_507 : f32 to vector<16xf32>
        %mul3A_509 = arith.mulf %get3A_505, %mul3A_508 : vector<16xf32>
        %add3A_510 = arith.constant 12 : i32
        %add3A_511 = arith.addi %mul3A_298, %add3A_510 : i32
        %swap3A_512 = arith.index_cast %add3A_511 : i32 to index
        %swap3A_513 = arith.constant 0 : index
        %swap3A_514 = tpu.vector_load %arg18[%swap3A_512, %swap3A_513] {strides = array<i32>} : memref<128x16xf32, #tpu.memory_space<vmem>>, vector<1x16xf32>,
        %swap3A_515 = vector.shape_cast %swap3A_514 : vector<1x16xf32> to vector<16xf32>
        %swap3A_516 = vector.shape_cast %mul3A_509 : vector<16xf32> to vector<1x16xf32>
        tpu.vector_store %arg18[%swap3A_512, %swap3A_513], %swap3A_516 {strides = array<i32>} : memref<128x16xf32, #tpu.memory_space<vmem>>, vector<1x16xf32>,
        %add3A_517 = arith.constant 13 : i32
        %add3A_518 = arith.addi %mul3A_298, %add3A_517 : i32
        %get3A_519 = arith.index_cast %add3A_518 : i32 to index
        %get3A_520 = arith.constant 0 : index
        %get3A_521 = tpu.vector_load %arg14[%get3A_519, %get3A_520] {strides = array<i32>} : memref<128x16xf32, #tpu.memory_space<vmem>>, vector<1x16xf32>,
        %get3A_522 = vector.shape_cast %get3A_521 : vector<1x16xf32> to vector<16xf32>
        %slice3A_523 = vector.extract_strided_slice %get3A_296 {offsets = [13], sizes = [1], strides = [1]} : vector<16xf32> to vector<1xf32>
        %squeeze3A_524 = vector.extract %slice3A_523[0] : f32 from vector<1xf32>
        %mul3A_525 = vector.broadcast %squeeze3A_524 : f32 to vector<16xf32>
        %mul3A_526 = arith.mulf %get3A_522, %mul3A_525 : vector<16xf32>
        %add3A_527 = arith.constant 13 : i32
        %add3A_528 = arith.addi %mul3A_298, %add3A_527 : i32
        %swap3A_529 = arith.index_cast %add3A_528 : i32 to index
        %swap3A_530 = arith.constant 0 : index
        %swap3A_531 = tpu.vector_load %arg18[%swap3A_529, %swap3A_530] {strides = array<i32>} : memref<128x16xf32, #tpu.memory_space<vmem>>, vector<1x16xf32>,
        %swap3A_532 = vector.shape_cast %swap3A_531 : vector<1x16xf32> to vector<16xf32>
        %swap3A_533 = vector.shape_cast %mul3A_526 : vector<16xf32> to vector<1x16xf32>
        tpu.vector_store %arg18[%swap3A_529, %swap3A_530], %swap3A_533 {strides = array<i32>} : memref<128x16xf32, #tpu.memory_space<vmem>>, vector<1x16xf32>,
        %add3A_534 = arith.constant 14 : i32
        %add3A_535 = arith.addi %mul3A_298, %add3A_534 : i32
        %get3A_536 = arith.index_cast %add3A_535 : i32 to index
        %get3A_537 = arith.constant 0 : index
        %get3A_538 = tpu.vector_load %arg14[%get3A_536, %get3A_537] {strides = array<i32>} : memref<128x16xf32, #tpu.memory_space<vmem>>, vector<1x16xf32>,
        %get3A_539 = vector.shape_cast %get3A_538 : vector<1x16xf32> to vector<16xf32>
        %slice3A_540 = vector.extract_strided_slice %get3A_296 {offsets = [14], sizes = [1], strides = [1]} : vector<16xf32> to vector<1xf32>
        %squeeze3A_541 = vector.extract %slice3A_540[0] : f32 from vector<1xf32>
        %mul3A_542 = vector.broadcast %squeeze3A_541 : f32 to vector<16xf32>
        %mul3A_543 = arith.mulf %get3A_539, %mul3A_542 : vector<16xf32>
        %add3A_544 = arith.constant 14 : i32
        %add3A_545 = arith.addi %mul3A_298, %add3A_544 : i32
        %swap3A_546 = arith.index_cast %add3A_545 : i32 to index
        %swap3A_547 = arith.constant 0 : index
        %swap3A_548 = tpu.vector_load %arg18[%swap3A_546, %swap3A_547] {strides = array<i32>} : memref<128x16xf32, #tpu.memory_space<vmem>>, vector<1x16xf32>,
        %swap3A_549 = vector.shape_cast %swap3A_548 : vector<1x16xf32> to vector<16xf32>
        %swap3A_550 = vector.shape_cast %mul3A_543 : vector<16xf32> to vector<1x16xf32>
        tpu.vector_store %arg18[%swap3A_546, %swap3A_547], %swap3A_550 {strides = array<i32>} : memref<128x16xf32, #tpu.memory_space<vmem>>, vector<1x16xf32>,
        %add3A_551 = arith.constant 15 : i32
        %add3A_552 = arith.addi %mul3A_298, %add3A_551 : i32
        %get3A_553 = arith.index_cast %add3A_552 : i32 to index
        %get3A_554 = arith.constant 0 : index
        %get3A_555 = tpu.vector_load %arg14[%get3A_553, %get3A_554] {strides = array<i32>} : memref<128x16xf32, #tpu.memory_space<vmem>>, vector<1x16xf32>,
        %get3A_556 = vector.shape_cast %get3A_555 : vector<1x16xf32> to vector<16xf32>
        %slice3A_557 = vector.extract_strided_slice %get3A_296 {offsets = [15], sizes = [1], strides = [1]} : vector<16xf32> to vector<1xf32>
        %squeeze3A_558 = vector.extract %slice3A_557[0] : f32 from vector<1xf32>
        %mul3A_559 = vector.broadcast %squeeze3A_558 : f32 to vector<16xf32>
        %mul3A_560 = arith.mulf %get3A_556, %mul3A_559 : vector<16xf32>
        %add3A_561 = arith.constant 15 : i32
        %add3A_562 = arith.addi %mul3A_298, %add3A_561 : i32
        %swap3A_563 = arith.index_cast %add3A_562 : i32 to index
        %swap3A_564 = arith.constant 0 : index
        %swap3A_565 = tpu.vector_load %arg18[%swap3A_563, %swap3A_564] {strides = array<i32>} : memref<128x16xf32, #tpu.memory_space<vmem>>, vector<1x16xf32>,
        %swap3A_566 = vector.shape_cast %swap3A_565 : vector<1x16xf32> to vector<16xf32>
        %swap3A_567 = vector.shape_cast %mul3A_560 : vector<16xf32> to vector<1x16xf32>
        tpu.vector_store %arg18[%swap3A_563, %swap3A_564], %swap3A_567 {strides = array<i32>} : memref<128x16xf32, #tpu.memory_space<vmem>>, vector<1x16xf32>,
      }
      %scan3A_185 = arith.constant 8 : i32
      %add3A_186 = arith.constant 4 : i32
      %add3A_187 = arith.addi %add3A_168, %add3A_186 : i32
      %lt3A_188 = arith.constant 80 : i32
      %lt3A_189 = arith.cmpi slt, %add3A_187, %lt3A_188 : i32
      %convert_element_type3A_190 = arith.extui %lt3A_189 : i1 to i32
      %cond3A_191 = arith.constant 0 : i32
      %cond3A_192 = arith.cmpi ne, %convert_element_type3A_190, %cond3A_191 : i32
      scf.if %cond3A_192 {
        %add3A_291 = arith.constant 4 : i32
        %add3A_292 = arith.addi %add3A_168, %add3A_291 : i32
        %dma_start3A_293 = arith.constant 0 : i32
        %dma_start3A_294 = tpu.memref_slice %arg10[%add3A_292, %dma_start3A_293] : memref<80x128xi32, #tpu.memory_space<vmem>> -> memref<1x128xi32, #tpu.memory_space<vmem>>
        %dma_start3A_295 = tpu.memref_squeeze %dma_start3A_294 : memref<1x128xi32, #tpu.memory_space<vmem>> -> memref<128xi32, #tpu.memory_space<vmem>>
        %dma_start3A_296 = arith.constant 0 : i32
        %dma_start3A_297 = arith.constant 0 : i32
        %dma_start3A_298 = tpu.memref_slice %arg2[%dma_start3A_296, %dma_start3A_297] : memref<10000x16xf32, #tpu.memory_space<hbm>> -> memref<10000x16xf32, #tpu.memory_space<hbm>>
        tpu.enqueue_indirect_dma source(%dma_start3A_298 : memref<10000x16xf32, #tpu.memory_space<hbm>>) target(%arg14 : memref<128x16xf32, #tpu.memory_space<vmem>>) offsets(%dma_start3A_295 : memref<128xi32, #tpu.memory_space<vmem>>) semaphore(%arg22 : memref<!tpu.dma_semaphore, #tpu.memory_space<semaphore_mem>>)
      } else {
      }
      %dma_start3A_193 = arith.constant 0 : i32
      %dma_start3A_194 = tpu.memref_slice %arg11[%add3A_168, %dma_start3A_193] : memref<80x128xi32, #tpu.memory_space<vmem>> -> memref<1x128xi32, #tpu.memory_space<vmem>>
      %dma_start3A_195 = tpu.memref_squeeze %dma_start3A_194 : memref<1x128xi32, #tpu.memory_space<vmem>> -> memref<128xi32, #tpu.memory_space<vmem>>
      %dma_start3A_196 = arith.constant 0 : i32
      %dma_start3A_197 = arith.constant 0 : i32
      %dma_start3A_198 = tpu.memref_slice %arg9[%dma_start3A_196, %dma_start3A_197] : memref<10000x16xf32, #tpu.memory_space<vmem_shared>> -> memref<10000x16xf32, #tpu.memory_space<vmem_shared>>
      tpu.enqueue_indirect_dma source(%arg18 : memref<128x16xf32, #tpu.memory_space<vmem>>) target(%dma_start3A_198 : memref<10000x16xf32, #tpu.memory_space<vmem_shared>>) offsets(%dma_start3A_195 : memref<128xi32, #tpu.memory_space<vmem>>) semaphore(%arg26 : memref<!tpu.dma_semaphore, #tpu.memory_space<semaphore_mem>>) {add = true}
      %dma_start3A_199 = arith.constant 0 : i32
      %dma_start3A_200 = tpu.memref_slice %arg12[%add3A_168, %dma_start3A_199] : memref<80x128xf32, #tpu.memory_space<vmem>> -> memref<1x128xf32, #tpu.memory_space<vmem>>
      %dma_start3A_201 = tpu.memref_squeeze %dma_start3A_200 : memref<1x128xf32, #tpu.memory_space<vmem>> -> memref<128xf32, #tpu.memory_space<vmem>>
      %dma_start3A_202 = arith.constant 0 : i32
      %dma_start3A_203 = tpu.memref_slice %arg11[%add3A_168, %dma_start3A_202] : memref<80x128xi32, #tpu.memory_space<vmem>> -> memref<1x128xi32, #tpu.memory_space<vmem>>
      %dma_start3A_204 = tpu.memref_squeeze %dma_start3A_203 : memref<1x128xi32, #tpu.memory_space<vmem>> -> memref<128xi32, #tpu.memory_space<vmem>>
      %dma_start3A_205 = arith.constant 0 : i32
      %dma_start3A_206 = tpu.memref_slice %arg29[%dma_start3A_205] : memref<10000xf32, #tpu.memory_space<vmem_shared>> -> memref<10000xf32, #tpu.memory_space<vmem_shared>>
      tpu.enqueue_indirect_dma source(%dma_start3A_201 : memref<128xf32, #tpu.memory_space<vmem>>) target(%dma_start3A_206 : memref<10000xf32, #tpu.memory_space<vmem_shared>>) offsets(%dma_start3A_204 : memref<128xi32, #tpu.memory_space<vmem>>) semaphore(%arg31 : memref<!tpu.dma_semaphore, #tpu.memory_space<semaphore_mem>>) {add = true}
      %mul3A_207 = arith.constant 4 : i32
      %mul3A_208 = arith.muli %scan3A_124, %mul3A_207 : i32
      %add3A_209 = arith.constant 2 : i32
      %add3A_210 = arith.addi %mul3A_208, %add3A_209 : i32
      %dma_wait3A_211 = arith.constant 0 : i32
      %dma_wait3A_212 = tpu.memref_slice %arg10[%add3A_210, %dma_wait3A_211] : memref<80x128xi32, #tpu.memory_space<vmem>> -> memref<1x128xi32, #tpu.memory_space<vmem>>
      %dma_wait3A_213 = tpu.memref_squeeze %dma_wait3A_212 : memref<1x128xi32, #tpu.memory_space<vmem>> -> memref<128xi32, #tpu.memory_space<vmem>>
      %dma_wait3A_214 = arith.constant 0 : i32
      %dma_wait3A_215 = arith.constant 0 : i32
      %dma_wait3A_216 = tpu.memref_slice %arg2[%dma_wait3A_214, %dma_wait3A_215] : memref<10000x16xf32, #tpu.memory_space<hbm>> -> memref<10000x16xf32, #tpu.memory_space<hbm>>
      tpu.wait_indirect_dma semaphore(%arg23 : memref<!tpu.dma_semaphore, #tpu.memory_space<semaphore_mem>>) src(%dma_wait3A_216 : memref<10000x16xf32, #tpu.memory_space<hbm>>) dst(%arg15 : memref<128x16xf32, #tpu.memory_space<vmem>>)
      %ge3A_217 = arith.constant 4 : i32
      %ge3A_218 = arith.cmpi sge, %add3A_210, %ge3A_217 : i32
      %convert_element_type3A_219 = arith.extui %ge3A_218 : i1 to i32
      %cond3A_220 = arith.constant 0 : i32
      %cond3A_221 = arith.cmpi ne, %convert_element_type3A_219, %cond3A_220 : i32
      scf.if %cond3A_221 {
        %sub3A = arith.constant 4 : i32
        %sub3A_291 = arith.subi %add3A_210, %sub3A : i32
        %dma_wait3A_292 = arith.constant 0 : i32
        %dma_wait3A_293 = tpu.memref_slice %arg11[%sub3A_291, %dma_wait3A_292] : memref<80x128xi32, #tpu.memory_space<vmem>> -> memref<1x128xi32, #tpu.memory_space<vmem>>
        %dma_wait3A_294 = tpu.memref_squeeze %dma_wait3A_293 : memref<1x128xi32, #tpu.memory_space<vmem>> -> memref<128xi32, #tpu.memory_space<vmem>>
        %dma_wait3A_295 = arith.constant 0 : i32
        %dma_wait3A_296 = arith.constant 0 : i32
        %dma_wait3A_297 = tpu.memref_slice %arg9[%dma_wait3A_295, %dma_wait3A_296] : memref<10000x16xf32, #tpu.memory_space<vmem_shared>> -> memref<10000x16xf32, #tpu.memory_space<vmem_shared>>
        tpu.wait_indirect_dma semaphore(%arg27 : memref<!tpu.dma_semaphore, #tpu.memory_space<semaphore_mem>>) src(%arg19 : memref<128x16xf32, #tpu.memory_space<vmem>>) dst(%dma_wait3A_297 : memref<10000x16xf32, #tpu.memory_space<vmem_shared>>)
      } else {
      }
      %scan3A_222 = arith.constant 0 : i32
      %scan3A_223 = arith.constant 0 : i32
      %scan3A_224 = arith.constant 8 : i32
      %scan3A_225 = arith.addi %scan3A_223, %scan3A_224 : i32
      %scan3A_226 = arith.constant 1 : i32
      scf.for %scan3A_291 = %scan3A_223 to %scan3A_225 step %scan3A_226  : i32 {
        %mul3A_292 = arith.constant 16 : i32
        %mul3A_293 = arith.muli %scan3A_291, %mul3A_292 : i32
        %get3A = arith.index_cast %add3A_210 : i32 to index
        %get3A_294 = arith.index_cast %mul3A_293 : i32 to index
        %get3A_295 = tpu.vector_load %arg12[%get3A, %get3A_294] {strides = array<i32>} : memref<80x128xf32, #tpu.memory_space<vmem>>, vector<1x16xf32>,
        %get3A_296 = vector.shape_cast %get3A_295 : vector<1x16xf32> to vector<16xf32>
        %mul3A_297 = arith.constant 16 : i32
        %mul3A_298 = arith.muli %scan3A_291, %mul3A_297 : i32
        %add3A_299 = arith.constant 0 : i32
        %add3A_300 = arith.addi %mul3A_298, %add3A_299 : i32
        %get3A_301 = arith.index_cast %add3A_300 : i32 to index
        %get3A_302 = arith.constant 0 : index
        %get3A_303 = tpu.vector_load %arg15[%get3A_301, %get3A_302] {strides = array<i32>} : memref<128x16xf32, #tpu.memory_space<vmem>>, vector<1x16xf32>,
        %get3A_304 = vector.shape_cast %get3A_303 : vector<1x16xf32> to vector<16xf32>
        %slice3A = vector.extract_strided_slice %get3A_296 {offsets = [0], sizes = [1], strides = [1]} : vector<16xf32> to vector<1xf32>
        %squeeze3A = vector.extract %slice3A[0] : f32 from vector<1xf32>
        %mul3A_305 = vector.broadcast %squeeze3A : f32 to vector<16xf32>
        %mul3A_306 = arith.mulf %get3A_304, %mul3A_305 : vector<16xf32>
        %add3A_307 = arith.constant 0 : i32
        %add3A_308 = arith.addi %mul3A_298, %add3A_307 : i32
        %swap3A = arith.index_cast %add3A_308 : i32 to index
        %swap3A_309 = arith.constant 0 : index
        %swap3A_310 = tpu.vector_load %arg19[%swap3A, %swap3A_309] {strides = array<i32>} : memref<128x16xf32, #tpu.memory_space<vmem>>, vector<1x16xf32>,
        %swap3A_311 = vector.shape_cast %swap3A_310 : vector<1x16xf32> to vector<16xf32>
        %swap3A_312 = vector.shape_cast %mul3A_306 : vector<16xf32> to vector<1x16xf32>
        tpu.vector_store %arg19[%swap3A, %swap3A_309], %swap3A_312 {strides = array<i32>} : memref<128x16xf32, #tpu.memory_space<vmem>>, vector<1x16xf32>,
        %add3A_313 = arith.constant 1 : i32
        %add3A_314 = arith.addi %mul3A_298, %add3A_313 : i32
        %get3A_315 = arith.index_cast %add3A_314 : i32 to index
        %get3A_316 = arith.constant 0 : index
        %get3A_317 = tpu.vector_load %arg15[%get3A_315, %get3A_316] {strides = array<i32>} : memref<128x16xf32, #tpu.memory_space<vmem>>, vector<1x16xf32>,
        %get3A_318 = vector.shape_cast %get3A_317 : vector<1x16xf32> to vector<16xf32>
        %slice3A_319 = vector.extract_strided_slice %get3A_296 {offsets = [1], sizes = [1], strides = [1]} : vector<16xf32> to vector<1xf32>
        %squeeze3A_320 = vector.extract %slice3A_319[0] : f32 from vector<1xf32>
        %mul3A_321 = vector.broadcast %squeeze3A_320 : f32 to vector<16xf32>
        %mul3A_322 = arith.mulf %get3A_318, %mul3A_321 : vector<16xf32>
        %add3A_323 = arith.constant 1 : i32
        %add3A_324 = arith.addi %mul3A_298, %add3A_323 : i32
        %swap3A_325 = arith.index_cast %add3A_324 : i32 to index
        %swap3A_326 = arith.constant 0 : index
        %swap3A_327 = tpu.vector_load %arg19[%swap3A_325, %swap3A_326] {strides = array<i32>} : memref<128x16xf32, #tpu.memory_space<vmem>>, vector<1x16xf32>,
        %swap3A_328 = vector.shape_cast %swap3A_327 : vector<1x16xf32> to vector<16xf32>
        %swap3A_329 = vector.shape_cast %mul3A_322 : vector<16xf32> to vector<1x16xf32>
        tpu.vector_store %arg19[%swap3A_325, %swap3A_326], %swap3A_329 {strides = array<i32>} : memref<128x16xf32, #tpu.memory_space<vmem>>, vector<1x16xf32>,
        %add3A_330 = arith.constant 2 : i32
        %add3A_331 = arith.addi %mul3A_298, %add3A_330 : i32
        %get3A_332 = arith.index_cast %add3A_331 : i32 to index
        %get3A_333 = arith.constant 0 : index
        %get3A_334 = tpu.vector_load %arg15[%get3A_332, %get3A_333] {strides = array<i32>} : memref<128x16xf32, #tpu.memory_space<vmem>>, vector<1x16xf32>,
        %get3A_335 = vector.shape_cast %get3A_334 : vector<1x16xf32> to vector<16xf32>
        %slice3A_336 = vector.extract_strided_slice %get3A_296 {offsets = [2], sizes = [1], strides = [1]} : vector<16xf32> to vector<1xf32>
        %squeeze3A_337 = vector.extract %slice3A_336[0] : f32 from vector<1xf32>
        %mul3A_338 = vector.broadcast %squeeze3A_337 : f32 to vector<16xf32>
        %mul3A_339 = arith.mulf %get3A_335, %mul3A_338 : vector<16xf32>
        %add3A_340 = arith.constant 2 : i32
        %add3A_341 = arith.addi %mul3A_298, %add3A_340 : i32
        %swap3A_342 = arith.index_cast %add3A_341 : i32 to index
        %swap3A_343 = arith.constant 0 : index
        %swap3A_344 = tpu.vector_load %arg19[%swap3A_342, %swap3A_343] {strides = array<i32>} : memref<128x16xf32, #tpu.memory_space<vmem>>, vector<1x16xf32>,
        %swap3A_345 = vector.shape_cast %swap3A_344 : vector<1x16xf32> to vector<16xf32>
        %swap3A_346 = vector.shape_cast %mul3A_339 : vector<16xf32> to vector<1x16xf32>
        tpu.vector_store %arg19[%swap3A_342, %swap3A_343], %swap3A_346 {strides = array<i32>} : memref<128x16xf32, #tpu.memory_space<vmem>>, vector<1x16xf32>,
        %add3A_347 = arith.constant 3 : i32
        %add3A_348 = arith.addi %mul3A_298, %add3A_347 : i32
        %get3A_349 = arith.index_cast %add3A_348 : i32 to index
        %get3A_350 = arith.constant 0 : index
        %get3A_351 = tpu.vector_load %arg15[%get3A_349, %get3A_350] {strides = array<i32>} : memref<128x16xf32, #tpu.memory_space<vmem>>, vector<1x16xf32>,
        %get3A_352 = vector.shape_cast %get3A_351 : vector<1x16xf32> to vector<16xf32>
        %slice3A_353 = vector.extract_strided_slice %get3A_296 {offsets = [3], sizes = [1], strides = [1]} : vector<16xf32> to vector<1xf32>
        %squeeze3A_354 = vector.extract %slice3A_353[0] : f32 from vector<1xf32>
        %mul3A_355 = vector.broadcast %squeeze3A_354 : f32 to vector<16xf32>
        %mul3A_356 = arith.mulf %get3A_352, %mul3A_355 : vector<16xf32>
        %add3A_357 = arith.constant 3 : i32
        %add3A_358 = arith.addi %mul3A_298, %add3A_357 : i32
        %swap3A_359 = arith.index_cast %add3A_358 : i32 to index
        %swap3A_360 = arith.constant 0 : index
        %swap3A_361 = tpu.vector_load %arg19[%swap3A_359, %swap3A_360] {strides = array<i32>} : memref<128x16xf32, #tpu.memory_space<vmem>>, vector<1x16xf32>,
        %swap3A_362 = vector.shape_cast %swap3A_361 : vector<1x16xf32> to vector<16xf32>
        %swap3A_363 = vector.shape_cast %mul3A_356 : vector<16xf32> to vector<1x16xf32>
        tpu.vector_store %arg19[%swap3A_359, %swap3A_360], %swap3A_363 {strides = array<i32>} : memref<128x16xf32, #tpu.memory_space<vmem>>, vector<1x16xf32>,
        %add3A_364 = arith.constant 4 : i32
        %add3A_365 = arith.addi %mul3A_298, %add3A_364 : i32
        %get3A_366 = arith.index_cast %add3A_365 : i32 to index
        %get3A_367 = arith.constant 0 : index
        %get3A_368 = tpu.vector_load %arg15[%get3A_366, %get3A_367] {strides = array<i32>} : memref<128x16xf32, #tpu.memory_space<vmem>>, vector<1x16xf32>,
        %get3A_369 = vector.shape_cast %get3A_368 : vector<1x16xf32> to vector<16xf32>
        %slice3A_370 = vector.extract_strided_slice %get3A_296 {offsets = [4], sizes = [1], strides = [1]} : vector<16xf32> to vector<1xf32>
        %squeeze3A_371 = vector.extract %slice3A_370[0] : f32 from vector<1xf32>
        %mul3A_372 = vector.broadcast %squeeze3A_371 : f32 to vector<16xf32>
        %mul3A_373 = arith.mulf %get3A_369, %mul3A_372 : vector<16xf32>
        %add3A_374 = arith.constant 4 : i32
        %add3A_375 = arith.addi %mul3A_298, %add3A_374 : i32
        %swap3A_376 = arith.index_cast %add3A_375 : i32 to index
        %swap3A_377 = arith.constant 0 : index
        %swap3A_378 = tpu.vector_load %arg19[%swap3A_376, %swap3A_377] {strides = array<i32>} : memref<128x16xf32, #tpu.memory_space<vmem>>, vector<1x16xf32>,
        %swap3A_379 = vector.shape_cast %swap3A_378 : vector<1x16xf32> to vector<16xf32>
        %swap3A_380 = vector.shape_cast %mul3A_373 : vector<16xf32> to vector<1x16xf32>
        tpu.vector_store %arg19[%swap3A_376, %swap3A_377], %swap3A_380 {strides = array<i32>} : memref<128x16xf32, #tpu.memory_space<vmem>>, vector<1x16xf32>,
        %add3A_381 = arith.constant 5 : i32
        %add3A_382 = arith.addi %mul3A_298, %add3A_381 : i32
        %get3A_383 = arith.index_cast %add3A_382 : i32 to index
        %get3A_384 = arith.constant 0 : index
        %get3A_385 = tpu.vector_load %arg15[%get3A_383, %get3A_384] {strides = array<i32>} : memref<128x16xf32, #tpu.memory_space<vmem>>, vector<1x16xf32>,
        %get3A_386 = vector.shape_cast %get3A_385 : vector<1x16xf32> to vector<16xf32>
        %slice3A_387 = vector.extract_strided_slice %get3A_296 {offsets = [5], sizes = [1], strides = [1]} : vector<16xf32> to vector<1xf32>
        %squeeze3A_388 = vector.extract %slice3A_387[0] : f32 from vector<1xf32>
        %mul3A_389 = vector.broadcast %squeeze3A_388 : f32 to vector<16xf32>
        %mul3A_390 = arith.mulf %get3A_386, %mul3A_389 : vector<16xf32>
        %add3A_391 = arith.constant 5 : i32
        %add3A_392 = arith.addi %mul3A_298, %add3A_391 : i32
        %swap3A_393 = arith.index_cast %add3A_392 : i32 to index
        %swap3A_394 = arith.constant 0 : index
        %swap3A_395 = tpu.vector_load %arg19[%swap3A_393, %swap3A_394] {strides = array<i32>} : memref<128x16xf32, #tpu.memory_space<vmem>>, vector<1x16xf32>,
        %swap3A_396 = vector.shape_cast %swap3A_395 : vector<1x16xf32> to vector<16xf32>
        %swap3A_397 = vector.shape_cast %mul3A_390 : vector<16xf32> to vector<1x16xf32>
        tpu.vector_store %arg19[%swap3A_393, %swap3A_394], %swap3A_397 {strides = array<i32>} : memref<128x16xf32, #tpu.memory_space<vmem>>, vector<1x16xf32>,
        %add3A_398 = arith.constant 6 : i32
        %add3A_399 = arith.addi %mul3A_298, %add3A_398 : i32
        %get3A_400 = arith.index_cast %add3A_399 : i32 to index
        %get3A_401 = arith.constant 0 : index
        %get3A_402 = tpu.vector_load %arg15[%get3A_400, %get3A_401] {strides = array<i32>} : memref<128x16xf32, #tpu.memory_space<vmem>>, vector<1x16xf32>,
        %get3A_403 = vector.shape_cast %get3A_402 : vector<1x16xf32> to vector<16xf32>
        %slice3A_404 = vector.extract_strided_slice %get3A_296 {offsets = [6], sizes = [1], strides = [1]} : vector<16xf32> to vector<1xf32>
        %squeeze3A_405 = vector.extract %slice3A_404[0] : f32 from vector<1xf32>
        %mul3A_406 = vector.broadcast %squeeze3A_405 : f32 to vector<16xf32>
        %mul3A_407 = arith.mulf %get3A_403, %mul3A_406 : vector<16xf32>
        %add3A_408 = arith.constant 6 : i32
        %add3A_409 = arith.addi %mul3A_298, %add3A_408 : i32
        %swap3A_410 = arith.index_cast %add3A_409 : i32 to index
        %swap3A_411 = arith.constant 0 : index
        %swap3A_412 = tpu.vector_load %arg19[%swap3A_410, %swap3A_411] {strides = array<i32>} : memref<128x16xf32, #tpu.memory_space<vmem>>, vector<1x16xf32>,
        %swap3A_413 = vector.shape_cast %swap3A_412 : vector<1x16xf32> to vector<16xf32>
        %swap3A_414 = vector.shape_cast %mul3A_407 : vector<16xf32> to vector<1x16xf32>
        tpu.vector_store %arg19[%swap3A_410, %swap3A_411], %swap3A_414 {strides = array<i32>} : memref<128x16xf32, #tpu.memory_space<vmem>>, vector<1x16xf32>,
        %add3A_415 = arith.constant 7 : i32
        %add3A_416 = arith.addi %mul3A_298, %add3A_415 : i32
        %get3A_417 = arith.index_cast %add3A_416 : i32 to index
        %get3A_418 = arith.constant 0 : index
        %get3A_419 = tpu.vector_load %arg15[%get3A_417, %get3A_418] {strides = array<i32>} : memref<128x16xf32, #tpu.memory_space<vmem>>, vector<1x16xf32>,
        %get3A_420 = vector.shape_cast %get3A_419 : vector<1x16xf32> to vector<16xf32>
        %slice3A_421 = vector.extract_strided_slice %get3A_296 {offsets = [7], sizes = [1], strides = [1]} : vector<16xf32> to vector<1xf32>
        %squeeze3A_422 = vector.extract %slice3A_421[0] : f32 from vector<1xf32>
        %mul3A_423 = vector.broadcast %squeeze3A_422 : f32 to vector<16xf32>
        %mul3A_424 = arith.mulf %get3A_420, %mul3A_423 : vector<16xf32>
        %add3A_425 = arith.constant 7 : i32
        %add3A_426 = arith.addi %mul3A_298, %add3A_425 : i32
        %swap3A_427 = arith.index_cast %add3A_426 : i32 to index
        %swap3A_428 = arith.constant 0 : index
        %swap3A_429 = tpu.vector_load %arg19[%swap3A_427, %swap3A_428] {strides = array<i32>} : memref<128x16xf32, #tpu.memory_space<vmem>>, vector<1x16xf32>,
        %swap3A_430 = vector.shape_cast %swap3A_429 : vector<1x16xf32> to vector<16xf32>
        %swap3A_431 = vector.shape_cast %mul3A_424 : vector<16xf32> to vector<1x16xf32>
        tpu.vector_store %arg19[%swap3A_427, %swap3A_428], %swap3A_431 {strides = array<i32>} : memref<128x16xf32, #tpu.memory_space<vmem>>, vector<1x16xf32>,
        %add3A_432 = arith.constant 8 : i32
        %add3A_433 = arith.addi %mul3A_298, %add3A_432 : i32
        %get3A_434 = arith.index_cast %add3A_433 : i32 to index
        %get3A_435 = arith.constant 0 : index
        %get3A_436 = tpu.vector_load %arg15[%get3A_434, %get3A_435] {strides = array<i32>} : memref<128x16xf32, #tpu.memory_space<vmem>>, vector<1x16xf32>,
        %get3A_437 = vector.shape_cast %get3A_436 : vector<1x16xf32> to vector<16xf32>
        %slice3A_438 = vector.extract_strided_slice %get3A_296 {offsets = [8], sizes = [1], strides = [1]} : vector<16xf32> to vector<1xf32>
        %squeeze3A_439 = vector.extract %slice3A_438[0] : f32 from vector<1xf32>
        %mul3A_440 = vector.broadcast %squeeze3A_439 : f32 to vector<16xf32>
        %mul3A_441 = arith.mulf %get3A_437, %mul3A_440 : vector<16xf32>
        %add3A_442 = arith.constant 8 : i32
        %add3A_443 = arith.addi %mul3A_298, %add3A_442 : i32
        %swap3A_444 = arith.index_cast %add3A_443 : i32 to index
        %swap3A_445 = arith.constant 0 : index
        %swap3A_446 = tpu.vector_load %arg19[%swap3A_444, %swap3A_445] {strides = array<i32>} : memref<128x16xf32, #tpu.memory_space<vmem>>, vector<1x16xf32>,
        %swap3A_447 = vector.shape_cast %swap3A_446 : vector<1x16xf32> to vector<16xf32>
        %swap3A_448 = vector.shape_cast %mul3A_441 : vector<16xf32> to vector<1x16xf32>
        tpu.vector_store %arg19[%swap3A_444, %swap3A_445], %swap3A_448 {strides = array<i32>} : memref<128x16xf32, #tpu.memory_space<vmem>>, vector<1x16xf32>,
        %add3A_449 = arith.constant 9 : i32
        %add3A_450 = arith.addi %mul3A_298, %add3A_449 : i32
        %get3A_451 = arith.index_cast %add3A_450 : i32 to index
        %get3A_452 = arith.constant 0 : index
        %get3A_453 = tpu.vector_load %arg15[%get3A_451, %get3A_452] {strides = array<i32>} : memref<128x16xf32, #tpu.memory_space<vmem>>, vector<1x16xf32>,
        %get3A_454 = vector.shape_cast %get3A_453 : vector<1x16xf32> to vector<16xf32>
        %slice3A_455 = vector.extract_strided_slice %get3A_296 {offsets = [9], sizes = [1], strides = [1]} : vector<16xf32> to vector<1xf32>
        %squeeze3A_456 = vector.extract %slice3A_455[0] : f32 from vector<1xf32>
        %mul3A_457 = vector.broadcast %squeeze3A_456 : f32 to vector<16xf32>
        %mul3A_458 = arith.mulf %get3A_454, %mul3A_457 : vector<16xf32>
        %add3A_459 = arith.constant 9 : i32
        %add3A_460 = arith.addi %mul3A_298, %add3A_459 : i32
        %swap3A_461 = arith.index_cast %add3A_460 : i32 to index
        %swap3A_462 = arith.constant 0 : index
        %swap3A_463 = tpu.vector_load %arg19[%swap3A_461, %swap3A_462] {strides = array<i32>} : memref<128x16xf32, #tpu.memory_space<vmem>>, vector<1x16xf32>,
        %swap3A_464 = vector.shape_cast %swap3A_463 : vector<1x16xf32> to vector<16xf32>
        %swap3A_465 = vector.shape_cast %mul3A_458 : vector<16xf32> to vector<1x16xf32>
        tpu.vector_store %arg19[%swap3A_461, %swap3A_462], %swap3A_465 {strides = array<i32>} : memref<128x16xf32, #tpu.memory_space<vmem>>, vector<1x16xf32>,
        %add3A_466 = arith.constant 10 : i32
        %add3A_467 = arith.addi %mul3A_298, %add3A_466 : i32
        %get3A_468 = arith.index_cast %add3A_467 : i32 to index
        %get3A_469 = arith.constant 0 : index
        %get3A_470 = tpu.vector_load %arg15[%get3A_468, %get3A_469] {strides = array<i32>} : memref<128x16xf32, #tpu.memory_space<vmem>>, vector<1x16xf32>,
        %get3A_471 = vector.shape_cast %get3A_470 : vector<1x16xf32> to vector<16xf32>
        %slice3A_472 = vector.extract_strided_slice %get3A_296 {offsets = [10], sizes = [1], strides = [1]} : vector<16xf32> to vector<1xf32>
        %squeeze3A_473 = vector.extract %slice3A_472[0] : f32 from vector<1xf32>
        %mul3A_474 = vector.broadcast %squeeze3A_473 : f32 to vector<16xf32>
        %mul3A_475 = arith.mulf %get3A_471, %mul3A_474 : vector<16xf32>
        %add3A_476 = arith.constant 10 : i32
        %add3A_477 = arith.addi %mul3A_298, %add3A_476 : i32
        %swap3A_478 = arith.index_cast %add3A_477 : i32 to index
        %swap3A_479 = arith.constant 0 : index
        %swap3A_480 = tpu.vector_load %arg19[%swap3A_478, %swap3A_479] {strides = array<i32>} : memref<128x16xf32, #tpu.memory_space<vmem>>, vector<1x16xf32>,
        %swap3A_481 = vector.shape_cast %swap3A_480 : vector<1x16xf32> to vector<16xf32>
        %swap3A_482 = vector.shape_cast %mul3A_475 : vector<16xf32> to vector<1x16xf32>
        tpu.vector_store %arg19[%swap3A_478, %swap3A_479], %swap3A_482 {strides = array<i32>} : memref<128x16xf32, #tpu.memory_space<vmem>>, vector<1x16xf32>,
        %add3A_483 = arith.constant 11 : i32
        %add3A_484 = arith.addi %mul3A_298, %add3A_483 : i32
        %get3A_485 = arith.index_cast %add3A_484 : i32 to index
        %get3A_486 = arith.constant 0 : index
        %get3A_487 = tpu.vector_load %arg15[%get3A_485, %get3A_486] {strides = array<i32>} : memref<128x16xf32, #tpu.memory_space<vmem>>, vector<1x16xf32>,
        %get3A_488 = vector.shape_cast %get3A_487 : vector<1x16xf32> to vector<16xf32>
        %slice3A_489 = vector.extract_strided_slice %get3A_296 {offsets = [11], sizes = [1], strides = [1]} : vector<16xf32> to vector<1xf32>
        %squeeze3A_490 = vector.extract %slice3A_489[0] : f32 from vector<1xf32>
        %mul3A_491 = vector.broadcast %squeeze3A_490 : f32 to vector<16xf32>
        %mul3A_492 = arith.mulf %get3A_488, %mul3A_491 : vector<16xf32>
        %add3A_493 = arith.constant 11 : i32
        %add3A_494 = arith.addi %mul3A_298, %add3A_493 : i32
        %swap3A_495 = arith.index_cast %add3A_494 : i32 to index
        %swap3A_496 = arith.constant 0 : index
        %swap3A_497 = tpu.vector_load %arg19[%swap3A_495, %swap3A_496] {strides = array<i32>} : memref<128x16xf32, #tpu.memory_space<vmem>>, vector<1x16xf32>,
        %swap3A_498 = vector.shape_cast %swap3A_497 : vector<1x16xf32> to vector<16xf32>
        %swap3A_499 = vector.shape_cast %mul3A_492 : vector<16xf32> to vector<1x16xf32>
        tpu.vector_store %arg19[%swap3A_495, %swap3A_496], %swap3A_499 {strides = array<i32>} : memref<128x16xf32, #tpu.memory_space<vmem>>, vector<1x16xf32>,
        %add3A_500 = arith.constant 12 : i32
        %add3A_501 = arith.addi %mul3A_298, %add3A_500 : i32
        %get3A_502 = arith.index_cast %add3A_501 : i32 to index
        %get3A_503 = arith.constant 0 : index
        %get3A_504 = tpu.vector_load %arg15[%get3A_502, %get3A_503] {strides = array<i32>} : memref<128x16xf32, #tpu.memory_space<vmem>>, vector<1x16xf32>,
        %get3A_505 = vector.shape_cast %get3A_504 : vector<1x16xf32> to vector<16xf32>
        %slice3A_506 = vector.extract_strided_slice %get3A_296 {offsets = [12], sizes = [1], strides = [1]} : vector<16xf32> to vector<1xf32>
        %squeeze3A_507 = vector.extract %slice3A_506[0] : f32 from vector<1xf32>
        %mul3A_508 = vector.broadcast %squeeze3A_507 : f32 to vector<16xf32>
        %mul3A_509 = arith.mulf %get3A_505, %mul3A_508 : vector<16xf32>
        %add3A_510 = arith.constant 12 : i32
        %add3A_511 = arith.addi %mul3A_298, %add3A_510 : i32
        %swap3A_512 = arith.index_cast %add3A_511 : i32 to index
        %swap3A_513 = arith.constant 0 : index
        %swap3A_514 = tpu.vector_load %arg19[%swap3A_512, %swap3A_513] {strides = array<i32>} : memref<128x16xf32, #tpu.memory_space<vmem>>, vector<1x16xf32>,
        %swap3A_515 = vector.shape_cast %swap3A_514 : vector<1x16xf32> to vector<16xf32>
        %swap3A_516 = vector.shape_cast %mul3A_509 : vector<16xf32> to vector<1x16xf32>
        tpu.vector_store %arg19[%swap3A_512, %swap3A_513], %swap3A_516 {strides = array<i32>} : memref<128x16xf32, #tpu.memory_space<vmem>>, vector<1x16xf32>,
        %add3A_517 = arith.constant 13 : i32
        %add3A_518 = arith.addi %mul3A_298, %add3A_517 : i32
        %get3A_519 = arith.index_cast %add3A_518 : i32 to index
        %get3A_520 = arith.constant 0 : index
        %get3A_521 = tpu.vector_load %arg15[%get3A_519, %get3A_520] {strides = array<i32>} : memref<128x16xf32, #tpu.memory_space<vmem>>, vector<1x16xf32>,
        %get3A_522 = vector.shape_cast %get3A_521 : vector<1x16xf32> to vector<16xf32>
        %slice3A_523 = vector.extract_strided_slice %get3A_296 {offsets = [13], sizes = [1], strides = [1]} : vector<16xf32> to vector<1xf32>
        %squeeze3A_524 = vector.extract %slice3A_523[0] : f32 from vector<1xf32>
        %mul3A_525 = vector.broadcast %squeeze3A_524 : f32 to vector<16xf32>
        %mul3A_526 = arith.mulf %get3A_522, %mul3A_525 : vector<16xf32>
        %add3A_527 = arith.constant 13 : i32
        %add3A_528 = arith.addi %mul3A_298, %add3A_527 : i32
        %swap3A_529 = arith.index_cast %add3A_528 : i32 to index
        %swap3A_530 = arith.constant 0 : index
        %swap3A_531 = tpu.vector_load %arg19[%swap3A_529, %swap3A_530] {strides = array<i32>} : memref<128x16xf32, #tpu.memory_space<vmem>>, vector<1x16xf32>,
        %swap3A_532 = vector.shape_cast %swap3A_531 : vector<1x16xf32> to vector<16xf32>
        %swap3A_533 = vector.shape_cast %mul3A_526 : vector<16xf32> to vector<1x16xf32>
        tpu.vector_store %arg19[%swap3A_529, %swap3A_530], %swap3A_533 {strides = array<i32>} : memref<128x16xf32, #tpu.memory_space<vmem>>, vector<1x16xf32>,
        %add3A_534 = arith.constant 14 : i32
        %add3A_535 = arith.addi %mul3A_298, %add3A_534 : i32
        %get3A_536 = arith.index_cast %add3A_535 : i32 to index
        %get3A_537 = arith.constant 0 : index
        %get3A_538 = tpu.vector_load %arg15[%get3A_536, %get3A_537] {strides = array<i32>} : memref<128x16xf32, #tpu.memory_space<vmem>>, vector<1x16xf32>,
        %get3A_539 = vector.shape_cast %get3A_538 : vector<1x16xf32> to vector<16xf32>
        %slice3A_540 = vector.extract_strided_slice %get3A_296 {offsets = [14], sizes = [1], strides = [1]} : vector<16xf32> to vector<1xf32>
        %squeeze3A_541 = vector.extract %slice3A_540[0] : f32 from vector<1xf32>
        %mul3A_542 = vector.broadcast %squeeze3A_541 : f32 to vector<16xf32>
        %mul3A_543 = arith.mulf %get3A_539, %mul3A_542 : vector<16xf32>
        %add3A_544 = arith.constant 14 : i32
        %add3A_545 = arith.addi %mul3A_298, %add3A_544 : i32
        %swap3A_546 = arith.index_cast %add3A_545 : i32 to index
        %swap3A_547 = arith.constant 0 : index
        %swap3A_548 = tpu.vector_load %arg19[%swap3A_546, %swap3A_547] {strides = array<i32>} : memref<128x16xf32, #tpu.memory_space<vmem>>, vector<1x16xf32>,
        %swap3A_549 = vector.shape_cast %swap3A_548 : vector<1x16xf32> to vector<16xf32>
        %swap3A_550 = vector.shape_cast %mul3A_543 : vector<16xf32> to vector<1x16xf32>
        tpu.vector_store %arg19[%swap3A_546, %swap3A_547], %swap3A_550 {strides = array<i32>} : memref<128x16xf32, #tpu.memory_space<vmem>>, vector<1x16xf32>,
        %add3A_551 = arith.constant 15 : i32
        %add3A_552 = arith.addi %mul3A_298, %add3A_551 : i32
        %get3A_553 = arith.index_cast %add3A_552 : i32 to index
        %get3A_554 = arith.constant 0 : index
        %get3A_555 = tpu.vector_load %arg15[%get3A_553, %get3A_554] {strides = array<i32>} : memref<128x16xf32, #tpu.memory_space<vmem>>, vector<1x16xf32>,
        %get3A_556 = vector.shape_cast %get3A_555 : vector<1x16xf32> to vector<16xf32>
        %slice3A_557 = vector.extract_strided_slice %get3A_296 {offsets = [15], sizes = [1], strides = [1]} : vector<16xf32> to vector<1xf32>
        %squeeze3A_558 = vector.extract %slice3A_557[0] : f32 from vector<1xf32>
        %mul3A_559 = vector.broadcast %squeeze3A_558 : f32 to vector<16xf32>
        %mul3A_560 = arith.mulf %get3A_556, %mul3A_559 : vector<16xf32>
        %add3A_561 = arith.constant 15 : i32
        %add3A_562 = arith.addi %mul3A_298, %add3A_561 : i32
        %swap3A_563 = arith.index_cast %add3A_562 : i32 to index
        %swap3A_564 = arith.constant 0 : index
        %swap3A_565 = tpu.vector_load %arg19[%swap3A_563, %swap3A_564] {strides = array<i32>} : memref<128x16xf32, #tpu.memory_space<vmem>>, vector<1x16xf32>,
        %swap3A_566 = vector.shape_cast %swap3A_565 : vector<1x16xf32> to vector<16xf32>
        %swap3A_567 = vector.shape_cast %mul3A_560 : vector<16xf32> to vector<1x16xf32>
        tpu.vector_store %arg19[%swap3A_563, %swap3A_564], %swap3A_567 {strides = array<i32>} : memref<128x16xf32, #tpu.memory_space<vmem>>, vector<1x16xf32>,
      }
      %scan3A_227 = arith.constant 8 : i32
      %add3A_228 = arith.constant 4 : i32
      %add3A_229 = arith.addi %add3A_210, %add3A_228 : i32
      %lt3A_230 = arith.constant 80 : i32
      %lt3A_231 = arith.cmpi slt, %add3A_229, %lt3A_230 : i32
      %convert_element_type3A_232 = arith.extui %lt3A_231 : i1 to i32
      %cond3A_233 = arith.constant 0 : i32
      %cond3A_234 = arith.cmpi ne, %convert_element_type3A_232, %cond3A_233 : i32
      scf.if %cond3A_234 {
        %add3A_291 = arith.constant 4 : i32
        %add3A_292 = arith.addi %add3A_210, %add3A_291 : i32
        %dma_start3A_293 = arith.constant 0 : i32
        %dma_start3A_294 = tpu.memref_slice %arg10[%add3A_292, %dma_start3A_293] : memref<80x128xi32, #tpu.memory_space<vmem>> -> memref<1x128xi32, #tpu.memory_space<vmem>>
        %dma_start3A_295 = tpu.memref_squeeze %dma_start3A_294 : memref<1x128xi32, #tpu.memory_space<vmem>> -> memref<128xi32, #tpu.memory_space<vmem>>
        %dma_start3A_296 = arith.constant 0 : i32
        %dma_start3A_297 = arith.constant 0 : i32
        %dma_start3A_298 = tpu.memref_slice %arg2[%dma_start3A_296, %dma_start3A_297] : memref<10000x16xf32, #tpu.memory_space<hbm>> -> memref<10000x16xf32, #tpu.memory_space<hbm>>
        tpu.enqueue_indirect_dma source(%dma_start3A_298 : memref<10000x16xf32, #tpu.memory_space<hbm>>) target(%arg15 : memref<128x16xf32, #tpu.memory_space<vmem>>) offsets(%dma_start3A_295 : memref<128xi32, #tpu.memory_space<vmem>>) semaphore(%arg23 : memref<!tpu.dma_semaphore, #tpu.memory_space<semaphore_mem>>)
      } else {
      }
      %dma_start3A_235 = arith.constant 0 : i32
      %dma_start3A_236 = tpu.memref_slice %arg11[%add3A_210, %dma_start3A_235] : memref<80x128xi32, #tpu.memory_space<vmem>> -> memref<1x128xi32, #tpu.memory_space<vmem>>
      %dma_start3A_237 = tpu.memref_squeeze %dma_start3A_236 : memref<1x128xi32, #tpu.memory_space<vmem>> -> memref<128xi32, #tpu.memory_space<vmem>>
      %dma_start3A_238 = arith.constant 0 : i32
      %dma_start3A_239 = arith.constant 0 : i32
      %dma_start3A_240 = tpu.memref_slice %arg9[%dma_start3A_238, %dma_start3A_239] : memref<10000x16xf32, #tpu.memory_space<vmem_shared>> -> memref<10000x16xf32, #tpu.memory_space<vmem_shared>>
      tpu.enqueue_indirect_dma source(%arg19 : memref<128x16xf32, #tpu.memory_space<vmem>>) target(%dma_start3A_240 : memref<10000x16xf32, #tpu.memory_space<vmem_shared>>) offsets(%dma_start3A_237 : memref<128xi32, #tpu.memory_space<vmem>>) semaphore(%arg27 : memref<!tpu.dma_semaphore, #tpu.memory_space<semaphore_mem>>) {add = true}
      %dma_start3A_241 = arith.constant 0 : i32
      %dma_start3A_242 = tpu.memref_slice %arg12[%add3A_210, %dma_start3A_241] : memref<80x128xf32, #tpu.memory_space<vmem>> -> memref<1x128xf32, #tpu.memory_space<vmem>>
      %dma_start3A_243 = tpu.memref_squeeze %dma_start3A_242 : memref<1x128xf32, #tpu.memory_space<vmem>> -> memref<128xf32, #tpu.memory_space<vmem>>
      %dma_start3A_244 = arith.constant 0 : i32
      %dma_start3A_245 = tpu.memref_slice %arg11[%add3A_210, %dma_start3A_244] : memref<80x128xi32, #tpu.memory_space<vmem>> -> memref<1x128xi32, #tpu.memory_space<vmem>>
      %dma_start3A_246 = tpu.memref_squeeze %dma_start3A_245 : memref<1x128xi32, #tpu.memory_space<vmem>> -> memref<128xi32, #tpu.memory_space<vmem>>
      %dma_start3A_247 = arith.constant 0 : i32
      %dma_start3A_248 = tpu.memref_slice %arg29[%dma_start3A_247] : memref<10000xf32, #tpu.memory_space<vmem_shared>> -> memref<10000xf32, #tpu.memory_space<vmem_shared>>
      tpu.enqueue_indirect_dma source(%dma_start3A_243 : memref<128xf32, #tpu.memory_space<vmem>>) target(%dma_start3A_248 : memref<10000xf32, #tpu.memory_space<vmem_shared>>) offsets(%dma_start3A_246 : memref<128xi32, #tpu.memory_space<vmem>>) semaphore(%arg31 : memref<!tpu.dma_semaphore, #tpu.memory_space<semaphore_mem>>) {add = true}
      %mul3A_249 = arith.constant 4 : i32
      %mul3A_250 = arith.muli %scan3A_124, %mul3A_249 : i32
      %add3A_251 = arith.constant 3 : i32
      %add3A_252 = arith.addi %mul3A_250, %add3A_251 : i32
      %dma_wait3A_253 = arith.constant 0 : i32
      %dma_wait3A_254 = tpu.memref_slice %arg10[%add3A_252, %dma_wait3A_253] : memref<80x128xi32, #tpu.memory_space<vmem>> -> memref<1x128xi32, #tpu.memory_space<vmem>>
      %dma_wait3A_255 = tpu.memref_squeeze %dma_wait3A_254 : memref<1x128xi32, #tpu.memory_space<vmem>> -> memref<128xi32, #tpu.memory_space<vmem>>
      %dma_wait3A_256 = arith.constant 0 : i32
      %dma_wait3A_257 = arith.constant 0 : i32
      %dma_wait3A_258 = tpu.memref_slice %arg2[%dma_wait3A_256, %dma_wait3A_257] : memref<10000x16xf32, #tpu.memory_space<hbm>> -> memref<10000x16xf32, #tpu.memory_space<hbm>>
      tpu.wait_indirect_dma semaphore(%arg24 : memref<!tpu.dma_semaphore, #tpu.memory_space<semaphore_mem>>) src(%dma_wait3A_258 : memref<10000x16xf32, #tpu.memory_space<hbm>>) dst(%arg16 : memref<128x16xf32, #tpu.memory_space<vmem>>)
      %ge3A_259 = arith.constant 4 : i32
      %ge3A_260 = arith.cmpi sge, %add3A_252, %ge3A_259 : i32
      %convert_element_type3A_261 = arith.extui %ge3A_260 : i1 to i32
      %cond3A_262 = arith.constant 0 : i32
      %cond3A_263 = arith.cmpi ne, %convert_element_type3A_261, %cond3A_262 : i32
      scf.if %cond3A_263 {
        %sub3A = arith.constant 4 : i32
        %sub3A_291 = arith.subi %add3A_252, %sub3A : i32
        %dma_wait3A_292 = arith.constant 0 : i32
        %dma_wait3A_293 = tpu.memref_slice %arg11[%sub3A_291, %dma_wait3A_292] : memref<80x128xi32, #tpu.memory_space<vmem>> -> memref<1x128xi32, #tpu.memory_space<vmem>>
        %dma_wait3A_294 = tpu.memref_squeeze %dma_wait3A_293 : memref<1x128xi32, #tpu.memory_space<vmem>> -> memref<128xi32, #tpu.memory_space<vmem>>
        %dma_wait3A_295 = arith.constant 0 : i32
        %dma_wait3A_296 = arith.constant 0 : i32
        %dma_wait3A_297 = tpu.memref_slice %arg9[%dma_wait3A_295, %dma_wait3A_296] : memref<10000x16xf32, #tpu.memory_space<vmem_shared>> -> memref<10000x16xf32, #tpu.memory_space<vmem_shared>>
        tpu.wait_indirect_dma semaphore(%arg28 : memref<!tpu.dma_semaphore, #tpu.memory_space<semaphore_mem>>) src(%arg20 : memref<128x16xf32, #tpu.memory_space<vmem>>) dst(%dma_wait3A_297 : memref<10000x16xf32, #tpu.memory_space<vmem_shared>>)
      } else {
      }
      %scan3A_264 = arith.constant 0 : i32
      %scan3A_265 = arith.constant 0 : i32
      %scan3A_266 = arith.constant 8 : i32
      %scan3A_267 = arith.addi %scan3A_265, %scan3A_266 : i32
      %scan3A_268 = arith.constant 1 : i32
      scf.for %scan3A_291 = %scan3A_265 to %scan3A_267 step %scan3A_268  : i32 {
        %mul3A_292 = arith.constant 16 : i32
        %mul3A_293 = arith.muli %scan3A_291, %mul3A_292 : i32
        %get3A = arith.index_cast %add3A_252 : i32 to index
        %get3A_294 = arith.index_cast %mul3A_293 : i32 to index
        %get3A_295 = tpu.vector_load %arg12[%get3A, %get3A_294] {strides = array<i32>} : memref<80x128xf32, #tpu.memory_space<vmem>>, vector<1x16xf32>,
        %get3A_296 = vector.shape_cast %get3A_295 : vector<1x16xf32> to vector<16xf32>
        %mul3A_297 = arith.constant 16 : i32
        %mul3A_298 = arith.muli %scan3A_291, %mul3A_297 : i32
        %add3A_299 = arith.constant 0 : i32
        %add3A_300 = arith.addi %mul3A_298, %add3A_299 : i32
        %get3A_301 = arith.index_cast %add3A_300 : i32 to index
        %get3A_302 = arith.constant 0 : index
        %get3A_303 = tpu.vector_load %arg16[%get3A_301, %get3A_302] {strides = array<i32>} : memref<128x16xf32, #tpu.memory_space<vmem>>, vector<1x16xf32>,
        %get3A_304 = vector.shape_cast %get3A_303 : vector<1x16xf32> to vector<16xf32>
        %slice3A = vector.extract_strided_slice %get3A_296 {offsets = [0], sizes = [1], strides = [1]} : vector<16xf32> to vector<1xf32>
        %squeeze3A = vector.extract %slice3A[0] : f32 from vector<1xf32>
        %mul3A_305 = vector.broadcast %squeeze3A : f32 to vector<16xf32>
        %mul3A_306 = arith.mulf %get3A_304, %mul3A_305 : vector<16xf32>
        %add3A_307 = arith.constant 0 : i32
        %add3A_308 = arith.addi %mul3A_298, %add3A_307 : i32
        %swap3A = arith.index_cast %add3A_308 : i32 to index
        %swap3A_309 = arith.constant 0 : index
        %swap3A_310 = tpu.vector_load %arg20[%swap3A, %swap3A_309] {strides = array<i32>} : memref<128x16xf32, #tpu.memory_space<vmem>>, vector<1x16xf32>,
        %swap3A_311 = vector.shape_cast %swap3A_310 : vector<1x16xf32> to vector<16xf32>
        %swap3A_312 = vector.shape_cast %mul3A_306 : vector<16xf32> to vector<1x16xf32>
        tpu.vector_store %arg20[%swap3A, %swap3A_309], %swap3A_312 {strides = array<i32>} : memref<128x16xf32, #tpu.memory_space<vmem>>, vector<1x16xf32>,
        %add3A_313 = arith.constant 1 : i32
        %add3A_314 = arith.addi %mul3A_298, %add3A_313 : i32
        %get3A_315 = arith.index_cast %add3A_314 : i32 to index
        %get3A_316 = arith.constant 0 : index
        %get3A_317 = tpu.vector_load %arg16[%get3A_315, %get3A_316] {strides = array<i32>} : memref<128x16xf32, #tpu.memory_space<vmem>>, vector<1x16xf32>,
        %get3A_318 = vector.shape_cast %get3A_317 : vector<1x16xf32> to vector<16xf32>
        %slice3A_319 = vector.extract_strided_slice %get3A_296 {offsets = [1], sizes = [1], strides = [1]} : vector<16xf32> to vector<1xf32>
        %squeeze3A_320 = vector.extract %slice3A_319[0] : f32 from vector<1xf32>
        %mul3A_321 = vector.broadcast %squeeze3A_320 : f32 to vector<16xf32>
        %mul3A_322 = arith.mulf %get3A_318, %mul3A_321 : vector<16xf32>
        %add3A_323 = arith.constant 1 : i32
        %add3A_324 = arith.addi %mul3A_298, %add3A_323 : i32
        %swap3A_325 = arith.index_cast %add3A_324 : i32 to index
        %swap3A_326 = arith.constant 0 : index
        %swap3A_327 = tpu.vector_load %arg20[%swap3A_325, %swap3A_326] {strides = array<i32>} : memref<128x16xf32, #tpu.memory_space<vmem>>, vector<1x16xf32>,
        %swap3A_328 = vector.shape_cast %swap3A_327 : vector<1x16xf32> to vector<16xf32>
        %swap3A_329 = vector.shape_cast %mul3A_322 : vector<16xf32> to vector<1x16xf32>
        tpu.vector_store %arg20[%swap3A_325, %swap3A_326], %swap3A_329 {strides = array<i32>} : memref<128x16xf32, #tpu.memory_space<vmem>>, vector<1x16xf32>,
        %add3A_330 = arith.constant 2 : i32
        %add3A_331 = arith.addi %mul3A_298, %add3A_330 : i32
        %get3A_332 = arith.index_cast %add3A_331 : i32 to index
        %get3A_333 = arith.constant 0 : index
        %get3A_334 = tpu.vector_load %arg16[%get3A_332, %get3A_333] {strides = array<i32>} : memref<128x16xf32, #tpu.memory_space<vmem>>, vector<1x16xf32>,
        %get3A_335 = vector.shape_cast %get3A_334 : vector<1x16xf32> to vector<16xf32>
        %slice3A_336 = vector.extract_strided_slice %get3A_296 {offsets = [2], sizes = [1], strides = [1]} : vector<16xf32> to vector<1xf32>
        %squeeze3A_337 = vector.extract %slice3A_336[0] : f32 from vector<1xf32>
        %mul3A_338 = vector.broadcast %squeeze3A_337 : f32 to vector<16xf32>
        %mul3A_339 = arith.mulf %get3A_335, %mul3A_338 : vector<16xf32>
        %add3A_340 = arith.constant 2 : i32
        %add3A_341 = arith.addi %mul3A_298, %add3A_340 : i32
        %swap3A_342 = arith.index_cast %add3A_341 : i32 to index
        %swap3A_343 = arith.constant 0 : index
        %swap3A_344 = tpu.vector_load %arg20[%swap3A_342, %swap3A_343] {strides = array<i32>} : memref<128x16xf32, #tpu.memory_space<vmem>>, vector<1x16xf32>,
        %swap3A_345 = vector.shape_cast %swap3A_344 : vector<1x16xf32> to vector<16xf32>
        %swap3A_346 = vector.shape_cast %mul3A_339 : vector<16xf32> to vector<1x16xf32>
        tpu.vector_store %arg20[%swap3A_342, %swap3A_343], %swap3A_346 {strides = array<i32>} : memref<128x16xf32, #tpu.memory_space<vmem>>, vector<1x16xf32>,
        %add3A_347 = arith.constant 3 : i32
        %add3A_348 = arith.addi %mul3A_298, %add3A_347 : i32
        %get3A_349 = arith.index_cast %add3A_348 : i32 to index
        %get3A_350 = arith.constant 0 : index
        %get3A_351 = tpu.vector_load %arg16[%get3A_349, %get3A_350] {strides = array<i32>} : memref<128x16xf32, #tpu.memory_space<vmem>>, vector<1x16xf32>,
        %get3A_352 = vector.shape_cast %get3A_351 : vector<1x16xf32> to vector<16xf32>
        %slice3A_353 = vector.extract_strided_slice %get3A_296 {offsets = [3], sizes = [1], strides = [1]} : vector<16xf32> to vector<1xf32>
        %squeeze3A_354 = vector.extract %slice3A_353[0] : f32 from vector<1xf32>
        %mul3A_355 = vector.broadcast %squeeze3A_354 : f32 to vector<16xf32>
        %mul3A_356 = arith.mulf %get3A_352, %mul3A_355 : vector<16xf32>
        %add3A_357 = arith.constant 3 : i32
        %add3A_358 = arith.addi %mul3A_298, %add3A_357 : i32
        %swap3A_359 = arith.index_cast %add3A_358 : i32 to index
        %swap3A_360 = arith.constant 0 : index
        %swap3A_361 = tpu.vector_load %arg20[%swap3A_359, %swap3A_360] {strides = array<i32>} : memref<128x16xf32, #tpu.memory_space<vmem>>, vector<1x16xf32>,
        %swap3A_362 = vector.shape_cast %swap3A_361 : vector<1x16xf32> to vector<16xf32>
        %swap3A_363 = vector.shape_cast %mul3A_356 : vector<16xf32> to vector<1x16xf32>
        tpu.vector_store %arg20[%swap3A_359, %swap3A_360], %swap3A_363 {strides = array<i32>} : memref<128x16xf32, #tpu.memory_space<vmem>>, vector<1x16xf32>,
        %add3A_364 = arith.constant 4 : i32
        %add3A_365 = arith.addi %mul3A_298, %add3A_364 : i32
        %get3A_366 = arith.index_cast %add3A_365 : i32 to index
        %get3A_367 = arith.constant 0 : index
        %get3A_368 = tpu.vector_load %arg16[%get3A_366, %get3A_367] {strides = array<i32>} : memref<128x16xf32, #tpu.memory_space<vmem>>, vector<1x16xf32>,
        %get3A_369 = vector.shape_cast %get3A_368 : vector<1x16xf32> to vector<16xf32>
        %slice3A_370 = vector.extract_strided_slice %get3A_296 {offsets = [4], sizes = [1], strides = [1]} : vector<16xf32> to vector<1xf32>
        %squeeze3A_371 = vector.extract %slice3A_370[0] : f32 from vector<1xf32>
        %mul3A_372 = vector.broadcast %squeeze3A_371 : f32 to vector<16xf32>
        %mul3A_373 = arith.mulf %get3A_369, %mul3A_372 : vector<16xf32>
        %add3A_374 = arith.constant 4 : i32
        %add3A_375 = arith.addi %mul3A_298, %add3A_374 : i32
        %swap3A_376 = arith.index_cast %add3A_375 : i32 to index
        %swap3A_377 = arith.constant 0 : index
        %swap3A_378 = tpu.vector_load %arg20[%swap3A_376, %swap3A_377] {strides = array<i32>} : memref<128x16xf32, #tpu.memory_space<vmem>>, vector<1x16xf32>,
        %swap3A_379 = vector.shape_cast %swap3A_378 : vector<1x16xf32> to vector<16xf32>
        %swap3A_380 = vector.shape_cast %mul3A_373 : vector<16xf32> to vector<1x16xf32>
        tpu.vector_store %arg20[%swap3A_376, %swap3A_377], %swap3A_380 {strides = array<i32>} : memref<128x16xf32, #tpu.memory_space<vmem>>, vector<1x16xf32>,
        %add3A_381 = arith.constant 5 : i32
        %add3A_382 = arith.addi %mul3A_298, %add3A_381 : i32
        %get3A_383 = arith.index_cast %add3A_382 : i32 to index
        %get3A_384 = arith.constant 0 : index
        %get3A_385 = tpu.vector_load %arg16[%get3A_383, %get3A_384] {strides = array<i32>} : memref<128x16xf32, #tpu.memory_space<vmem>>, vector<1x16xf32>,
        %get3A_386 = vector.shape_cast %get3A_385 : vector<1x16xf32> to vector<16xf32>
        %slice3A_387 = vector.extract_strided_slice %get3A_296 {offsets = [5], sizes = [1], strides = [1]} : vector<16xf32> to vector<1xf32>
        %squeeze3A_388 = vector.extract %slice3A_387[0] : f32 from vector<1xf32>
        %mul3A_389 = vector.broadcast %squeeze3A_388 : f32 to vector<16xf32>
        %mul3A_390 = arith.mulf %get3A_386, %mul3A_389 : vector<16xf32>
        %add3A_391 = arith.constant 5 : i32
        %add3A_392 = arith.addi %mul3A_298, %add3A_391 : i32
        %swap3A_393 = arith.index_cast %add3A_392 : i32 to index
        %swap3A_394 = arith.constant 0 : index
        %swap3A_395 = tpu.vector_load %arg20[%swap3A_393, %swap3A_394] {strides = array<i32>} : memref<128x16xf32, #tpu.memory_space<vmem>>, vector<1x16xf32>,
        %swap3A_396 = vector.shape_cast %swap3A_395 : vector<1x16xf32> to vector<16xf32>
        %swap3A_397 = vector.shape_cast %mul3A_390 : vector<16xf32> to vector<1x16xf32>
        tpu.vector_store %arg20[%swap3A_393, %swap3A_394], %swap3A_397 {strides = array<i32>} : memref<128x16xf32, #tpu.memory_space<vmem>>, vector<1x16xf32>,
        %add3A_398 = arith.constant 6 : i32
        %add3A_399 = arith.addi %mul3A_298, %add3A_398 : i32
        %get3A_400 = arith.index_cast %add3A_399 : i32 to index
        %get3A_401 = arith.constant 0 : index
        %get3A_402 = tpu.vector_load %arg16[%get3A_400, %get3A_401] {strides = array<i32>} : memref<128x16xf32, #tpu.memory_space<vmem>>, vector<1x16xf32>,
        %get3A_403 = vector.shape_cast %get3A_402 : vector<1x16xf32> to vector<16xf32>
        %slice3A_404 = vector.extract_strided_slice %get3A_296 {offsets = [6], sizes = [1], strides = [1]} : vector<16xf32> to vector<1xf32>
        %squeeze3A_405 = vector.extract %slice3A_404[0] : f32 from vector<1xf32>
        %mul3A_406 = vector.broadcast %squeeze3A_405 : f32 to vector<16xf32>
        %mul3A_407 = arith.mulf %get3A_403, %mul3A_406 : vector<16xf32>
        %add3A_408 = arith.constant 6 : i32
        %add3A_409 = arith.addi %mul3A_298, %add3A_408 : i32
        %swap3A_410 = arith.index_cast %add3A_409 : i32 to index
        %swap3A_411 = arith.constant 0 : index
        %swap3A_412 = tpu.vector_load %arg20[%swap3A_410, %swap3A_411] {strides = array<i32>} : memref<128x16xf32, #tpu.memory_space<vmem>>, vector<1x16xf32>,
        %swap3A_413 = vector.shape_cast %swap3A_412 : vector<1x16xf32> to vector<16xf32>
        %swap3A_414 = vector.shape_cast %mul3A_407 : vector<16xf32> to vector<1x16xf32>
        tpu.vector_store %arg20[%swap3A_410, %swap3A_411], %swap3A_414 {strides = array<i32>} : memref<128x16xf32, #tpu.memory_space<vmem>>, vector<1x16xf32>,
        %add3A_415 = arith.constant 7 : i32
        %add3A_416 = arith.addi %mul3A_298, %add3A_415 : i32
        %get3A_417 = arith.index_cast %add3A_416 : i32 to index
        %get3A_418 = arith.constant 0 : index
        %get3A_419 = tpu.vector_load %arg16[%get3A_417, %get3A_418] {strides = array<i32>} : memref<128x16xf32, #tpu.memory_space<vmem>>, vector<1x16xf32>,
        %get3A_420 = vector.shape_cast %get3A_419 : vector<1x16xf32> to vector<16xf32>
        %slice3A_421 = vector.extract_strided_slice %get3A_296 {offsets = [7], sizes = [1], strides = [1]} : vector<16xf32> to vector<1xf32>
        %squeeze3A_422 = vector.extract %slice3A_421[0] : f32 from vector<1xf32>
        %mul3A_423 = vector.broadcast %squeeze3A_422 : f32 to vector<16xf32>
        %mul3A_424 = arith.mulf %get3A_420, %mul3A_423 : vector<16xf32>
        %add3A_425 = arith.constant 7 : i32
        %add3A_426 = arith.addi %mul3A_298, %add3A_425 : i32
        %swap3A_427 = arith.index_cast %add3A_426 : i32 to index
        %swap3A_428 = arith.constant 0 : index
        %swap3A_429 = tpu.vector_load %arg20[%swap3A_427, %swap3A_428] {strides = array<i32>} : memref<128x16xf32, #tpu.memory_space<vmem>>, vector<1x16xf32>,
        %swap3A_430 = vector.shape_cast %swap3A_429 : vector<1x16xf32> to vector<16xf32>
        %swap3A_431 = vector.shape_cast %mul3A_424 : vector<16xf32> to vector<1x16xf32>
        tpu.vector_store %arg20[%swap3A_427, %swap3A_428], %swap3A_431 {strides = array<i32>} : memref<128x16xf32, #tpu.memory_space<vmem>>, vector<1x16xf32>,
        %add3A_432 = arith.constant 8 : i32
        %add3A_433 = arith.addi %mul3A_298, %add3A_432 : i32
        %get3A_434 = arith.index_cast %add3A_433 : i32 to index
        %get3A_435 = arith.constant 0 : index
        %get3A_436 = tpu.vector_load %arg16[%get3A_434, %get3A_435] {strides = array<i32>} : memref<128x16xf32, #tpu.memory_space<vmem>>, vector<1x16xf32>,
        %get3A_437 = vector.shape_cast %get3A_436 : vector<1x16xf32> to vector<16xf32>
        %slice3A_438 = vector.extract_strided_slice %get3A_296 {offsets = [8], sizes = [1], strides = [1]} : vector<16xf32> to vector<1xf32>
        %squeeze3A_439 = vector.extract %slice3A_438[0] : f32 from vector<1xf32>
        %mul3A_440 = vector.broadcast %squeeze3A_439 : f32 to vector<16xf32>
        %mul3A_441 = arith.mulf %get3A_437, %mul3A_440 : vector<16xf32>
        %add3A_442 = arith.constant 8 : i32
        %add3A_443 = arith.addi %mul3A_298, %add3A_442 : i32
        %swap3A_444 = arith.index_cast %add3A_443 : i32 to index
        %swap3A_445 = arith.constant 0 : index
        %swap3A_446 = tpu.vector_load %arg20[%swap3A_444, %swap3A_445] {strides = array<i32>} : memref<128x16xf32, #tpu.memory_space<vmem>>, vector<1x16xf32>,
        %swap3A_447 = vector.shape_cast %swap3A_446 : vector<1x16xf32> to vector<16xf32>
        %swap3A_448 = vector.shape_cast %mul3A_441 : vector<16xf32> to vector<1x16xf32>
        tpu.vector_store %arg20[%swap3A_444, %swap3A_445], %swap3A_448 {strides = array<i32>} : memref<128x16xf32, #tpu.memory_space<vmem>>, vector<1x16xf32>,
        %add3A_449 = arith.constant 9 : i32
        %add3A_450 = arith.addi %mul3A_298, %add3A_449 : i32
        %get3A_451 = arith.index_cast %add3A_450 : i32 to index
        %get3A_452 = arith.constant 0 : index
        %get3A_453 = tpu.vector_load %arg16[%get3A_451, %get3A_452] {strides = array<i32>} : memref<128x16xf32, #tpu.memory_space<vmem>>, vector<1x16xf32>,
        %get3A_454 = vector.shape_cast %get3A_453 : vector<1x16xf32> to vector<16xf32>
        %slice3A_455 = vector.extract_strided_slice %get3A_296 {offsets = [9], sizes = [1], strides = [1]} : vector<16xf32> to vector<1xf32>
        %squeeze3A_456 = vector.extract %slice3A_455[0] : f32 from vector<1xf32>
        %mul3A_457 = vector.broadcast %squeeze3A_456 : f32 to vector<16xf32>
        %mul3A_458 = arith.mulf %get3A_454, %mul3A_457 : vector<16xf32>
        %add3A_459 = arith.constant 9 : i32
        %add3A_460 = arith.addi %mul3A_298, %add3A_459 : i32
        %swap3A_461 = arith.index_cast %add3A_460 : i32 to index
        %swap3A_462 = arith.constant 0 : index
        %swap3A_463 = tpu.vector_load %arg20[%swap3A_461, %swap3A_462] {strides = array<i32>} : memref<128x16xf32, #tpu.memory_space<vmem>>, vector<1x16xf32>,
        %swap3A_464 = vector.shape_cast %swap3A_463 : vector<1x16xf32> to vector<16xf32>
        %swap3A_465 = vector.shape_cast %mul3A_458 : vector<16xf32> to vector<1x16xf32>
        tpu.vector_store %arg20[%swap3A_461, %swap3A_462], %swap3A_465 {strides = array<i32>} : memref<128x16xf32, #tpu.memory_space<vmem>>, vector<1x16xf32>,
        %add3A_466 = arith.constant 10 : i32
        %add3A_467 = arith.addi %mul3A_298, %add3A_466 : i32
        %get3A_468 = arith.index_cast %add3A_467 : i32 to index
        %get3A_469 = arith.constant 0 : index
        %get3A_470 = tpu.vector_load %arg16[%get3A_468, %get3A_469] {strides = array<i32>} : memref<128x16xf32, #tpu.memory_space<vmem>>, vector<1x16xf32>,
        %get3A_471 = vector.shape_cast %get3A_470 : vector<1x16xf32> to vector<16xf32>
        %slice3A_472 = vector.extract_strided_slice %get3A_296 {offsets = [10], sizes = [1], strides = [1]} : vector<16xf32> to vector<1xf32>
        %squeeze3A_473 = vector.extract %slice3A_472[0] : f32 from vector<1xf32>
        %mul3A_474 = vector.broadcast %squeeze3A_473 : f32 to vector<16xf32>
        %mul3A_475 = arith.mulf %get3A_471, %mul3A_474 : vector<16xf32>
        %add3A_476 = arith.constant 10 : i32
        %add3A_477 = arith.addi %mul3A_298, %add3A_476 : i32
        %swap3A_478 = arith.index_cast %add3A_477 : i32 to index
        %swap3A_479 = arith.constant 0 : index
        %swap3A_480 = tpu.vector_load %arg20[%swap3A_478, %swap3A_479] {strides = array<i32>} : memref<128x16xf32, #tpu.memory_space<vmem>>, vector<1x16xf32>,
        %swap3A_481 = vector.shape_cast %swap3A_480 : vector<1x16xf32> to vector<16xf32>
        %swap3A_482 = vector.shape_cast %mul3A_475 : vector<16xf32> to vector<1x16xf32>
        tpu.vector_store %arg20[%swap3A_478, %swap3A_479], %swap3A_482 {strides = array<i32>} : memref<128x16xf32, #tpu.memory_space<vmem>>, vector<1x16xf32>,
        %add3A_483 = arith.constant 11 : i32
        %add3A_484 = arith.addi %mul3A_298, %add3A_483 : i32
        %get3A_485 = arith.index_cast %add3A_484 : i32 to index
        %get3A_486 = arith.constant 0 : index
        %get3A_487 = tpu.vector_load %arg16[%get3A_485, %get3A_486] {strides = array<i32>} : memref<128x16xf32, #tpu.memory_space<vmem>>, vector<1x16xf32>,
        %get3A_488 = vector.shape_cast %get3A_487 : vector<1x16xf32> to vector<16xf32>
        %slice3A_489 = vector.extract_strided_slice %get3A_296 {offsets = [11], sizes = [1], strides = [1]} : vector<16xf32> to vector<1xf32>
        %squeeze3A_490 = vector.extract %slice3A_489[0] : f32 from vector<1xf32>
        %mul3A_491 = vector.broadcast %squeeze3A_490 : f32 to vector<16xf32>
        %mul3A_492 = arith.mulf %get3A_488, %mul3A_491 : vector<16xf32>
        %add3A_493 = arith.constant 11 : i32
        %add3A_494 = arith.addi %mul3A_298, %add3A_493 : i32
        %swap3A_495 = arith.index_cast %add3A_494 : i32 to index
        %swap3A_496 = arith.constant 0 : index
        %swap3A_497 = tpu.vector_load %arg20[%swap3A_495, %swap3A_496] {strides = array<i32>} : memref<128x16xf32, #tpu.memory_space<vmem>>, vector<1x16xf32>,
        %swap3A_498 = vector.shape_cast %swap3A_497 : vector<1x16xf32> to vector<16xf32>
        %swap3A_499 = vector.shape_cast %mul3A_492 : vector<16xf32> to vector<1x16xf32>
        tpu.vector_store %arg20[%swap3A_495, %swap3A_496], %swap3A_499 {strides = array<i32>} : memref<128x16xf32, #tpu.memory_space<vmem>>, vector<1x16xf32>,
        %add3A_500 = arith.constant 12 : i32
        %add3A_501 = arith.addi %mul3A_298, %add3A_500 : i32
        %get3A_502 = arith.index_cast %add3A_501 : i32 to index
        %get3A_503 = arith.constant 0 : index
        %get3A_504 = tpu.vector_load %arg16[%get3A_502, %get3A_503] {strides = array<i32>} : memref<128x16xf32, #tpu.memory_space<vmem>>, vector<1x16xf32>,
        %get3A_505 = vector.shape_cast %get3A_504 : vector<1x16xf32> to vector<16xf32>
        %slice3A_506 = vector.extract_strided_slice %get3A_296 {offsets = [12], sizes = [1], strides = [1]} : vector<16xf32> to vector<1xf32>
        %squeeze3A_507 = vector.extract %slice3A_506[0] : f32 from vector<1xf32>
        %mul3A_508 = vector.broadcast %squeeze3A_507 : f32 to vector<16xf32>
        %mul3A_509 = arith.mulf %get3A_505, %mul3A_508 : vector<16xf32>
        %add3A_510 = arith.constant 12 : i32
        %add3A_511 = arith.addi %mul3A_298, %add3A_510 : i32
        %swap3A_512 = arith.index_cast %add3A_511 : i32 to index
        %swap3A_513 = arith.constant 0 : index
        %swap3A_514 = tpu.vector_load %arg20[%swap3A_512, %swap3A_513] {strides = array<i32>} : memref<128x16xf32, #tpu.memory_space<vmem>>, vector<1x16xf32>,
        %swap3A_515 = vector.shape_cast %swap3A_514 : vector<1x16xf32> to vector<16xf32>
        %swap3A_516 = vector.shape_cast %mul3A_509 : vector<16xf32> to vector<1x16xf32>
        tpu.vector_store %arg20[%swap3A_512, %swap3A_513], %swap3A_516 {strides = array<i32>} : memref<128x16xf32, #tpu.memory_space<vmem>>, vector<1x16xf32>,
        %add3A_517 = arith.constant 13 : i32
        %add3A_518 = arith.addi %mul3A_298, %add3A_517 : i32
        %get3A_519 = arith.index_cast %add3A_518 : i32 to index
        %get3A_520 = arith.constant 0 : index
        %get3A_521 = tpu.vector_load %arg16[%get3A_519, %get3A_520] {strides = array<i32>} : memref<128x16xf32, #tpu.memory_space<vmem>>, vector<1x16xf32>,
        %get3A_522 = vector.shape_cast %get3A_521 : vector<1x16xf32> to vector<16xf32>
        %slice3A_523 = vector.extract_strided_slice %get3A_296 {offsets = [13], sizes = [1], strides = [1]} : vector<16xf32> to vector<1xf32>
        %squeeze3A_524 = vector.extract %slice3A_523[0] : f32 from vector<1xf32>
        %mul3A_525 = vector.broadcast %squeeze3A_524 : f32 to vector<16xf32>
        %mul3A_526 = arith.mulf %get3A_522, %mul3A_525 : vector<16xf32>
        %add3A_527 = arith.constant 13 : i32
        %add3A_528 = arith.addi %mul3A_298, %add3A_527 : i32
        %swap3A_529 = arith.index_cast %add3A_528 : i32 to index
        %swap3A_530 = arith.constant 0 : index
        %swap3A_531 = tpu.vector_load %arg20[%swap3A_529, %swap3A_530] {strides = array<i32>} : memref<128x16xf32, #tpu.memory_space<vmem>>, vector<1x16xf32>,
        %swap3A_532 = vector.shape_cast %swap3A_531 : vector<1x16xf32> to vector<16xf32>
        %swap3A_533 = vector.shape_cast %mul3A_526 : vector<16xf32> to vector<1x16xf32>
        tpu.vector_store %arg20[%swap3A_529, %swap3A_530], %swap3A_533 {strides = array<i32>} : memref<128x16xf32, #tpu.memory_space<vmem>>, vector<1x16xf32>,
        %add3A_534 = arith.constant 14 : i32
        %add3A_535 = arith.addi %mul3A_298, %add3A_534 : i32
        %get3A_536 = arith.index_cast %add3A_535 : i32 to index
        %get3A_537 = arith.constant 0 : index
        %get3A_538 = tpu.vector_load %arg16[%get3A_536, %get3A_537] {strides = array<i32>} : memref<128x16xf32, #tpu.memory_space<vmem>>, vector<1x16xf32>,
        %get3A_539 = vector.shape_cast %get3A_538 : vector<1x16xf32> to vector<16xf32>
        %slice3A_540 = vector.extract_strided_slice %get3A_296 {offsets = [14], sizes = [1], strides = [1]} : vector<16xf32> to vector<1xf32>
        %squeeze3A_541 = vector.extract %slice3A_540[0] : f32 from vector<1xf32>
        %mul3A_542 = vector.broadcast %squeeze3A_541 : f32 to vector<16xf32>
        %mul3A_543 = arith.mulf %get3A_539, %mul3A_542 : vector<16xf32>
        %add3A_544 = arith.constant 14 : i32
        %add3A_545 = arith.addi %mul3A_298, %add3A_544 : i32
        %swap3A_546 = arith.index_cast %add3A_545 : i32 to index
        %swap3A_547 = arith.constant 0 : index
        %swap3A_548 = tpu.vector_load %arg20[%swap3A_546, %swap3A_547] {strides = array<i32>} : memref<128x16xf32, #tpu.memory_space<vmem>>, vector<1x16xf32>,
        %swap3A_549 = vector.shape_cast %swap3A_548 : vector<1x16xf32> to vector<16xf32>
        %swap3A_550 = vector.shape_cast %mul3A_543 : vector<16xf32> to vector<1x16xf32>
        tpu.vector_store %arg20[%swap3A_546, %swap3A_547], %swap3A_550 {strides = array<i32>} : memref<128x16xf32, #tpu.memory_space<vmem>>, vector<1x16xf32>,
        %add3A_551 = arith.constant 15 : i32
        %add3A_552 = arith.addi %mul3A_298, %add3A_551 : i32
        %get3A_553 = arith.index_cast %add3A_552 : i32 to index
        %get3A_554 = arith.constant 0 : index
        %get3A_555 = tpu.vector_load %arg16[%get3A_553, %get3A_554] {strides = array<i32>} : memref<128x16xf32, #tpu.memory_space<vmem>>, vector<1x16xf32>,
        %get3A_556 = vector.shape_cast %get3A_555 : vector<1x16xf32> to vector<16xf32>
        %slice3A_557 = vector.extract_strided_slice %get3A_296 {offsets = [15], sizes = [1], strides = [1]} : vector<16xf32> to vector<1xf32>
        %squeeze3A_558 = vector.extract %slice3A_557[0] : f32 from vector<1xf32>
        %mul3A_559 = vector.broadcast %squeeze3A_558 : f32 to vector<16xf32>
        %mul3A_560 = arith.mulf %get3A_556, %mul3A_559 : vector<16xf32>
        %add3A_561 = arith.constant 15 : i32
        %add3A_562 = arith.addi %mul3A_298, %add3A_561 : i32
        %swap3A_563 = arith.index_cast %add3A_562 : i32 to index
        %swap3A_564 = arith.constant 0 : index
        %swap3A_565 = tpu.vector_load %arg20[%swap3A_563, %swap3A_564] {strides = array<i32>} : memref<128x16xf32, #tpu.memory_space<vmem>>, vector<1x16xf32>,
        %swap3A_566 = vector.shape_cast %swap3A_565 : vector<1x16xf32> to vector<16xf32>
        %swap3A_567 = vector.shape_cast %mul3A_560 : vector<16xf32> to vector<1x16xf32>
        tpu.vector_store %arg20[%swap3A_563, %swap3A_564], %swap3A_567 {strides = array<i32>} : memref<128x16xf32, #tpu.memory_space<vmem>>, vector<1x16xf32>,
      }
      %scan3A_269 = arith.constant 8 : i32
      %add3A_270 = arith.constant 4 : i32
      %add3A_271 = arith.addi %add3A_252, %add3A_270 : i32
      %lt3A_272 = arith.constant 80 : i32
      %lt3A_273 = arith.cmpi slt, %add3A_271, %lt3A_272 : i32
      %convert_element_type3A_274 = arith.extui %lt3A_273 : i1 to i32
      %cond3A_275 = arith.constant 0 : i32
      %cond3A_276 = arith.cmpi ne, %convert_element_type3A_274, %cond3A_275 : i32
      scf.if %cond3A_276 {
        %add3A_291 = arith.constant 4 : i32
        %add3A_292 = arith.addi %add3A_252, %add3A_291 : i32
        %dma_start3A_293 = arith.constant 0 : i32
        %dma_start3A_294 = tpu.memref_slice %arg10[%add3A_292, %dma_start3A_293] : memref<80x128xi32, #tpu.memory_space<vmem>> -> memref<1x128xi32, #tpu.memory_space<vmem>>
        %dma_start3A_295 = tpu.memref_squeeze %dma_start3A_294 : memref<1x128xi32, #tpu.memory_space<vmem>> -> memref<128xi32, #tpu.memory_space<vmem>>
        %dma_start3A_296 = arith.constant 0 : i32
        %dma_start3A_297 = arith.constant 0 : i32
        %dma_start3A_298 = tpu.memref_slice %arg2[%dma_start3A_296, %dma_start3A_297] : memref<10000x16xf32, #tpu.memory_space<hbm>> -> memref<10000x16xf32, #tpu.memory_space<hbm>>
        tpu.enqueue_indirect_dma source(%dma_start3A_298 : memref<10000x16xf32, #tpu.memory_space<hbm>>) target(%arg16 : memref<128x16xf32, #tpu.memory_space<vmem>>) offsets(%dma_start3A_295 : memref<128xi32, #tpu.memory_space<vmem>>) semaphore(%arg24 : memref<!tpu.dma_semaphore, #tpu.memory_space<semaphore_mem>>)
      } else {
      }
      %dma_start3A_277 = arith.constant 0 : i32
      %dma_start3A_278 = tpu.memref_slice %arg11[%add3A_252, %dma_start3A_277] : memref<80x128xi32, #tpu.memory_space<vmem>> -> memref<1x128xi32, #tpu.memory_space<vmem>>
      %dma_start3A_279 = tpu.memref_squeeze %dma_start3A_278 : memref<1x128xi32, #tpu.memory_space<vmem>> -> memref<128xi32, #tpu.memory_space<vmem>>
      %dma_start3A_280 = arith.constant 0 : i32
      %dma_start3A_281 = arith.constant 0 : i32
      %dma_start3A_282 = tpu.memref_slice %arg9[%dma_start3A_280, %dma_start3A_281] : memref<10000x16xf32, #tpu.memory_space<vmem_shared>> -> memref<10000x16xf32, #tpu.memory_space<vmem_shared>>
      tpu.enqueue_indirect_dma source(%arg20 : memref<128x16xf32, #tpu.memory_space<vmem>>) target(%dma_start3A_282 : memref<10000x16xf32, #tpu.memory_space<vmem_shared>>) offsets(%dma_start3A_279 : memref<128xi32, #tpu.memory_space<vmem>>) semaphore(%arg28 : memref<!tpu.dma_semaphore, #tpu.memory_space<semaphore_mem>>) {add = true}
      %dma_start3A_283 = arith.constant 0 : i32
      %dma_start3A_284 = tpu.memref_slice %arg12[%add3A_252, %dma_start3A_283] : memref<80x128xf32, #tpu.memory_space<vmem>> -> memref<1x128xf32, #tpu.memory_space<vmem>>
      %dma_start3A_285 = tpu.memref_squeeze %dma_start3A_284 : memref<1x128xf32, #tpu.memory_space<vmem>> -> memref<128xf32, #tpu.memory_space<vmem>>
      %dma_start3A_286 = arith.constant 0 : i32
      %dma_start3A_287 = tpu.memref_slice %arg11[%add3A_252, %dma_start3A_286] : memref<80x128xi32, #tpu.memory_space<vmem>> -> memref<1x128xi32, #tpu.memory_space<vmem>>
      %dma_start3A_288 = tpu.memref_squeeze %dma_start3A_287 : memref<1x128xi32, #tpu.memory_space<vmem>> -> memref<128xi32, #tpu.memory_space<vmem>>
      %dma_start3A_289 = arith.constant 0 : i32
      %dma_start3A_290 = tpu.memref_slice %arg29[%dma_start3A_289] : memref<10000xf32, #tpu.memory_space<vmem_shared>> -> memref<10000xf32, #tpu.memory_space<vmem_shared>>
      tpu.enqueue_indirect_dma source(%dma_start3A_285 : memref<128xf32, #tpu.memory_space<vmem>>) target(%dma_start3A_290 : memref<10000xf32, #tpu.memory_space<vmem_shared>>) offsets(%dma_start3A_288 : memref<128xi32, #tpu.memory_space<vmem>>) semaphore(%arg31 : memref<!tpu.dma_semaphore, #tpu.memory_space<semaphore_mem>>) {add = true}
    }
    %scan3A_56 = arith.constant 20 : i32
    %dma_wait3A = arith.constant 76 : i32
    %dma_wait3A_57 = arith.constant 0 : i32
    %dma_wait3A_58 = tpu.memref_slice %arg11[%dma_wait3A, %dma_wait3A_57] : memref<80x128xi32, #tpu.memory_space<vmem>> -> memref<1x128xi32, #tpu.memory_space<vmem>>
    %dma_wait3A_59 = tpu.memref_squeeze %dma_wait3A_58 : memref<1x128xi32, #tpu.memory_space<vmem>> -> memref<128xi32, #tpu.memory_space<vmem>>
    %dma_wait3A_60 = arith.constant 0 : i32
    %dma_wait3A_61 = arith.constant 0 : i32
    %dma_wait3A_62 = tpu.memref_slice %arg9[%dma_wait3A_60, %dma_wait3A_61] : memref<10000x16xf32, #tpu.memory_space<vmem_shared>> -> memref<10000x16xf32, #tpu.memory_space<vmem_shared>>
    tpu.wait_indirect_dma semaphore(%arg25 : memref<!tpu.dma_semaphore, #tpu.memory_space<semaphore_mem>>) src(%arg17 : memref<128x16xf32, #tpu.memory_space<vmem>>) dst(%dma_wait3A_62 : memref<10000x16xf32, #tpu.memory_space<vmem_shared>>)
    %dma_wait3A_63 = arith.constant 77 : i32
    %dma_wait3A_64 = arith.constant 0 : i32
    %dma_wait3A_65 = tpu.memref_slice %arg11[%dma_wait3A_63, %dma_wait3A_64] : memref<80x128xi32, #tpu.memory_space<vmem>> -> memref<1x128xi32, #tpu.memory_space<vmem>>
    %dma_wait3A_66 = tpu.memref_squeeze %dma_wait3A_65 : memref<1x128xi32, #tpu.memory_space<vmem>> -> memref<128xi32, #tpu.memory_space<vmem>>
    %dma_wait3A_67 = arith.constant 0 : i32
    %dma_wait3A_68 = arith.constant 0 : i32
    %dma_wait3A_69 = tpu.memref_slice %arg9[%dma_wait3A_67, %dma_wait3A_68] : memref<10000x16xf32, #tpu.memory_space<vmem_shared>> -> memref<10000x16xf32, #tpu.memory_space<vmem_shared>>
    tpu.wait_indirect_dma semaphore(%arg26 : memref<!tpu.dma_semaphore, #tpu.memory_space<semaphore_mem>>) src(%arg18 : memref<128x16xf32, #tpu.memory_space<vmem>>) dst(%dma_wait3A_69 : memref<10000x16xf32, #tpu.memory_space<vmem_shared>>)
    %dma_wait3A_70 = arith.constant 78 : i32
    %dma_wait3A_71 = arith.constant 0 : i32
    %dma_wait3A_72 = tpu.memref_slice %arg11[%dma_wait3A_70, %dma_wait3A_71] : memref<80x128xi32, #tpu.memory_space<vmem>> -> memref<1x128xi32, #tpu.memory_space<vmem>>
    %dma_wait3A_73 = tpu.memref_squeeze %dma_wait3A_72 : memref<1x128xi32, #tpu.memory_space<vmem>> -> memref<128xi32, #tpu.memory_space<vmem>>
    %dma_wait3A_74 = arith.constant 0 : i32
    %dma_wait3A_75 = arith.constant 0 : i32
    %dma_wait3A_76 = tpu.memref_slice %arg9[%dma_wait3A_74, %dma_wait3A_75] : memref<10000x16xf32, #tpu.memory_space<vmem_shared>> -> memref<10000x16xf32, #tpu.memory_space<vmem_shared>>
    tpu.wait_indirect_dma semaphore(%arg27 : memref<!tpu.dma_semaphore, #tpu.memory_space<semaphore_mem>>) src(%arg19 : memref<128x16xf32, #tpu.memory_space<vmem>>) dst(%dma_wait3A_76 : memref<10000x16xf32, #tpu.memory_space<vmem_shared>>)
    %dma_wait3A_77 = arith.constant 79 : i32
    %dma_wait3A_78 = arith.constant 0 : i32
    %dma_wait3A_79 = tpu.memref_slice %arg11[%dma_wait3A_77, %dma_wait3A_78] : memref<80x128xi32, #tpu.memory_space<vmem>> -> memref<1x128xi32, #tpu.memory_space<vmem>>
    %dma_wait3A_80 = tpu.memref_squeeze %dma_wait3A_79 : memref<1x128xi32, #tpu.memory_space<vmem>> -> memref<128xi32, #tpu.memory_space<vmem>>
    %dma_wait3A_81 = arith.constant 0 : i32
    %dma_wait3A_82 = arith.constant 0 : i32
    %dma_wait3A_83 = tpu.memref_slice %arg9[%dma_wait3A_81, %dma_wait3A_82] : memref<10000x16xf32, #tpu.memory_space<vmem_shared>> -> memref<10000x16xf32, #tpu.memory_space<vmem_shared>>
    tpu.wait_indirect_dma semaphore(%arg28 : memref<!tpu.dma_semaphore, #tpu.memory_space<semaphore_mem>>) src(%arg20 : memref<128x16xf32, #tpu.memory_space<vmem>>) dst(%dma_wait3A_83 : memref<10000x16xf32, #tpu.memory_space<vmem_shared>>)
    %scan3A_84 = arith.constant 0 : i32
    %scan3A_85 = arith.constant 0 : i32
    %scan3A_86 = arith.constant 80 : i32
    %scan3A_87 = arith.addi %scan3A_85, %scan3A_86 : i32
    %scan3A_88 = arith.constant 1 : i32
    scf.for %scan3A_124 = %scan3A_85 to %scan3A_87 step %scan3A_88  : i32 {
      %dma_wait3A_125 = arith.constant 0 : i32
      %dma_wait3A_126 = tpu.memref_slice %arg12[%scan3A_124, %dma_wait3A_125] : memref<80x128xf32, #tpu.memory_space<vmem>> -> memref<1x128xf32, #tpu.memory_space<vmem>>
      %dma_wait3A_127 = tpu.memref_squeeze %dma_wait3A_126 : memref<1x128xf32, #tpu.memory_space<vmem>> -> memref<128xf32, #tpu.memory_space<vmem>>
      %dma_wait3A_128 = arith.constant 0 : i32
      %dma_wait3A_129 = tpu.memref_slice %arg11[%scan3A_124, %dma_wait3A_128] : memref<80x128xi32, #tpu.memory_space<vmem>> -> memref<1x128xi32, #tpu.memory_space<vmem>>
      %dma_wait3A_130 = tpu.memref_squeeze %dma_wait3A_129 : memref<1x128xi32, #tpu.memory_space<vmem>> -> memref<128xi32, #tpu.memory_space<vmem>>
      %dma_wait3A_131 = arith.constant 0 : i32
      %dma_wait3A_132 = tpu.memref_slice %arg29[%dma_wait3A_131] : memref<10000xf32, #tpu.memory_space<vmem_shared>> -> memref<10000xf32, #tpu.memory_space<vmem_shared>>
      tpu.wait_indirect_dma semaphore(%arg31 : memref<!tpu.dma_semaphore, #tpu.memory_space<semaphore_mem>>) src(%dma_wait3A_127 : memref<128xf32, #tpu.memory_space<vmem>>) dst(%dma_wait3A_132 : memref<10000xf32, #tpu.memory_space<vmem_shared>>)
    }
    %scan3A_89 = arith.constant 80 : i32
    %barrier3A_90 = arith.constant 0 : index
    tpu.barrier barrier_id(%barrier3A_90)
    %mul3A_91 = arith.constant 624 : i32
    %mul3A_92 = arith.muli %arg1, %mul3A_91 : i32
    %add3A_93 = arith.constant 0 : i32
    %add3A_94 = arith.addi %add3A_93, %mul3A_92 : i32
    %mul3A_95 = arith.constant 1 : i32
    %mul3A_96 = arith.muli %arg0, %mul3A_95 : i32
    %add3A_97 = arith.constant 0 : i32
    %add3A_98 = arith.addi %mul3A_96, %add3A_97 : i32
    %mul3A_99 = arith.constant 624 : i32
    %mul3A_100 = arith.muli %arg1, %mul3A_99 : i32
    "tpu.region"() ({
      %run_scoped3A = tpu.sem_alloc : memref<!tpu.dma_semaphore, #tpu.memory_space<semaphore_mem>>
      %dma_start3A_124 = arith.constant 0 : i32
      %dma_start3A_125 = tpu.memref_slice %arg7[%add3A_98, %mul3A_100, %dma_start3A_124] : memref<2x10000x16xf32, #tpu.memory_space<hbm>> -> memref<1x624x16xf32, #tpu.memory_space<hbm>>
      %dma_start3A_126 = tpu.memref_squeeze %dma_start3A_125 : memref<1x624x16xf32, #tpu.memory_space<hbm>> -> memref<624x16xf32, #tpu.memory_space<hbm>>
      %dma_start3A_127 = arith.constant 0 : i32
      %dma_start3A_128 = tpu.memref_slice %arg9[%add3A_94, %dma_start3A_127] : memref<10000x16xf32, #tpu.memory_space<vmem_shared>> -> memref<624x16xf32, #tpu.memory_space<vmem_shared>>
      tpu.enqueue_dma source(%dma_start3A_128 : memref<624x16xf32, #tpu.memory_space<vmem_shared>>) target(%dma_start3A_126 : memref<624x16xf32, #tpu.memory_space<hbm>>) target_semaphore(%run_scoped3A : memref<!tpu.dma_semaphore, #tpu.memory_space<semaphore_mem>>)
      %dma_wait3A_129 = arith.constant 0 : i32
      %dma_wait3A_130 = tpu.memref_slice %arg7[%add3A_98, %mul3A_100, %dma_wait3A_129] : memref<2x10000x16xf32, #tpu.memory_space<hbm>> -> memref<1x624x16xf32, #tpu.memory_space<hbm>>
      %dma_wait3A_131 = tpu.memref_squeeze %dma_wait3A_130 : memref<1x624x16xf32, #tpu.memory_space<hbm>> -> memref<624x16xf32, #tpu.memory_space<hbm>>
      %dma_wait3A_132 = arith.constant 0 : i32
      %dma_wait3A_133 = tpu.memref_slice %arg9[%add3A_94, %dma_wait3A_132] : memref<10000x16xf32, #tpu.memory_space<vmem_shared>> -> memref<624x16xf32, #tpu.memory_space<vmem_shared>>
      tpu.wait_dma2 semaphore(%run_scoped3A : memref<!tpu.dma_semaphore, #tpu.memory_space<semaphore_mem>>) src(%dma_wait3A_133 : memref<624x16xf32, #tpu.memory_space<vmem_shared>>) dst(%dma_wait3A_131 : memref<624x16xf32, #tpu.memory_space<hbm>>)
      tpu.yield
    }) : () -> ()
    %eq3A_101 = arith.constant 0 : i32
    %eq3A_102 = arith.cmpi eq, %arg1, %eq3A_101 : i32
    %convert_element_type3A_103 = arith.extui %eq3A_102 : i1 to i32
    %cond3A_104 = arith.constant 0 : i32
    %cond3A_105 = arith.cmpi ne, %convert_element_type3A_103, %cond3A_104 : i32
    scf.if %cond3A_105 {
      %mul3A_124 = arith.constant 1 : i32
      %mul3A_125 = arith.muli %arg0, %mul3A_124 : i32
      %add3A_126 = arith.constant 0 : i32
      %add3A_127 = arith.addi %mul3A_125, %add3A_126 : i32
      "tpu.region"() ({
        %run_scoped3A = tpu.sem_alloc : memref<!tpu.dma_semaphore, #tpu.memory_space<semaphore_mem>>
        %dma_start3A_128 = arith.constant 9984 : i32
        %dma_start3A_129 = arith.constant 0 : i32
        %dma_start3A_130 = tpu.memref_slice %arg7[%add3A_127, %dma_start3A_128, %dma_start3A_129] : memref<2x10000x16xf32, #tpu.memory_space<hbm>> -> memref<1x16x16xf32, #tpu.memory_space<hbm>>
        %dma_start3A_131 = tpu.memref_squeeze %dma_start3A_130 : memref<1x16x16xf32, #tpu.memory_space<hbm>> -> memref<16x16xf32, #tpu.memory_space<hbm>>
        %dma_start3A_132 = arith.constant 9984 : i32
        %dma_start3A_133 = arith.constant 0 : i32
        %dma_start3A_134 = tpu.memref_slice %arg9[%dma_start3A_132, %dma_start3A_133] : memref<10000x16xf32, #tpu.memory_space<vmem_shared>> -> memref<16x16xf32, #tpu.memory_space<vmem_shared>>
        tpu.enqueue_dma source(%dma_start3A_134 : memref<16x16xf32, #tpu.memory_space<vmem_shared>>) target(%dma_start3A_131 : memref<16x16xf32, #tpu.memory_space<hbm>>) target_semaphore(%run_scoped3A : memref<!tpu.dma_semaphore, #tpu.memory_space<semaphore_mem>>)
        %dma_wait3A_135 = arith.constant 9984 : i32
        %dma_wait3A_136 = arith.constant 0 : i32
        %dma_wait3A_137 = tpu.memref_slice %arg7[%add3A_127, %dma_wait3A_135, %dma_wait3A_136] : memref<2x10000x16xf32, #tpu.memory_space<hbm>> -> memref<1x16x16xf32, #tpu.memory_space<hbm>>
        %dma_wait3A_138 = tpu.memref_squeeze %dma_wait3A_137 : memref<1x16x16xf32, #tpu.memory_space<hbm>> -> memref<16x16xf32, #tpu.memory_space<hbm>>
        %dma_wait3A_139 = arith.constant 9984 : i32
        %dma_wait3A_140 = arith.constant 0 : i32
        %dma_wait3A_141 = tpu.memref_slice %arg9[%dma_wait3A_139, %dma_wait3A_140] : memref<10000x16xf32, #tpu.memory_space<vmem_shared>> -> memref<16x16xf32, #tpu.memory_space<vmem_shared>>
        tpu.wait_dma2 semaphore(%run_scoped3A : memref<!tpu.dma_semaphore, #tpu.memory_space<semaphore_mem>>) src(%dma_wait3A_141 : memref<16x16xf32, #tpu.memory_space<vmem_shared>>) dst(%dma_wait3A_138 : memref<16x16xf32, #tpu.memory_space<hbm>>)
        tpu.yield
      }) : () -> ()
    } else {
    }
    %mul3A_106 = arith.constant 1 : i32
    %mul3A_107 = arith.muli %arg0, %mul3A_106 : i32
    %add3A_108 = arith.constant 0 : i32
    %add3A_109 = arith.addi %mul3A_107, %add3A_108 : i32
    %mul3A_110 = arith.constant 10000 : i32
    %mul3A_111 = arith.muli %add3A_109, %mul3A_110 : i32
    %mul3A_112 = arith.constant 624 : i32
    %mul3A_113 = arith.muli %arg1, %mul3A_112 : i32
    %add3A_114 = arith.constant 0 : i32
    %add3A_115 = arith.addi %add3A_114, %mul3A_113 : i32
    "tpu.region"() ({
      %run_scoped3A = tpu.sem_alloc : memref<!tpu.dma_semaphore, #tpu.memory_space<semaphore_mem>>
      %dma_start3A_124 = tpu.memref_slice %arg29[%add3A_115] : memref<10000xf32, #tpu.memory_space<vmem_shared>> -> memref<624xf32, #tpu.memory_space<vmem_shared>>
      %dma_start3A_125 = tpu.memref_slice %arg29[%add3A_115] : memref<10000xf32, #tpu.memory_space<vmem_shared>> -> memref<624xf32, #tpu.memory_space<vmem_shared>>
      tpu.enqueue_dma source(%dma_start3A_125 : memref<624xf32, #tpu.memory_space<vmem_shared>>) target(%arg30 : memref<624xf32, #tpu.memory_space<vmem>>) target_semaphore(%run_scoped3A : memref<!tpu.dma_semaphore, #tpu.memory_space<semaphore_mem>>)
      %dma_wait3A_126 = tpu.memref_slice %arg29[%add3A_115] : memref<10000xf32, #tpu.memory_space<vmem_shared>> -> memref<624xf32, #tpu.memory_space<vmem_shared>>
      %dma_wait3A_127 = tpu.memref_slice %arg29[%add3A_115] : memref<10000xf32, #tpu.memory_space<vmem_shared>> -> memref<624xf32, #tpu.memory_space<vmem_shared>>
      tpu.wait_dma2 semaphore(%run_scoped3A : memref<!tpu.dma_semaphore, #tpu.memory_space<semaphore_mem>>) src(%dma_wait3A_127 : memref<624xf32, #tpu.memory_space<vmem_shared>>) dst(%arg30 : memref<624xf32, #tpu.memory_space<vmem>>)
      tpu.yield
    }) : () -> ()
    %mul3A_116 = arith.constant 624 : i32
    %mul3A_117 = arith.muli %arg1, %mul3A_116 : i32
    %add3A_118 = arith.addi %mul3A_111, %mul3A_117 : i32
    "tpu.region"() ({
      %run_scoped3A = tpu.sem_alloc : memref<!tpu.dma_semaphore, #tpu.memory_space<semaphore_mem>>
      %dma_start3A_124 = tpu.memref_slice %arg8[%add3A_118] : memref<20000xf32, #tpu.memory_space<hbm>> -> memref<624xf32, #tpu.memory_space<hbm>>
      %dma_start3A_125 = tpu.memref_slice %arg8[%add3A_118] : memref<20000xf32, #tpu.memory_space<hbm>> -> memref<624xf32, #tpu.memory_space<hbm>>
      tpu.enqueue_dma source(%arg30 : memref<624xf32, #tpu.memory_space<vmem>>) target(%dma_start3A_125 : memref<624xf32, #tpu.memory_space<hbm>>) target_semaphore(%run_scoped3A : memref<!tpu.dma_semaphore, #tpu.memory_space<semaphore_mem>>)
      %dma_wait3A_126 = tpu.memref_slice %arg8[%add3A_118] : memref<20000xf32, #tpu.memory_space<hbm>> -> memref<624xf32, #tpu.memory_space<hbm>>
      %dma_wait3A_127 = tpu.memref_slice %arg8[%add3A_118] : memref<20000xf32, #tpu.memory_space<hbm>> -> memref<624xf32, #tpu.memory_space<hbm>>
      tpu.wait_dma2 semaphore(%run_scoped3A : memref<!tpu.dma_semaphore, #tpu.memory_space<semaphore_mem>>) src(%arg30 : memref<624xf32, #tpu.memory_space<vmem>>) dst(%dma_wait3A_127 : memref<624xf32, #tpu.memory_space<hbm>>)
      tpu.yield
    }) : () -> ()
    %eq3A_119 = arith.constant 0 : i32
    %eq3A_120 = arith.cmpi eq, %arg1, %eq3A_119 : i32
    %convert_element_type3A_121 = arith.extui %eq3A_120 : i1 to i32
    %cond3A_122 = arith.constant 0 : i32
    %cond3A_123 = arith.cmpi ne, %convert_element_type3A_121, %cond3A_122 : i32
    scf.if %cond3A_123 {
      %mul3A_124 = arith.constant 1 : i32
      %mul3A_125 = arith.muli %arg0, %mul3A_124 : i32
      %add3A_126 = arith.constant 0 : i32
      %add3A_127 = arith.addi %mul3A_125, %add3A_126 : i32
      %mul3A_128 = arith.constant 10000 : i32
      %mul3A_129 = arith.muli %add3A_127, %mul3A_128 : i32
      "tpu.region"() ({
        %run_scoped3A = tpu.sem_alloc : memref<!tpu.dma_semaphore, #tpu.memory_space<semaphore_mem>>
        %dma_start3A_132 = arith.constant 0 : i32
        %dma_start3A_133 = tpu.memref_slice %arg30[%dma_start3A_132] : memref<624xf32, #tpu.memory_space<vmem>> -> memref<16xf32, #tpu.memory_space<vmem>>
        %dma_start3A_134 = arith.constant 9984 : i32
        %dma_start3A_135 = tpu.memref_slice %arg29[%dma_start3A_134] : memref<10000xf32, #tpu.memory_space<vmem_shared>> -> memref<16xf32, #tpu.memory_space<vmem_shared>>
        %dma_start3A_136 = arith.constant 0 : i32
        %dma_start3A_137 = tpu.memref_slice %arg30[%dma_start3A_136] : memref<624xf32, #tpu.memory_space<vmem>> -> memref<16xf32, #tpu.memory_space<vmem>>
        %dma_start3A_138 = arith.constant 9984 : i32
        %dma_start3A_139 = tpu.memref_slice %arg29[%dma_start3A_138] : memref<10000xf32, #tpu.memory_space<vmem_shared>> -> memref<16xf32, #tpu.memory_space<vmem_shared>>
        tpu.enqueue_dma source(%dma_start3A_139 : memref<16xf32, #tpu.memory_space<vmem_shared>>) target(%dma_start3A_137 : memref<16xf32, #tpu.memory_space<vmem>>) target_semaphore(%run_scoped3A : memref<!tpu.dma_semaphore, #tpu.memory_space<semaphore_mem>>)
        %dma_wait3A_140 = arith.constant 0 : i32
        %dma_wait3A_141 = tpu.memref_slice %arg30[%dma_wait3A_140] : memref<624xf32, #tpu.memory_space<vmem>> -> memref<16xf32, #tpu.memory_space<vmem>>
        %dma_wait3A_142 = arith.constant 9984 : i32
        %dma_wait3A_143 = tpu.memref_slice %arg29[%dma_wait3A_142] : memref<10000xf32, #tpu.memory_space<vmem_shared>> -> memref<16xf32, #tpu.memory_space<vmem_shared>>
        %dma_wait3A_144 = arith.constant 0 : i32
        %dma_wait3A_145 = tpu.memref_slice %arg30[%dma_wait3A_144] : memref<624xf32, #tpu.memory_space<vmem>> -> memref<16xf32, #tpu.memory_space<vmem>>
        %dma_wait3A_146 = arith.constant 9984 : i32
        %dma_wait3A_147 = tpu.memref_slice %arg29[%dma_wait3A_146] : memref<10000xf32, #tpu.memory_space<vmem_shared>> -> memref<16xf32, #tpu.memory_space<vmem_shared>>
        tpu.wait_dma2 semaphore(%run_scoped3A : memref<!tpu.dma_semaphore, #tpu.memory_space<semaphore_mem>>) src(%dma_wait3A_147 : memref<16xf32, #tpu.memory_space<vmem_shared>>) dst(%dma_wait3A_145 : memref<16xf32, #tpu.memory_space<vmem>>)
        tpu.yield
      }) : () -> ()
      %add3A_130 = arith.constant 9984 : i32
      %add3A_131 = arith.addi %mul3A_129, %add3A_130 : i32
      "tpu.region"() ({
        %run_scoped3A = tpu.sem_alloc : memref<!tpu.dma_semaphore, #tpu.memory_space<semaphore_mem>>
        %dma_start3A_132 = arith.constant 0 : i32
        %dma_start3A_133 = tpu.memref_slice %arg30[%dma_start3A_132] : memref<624xf32, #tpu.memory_space<vmem>> -> memref<16xf32, #tpu.memory_space<vmem>>
        %dma_start3A_134 = tpu.memref_slice %arg8[%add3A_131] : memref<20000xf32, #tpu.memory_space<hbm>> -> memref<16xf32, #tpu.memory_space<hbm>>
        %dma_start3A_135 = tpu.memref_slice %arg8[%add3A_131] : memref<20000xf32, #tpu.memory_space<hbm>> -> memref<16xf32, #tpu.memory_space<hbm>>
        %dma_start3A_136 = arith.constant 0 : i32
        %dma_start3A_137 = tpu.memref_slice %arg30[%dma_start3A_136] : memref<624xf32, #tpu.memory_space<vmem>> -> memref<16xf32, #tpu.memory_space<vmem>>
        tpu.enqueue_dma source(%dma_start3A_137 : memref<16xf32, #tpu.memory_space<vmem>>) target(%dma_start3A_135 : memref<16xf32, #tpu.memory_space<hbm>>) target_semaphore(%run_scoped3A : memref<!tpu.dma_semaphore, #tpu.memory_space<semaphore_mem>>)
        %dma_wait3A_138 = arith.constant 0 : i32
        %dma_wait3A_139 = tpu.memref_slice %arg30[%dma_wait3A_138] : memref<624xf32, #tpu.memory_space<vmem>> -> memref<16xf32, #tpu.memory_space<vmem>>
        %dma_wait3A_140 = tpu.memref_slice %arg8[%add3A_131] : memref<20000xf32, #tpu.memory_space<hbm>> -> memref<16xf32, #tpu.memory_space<hbm>>
        %dma_wait3A_141 = tpu.memref_slice %arg8[%add3A_131] : memref<20000xf32, #tpu.memory_space<hbm>> -> memref<16xf32, #tpu.memory_space<hbm>>
        %dma_wait3A_142 = arith.constant 0 : i32
        %dma_wait3A_143 = tpu.memref_slice %arg30[%dma_wait3A_142] : memref<624xf32, #tpu.memory_space<vmem>> -> memref<16xf32, #tpu.memory_space<vmem>>
        tpu.wait_dma2 semaphore(%run_scoped3A : memref<!tpu.dma_semaphore, #tpu.memory_space<semaphore_mem>>) src(%dma_wait3A_143 : memref<16xf32, #tpu.memory_space<vmem>>) dst(%dma_wait3A_141 : memref<16xf32, #tpu.memory_space<hbm>>)
        tpu.yield
      }) : () -> ()
    } else {
    }
    return
  }
}

#map = affine_map<(d0, d1) -> (0, 0)>
#map1 = affine_map<(d0, d1) -> (0, 0, 0)>
module attributes {stable_mosaic.version = 14 : i64} {
  func.func @spmm(%arg0: i32, %arg1: i32, %arg2: memref<10000x16xf32, #tpu.memory_space<hbm>>, %arg3: memref<32x80x128xi32, #tpu.memory_space<hbm>>, %arg4: memref<32x80x128xi32, #tpu.memory_space<hbm>>, %arg5: memref<32x80x128xf32, #tpu.memory_space<hbm>>, %arg6: memref<10000x16xf32, #tpu.memory_space<hbm>>, %arg7: memref<2x10000x16xf32, #tpu.memory_space<hbm>>, %arg8: memref<10000x16xf32, #tpu.memory_space<vmem_shared>>, %arg9: memref<80x128xi32, #tpu.memory_space<vmem>>, %arg10: memref<80x128xi32, #tpu.memory_space<vmem>>, %arg11: memref<80x128xf32, #tpu.memory_space<vmem>>, %arg12: memref<128x16xf32, #tpu.memory_space<vmem>>, %arg13: memref<128x16xf32, #tpu.memory_space<vmem>>, %arg14: memref<128x16xf32, #tpu.memory_space<vmem>>, %arg15: memref<128x16xf32, #tpu.memory_space<vmem>>, %arg16: memref<128x16xf32, #tpu.memory_space<vmem>>, %arg17: memref<128x16xf32, #tpu.memory_space<vmem>>, %arg18: memref<128x16xf32, #tpu.memory_space<vmem>>, %arg19: memref<128x16xf32, #tpu.memory_space<vmem>>, %arg20: memref<!tpu.dma_semaphore, #tpu.memory_space<semaphore_mem>>, %arg21: memref<!tpu.dma_semaphore, #tpu.memory_space<semaphore_mem>>, %arg22: memref<!tpu.dma_semaphore, #tpu.memory_space<semaphore_mem>>, %arg23: memref<!tpu.dma_semaphore, #tpu.memory_space<semaphore_mem>>, %arg24: memref<!tpu.dma_semaphore, #tpu.memory_space<semaphore_mem>>, %arg25: memref<!tpu.dma_semaphore, #tpu.memory_space<semaphore_mem>>, %arg26: memref<!tpu.dma_semaphore, #tpu.memory_space<semaphore_mem>>, %arg27: memref<!tpu.dma_semaphore, #tpu.memory_space<semaphore_mem>>) attributes {dimension_semantics = [#tpu.dimension_semantics<core_parallel>, #tpu.dimension_semantics<subcore_parallel>], iteration_bounds = array<i64: 2, 16>, scalar_prefetch = 0 : i64, scratch_operands = 20 : i64, tpu.core_type = #tpu.core_type<sc_vector_subcore>, window_params = [{transform_indices = #map}, {transform_indices = #map1}, {transform_indices = #map1}, {transform_indices = #map1}, {transform_indices = #map}, {transform_indices = #map1}]} {
    %mul3A = arith.constant 2 : i32
    %mul3A_0 = arith.muli %arg1, %mul3A : i32
    %add3A = arith.addi %mul3A_0, %arg0 : i32
    "tpu.region"() ({
      %run_scoped3A = tpu.sem_alloc : memref<!tpu.dma_semaphore, #tpu.memory_space<semaphore_mem>>
      %dma_start3A_84 = arith.constant 0 : i32
      %dma_start3A_85 = arith.constant 0 : i32
      %dma_start3A_86 = tpu.memref_slice %arg4[%add3A, %dma_start3A_84, %dma_start3A_85] : memref<32x80x128xi32, #tpu.memory_space<hbm>> -> memref<1x80x128xi32, #tpu.memory_space<hbm>>
      %dma_start3A_87 = tpu.memref_squeeze %dma_start3A_86 : memref<1x80x128xi32, #tpu.memory_space<hbm>> -> memref<80x128xi32, #tpu.memory_space<hbm>>
      %dma_start3A_88 = arith.constant 0 : i32
      %dma_start3A_89 = arith.constant 0 : i32
      %dma_start3A_90 = tpu.memref_slice %arg4[%add3A, %dma_start3A_88, %dma_start3A_89] : memref<32x80x128xi32, #tpu.memory_space<hbm>> -> memref<1x80x128xi32, #tpu.memory_space<hbm>>
      %dma_start3A_91 = tpu.memref_squeeze %dma_start3A_90 : memref<1x80x128xi32, #tpu.memory_space<hbm>> -> memref<80x128xi32, #tpu.memory_space<hbm>>
      tpu.enqueue_dma source(%dma_start3A_91 : memref<80x128xi32, #tpu.memory_space<hbm>>) target(%arg9 : memref<80x128xi32, #tpu.memory_space<vmem>>) target_semaphore(%run_scoped3A : memref<!tpu.dma_semaphore, #tpu.memory_space<semaphore_mem>>)
      %dma_wait3A_92 = arith.constant 0 : i32
      %dma_wait3A_93 = arith.constant 0 : i32
      %dma_wait3A_94 = tpu.memref_slice %arg4[%add3A, %dma_wait3A_92, %dma_wait3A_93] : memref<32x80x128xi32, #tpu.memory_space<hbm>> -> memref<1x80x128xi32, #tpu.memory_space<hbm>>
      %dma_wait3A_95 = tpu.memref_squeeze %dma_wait3A_94 : memref<1x80x128xi32, #tpu.memory_space<hbm>> -> memref<80x128xi32, #tpu.memory_space<hbm>>
      %dma_wait3A_96 = arith.constant 0 : i32
      %dma_wait3A_97 = arith.constant 0 : i32
      %dma_wait3A_98 = tpu.memref_slice %arg4[%add3A, %dma_wait3A_96, %dma_wait3A_97] : memref<32x80x128xi32, #tpu.memory_space<hbm>> -> memref<1x80x128xi32, #tpu.memory_space<hbm>>
      %dma_wait3A_99 = tpu.memref_squeeze %dma_wait3A_98 : memref<1x80x128xi32, #tpu.memory_space<hbm>> -> memref<80x128xi32, #tpu.memory_space<hbm>>
      tpu.wait_dma2 semaphore(%run_scoped3A : memref<!tpu.dma_semaphore, #tpu.memory_space<semaphore_mem>>) src(%dma_wait3A_99 : memref<80x128xi32, #tpu.memory_space<hbm>>) dst(%arg9 : memref<80x128xi32, #tpu.memory_space<vmem>>)
      tpu.yield
    }) : () -> ()
    "tpu.region"() ({
      %run_scoped3A = tpu.sem_alloc : memref<!tpu.dma_semaphore, #tpu.memory_space<semaphore_mem>>
      %dma_start3A_84 = arith.constant 0 : i32
      %dma_start3A_85 = arith.constant 0 : i32
      %dma_start3A_86 = tpu.memref_slice %arg3[%add3A, %dma_start3A_84, %dma_start3A_85] : memref<32x80x128xi32, #tpu.memory_space<hbm>> -> memref<1x80x128xi32, #tpu.memory_space<hbm>>
      %dma_start3A_87 = tpu.memref_squeeze %dma_start3A_86 : memref<1x80x128xi32, #tpu.memory_space<hbm>> -> memref<80x128xi32, #tpu.memory_space<hbm>>
      %dma_start3A_88 = arith.constant 0 : i32
      %dma_start3A_89 = arith.constant 0 : i32
      %dma_start3A_90 = tpu.memref_slice %arg3[%add3A, %dma_start3A_88, %dma_start3A_89] : memref<32x80x128xi32, #tpu.memory_space<hbm>> -> memref<1x80x128xi32, #tpu.memory_space<hbm>>
      %dma_start3A_91 = tpu.memref_squeeze %dma_start3A_90 : memref<1x80x128xi32, #tpu.memory_space<hbm>> -> memref<80x128xi32, #tpu.memory_space<hbm>>
      tpu.enqueue_dma source(%dma_start3A_91 : memref<80x128xi32, #tpu.memory_space<hbm>>) target(%arg10 : memref<80x128xi32, #tpu.memory_space<vmem>>) target_semaphore(%run_scoped3A : memref<!tpu.dma_semaphore, #tpu.memory_space<semaphore_mem>>)
      %dma_wait3A_92 = arith.constant 0 : i32
      %dma_wait3A_93 = arith.constant 0 : i32
      %dma_wait3A_94 = tpu.memref_slice %arg3[%add3A, %dma_wait3A_92, %dma_wait3A_93] : memref<32x80x128xi32, #tpu.memory_space<hbm>> -> memref<1x80x128xi32, #tpu.memory_space<hbm>>
      %dma_wait3A_95 = tpu.memref_squeeze %dma_wait3A_94 : memref<1x80x128xi32, #tpu.memory_space<hbm>> -> memref<80x128xi32, #tpu.memory_space<hbm>>
      %dma_wait3A_96 = arith.constant 0 : i32
      %dma_wait3A_97 = arith.constant 0 : i32
      %dma_wait3A_98 = tpu.memref_slice %arg3[%add3A, %dma_wait3A_96, %dma_wait3A_97] : memref<32x80x128xi32, #tpu.memory_space<hbm>> -> memref<1x80x128xi32, #tpu.memory_space<hbm>>
      %dma_wait3A_99 = tpu.memref_squeeze %dma_wait3A_98 : memref<1x80x128xi32, #tpu.memory_space<hbm>> -> memref<80x128xi32, #tpu.memory_space<hbm>>
      tpu.wait_dma2 semaphore(%run_scoped3A : memref<!tpu.dma_semaphore, #tpu.memory_space<semaphore_mem>>) src(%dma_wait3A_99 : memref<80x128xi32, #tpu.memory_space<hbm>>) dst(%arg10 : memref<80x128xi32, #tpu.memory_space<vmem>>)
      tpu.yield
    }) : () -> ()
    "tpu.region"() ({
      %run_scoped3A = tpu.sem_alloc : memref<!tpu.dma_semaphore, #tpu.memory_space<semaphore_mem>>
      %dma_start3A_84 = arith.constant 0 : i32
      %dma_start3A_85 = arith.constant 0 : i32
      %dma_start3A_86 = tpu.memref_slice %arg5[%add3A, %dma_start3A_84, %dma_start3A_85] : memref<32x80x128xf32, #tpu.memory_space<hbm>> -> memref<1x80x128xf32, #tpu.memory_space<hbm>>
      %dma_start3A_87 = tpu.memref_squeeze %dma_start3A_86 : memref<1x80x128xf32, #tpu.memory_space<hbm>> -> memref<80x128xf32, #tpu.memory_space<hbm>>
      %dma_start3A_88 = arith.constant 0 : i32
      %dma_start3A_89 = arith.constant 0 : i32
      %dma_start3A_90 = tpu.memref_slice %arg5[%add3A, %dma_start3A_88, %dma_start3A_89] : memref<32x80x128xf32, #tpu.memory_space<hbm>> -> memref<1x80x128xf32, #tpu.memory_space<hbm>>
      %dma_start3A_91 = tpu.memref_squeeze %dma_start3A_90 : memref<1x80x128xf32, #tpu.memory_space<hbm>> -> memref<80x128xf32, #tpu.memory_space<hbm>>
      tpu.enqueue_dma source(%dma_start3A_91 : memref<80x128xf32, #tpu.memory_space<hbm>>) target(%arg11 : memref<80x128xf32, #tpu.memory_space<vmem>>) target_semaphore(%run_scoped3A : memref<!tpu.dma_semaphore, #tpu.memory_space<semaphore_mem>>)
      %dma_wait3A_92 = arith.constant 0 : i32
      %dma_wait3A_93 = arith.constant 0 : i32
      %dma_wait3A_94 = tpu.memref_slice %arg5[%add3A, %dma_wait3A_92, %dma_wait3A_93] : memref<32x80x128xf32, #tpu.memory_space<hbm>> -> memref<1x80x128xf32, #tpu.memory_space<hbm>>
      %dma_wait3A_95 = tpu.memref_squeeze %dma_wait3A_94 : memref<1x80x128xf32, #tpu.memory_space<hbm>> -> memref<80x128xf32, #tpu.memory_space<hbm>>
      %dma_wait3A_96 = arith.constant 0 : i32
      %dma_wait3A_97 = arith.constant 0 : i32
      %dma_wait3A_98 = tpu.memref_slice %arg5[%add3A, %dma_wait3A_96, %dma_wait3A_97] : memref<32x80x128xf32, #tpu.memory_space<hbm>> -> memref<1x80x128xf32, #tpu.memory_space<hbm>>
      %dma_wait3A_99 = tpu.memref_squeeze %dma_wait3A_98 : memref<1x80x128xf32, #tpu.memory_space<hbm>> -> memref<80x128xf32, #tpu.memory_space<hbm>>
      tpu.wait_dma2 semaphore(%run_scoped3A : memref<!tpu.dma_semaphore, #tpu.memory_space<semaphore_mem>>) src(%dma_wait3A_99 : memref<80x128xf32, #tpu.memory_space<hbm>>) dst(%arg11 : memref<80x128xf32, #tpu.memory_space<vmem>>)
      tpu.yield
    }) : () -> ()
    %mul3A_1 = arith.constant 624 : i32
    %mul3A_2 = arith.muli %arg1, %mul3A_1 : i32
    %mul3A_3 = arith.constant 624 : i32
    %mul3A_4 = arith.muli %arg1, %mul3A_3 : i32
    %add3A_5 = arith.constant 0 : i32
    %add3A_6 = arith.addi %add3A_5, %mul3A_4 : i32
    "tpu.region"() ({
      %run_scoped3A = tpu.sem_alloc : memref<!tpu.dma_semaphore, #tpu.memory_space<semaphore_mem>>
      %dma_start3A_84 = arith.constant 0 : i32
      %dma_start3A_85 = tpu.memref_slice %arg8[%add3A_6, %dma_start3A_84] : memref<10000x16xf32, #tpu.memory_space<vmem_shared>> -> memref<624x16xf32, #tpu.memory_space<vmem_shared>>
      %dma_start3A_86 = arith.constant 0 : i32
      %dma_start3A_87 = tpu.memref_slice %arg6[%mul3A_2, %dma_start3A_86] : memref<10000x16xf32, #tpu.memory_space<hbm>> -> memref<624x16xf32, #tpu.memory_space<hbm>>
      tpu.enqueue_dma source(%dma_start3A_87 : memref<624x16xf32, #tpu.memory_space<hbm>>) target(%dma_start3A_85 : memref<624x16xf32, #tpu.memory_space<vmem_shared>>) target_semaphore(%run_scoped3A : memref<!tpu.dma_semaphore, #tpu.memory_space<semaphore_mem>>)
      %dma_wait3A_88 = arith.constant 0 : i32
      %dma_wait3A_89 = tpu.memref_slice %arg8[%add3A_6, %dma_wait3A_88] : memref<10000x16xf32, #tpu.memory_space<vmem_shared>> -> memref<624x16xf32, #tpu.memory_space<vmem_shared>>
      %dma_wait3A_90 = arith.constant 0 : i32
      %dma_wait3A_91 = tpu.memref_slice %arg6[%mul3A_2, %dma_wait3A_90] : memref<10000x16xf32, #tpu.memory_space<hbm>> -> memref<624x16xf32, #tpu.memory_space<hbm>>
      tpu.wait_dma2 semaphore(%run_scoped3A : memref<!tpu.dma_semaphore, #tpu.memory_space<semaphore_mem>>) src(%dma_wait3A_91 : memref<624x16xf32, #tpu.memory_space<hbm>>) dst(%dma_wait3A_89 : memref<624x16xf32, #tpu.memory_space<vmem_shared>>)
      tpu.yield
    }) : () -> ()
    %eq3A = arith.constant 0 : i32
    %eq3A_7 = arith.cmpi eq, %arg1, %eq3A : i32
    %convert_element_type3A = arith.extui %eq3A_7 : i1 to i32
    %cond3A = arith.constant 0 : i32
    %cond3A_8 = arith.cmpi ne, %convert_element_type3A, %cond3A : i32
    scf.if %cond3A_8 {
      "tpu.region"() ({
        %run_scoped3A = tpu.sem_alloc : memref<!tpu.dma_semaphore, #tpu.memory_space<semaphore_mem>>
        %dma_start3A_84 = arith.constant 9984 : i32
        %dma_start3A_85 = arith.constant 0 : i32
        %dma_start3A_86 = tpu.memref_slice %arg8[%dma_start3A_84, %dma_start3A_85] : memref<10000x16xf32, #tpu.memory_space<vmem_shared>> -> memref<16x16xf32, #tpu.memory_space<vmem_shared>>
        %dma_start3A_87 = arith.constant 9984 : i32
        %dma_start3A_88 = arith.constant 0 : i32
        %dma_start3A_89 = tpu.memref_slice %arg6[%dma_start3A_87, %dma_start3A_88] : memref<10000x16xf32, #tpu.memory_space<hbm>> -> memref<16x16xf32, #tpu.memory_space<hbm>>
        tpu.enqueue_dma source(%dma_start3A_89 : memref<16x16xf32, #tpu.memory_space<hbm>>) target(%dma_start3A_86 : memref<16x16xf32, #tpu.memory_space<vmem_shared>>) target_semaphore(%run_scoped3A : memref<!tpu.dma_semaphore, #tpu.memory_space<semaphore_mem>>)
        %dma_wait3A_90 = arith.constant 9984 : i32
        %dma_wait3A_91 = arith.constant 0 : i32
        %dma_wait3A_92 = tpu.memref_slice %arg8[%dma_wait3A_90, %dma_wait3A_91] : memref<10000x16xf32, #tpu.memory_space<vmem_shared>> -> memref<16x16xf32, #tpu.memory_space<vmem_shared>>
        %dma_wait3A_93 = arith.constant 9984 : i32
        %dma_wait3A_94 = arith.constant 0 : i32
        %dma_wait3A_95 = tpu.memref_slice %arg6[%dma_wait3A_93, %dma_wait3A_94] : memref<10000x16xf32, #tpu.memory_space<hbm>> -> memref<16x16xf32, #tpu.memory_space<hbm>>
        tpu.wait_dma2 semaphore(%run_scoped3A : memref<!tpu.dma_semaphore, #tpu.memory_space<semaphore_mem>>) src(%dma_wait3A_95 : memref<16x16xf32, #tpu.memory_space<hbm>>) dst(%dma_wait3A_92 : memref<16x16xf32, #tpu.memory_space<vmem_shared>>)
        tpu.yield
      }) : () -> ()
    } else {
    }
    %dma_start3A = arith.constant 0 : i32
    %dma_start3A_9 = arith.constant 0 : i32
    %dma_start3A_10 = tpu.memref_slice %arg9[%dma_start3A, %dma_start3A_9] : memref<80x128xi32, #tpu.memory_space<vmem>> -> memref<1x128xi32, #tpu.memory_space<vmem>>
    %dma_start3A_11 = tpu.memref_squeeze %dma_start3A_10 : memref<1x128xi32, #tpu.memory_space<vmem>> -> memref<128xi32, #tpu.memory_space<vmem>>
    %dma_start3A_12 = arith.constant 0 : i32
    %dma_start3A_13 = arith.constant 0 : i32
    %dma_start3A_14 = tpu.memref_slice %arg2[%dma_start3A_12, %dma_start3A_13] : memref<10000x16xf32, #tpu.memory_space<hbm>> -> memref<10000x16xf32, #tpu.memory_space<hbm>>
    tpu.enqueue_indirect_dma source(%dma_start3A_14 : memref<10000x16xf32, #tpu.memory_space<hbm>>) target(%arg12 : memref<128x16xf32, #tpu.memory_space<vmem>>) offsets(%dma_start3A_11 : memref<128xi32, #tpu.memory_space<vmem>>) semaphore(%arg20 : memref<!tpu.dma_semaphore, #tpu.memory_space<semaphore_mem>>)
    %dma_start3A_15 = arith.constant 1 : i32
    %dma_start3A_16 = arith.constant 0 : i32
    %dma_start3A_17 = tpu.memref_slice %arg9[%dma_start3A_15, %dma_start3A_16] : memref<80x128xi32, #tpu.memory_space<vmem>> -> memref<1x128xi32, #tpu.memory_space<vmem>>
    %dma_start3A_18 = tpu.memref_squeeze %dma_start3A_17 : memref<1x128xi32, #tpu.memory_space<vmem>> -> memref<128xi32, #tpu.memory_space<vmem>>
    %dma_start3A_19 = arith.constant 0 : i32
    %dma_start3A_20 = arith.constant 0 : i32
    %dma_start3A_21 = tpu.memref_slice %arg2[%dma_start3A_19, %dma_start3A_20] : memref<10000x16xf32, #tpu.memory_space<hbm>> -> memref<10000x16xf32, #tpu.memory_space<hbm>>
    tpu.enqueue_indirect_dma source(%dma_start3A_21 : memref<10000x16xf32, #tpu.memory_space<hbm>>) target(%arg13 : memref<128x16xf32, #tpu.memory_space<vmem>>) offsets(%dma_start3A_18 : memref<128xi32, #tpu.memory_space<vmem>>) semaphore(%arg21 : memref<!tpu.dma_semaphore, #tpu.memory_space<semaphore_mem>>)
    %dma_start3A_22 = arith.constant 2 : i32
    %dma_start3A_23 = arith.constant 0 : i32
    %dma_start3A_24 = tpu.memref_slice %arg9[%dma_start3A_22, %dma_start3A_23] : memref<80x128xi32, #tpu.memory_space<vmem>> -> memref<1x128xi32, #tpu.memory_space<vmem>>
    %dma_start3A_25 = tpu.memref_squeeze %dma_start3A_24 : memref<1x128xi32, #tpu.memory_space<vmem>> -> memref<128xi32, #tpu.memory_space<vmem>>
    %dma_start3A_26 = arith.constant 0 : i32
    %dma_start3A_27 = arith.constant 0 : i32
    %dma_start3A_28 = tpu.memref_slice %arg2[%dma_start3A_26, %dma_start3A_27] : memref<10000x16xf32, #tpu.memory_space<hbm>> -> memref<10000x16xf32, #tpu.memory_space<hbm>>
    tpu.enqueue_indirect_dma source(%dma_start3A_28 : memref<10000x16xf32, #tpu.memory_space<hbm>>) target(%arg14 : memref<128x16xf32, #tpu.memory_space<vmem>>) offsets(%dma_start3A_25 : memref<128xi32, #tpu.memory_space<vmem>>) semaphore(%arg22 : memref<!tpu.dma_semaphore, #tpu.memory_space<semaphore_mem>>)
    %dma_start3A_29 = arith.constant 3 : i32
    %dma_start3A_30 = arith.constant 0 : i32
    %dma_start3A_31 = tpu.memref_slice %arg9[%dma_start3A_29, %dma_start3A_30] : memref<80x128xi32, #tpu.memory_space<vmem>> -> memref<1x128xi32, #tpu.memory_space<vmem>>
    %dma_start3A_32 = tpu.memref_squeeze %dma_start3A_31 : memref<1x128xi32, #tpu.memory_space<vmem>> -> memref<128xi32, #tpu.memory_space<vmem>>
    %dma_start3A_33 = arith.constant 0 : i32
    %dma_start3A_34 = arith.constant 0 : i32
    %dma_start3A_35 = tpu.memref_slice %arg2[%dma_start3A_33, %dma_start3A_34] : memref<10000x16xf32, #tpu.memory_space<hbm>> -> memref<10000x16xf32, #tpu.memory_space<hbm>>
    tpu.enqueue_indirect_dma source(%dma_start3A_35 : memref<10000x16xf32, #tpu.memory_space<hbm>>) target(%arg15 : memref<128x16xf32, #tpu.memory_space<vmem>>) offsets(%dma_start3A_32 : memref<128xi32, #tpu.memory_space<vmem>>) semaphore(%arg23 : memref<!tpu.dma_semaphore, #tpu.memory_space<semaphore_mem>>)
    %barrier3A = arith.constant 0 : index
    tpu.barrier barrier_id(%barrier3A)
    %scan3A = arith.constant 0 : i32
    %scan3A_36 = arith.constant 0 : i32
    %scan3A_37 = arith.constant 20 : i32
    %scan3A_38 = arith.addi %scan3A_36, %scan3A_37 : i32
    %scan3A_39 = arith.constant 1 : i32
    scf.for %scan3A_84 = %scan3A_36 to %scan3A_38 step %scan3A_39  : i32 {
      %mul3A_85 = arith.constant 4 : i32
      %mul3A_86 = arith.muli %scan3A_84, %mul3A_85 : i32
      %add3A_87 = arith.constant 0 : i32
      %add3A_88 = arith.addi %mul3A_86, %add3A_87 : i32
      %dma_wait3A_89 = arith.constant 0 : i32
      %dma_wait3A_90 = tpu.memref_slice %arg9[%add3A_88, %dma_wait3A_89] : memref<80x128xi32, #tpu.memory_space<vmem>> -> memref<1x128xi32, #tpu.memory_space<vmem>>
      %dma_wait3A_91 = tpu.memref_squeeze %dma_wait3A_90 : memref<1x128xi32, #tpu.memory_space<vmem>> -> memref<128xi32, #tpu.memory_space<vmem>>
      %dma_wait3A_92 = arith.constant 0 : i32
      %dma_wait3A_93 = arith.constant 0 : i32
      %dma_wait3A_94 = tpu.memref_slice %arg2[%dma_wait3A_92, %dma_wait3A_93] : memref<10000x16xf32, #tpu.memory_space<hbm>> -> memref<10000x16xf32, #tpu.memory_space<hbm>>
      tpu.wait_indirect_dma semaphore(%arg20 : memref<!tpu.dma_semaphore, #tpu.memory_space<semaphore_mem>>) src(%dma_wait3A_94 : memref<10000x16xf32, #tpu.memory_space<hbm>>) dst(%arg12 : memref<128x16xf32, #tpu.memory_space<vmem>>)
      %ge3A = arith.constant 4 : i32
      %ge3A_95 = arith.cmpi sge, %add3A_88, %ge3A : i32
      %convert_element_type3A_96 = arith.extui %ge3A_95 : i1 to i32
      %cond3A_97 = arith.constant 0 : i32
      %cond3A_98 = arith.cmpi ne, %convert_element_type3A_96, %cond3A_97 : i32
      scf.if %cond3A_98 {
        %sub3A = arith.constant 4 : i32
        %sub3A_219 = arith.subi %add3A_88, %sub3A : i32
        %dma_wait3A_220 = arith.constant 0 : i32
        %dma_wait3A_221 = tpu.memref_slice %arg10[%sub3A_219, %dma_wait3A_220] : memref<80x128xi32, #tpu.memory_space<vmem>> -> memref<1x128xi32, #tpu.memory_space<vmem>>
        %dma_wait3A_222 = tpu.memref_squeeze %dma_wait3A_221 : memref<1x128xi32, #tpu.memory_space<vmem>> -> memref<128xi32, #tpu.memory_space<vmem>>
        %dma_wait3A_223 = arith.constant 0 : i32
        %dma_wait3A_224 = arith.constant 0 : i32
        %dma_wait3A_225 = tpu.memref_slice %arg8[%dma_wait3A_223, %dma_wait3A_224] : memref<10000x16xf32, #tpu.memory_space<vmem_shared>> -> memref<10000x16xf32, #tpu.memory_space<vmem_shared>>
        tpu.wait_indirect_dma semaphore(%arg24 : memref<!tpu.dma_semaphore, #tpu.memory_space<semaphore_mem>>) src(%arg16 : memref<128x16xf32, #tpu.memory_space<vmem>>) dst(%dma_wait3A_225 : memref<10000x16xf32, #tpu.memory_space<vmem_shared>>)
      } else {
      }
      %scan3A_99 = arith.constant 0 : i32
      %scan3A_100 = arith.constant 0 : i32
      %scan3A_101 = arith.constant 8 : i32
      %scan3A_102 = arith.addi %scan3A_100, %scan3A_101 : i32
      %scan3A_103 = arith.constant 1 : i32
      scf.for %scan3A_219 = %scan3A_100 to %scan3A_102 step %scan3A_103  : i32 {
        %mul3A_220 = arith.constant 16 : i32
        %mul3A_221 = arith.muli %scan3A_219, %mul3A_220 : i32
        %get3A = arith.index_cast %add3A_88 : i32 to index
        %get3A_222 = arith.index_cast %mul3A_221 : i32 to index
        %get3A_223 = tpu.vector_load %arg11[%get3A, %get3A_222] {strides = array<i32>} : memref<80x128xf32, #tpu.memory_space<vmem>>, vector<1x16xf32>,
        %get3A_224 = vector.shape_cast %get3A_223 : vector<1x16xf32> to vector<16xf32>
        %mul3A_225 = arith.constant 16 : i32
        %mul3A_226 = arith.muli %scan3A_219, %mul3A_225 : i32
        %add3A_227 = arith.constant 0 : i32
        %add3A_228 = arith.addi %mul3A_226, %add3A_227 : i32
        %get3A_229 = arith.index_cast %add3A_228 : i32 to index
        %get3A_230 = arith.constant 0 : index
        %get3A_231 = tpu.vector_load %arg12[%get3A_229, %get3A_230] {strides = array<i32>} : memref<128x16xf32, #tpu.memory_space<vmem>>, vector<1x16xf32>,
        %get3A_232 = vector.shape_cast %get3A_231 : vector<1x16xf32> to vector<16xf32>
        %slice3A = vector.extract_strided_slice %get3A_224 {offsets = [0], sizes = [1], strides = [1]} : vector<16xf32> to vector<1xf32>
        %squeeze3A = vector.extract %slice3A[0] : f32 from vector<1xf32>
        %mul3A_233 = vector.broadcast %squeeze3A : f32 to vector<16xf32>
        %mul3A_234 = arith.mulf %get3A_232, %mul3A_233 : vector<16xf32>
        %add3A_235 = arith.constant 0 : i32
        %add3A_236 = arith.addi %mul3A_226, %add3A_235 : i32
        %swap3A = arith.index_cast %add3A_236 : i32 to index
        %swap3A_237 = arith.constant 0 : index
        %swap3A_238 = tpu.vector_load %arg16[%swap3A, %swap3A_237] {strides = array<i32>} : memref<128x16xf32, #tpu.memory_space<vmem>>, vector<1x16xf32>,
        %swap3A_239 = vector.shape_cast %swap3A_238 : vector<1x16xf32> to vector<16xf32>
        %swap3A_240 = vector.shape_cast %mul3A_234 : vector<16xf32> to vector<1x16xf32>
        tpu.vector_store %arg16[%swap3A, %swap3A_237], %swap3A_240 {strides = array<i32>} : memref<128x16xf32, #tpu.memory_space<vmem>>, vector<1x16xf32>,
        %add3A_241 = arith.constant 1 : i32
        %add3A_242 = arith.addi %mul3A_226, %add3A_241 : i32
        %get3A_243 = arith.index_cast %add3A_242 : i32 to index
        %get3A_244 = arith.constant 0 : index
        %get3A_245 = tpu.vector_load %arg12[%get3A_243, %get3A_244] {strides = array<i32>} : memref<128x16xf32, #tpu.memory_space<vmem>>, vector<1x16xf32>,
        %get3A_246 = vector.shape_cast %get3A_245 : vector<1x16xf32> to vector<16xf32>
        %slice3A_247 = vector.extract_strided_slice %get3A_224 {offsets = [1], sizes = [1], strides = [1]} : vector<16xf32> to vector<1xf32>
        %squeeze3A_248 = vector.extract %slice3A_247[0] : f32 from vector<1xf32>
        %mul3A_249 = vector.broadcast %squeeze3A_248 : f32 to vector<16xf32>
        %mul3A_250 = arith.mulf %get3A_246, %mul3A_249 : vector<16xf32>
        %add3A_251 = arith.constant 1 : i32
        %add3A_252 = arith.addi %mul3A_226, %add3A_251 : i32
        %swap3A_253 = arith.index_cast %add3A_252 : i32 to index
        %swap3A_254 = arith.constant 0 : index
        %swap3A_255 = tpu.vector_load %arg16[%swap3A_253, %swap3A_254] {strides = array<i32>} : memref<128x16xf32, #tpu.memory_space<vmem>>, vector<1x16xf32>,
        %swap3A_256 = vector.shape_cast %swap3A_255 : vector<1x16xf32> to vector<16xf32>
        %swap3A_257 = vector.shape_cast %mul3A_250 : vector<16xf32> to vector<1x16xf32>
        tpu.vector_store %arg16[%swap3A_253, %swap3A_254], %swap3A_257 {strides = array<i32>} : memref<128x16xf32, #tpu.memory_space<vmem>>, vector<1x16xf32>,
        %add3A_258 = arith.constant 2 : i32
        %add3A_259 = arith.addi %mul3A_226, %add3A_258 : i32
        %get3A_260 = arith.index_cast %add3A_259 : i32 to index
        %get3A_261 = arith.constant 0 : index
        %get3A_262 = tpu.vector_load %arg12[%get3A_260, %get3A_261] {strides = array<i32>} : memref<128x16xf32, #tpu.memory_space<vmem>>, vector<1x16xf32>,
        %get3A_263 = vector.shape_cast %get3A_262 : vector<1x16xf32> to vector<16xf32>
        %slice3A_264 = vector.extract_strided_slice %get3A_224 {offsets = [2], sizes = [1], strides = [1]} : vector<16xf32> to vector<1xf32>
        %squeeze3A_265 = vector.extract %slice3A_264[0] : f32 from vector<1xf32>
        %mul3A_266 = vector.broadcast %squeeze3A_265 : f32 to vector<16xf32>
        %mul3A_267 = arith.mulf %get3A_263, %mul3A_266 : vector<16xf32>
        %add3A_268 = arith.constant 2 : i32
        %add3A_269 = arith.addi %mul3A_226, %add3A_268 : i32
        %swap3A_270 = arith.index_cast %add3A_269 : i32 to index
        %swap3A_271 = arith.constant 0 : index
        %swap3A_272 = tpu.vector_load %arg16[%swap3A_270, %swap3A_271] {strides = array<i32>} : memref<128x16xf32, #tpu.memory_space<vmem>>, vector<1x16xf32>,
        %swap3A_273 = vector.shape_cast %swap3A_272 : vector<1x16xf32> to vector<16xf32>
        %swap3A_274 = vector.shape_cast %mul3A_267 : vector<16xf32> to vector<1x16xf32>
        tpu.vector_store %arg16[%swap3A_270, %swap3A_271], %swap3A_274 {strides = array<i32>} : memref<128x16xf32, #tpu.memory_space<vmem>>, vector<1x16xf32>,
        %add3A_275 = arith.constant 3 : i32
        %add3A_276 = arith.addi %mul3A_226, %add3A_275 : i32
        %get3A_277 = arith.index_cast %add3A_276 : i32 to index
        %get3A_278 = arith.constant 0 : index
        %get3A_279 = tpu.vector_load %arg12[%get3A_277, %get3A_278] {strides = array<i32>} : memref<128x16xf32, #tpu.memory_space<vmem>>, vector<1x16xf32>,
        %get3A_280 = vector.shape_cast %get3A_279 : vector<1x16xf32> to vector<16xf32>
        %slice3A_281 = vector.extract_strided_slice %get3A_224 {offsets = [3], sizes = [1], strides = [1]} : vector<16xf32> to vector<1xf32>
        %squeeze3A_282 = vector.extract %slice3A_281[0] : f32 from vector<1xf32>
        %mul3A_283 = vector.broadcast %squeeze3A_282 : f32 to vector<16xf32>
        %mul3A_284 = arith.mulf %get3A_280, %mul3A_283 : vector<16xf32>
        %add3A_285 = arith.constant 3 : i32
        %add3A_286 = arith.addi %mul3A_226, %add3A_285 : i32
        %swap3A_287 = arith.index_cast %add3A_286 : i32 to index
        %swap3A_288 = arith.constant 0 : index
        %swap3A_289 = tpu.vector_load %arg16[%swap3A_287, %swap3A_288] {strides = array<i32>} : memref<128x16xf32, #tpu.memory_space<vmem>>, vector<1x16xf32>,
        %swap3A_290 = vector.shape_cast %swap3A_289 : vector<1x16xf32> to vector<16xf32>
        %swap3A_291 = vector.shape_cast %mul3A_284 : vector<16xf32> to vector<1x16xf32>
        tpu.vector_store %arg16[%swap3A_287, %swap3A_288], %swap3A_291 {strides = array<i32>} : memref<128x16xf32, #tpu.memory_space<vmem>>, vector<1x16xf32>,
        %add3A_292 = arith.constant 4 : i32
        %add3A_293 = arith.addi %mul3A_226, %add3A_292 : i32
        %get3A_294 = arith.index_cast %add3A_293 : i32 to index
        %get3A_295 = arith.constant 0 : index
        %get3A_296 = tpu.vector_load %arg12[%get3A_294, %get3A_295] {strides = array<i32>} : memref<128x16xf32, #tpu.memory_space<vmem>>, vector<1x16xf32>,
        %get3A_297 = vector.shape_cast %get3A_296 : vector<1x16xf32> to vector<16xf32>
        %slice3A_298 = vector.extract_strided_slice %get3A_224 {offsets = [4], sizes = [1], strides = [1]} : vector<16xf32> to vector<1xf32>
        %squeeze3A_299 = vector.extract %slice3A_298[0] : f32 from vector<1xf32>
        %mul3A_300 = vector.broadcast %squeeze3A_299 : f32 to vector<16xf32>
        %mul3A_301 = arith.mulf %get3A_297, %mul3A_300 : vector<16xf32>
        %add3A_302 = arith.constant 4 : i32
        %add3A_303 = arith.addi %mul3A_226, %add3A_302 : i32
        %swap3A_304 = arith.index_cast %add3A_303 : i32 to index
        %swap3A_305 = arith.constant 0 : index
        %swap3A_306 = tpu.vector_load %arg16[%swap3A_304, %swap3A_305] {strides = array<i32>} : memref<128x16xf32, #tpu.memory_space<vmem>>, vector<1x16xf32>,
        %swap3A_307 = vector.shape_cast %swap3A_306 : vector<1x16xf32> to vector<16xf32>
        %swap3A_308 = vector.shape_cast %mul3A_301 : vector<16xf32> to vector<1x16xf32>
        tpu.vector_store %arg16[%swap3A_304, %swap3A_305], %swap3A_308 {strides = array<i32>} : memref<128x16xf32, #tpu.memory_space<vmem>>, vector<1x16xf32>,
        %add3A_309 = arith.constant 5 : i32
        %add3A_310 = arith.addi %mul3A_226, %add3A_309 : i32
        %get3A_311 = arith.index_cast %add3A_310 : i32 to index
        %get3A_312 = arith.constant 0 : index
        %get3A_313 = tpu.vector_load %arg12[%get3A_311, %get3A_312] {strides = array<i32>} : memref<128x16xf32, #tpu.memory_space<vmem>>, vector<1x16xf32>,
        %get3A_314 = vector.shape_cast %get3A_313 : vector<1x16xf32> to vector<16xf32>
        %slice3A_315 = vector.extract_strided_slice %get3A_224 {offsets = [5], sizes = [1], strides = [1]} : vector<16xf32> to vector<1xf32>
        %squeeze3A_316 = vector.extract %slice3A_315[0] : f32 from vector<1xf32>
        %mul3A_317 = vector.broadcast %squeeze3A_316 : f32 to vector<16xf32>
        %mul3A_318 = arith.mulf %get3A_314, %mul3A_317 : vector<16xf32>
        %add3A_319 = arith.constant 5 : i32
        %add3A_320 = arith.addi %mul3A_226, %add3A_319 : i32
        %swap3A_321 = arith.index_cast %add3A_320 : i32 to index
        %swap3A_322 = arith.constant 0 : index
        %swap3A_323 = tpu.vector_load %arg16[%swap3A_321, %swap3A_322] {strides = array<i32>} : memref<128x16xf32, #tpu.memory_space<vmem>>, vector<1x16xf32>,
        %swap3A_324 = vector.shape_cast %swap3A_323 : vector<1x16xf32> to vector<16xf32>
        %swap3A_325 = vector.shape_cast %mul3A_318 : vector<16xf32> to vector<1x16xf32>
        tpu.vector_store %arg16[%swap3A_321, %swap3A_322], %swap3A_325 {strides = array<i32>} : memref<128x16xf32, #tpu.memory_space<vmem>>, vector<1x16xf32>,
        %add3A_326 = arith.constant 6 : i32
        %add3A_327 = arith.addi %mul3A_226, %add3A_326 : i32
        %get3A_328 = arith.index_cast %add3A_327 : i32 to index
        %get3A_329 = arith.constant 0 : index
        %get3A_330 = tpu.vector_load %arg12[%get3A_328, %get3A_329] {strides = array<i32>} : memref<128x16xf32, #tpu.memory_space<vmem>>, vector<1x16xf32>,
        %get3A_331 = vector.shape_cast %get3A_330 : vector<1x16xf32> to vector<16xf32>
        %slice3A_332 = vector.extract_strided_slice %get3A_224 {offsets = [6], sizes = [1], strides = [1]} : vector<16xf32> to vector<1xf32>
        %squeeze3A_333 = vector.extract %slice3A_332[0] : f32 from vector<1xf32>
        %mul3A_334 = vector.broadcast %squeeze3A_333 : f32 to vector<16xf32>
        %mul3A_335 = arith.mulf %get3A_331, %mul3A_334 : vector<16xf32>
        %add3A_336 = arith.constant 6 : i32
        %add3A_337 = arith.addi %mul3A_226, %add3A_336 : i32
        %swap3A_338 = arith.index_cast %add3A_337 : i32 to index
        %swap3A_339 = arith.constant 0 : index
        %swap3A_340 = tpu.vector_load %arg16[%swap3A_338, %swap3A_339] {strides = array<i32>} : memref<128x16xf32, #tpu.memory_space<vmem>>, vector<1x16xf32>,
        %swap3A_341 = vector.shape_cast %swap3A_340 : vector<1x16xf32> to vector<16xf32>
        %swap3A_342 = vector.shape_cast %mul3A_335 : vector<16xf32> to vector<1x16xf32>
        tpu.vector_store %arg16[%swap3A_338, %swap3A_339], %swap3A_342 {strides = array<i32>} : memref<128x16xf32, #tpu.memory_space<vmem>>, vector<1x16xf32>,
        %add3A_343 = arith.constant 7 : i32
        %add3A_344 = arith.addi %mul3A_226, %add3A_343 : i32
        %get3A_345 = arith.index_cast %add3A_344 : i32 to index
        %get3A_346 = arith.constant 0 : index
        %get3A_347 = tpu.vector_load %arg12[%get3A_345, %get3A_346] {strides = array<i32>} : memref<128x16xf32, #tpu.memory_space<vmem>>, vector<1x16xf32>,
        %get3A_348 = vector.shape_cast %get3A_347 : vector<1x16xf32> to vector<16xf32>
        %slice3A_349 = vector.extract_strided_slice %get3A_224 {offsets = [7], sizes = [1], strides = [1]} : vector<16xf32> to vector<1xf32>
        %squeeze3A_350 = vector.extract %slice3A_349[0] : f32 from vector<1xf32>
        %mul3A_351 = vector.broadcast %squeeze3A_350 : f32 to vector<16xf32>
        %mul3A_352 = arith.mulf %get3A_348, %mul3A_351 : vector<16xf32>
        %add3A_353 = arith.constant 7 : i32
        %add3A_354 = arith.addi %mul3A_226, %add3A_353 : i32
        %swap3A_355 = arith.index_cast %add3A_354 : i32 to index
        %swap3A_356 = arith.constant 0 : index
        %swap3A_357 = tpu.vector_load %arg16[%swap3A_355, %swap3A_356] {strides = array<i32>} : memref<128x16xf32, #tpu.memory_space<vmem>>, vector<1x16xf32>,
        %swap3A_358 = vector.shape_cast %swap3A_357 : vector<1x16xf32> to vector<16xf32>
        %swap3A_359 = vector.shape_cast %mul3A_352 : vector<16xf32> to vector<1x16xf32>
        tpu.vector_store %arg16[%swap3A_355, %swap3A_356], %swap3A_359 {strides = array<i32>} : memref<128x16xf32, #tpu.memory_space<vmem>>, vector<1x16xf32>,
        %add3A_360 = arith.constant 8 : i32
        %add3A_361 = arith.addi %mul3A_226, %add3A_360 : i32
        %get3A_362 = arith.index_cast %add3A_361 : i32 to index
        %get3A_363 = arith.constant 0 : index
        %get3A_364 = tpu.vector_load %arg12[%get3A_362, %get3A_363] {strides = array<i32>} : memref<128x16xf32, #tpu.memory_space<vmem>>, vector<1x16xf32>,
        %get3A_365 = vector.shape_cast %get3A_364 : vector<1x16xf32> to vector<16xf32>
        %slice3A_366 = vector.extract_strided_slice %get3A_224 {offsets = [8], sizes = [1], strides = [1]} : vector<16xf32> to vector<1xf32>
        %squeeze3A_367 = vector.extract %slice3A_366[0] : f32 from vector<1xf32>
        %mul3A_368 = vector.broadcast %squeeze3A_367 : f32 to vector<16xf32>
        %mul3A_369 = arith.mulf %get3A_365, %mul3A_368 : vector<16xf32>
        %add3A_370 = arith.constant 8 : i32
        %add3A_371 = arith.addi %mul3A_226, %add3A_370 : i32
        %swap3A_372 = arith.index_cast %add3A_371 : i32 to index
        %swap3A_373 = arith.constant 0 : index
        %swap3A_374 = tpu.vector_load %arg16[%swap3A_372, %swap3A_373] {strides = array<i32>} : memref<128x16xf32, #tpu.memory_space<vmem>>, vector<1x16xf32>,
        %swap3A_375 = vector.shape_cast %swap3A_374 : vector<1x16xf32> to vector<16xf32>
        %swap3A_376 = vector.shape_cast %mul3A_369 : vector<16xf32> to vector<1x16xf32>
        tpu.vector_store %arg16[%swap3A_372, %swap3A_373], %swap3A_376 {strides = array<i32>} : memref<128x16xf32, #tpu.memory_space<vmem>>, vector<1x16xf32>,
        %add3A_377 = arith.constant 9 : i32
        %add3A_378 = arith.addi %mul3A_226, %add3A_377 : i32
        %get3A_379 = arith.index_cast %add3A_378 : i32 to index
        %get3A_380 = arith.constant 0 : index
        %get3A_381 = tpu.vector_load %arg12[%get3A_379, %get3A_380] {strides = array<i32>} : memref<128x16xf32, #tpu.memory_space<vmem>>, vector<1x16xf32>,
        %get3A_382 = vector.shape_cast %get3A_381 : vector<1x16xf32> to vector<16xf32>
        %slice3A_383 = vector.extract_strided_slice %get3A_224 {offsets = [9], sizes = [1], strides = [1]} : vector<16xf32> to vector<1xf32>
        %squeeze3A_384 = vector.extract %slice3A_383[0] : f32 from vector<1xf32>
        %mul3A_385 = vector.broadcast %squeeze3A_384 : f32 to vector<16xf32>
        %mul3A_386 = arith.mulf %get3A_382, %mul3A_385 : vector<16xf32>
        %add3A_387 = arith.constant 9 : i32
        %add3A_388 = arith.addi %mul3A_226, %add3A_387 : i32
        %swap3A_389 = arith.index_cast %add3A_388 : i32 to index
        %swap3A_390 = arith.constant 0 : index
        %swap3A_391 = tpu.vector_load %arg16[%swap3A_389, %swap3A_390] {strides = array<i32>} : memref<128x16xf32, #tpu.memory_space<vmem>>, vector<1x16xf32>,
        %swap3A_392 = vector.shape_cast %swap3A_391 : vector<1x16xf32> to vector<16xf32>
        %swap3A_393 = vector.shape_cast %mul3A_386 : vector<16xf32> to vector<1x16xf32>
        tpu.vector_store %arg16[%swap3A_389, %swap3A_390], %swap3A_393 {strides = array<i32>} : memref<128x16xf32, #tpu.memory_space<vmem>>, vector<1x16xf32>,
        %add3A_394 = arith.constant 10 : i32
        %add3A_395 = arith.addi %mul3A_226, %add3A_394 : i32
        %get3A_396 = arith.index_cast %add3A_395 : i32 to index
        %get3A_397 = arith.constant 0 : index
        %get3A_398 = tpu.vector_load %arg12[%get3A_396, %get3A_397] {strides = array<i32>} : memref<128x16xf32, #tpu.memory_space<vmem>>, vector<1x16xf32>,
        %get3A_399 = vector.shape_cast %get3A_398 : vector<1x16xf32> to vector<16xf32>
        %slice3A_400 = vector.extract_strided_slice %get3A_224 {offsets = [10], sizes = [1], strides = [1]} : vector<16xf32> to vector<1xf32>
        %squeeze3A_401 = vector.extract %slice3A_400[0] : f32 from vector<1xf32>
        %mul3A_402 = vector.broadcast %squeeze3A_401 : f32 to vector<16xf32>
        %mul3A_403 = arith.mulf %get3A_399, %mul3A_402 : vector<16xf32>
        %add3A_404 = arith.constant 10 : i32
        %add3A_405 = arith.addi %mul3A_226, %add3A_404 : i32
        %swap3A_406 = arith.index_cast %add3A_405 : i32 to index
        %swap3A_407 = arith.constant 0 : index
        %swap3A_408 = tpu.vector_load %arg16[%swap3A_406, %swap3A_407] {strides = array<i32>} : memref<128x16xf32, #tpu.memory_space<vmem>>, vector<1x16xf32>,
        %swap3A_409 = vector.shape_cast %swap3A_408 : vector<1x16xf32> to vector<16xf32>
        %swap3A_410 = vector.shape_cast %mul3A_403 : vector<16xf32> to vector<1x16xf32>
        tpu.vector_store %arg16[%swap3A_406, %swap3A_407], %swap3A_410 {strides = array<i32>} : memref<128x16xf32, #tpu.memory_space<vmem>>, vector<1x16xf32>,
        %add3A_411 = arith.constant 11 : i32
        %add3A_412 = arith.addi %mul3A_226, %add3A_411 : i32
        %get3A_413 = arith.index_cast %add3A_412 : i32 to index
        %get3A_414 = arith.constant 0 : index
        %get3A_415 = tpu.vector_load %arg12[%get3A_413, %get3A_414] {strides = array<i32>} : memref<128x16xf32, #tpu.memory_space<vmem>>, vector<1x16xf32>,
        %get3A_416 = vector.shape_cast %get3A_415 : vector<1x16xf32> to vector<16xf32>
        %slice3A_417 = vector.extract_strided_slice %get3A_224 {offsets = [11], sizes = [1], strides = [1]} : vector<16xf32> to vector<1xf32>
        %squeeze3A_418 = vector.extract %slice3A_417[0] : f32 from vector<1xf32>
        %mul3A_419 = vector.broadcast %squeeze3A_418 : f32 to vector<16xf32>
        %mul3A_420 = arith.mulf %get3A_416, %mul3A_419 : vector<16xf32>
        %add3A_421 = arith.constant 11 : i32
        %add3A_422 = arith.addi %mul3A_226, %add3A_421 : i32
        %swap3A_423 = arith.index_cast %add3A_422 : i32 to index
        %swap3A_424 = arith.constant 0 : index
        %swap3A_425 = tpu.vector_load %arg16[%swap3A_423, %swap3A_424] {strides = array<i32>} : memref<128x16xf32, #tpu.memory_space<vmem>>, vector<1x16xf32>,
        %swap3A_426 = vector.shape_cast %swap3A_425 : vector<1x16xf32> to vector<16xf32>
        %swap3A_427 = vector.shape_cast %mul3A_420 : vector<16xf32> to vector<1x16xf32>
        tpu.vector_store %arg16[%swap3A_423, %swap3A_424], %swap3A_427 {strides = array<i32>} : memref<128x16xf32, #tpu.memory_space<vmem>>, vector<1x16xf32>,
        %add3A_428 = arith.constant 12 : i32
        %add3A_429 = arith.addi %mul3A_226, %add3A_428 : i32
        %get3A_430 = arith.index_cast %add3A_429 : i32 to index
        %get3A_431 = arith.constant 0 : index
        %get3A_432 = tpu.vector_load %arg12[%get3A_430, %get3A_431] {strides = array<i32>} : memref<128x16xf32, #tpu.memory_space<vmem>>, vector<1x16xf32>,
        %get3A_433 = vector.shape_cast %get3A_432 : vector<1x16xf32> to vector<16xf32>
        %slice3A_434 = vector.extract_strided_slice %get3A_224 {offsets = [12], sizes = [1], strides = [1]} : vector<16xf32> to vector<1xf32>
        %squeeze3A_435 = vector.extract %slice3A_434[0] : f32 from vector<1xf32>
        %mul3A_436 = vector.broadcast %squeeze3A_435 : f32 to vector<16xf32>
        %mul3A_437 = arith.mulf %get3A_433, %mul3A_436 : vector<16xf32>
        %add3A_438 = arith.constant 12 : i32
        %add3A_439 = arith.addi %mul3A_226, %add3A_438 : i32
        %swap3A_440 = arith.index_cast %add3A_439 : i32 to index
        %swap3A_441 = arith.constant 0 : index
        %swap3A_442 = tpu.vector_load %arg16[%swap3A_440, %swap3A_441] {strides = array<i32>} : memref<128x16xf32, #tpu.memory_space<vmem>>, vector<1x16xf32>,
        %swap3A_443 = vector.shape_cast %swap3A_442 : vector<1x16xf32> to vector<16xf32>
        %swap3A_444 = vector.shape_cast %mul3A_437 : vector<16xf32> to vector<1x16xf32>
        tpu.vector_store %arg16[%swap3A_440, %swap3A_441], %swap3A_444 {strides = array<i32>} : memref<128x16xf32, #tpu.memory_space<vmem>>, vector<1x16xf32>,
        %add3A_445 = arith.constant 13 : i32
        %add3A_446 = arith.addi %mul3A_226, %add3A_445 : i32
        %get3A_447 = arith.index_cast %add3A_446 : i32 to index
        %get3A_448 = arith.constant 0 : index
        %get3A_449 = tpu.vector_load %arg12[%get3A_447, %get3A_448] {strides = array<i32>} : memref<128x16xf32, #tpu.memory_space<vmem>>, vector<1x16xf32>,
        %get3A_450 = vector.shape_cast %get3A_449 : vector<1x16xf32> to vector<16xf32>
        %slice3A_451 = vector.extract_strided_slice %get3A_224 {offsets = [13], sizes = [1], strides = [1]} : vector<16xf32> to vector<1xf32>
        %squeeze3A_452 = vector.extract %slice3A_451[0] : f32 from vector<1xf32>
        %mul3A_453 = vector.broadcast %squeeze3A_452 : f32 to vector<16xf32>
        %mul3A_454 = arith.mulf %get3A_450, %mul3A_453 : vector<16xf32>
        %add3A_455 = arith.constant 13 : i32
        %add3A_456 = arith.addi %mul3A_226, %add3A_455 : i32
        %swap3A_457 = arith.index_cast %add3A_456 : i32 to index
        %swap3A_458 = arith.constant 0 : index
        %swap3A_459 = tpu.vector_load %arg16[%swap3A_457, %swap3A_458] {strides = array<i32>} : memref<128x16xf32, #tpu.memory_space<vmem>>, vector<1x16xf32>,
        %swap3A_460 = vector.shape_cast %swap3A_459 : vector<1x16xf32> to vector<16xf32>
        %swap3A_461 = vector.shape_cast %mul3A_454 : vector<16xf32> to vector<1x16xf32>
        tpu.vector_store %arg16[%swap3A_457, %swap3A_458], %swap3A_461 {strides = array<i32>} : memref<128x16xf32, #tpu.memory_space<vmem>>, vector<1x16xf32>,
        %add3A_462 = arith.constant 14 : i32
        %add3A_463 = arith.addi %mul3A_226, %add3A_462 : i32
        %get3A_464 = arith.index_cast %add3A_463 : i32 to index
        %get3A_465 = arith.constant 0 : index
        %get3A_466 = tpu.vector_load %arg12[%get3A_464, %get3A_465] {strides = array<i32>} : memref<128x16xf32, #tpu.memory_space<vmem>>, vector<1x16xf32>,
        %get3A_467 = vector.shape_cast %get3A_466 : vector<1x16xf32> to vector<16xf32>
        %slice3A_468 = vector.extract_strided_slice %get3A_224 {offsets = [14], sizes = [1], strides = [1]} : vector<16xf32> to vector<1xf32>
        %squeeze3A_469 = vector.extract %slice3A_468[0] : f32 from vector<1xf32>
        %mul3A_470 = vector.broadcast %squeeze3A_469 : f32 to vector<16xf32>
        %mul3A_471 = arith.mulf %get3A_467, %mul3A_470 : vector<16xf32>
        %add3A_472 = arith.constant 14 : i32
        %add3A_473 = arith.addi %mul3A_226, %add3A_472 : i32
        %swap3A_474 = arith.index_cast %add3A_473 : i32 to index
        %swap3A_475 = arith.constant 0 : index
        %swap3A_476 = tpu.vector_load %arg16[%swap3A_474, %swap3A_475] {strides = array<i32>} : memref<128x16xf32, #tpu.memory_space<vmem>>, vector<1x16xf32>,
        %swap3A_477 = vector.shape_cast %swap3A_476 : vector<1x16xf32> to vector<16xf32>
        %swap3A_478 = vector.shape_cast %mul3A_471 : vector<16xf32> to vector<1x16xf32>
        tpu.vector_store %arg16[%swap3A_474, %swap3A_475], %swap3A_478 {strides = array<i32>} : memref<128x16xf32, #tpu.memory_space<vmem>>, vector<1x16xf32>,
        %add3A_479 = arith.constant 15 : i32
        %add3A_480 = arith.addi %mul3A_226, %add3A_479 : i32
        %get3A_481 = arith.index_cast %add3A_480 : i32 to index
        %get3A_482 = arith.constant 0 : index
        %get3A_483 = tpu.vector_load %arg12[%get3A_481, %get3A_482] {strides = array<i32>} : memref<128x16xf32, #tpu.memory_space<vmem>>, vector<1x16xf32>,
        %get3A_484 = vector.shape_cast %get3A_483 : vector<1x16xf32> to vector<16xf32>
        %slice3A_485 = vector.extract_strided_slice %get3A_224 {offsets = [15], sizes = [1], strides = [1]} : vector<16xf32> to vector<1xf32>
        %squeeze3A_486 = vector.extract %slice3A_485[0] : f32 from vector<1xf32>
        %mul3A_487 = vector.broadcast %squeeze3A_486 : f32 to vector<16xf32>
        %mul3A_488 = arith.mulf %get3A_484, %mul3A_487 : vector<16xf32>
        %add3A_489 = arith.constant 15 : i32
        %add3A_490 = arith.addi %mul3A_226, %add3A_489 : i32
        %swap3A_491 = arith.index_cast %add3A_490 : i32 to index
        %swap3A_492 = arith.constant 0 : index
        %swap3A_493 = tpu.vector_load %arg16[%swap3A_491, %swap3A_492] {strides = array<i32>} : memref<128x16xf32, #tpu.memory_space<vmem>>, vector<1x16xf32>,
        %swap3A_494 = vector.shape_cast %swap3A_493 : vector<1x16xf32> to vector<16xf32>
        %swap3A_495 = vector.shape_cast %mul3A_488 : vector<16xf32> to vector<1x16xf32>
        tpu.vector_store %arg16[%swap3A_491, %swap3A_492], %swap3A_495 {strides = array<i32>} : memref<128x16xf32, #tpu.memory_space<vmem>>, vector<1x16xf32>,
      }
      %scan3A_104 = arith.constant 8 : i32
      %add3A_105 = arith.constant 4 : i32
      %add3A_106 = arith.addi %add3A_88, %add3A_105 : i32
      %lt3A = arith.constant 80 : i32
      %lt3A_107 = arith.cmpi slt, %add3A_106, %lt3A : i32
      %convert_element_type3A_108 = arith.extui %lt3A_107 : i1 to i32
      %cond3A_109 = arith.constant 0 : i32
      %cond3A_110 = arith.cmpi ne, %convert_element_type3A_108, %cond3A_109 : i32
      scf.if %cond3A_110 {
        %add3A_219 = arith.constant 4 : i32
        %add3A_220 = arith.addi %add3A_88, %add3A_219 : i32
        %dma_start3A_221 = arith.constant 0 : i32
        %dma_start3A_222 = tpu.memref_slice %arg9[%add3A_220, %dma_start3A_221] : memref<80x128xi32, #tpu.memory_space<vmem>> -> memref<1x128xi32, #tpu.memory_space<vmem>>
        %dma_start3A_223 = tpu.memref_squeeze %dma_start3A_222 : memref<1x128xi32, #tpu.memory_space<vmem>> -> memref<128xi32, #tpu.memory_space<vmem>>
        %dma_start3A_224 = arith.constant 0 : i32
        %dma_start3A_225 = arith.constant 0 : i32
        %dma_start3A_226 = tpu.memref_slice %arg2[%dma_start3A_224, %dma_start3A_225] : memref<10000x16xf32, #tpu.memory_space<hbm>> -> memref<10000x16xf32, #tpu.memory_space<hbm>>
        tpu.enqueue_indirect_dma source(%dma_start3A_226 : memref<10000x16xf32, #tpu.memory_space<hbm>>) target(%arg12 : memref<128x16xf32, #tpu.memory_space<vmem>>) offsets(%dma_start3A_223 : memref<128xi32, #tpu.memory_space<vmem>>) semaphore(%arg20 : memref<!tpu.dma_semaphore, #tpu.memory_space<semaphore_mem>>)
      } else {
      }
      %dma_start3A_111 = arith.constant 0 : i32
      %dma_start3A_112 = tpu.memref_slice %arg10[%add3A_88, %dma_start3A_111] : memref<80x128xi32, #tpu.memory_space<vmem>> -> memref<1x128xi32, #tpu.memory_space<vmem>>
      %dma_start3A_113 = tpu.memref_squeeze %dma_start3A_112 : memref<1x128xi32, #tpu.memory_space<vmem>> -> memref<128xi32, #tpu.memory_space<vmem>>
      %dma_start3A_114 = arith.constant 0 : i32
      %dma_start3A_115 = arith.constant 0 : i32
      %dma_start3A_116 = tpu.memref_slice %arg8[%dma_start3A_114, %dma_start3A_115] : memref<10000x16xf32, #tpu.memory_space<vmem_shared>> -> memref<10000x16xf32, #tpu.memory_space<vmem_shared>>
      tpu.enqueue_indirect_dma source(%arg16 : memref<128x16xf32, #tpu.memory_space<vmem>>) target(%dma_start3A_116 : memref<10000x16xf32, #tpu.memory_space<vmem_shared>>) offsets(%dma_start3A_113 : memref<128xi32, #tpu.memory_space<vmem>>) semaphore(%arg24 : memref<!tpu.dma_semaphore, #tpu.memory_space<semaphore_mem>>) {add = true}
      %mul3A_117 = arith.constant 4 : i32
      %mul3A_118 = arith.muli %scan3A_84, %mul3A_117 : i32
      %add3A_119 = arith.constant 1 : i32
      %add3A_120 = arith.addi %mul3A_118, %add3A_119 : i32
      %dma_wait3A_121 = arith.constant 0 : i32
      %dma_wait3A_122 = tpu.memref_slice %arg9[%add3A_120, %dma_wait3A_121] : memref<80x128xi32, #tpu.memory_space<vmem>> -> memref<1x128xi32, #tpu.memory_space<vmem>>
      %dma_wait3A_123 = tpu.memref_squeeze %dma_wait3A_122 : memref<1x128xi32, #tpu.memory_space<vmem>> -> memref<128xi32, #tpu.memory_space<vmem>>
      %dma_wait3A_124 = arith.constant 0 : i32
      %dma_wait3A_125 = arith.constant 0 : i32
      %dma_wait3A_126 = tpu.memref_slice %arg2[%dma_wait3A_124, %dma_wait3A_125] : memref<10000x16xf32, #tpu.memory_space<hbm>> -> memref<10000x16xf32, #tpu.memory_space<hbm>>
      tpu.wait_indirect_dma semaphore(%arg21 : memref<!tpu.dma_semaphore, #tpu.memory_space<semaphore_mem>>) src(%dma_wait3A_126 : memref<10000x16xf32, #tpu.memory_space<hbm>>) dst(%arg13 : memref<128x16xf32, #tpu.memory_space<vmem>>)
      %ge3A_127 = arith.constant 4 : i32
      %ge3A_128 = arith.cmpi sge, %add3A_120, %ge3A_127 : i32
      %convert_element_type3A_129 = arith.extui %ge3A_128 : i1 to i32
      %cond3A_130 = arith.constant 0 : i32
      %cond3A_131 = arith.cmpi ne, %convert_element_type3A_129, %cond3A_130 : i32
      scf.if %cond3A_131 {
        %sub3A = arith.constant 4 : i32
        %sub3A_219 = arith.subi %add3A_120, %sub3A : i32
        %dma_wait3A_220 = arith.constant 0 : i32
        %dma_wait3A_221 = tpu.memref_slice %arg10[%sub3A_219, %dma_wait3A_220] : memref<80x128xi32, #tpu.memory_space<vmem>> -> memref<1x128xi32, #tpu.memory_space<vmem>>
        %dma_wait3A_222 = tpu.memref_squeeze %dma_wait3A_221 : memref<1x128xi32, #tpu.memory_space<vmem>> -> memref<128xi32, #tpu.memory_space<vmem>>
        %dma_wait3A_223 = arith.constant 0 : i32
        %dma_wait3A_224 = arith.constant 0 : i32
        %dma_wait3A_225 = tpu.memref_slice %arg8[%dma_wait3A_223, %dma_wait3A_224] : memref<10000x16xf32, #tpu.memory_space<vmem_shared>> -> memref<10000x16xf32, #tpu.memory_space<vmem_shared>>
        tpu.wait_indirect_dma semaphore(%arg25 : memref<!tpu.dma_semaphore, #tpu.memory_space<semaphore_mem>>) src(%arg17 : memref<128x16xf32, #tpu.memory_space<vmem>>) dst(%dma_wait3A_225 : memref<10000x16xf32, #tpu.memory_space<vmem_shared>>)
      } else {
      }
      %scan3A_132 = arith.constant 0 : i32
      %scan3A_133 = arith.constant 0 : i32
      %scan3A_134 = arith.constant 8 : i32
      %scan3A_135 = arith.addi %scan3A_133, %scan3A_134 : i32
      %scan3A_136 = arith.constant 1 : i32
      scf.for %scan3A_219 = %scan3A_133 to %scan3A_135 step %scan3A_136  : i32 {
        %mul3A_220 = arith.constant 16 : i32
        %mul3A_221 = arith.muli %scan3A_219, %mul3A_220 : i32
        %get3A = arith.index_cast %add3A_120 : i32 to index
        %get3A_222 = arith.index_cast %mul3A_221 : i32 to index
        %get3A_223 = tpu.vector_load %arg11[%get3A, %get3A_222] {strides = array<i32>} : memref<80x128xf32, #tpu.memory_space<vmem>>, vector<1x16xf32>,
        %get3A_224 = vector.shape_cast %get3A_223 : vector<1x16xf32> to vector<16xf32>
        %mul3A_225 = arith.constant 16 : i32
        %mul3A_226 = arith.muli %scan3A_219, %mul3A_225 : i32
        %add3A_227 = arith.constant 0 : i32
        %add3A_228 = arith.addi %mul3A_226, %add3A_227 : i32
        %get3A_229 = arith.index_cast %add3A_228 : i32 to index
        %get3A_230 = arith.constant 0 : index
        %get3A_231 = tpu.vector_load %arg13[%get3A_229, %get3A_230] {strides = array<i32>} : memref<128x16xf32, #tpu.memory_space<vmem>>, vector<1x16xf32>,
        %get3A_232 = vector.shape_cast %get3A_231 : vector<1x16xf32> to vector<16xf32>
        %slice3A = vector.extract_strided_slice %get3A_224 {offsets = [0], sizes = [1], strides = [1]} : vector<16xf32> to vector<1xf32>
        %squeeze3A = vector.extract %slice3A[0] : f32 from vector<1xf32>
        %mul3A_233 = vector.broadcast %squeeze3A : f32 to vector<16xf32>
        %mul3A_234 = arith.mulf %get3A_232, %mul3A_233 : vector<16xf32>
        %add3A_235 = arith.constant 0 : i32
        %add3A_236 = arith.addi %mul3A_226, %add3A_235 : i32
        %swap3A = arith.index_cast %add3A_236 : i32 to index
        %swap3A_237 = arith.constant 0 : index
        %swap3A_238 = tpu.vector_load %arg17[%swap3A, %swap3A_237] {strides = array<i32>} : memref<128x16xf32, #tpu.memory_space<vmem>>, vector<1x16xf32>,
        %swap3A_239 = vector.shape_cast %swap3A_238 : vector<1x16xf32> to vector<16xf32>
        %swap3A_240 = vector.shape_cast %mul3A_234 : vector<16xf32> to vector<1x16xf32>
        tpu.vector_store %arg17[%swap3A, %swap3A_237], %swap3A_240 {strides = array<i32>} : memref<128x16xf32, #tpu.memory_space<vmem>>, vector<1x16xf32>,
        %add3A_241 = arith.constant 1 : i32
        %add3A_242 = arith.addi %mul3A_226, %add3A_241 : i32
        %get3A_243 = arith.index_cast %add3A_242 : i32 to index
        %get3A_244 = arith.constant 0 : index
        %get3A_245 = tpu.vector_load %arg13[%get3A_243, %get3A_244] {strides = array<i32>} : memref<128x16xf32, #tpu.memory_space<vmem>>, vector<1x16xf32>,
        %get3A_246 = vector.shape_cast %get3A_245 : vector<1x16xf32> to vector<16xf32>
        %slice3A_247 = vector.extract_strided_slice %get3A_224 {offsets = [1], sizes = [1], strides = [1]} : vector<16xf32> to vector<1xf32>
        %squeeze3A_248 = vector.extract %slice3A_247[0] : f32 from vector<1xf32>
        %mul3A_249 = vector.broadcast %squeeze3A_248 : f32 to vector<16xf32>
        %mul3A_250 = arith.mulf %get3A_246, %mul3A_249 : vector<16xf32>
        %add3A_251 = arith.constant 1 : i32
        %add3A_252 = arith.addi %mul3A_226, %add3A_251 : i32
        %swap3A_253 = arith.index_cast %add3A_252 : i32 to index
        %swap3A_254 = arith.constant 0 : index
        %swap3A_255 = tpu.vector_load %arg17[%swap3A_253, %swap3A_254] {strides = array<i32>} : memref<128x16xf32, #tpu.memory_space<vmem>>, vector<1x16xf32>,
        %swap3A_256 = vector.shape_cast %swap3A_255 : vector<1x16xf32> to vector<16xf32>
        %swap3A_257 = vector.shape_cast %mul3A_250 : vector<16xf32> to vector<1x16xf32>
        tpu.vector_store %arg17[%swap3A_253, %swap3A_254], %swap3A_257 {strides = array<i32>} : memref<128x16xf32, #tpu.memory_space<vmem>>, vector<1x16xf32>,
        %add3A_258 = arith.constant 2 : i32
        %add3A_259 = arith.addi %mul3A_226, %add3A_258 : i32
        %get3A_260 = arith.index_cast %add3A_259 : i32 to index
        %get3A_261 = arith.constant 0 : index
        %get3A_262 = tpu.vector_load %arg13[%get3A_260, %get3A_261] {strides = array<i32>} : memref<128x16xf32, #tpu.memory_space<vmem>>, vector<1x16xf32>,
        %get3A_263 = vector.shape_cast %get3A_262 : vector<1x16xf32> to vector<16xf32>
        %slice3A_264 = vector.extract_strided_slice %get3A_224 {offsets = [2], sizes = [1], strides = [1]} : vector<16xf32> to vector<1xf32>
        %squeeze3A_265 = vector.extract %slice3A_264[0] : f32 from vector<1xf32>
        %mul3A_266 = vector.broadcast %squeeze3A_265 : f32 to vector<16xf32>
        %mul3A_267 = arith.mulf %get3A_263, %mul3A_266 : vector<16xf32>
        %add3A_268 = arith.constant 2 : i32
        %add3A_269 = arith.addi %mul3A_226, %add3A_268 : i32
        %swap3A_270 = arith.index_cast %add3A_269 : i32 to index
        %swap3A_271 = arith.constant 0 : index
        %swap3A_272 = tpu.vector_load %arg17[%swap3A_270, %swap3A_271] {strides = array<i32>} : memref<128x16xf32, #tpu.memory_space<vmem>>, vector<1x16xf32>,
        %swap3A_273 = vector.shape_cast %swap3A_272 : vector<1x16xf32> to vector<16xf32>
        %swap3A_274 = vector.shape_cast %mul3A_267 : vector<16xf32> to vector<1x16xf32>
        tpu.vector_store %arg17[%swap3A_270, %swap3A_271], %swap3A_274 {strides = array<i32>} : memref<128x16xf32, #tpu.memory_space<vmem>>, vector<1x16xf32>,
        %add3A_275 = arith.constant 3 : i32
        %add3A_276 = arith.addi %mul3A_226, %add3A_275 : i32
        %get3A_277 = arith.index_cast %add3A_276 : i32 to index
        %get3A_278 = arith.constant 0 : index
        %get3A_279 = tpu.vector_load %arg13[%get3A_277, %get3A_278] {strides = array<i32>} : memref<128x16xf32, #tpu.memory_space<vmem>>, vector<1x16xf32>,
        %get3A_280 = vector.shape_cast %get3A_279 : vector<1x16xf32> to vector<16xf32>
        %slice3A_281 = vector.extract_strided_slice %get3A_224 {offsets = [3], sizes = [1], strides = [1]} : vector<16xf32> to vector<1xf32>
        %squeeze3A_282 = vector.extract %slice3A_281[0] : f32 from vector<1xf32>
        %mul3A_283 = vector.broadcast %squeeze3A_282 : f32 to vector<16xf32>
        %mul3A_284 = arith.mulf %get3A_280, %mul3A_283 : vector<16xf32>
        %add3A_285 = arith.constant 3 : i32
        %add3A_286 = arith.addi %mul3A_226, %add3A_285 : i32
        %swap3A_287 = arith.index_cast %add3A_286 : i32 to index
        %swap3A_288 = arith.constant 0 : index
        %swap3A_289 = tpu.vector_load %arg17[%swap3A_287, %swap3A_288] {strides = array<i32>} : memref<128x16xf32, #tpu.memory_space<vmem>>, vector<1x16xf32>,
        %swap3A_290 = vector.shape_cast %swap3A_289 : vector<1x16xf32> to vector<16xf32>
        %swap3A_291 = vector.shape_cast %mul3A_284 : vector<16xf32> to vector<1x16xf32>
        tpu.vector_store %arg17[%swap3A_287, %swap3A_288], %swap3A_291 {strides = array<i32>} : memref<128x16xf32, #tpu.memory_space<vmem>>, vector<1x16xf32>,
        %add3A_292 = arith.constant 4 : i32
        %add3A_293 = arith.addi %mul3A_226, %add3A_292 : i32
        %get3A_294 = arith.index_cast %add3A_293 : i32 to index
        %get3A_295 = arith.constant 0 : index
        %get3A_296 = tpu.vector_load %arg13[%get3A_294, %get3A_295] {strides = array<i32>} : memref<128x16xf32, #tpu.memory_space<vmem>>, vector<1x16xf32>,
        %get3A_297 = vector.shape_cast %get3A_296 : vector<1x16xf32> to vector<16xf32>
        %slice3A_298 = vector.extract_strided_slice %get3A_224 {offsets = [4], sizes = [1], strides = [1]} : vector<16xf32> to vector<1xf32>
        %squeeze3A_299 = vector.extract %slice3A_298[0] : f32 from vector<1xf32>
        %mul3A_300 = vector.broadcast %squeeze3A_299 : f32 to vector<16xf32>
        %mul3A_301 = arith.mulf %get3A_297, %mul3A_300 : vector<16xf32>
        %add3A_302 = arith.constant 4 : i32
        %add3A_303 = arith.addi %mul3A_226, %add3A_302 : i32
        %swap3A_304 = arith.index_cast %add3A_303 : i32 to index
        %swap3A_305 = arith.constant 0 : index
        %swap3A_306 = tpu.vector_load %arg17[%swap3A_304, %swap3A_305] {strides = array<i32>} : memref<128x16xf32, #tpu.memory_space<vmem>>, vector<1x16xf32>,
        %swap3A_307 = vector.shape_cast %swap3A_306 : vector<1x16xf32> to vector<16xf32>
        %swap3A_308 = vector.shape_cast %mul3A_301 : vector<16xf32> to vector<1x16xf32>
        tpu.vector_store %arg17[%swap3A_304, %swap3A_305], %swap3A_308 {strides = array<i32>} : memref<128x16xf32, #tpu.memory_space<vmem>>, vector<1x16xf32>,
        %add3A_309 = arith.constant 5 : i32
        %add3A_310 = arith.addi %mul3A_226, %add3A_309 : i32
        %get3A_311 = arith.index_cast %add3A_310 : i32 to index
        %get3A_312 = arith.constant 0 : index
        %get3A_313 = tpu.vector_load %arg13[%get3A_311, %get3A_312] {strides = array<i32>} : memref<128x16xf32, #tpu.memory_space<vmem>>, vector<1x16xf32>,
        %get3A_314 = vector.shape_cast %get3A_313 : vector<1x16xf32> to vector<16xf32>
        %slice3A_315 = vector.extract_strided_slice %get3A_224 {offsets = [5], sizes = [1], strides = [1]} : vector<16xf32> to vector<1xf32>
        %squeeze3A_316 = vector.extract %slice3A_315[0] : f32 from vector<1xf32>
        %mul3A_317 = vector.broadcast %squeeze3A_316 : f32 to vector<16xf32>
        %mul3A_318 = arith.mulf %get3A_314, %mul3A_317 : vector<16xf32>
        %add3A_319 = arith.constant 5 : i32
        %add3A_320 = arith.addi %mul3A_226, %add3A_319 : i32
        %swap3A_321 = arith.index_cast %add3A_320 : i32 to index
        %swap3A_322 = arith.constant 0 : index
        %swap3A_323 = tpu.vector_load %arg17[%swap3A_321, %swap3A_322] {strides = array<i32>} : memref<128x16xf32, #tpu.memory_space<vmem>>, vector<1x16xf32>,
        %swap3A_324 = vector.shape_cast %swap3A_323 : vector<1x16xf32> to vector<16xf32>
        %swap3A_325 = vector.shape_cast %mul3A_318 : vector<16xf32> to vector<1x16xf32>
        tpu.vector_store %arg17[%swap3A_321, %swap3A_322], %swap3A_325 {strides = array<i32>} : memref<128x16xf32, #tpu.memory_space<vmem>>, vector<1x16xf32>,
        %add3A_326 = arith.constant 6 : i32
        %add3A_327 = arith.addi %mul3A_226, %add3A_326 : i32
        %get3A_328 = arith.index_cast %add3A_327 : i32 to index
        %get3A_329 = arith.constant 0 : index
        %get3A_330 = tpu.vector_load %arg13[%get3A_328, %get3A_329] {strides = array<i32>} : memref<128x16xf32, #tpu.memory_space<vmem>>, vector<1x16xf32>,
        %get3A_331 = vector.shape_cast %get3A_330 : vector<1x16xf32> to vector<16xf32>
        %slice3A_332 = vector.extract_strided_slice %get3A_224 {offsets = [6], sizes = [1], strides = [1]} : vector<16xf32> to vector<1xf32>
        %squeeze3A_333 = vector.extract %slice3A_332[0] : f32 from vector<1xf32>
        %mul3A_334 = vector.broadcast %squeeze3A_333 : f32 to vector<16xf32>
        %mul3A_335 = arith.mulf %get3A_331, %mul3A_334 : vector<16xf32>
        %add3A_336 = arith.constant 6 : i32
        %add3A_337 = arith.addi %mul3A_226, %add3A_336 : i32
        %swap3A_338 = arith.index_cast %add3A_337 : i32 to index
        %swap3A_339 = arith.constant 0 : index
        %swap3A_340 = tpu.vector_load %arg17[%swap3A_338, %swap3A_339] {strides = array<i32>} : memref<128x16xf32, #tpu.memory_space<vmem>>, vector<1x16xf32>,
        %swap3A_341 = vector.shape_cast %swap3A_340 : vector<1x16xf32> to vector<16xf32>
        %swap3A_342 = vector.shape_cast %mul3A_335 : vector<16xf32> to vector<1x16xf32>
        tpu.vector_store %arg17[%swap3A_338, %swap3A_339], %swap3A_342 {strides = array<i32>} : memref<128x16xf32, #tpu.memory_space<vmem>>, vector<1x16xf32>,
        %add3A_343 = arith.constant 7 : i32
        %add3A_344 = arith.addi %mul3A_226, %add3A_343 : i32
        %get3A_345 = arith.index_cast %add3A_344 : i32 to index
        %get3A_346 = arith.constant 0 : index
        %get3A_347 = tpu.vector_load %arg13[%get3A_345, %get3A_346] {strides = array<i32>} : memref<128x16xf32, #tpu.memory_space<vmem>>, vector<1x16xf32>,
        %get3A_348 = vector.shape_cast %get3A_347 : vector<1x16xf32> to vector<16xf32>
        %slice3A_349 = vector.extract_strided_slice %get3A_224 {offsets = [7], sizes = [1], strides = [1]} : vector<16xf32> to vector<1xf32>
        %squeeze3A_350 = vector.extract %slice3A_349[0] : f32 from vector<1xf32>
        %mul3A_351 = vector.broadcast %squeeze3A_350 : f32 to vector<16xf32>
        %mul3A_352 = arith.mulf %get3A_348, %mul3A_351 : vector<16xf32>
        %add3A_353 = arith.constant 7 : i32
        %add3A_354 = arith.addi %mul3A_226, %add3A_353 : i32
        %swap3A_355 = arith.index_cast %add3A_354 : i32 to index
        %swap3A_356 = arith.constant 0 : index
        %swap3A_357 = tpu.vector_load %arg17[%swap3A_355, %swap3A_356] {strides = array<i32>} : memref<128x16xf32, #tpu.memory_space<vmem>>, vector<1x16xf32>,
        %swap3A_358 = vector.shape_cast %swap3A_357 : vector<1x16xf32> to vector<16xf32>
        %swap3A_359 = vector.shape_cast %mul3A_352 : vector<16xf32> to vector<1x16xf32>
        tpu.vector_store %arg17[%swap3A_355, %swap3A_356], %swap3A_359 {strides = array<i32>} : memref<128x16xf32, #tpu.memory_space<vmem>>, vector<1x16xf32>,
        %add3A_360 = arith.constant 8 : i32
        %add3A_361 = arith.addi %mul3A_226, %add3A_360 : i32
        %get3A_362 = arith.index_cast %add3A_361 : i32 to index
        %get3A_363 = arith.constant 0 : index
        %get3A_364 = tpu.vector_load %arg13[%get3A_362, %get3A_363] {strides = array<i32>} : memref<128x16xf32, #tpu.memory_space<vmem>>, vector<1x16xf32>,
        %get3A_365 = vector.shape_cast %get3A_364 : vector<1x16xf32> to vector<16xf32>
        %slice3A_366 = vector.extract_strided_slice %get3A_224 {offsets = [8], sizes = [1], strides = [1]} : vector<16xf32> to vector<1xf32>
        %squeeze3A_367 = vector.extract %slice3A_366[0] : f32 from vector<1xf32>
        %mul3A_368 = vector.broadcast %squeeze3A_367 : f32 to vector<16xf32>
        %mul3A_369 = arith.mulf %get3A_365, %mul3A_368 : vector<16xf32>
        %add3A_370 = arith.constant 8 : i32
        %add3A_371 = arith.addi %mul3A_226, %add3A_370 : i32
        %swap3A_372 = arith.index_cast %add3A_371 : i32 to index
        %swap3A_373 = arith.constant 0 : index
        %swap3A_374 = tpu.vector_load %arg17[%swap3A_372, %swap3A_373] {strides = array<i32>} : memref<128x16xf32, #tpu.memory_space<vmem>>, vector<1x16xf32>,
        %swap3A_375 = vector.shape_cast %swap3A_374 : vector<1x16xf32> to vector<16xf32>
        %swap3A_376 = vector.shape_cast %mul3A_369 : vector<16xf32> to vector<1x16xf32>
        tpu.vector_store %arg17[%swap3A_372, %swap3A_373], %swap3A_376 {strides = array<i32>} : memref<128x16xf32, #tpu.memory_space<vmem>>, vector<1x16xf32>,
        %add3A_377 = arith.constant 9 : i32
        %add3A_378 = arith.addi %mul3A_226, %add3A_377 : i32
        %get3A_379 = arith.index_cast %add3A_378 : i32 to index
        %get3A_380 = arith.constant 0 : index
        %get3A_381 = tpu.vector_load %arg13[%get3A_379, %get3A_380] {strides = array<i32>} : memref<128x16xf32, #tpu.memory_space<vmem>>, vector<1x16xf32>,
        %get3A_382 = vector.shape_cast %get3A_381 : vector<1x16xf32> to vector<16xf32>
        %slice3A_383 = vector.extract_strided_slice %get3A_224 {offsets = [9], sizes = [1], strides = [1]} : vector<16xf32> to vector<1xf32>
        %squeeze3A_384 = vector.extract %slice3A_383[0] : f32 from vector<1xf32>
        %mul3A_385 = vector.broadcast %squeeze3A_384 : f32 to vector<16xf32>
        %mul3A_386 = arith.mulf %get3A_382, %mul3A_385 : vector<16xf32>
        %add3A_387 = arith.constant 9 : i32
        %add3A_388 = arith.addi %mul3A_226, %add3A_387 : i32
        %swap3A_389 = arith.index_cast %add3A_388 : i32 to index
        %swap3A_390 = arith.constant 0 : index
        %swap3A_391 = tpu.vector_load %arg17[%swap3A_389, %swap3A_390] {strides = array<i32>} : memref<128x16xf32, #tpu.memory_space<vmem>>, vector<1x16xf32>,
        %swap3A_392 = vector.shape_cast %swap3A_391 : vector<1x16xf32> to vector<16xf32>
        %swap3A_393 = vector.shape_cast %mul3A_386 : vector<16xf32> to vector<1x16xf32>
        tpu.vector_store %arg17[%swap3A_389, %swap3A_390], %swap3A_393 {strides = array<i32>} : memref<128x16xf32, #tpu.memory_space<vmem>>, vector<1x16xf32>,
        %add3A_394 = arith.constant 10 : i32
        %add3A_395 = arith.addi %mul3A_226, %add3A_394 : i32
        %get3A_396 = arith.index_cast %add3A_395 : i32 to index
        %get3A_397 = arith.constant 0 : index
        %get3A_398 = tpu.vector_load %arg13[%get3A_396, %get3A_397] {strides = array<i32>} : memref<128x16xf32, #tpu.memory_space<vmem>>, vector<1x16xf32>,
        %get3A_399 = vector.shape_cast %get3A_398 : vector<1x16xf32> to vector<16xf32>
        %slice3A_400 = vector.extract_strided_slice %get3A_224 {offsets = [10], sizes = [1], strides = [1]} : vector<16xf32> to vector<1xf32>
        %squeeze3A_401 = vector.extract %slice3A_400[0] : f32 from vector<1xf32>
        %mul3A_402 = vector.broadcast %squeeze3A_401 : f32 to vector<16xf32>
        %mul3A_403 = arith.mulf %get3A_399, %mul3A_402 : vector<16xf32>
        %add3A_404 = arith.constant 10 : i32
        %add3A_405 = arith.addi %mul3A_226, %add3A_404 : i32
        %swap3A_406 = arith.index_cast %add3A_405 : i32 to index
        %swap3A_407 = arith.constant 0 : index
        %swap3A_408 = tpu.vector_load %arg17[%swap3A_406, %swap3A_407] {strides = array<i32>} : memref<128x16xf32, #tpu.memory_space<vmem>>, vector<1x16xf32>,
        %swap3A_409 = vector.shape_cast %swap3A_408 : vector<1x16xf32> to vector<16xf32>
        %swap3A_410 = vector.shape_cast %mul3A_403 : vector<16xf32> to vector<1x16xf32>
        tpu.vector_store %arg17[%swap3A_406, %swap3A_407], %swap3A_410 {strides = array<i32>} : memref<128x16xf32, #tpu.memory_space<vmem>>, vector<1x16xf32>,
        %add3A_411 = arith.constant 11 : i32
        %add3A_412 = arith.addi %mul3A_226, %add3A_411 : i32
        %get3A_413 = arith.index_cast %add3A_412 : i32 to index
        %get3A_414 = arith.constant 0 : index
        %get3A_415 = tpu.vector_load %arg13[%get3A_413, %get3A_414] {strides = array<i32>} : memref<128x16xf32, #tpu.memory_space<vmem>>, vector<1x16xf32>,
        %get3A_416 = vector.shape_cast %get3A_415 : vector<1x16xf32> to vector<16xf32>
        %slice3A_417 = vector.extract_strided_slice %get3A_224 {offsets = [11], sizes = [1], strides = [1]} : vector<16xf32> to vector<1xf32>
        %squeeze3A_418 = vector.extract %slice3A_417[0] : f32 from vector<1xf32>
        %mul3A_419 = vector.broadcast %squeeze3A_418 : f32 to vector<16xf32>
        %mul3A_420 = arith.mulf %get3A_416, %mul3A_419 : vector<16xf32>
        %add3A_421 = arith.constant 11 : i32
        %add3A_422 = arith.addi %mul3A_226, %add3A_421 : i32
        %swap3A_423 = arith.index_cast %add3A_422 : i32 to index
        %swap3A_424 = arith.constant 0 : index
        %swap3A_425 = tpu.vector_load %arg17[%swap3A_423, %swap3A_424] {strides = array<i32>} : memref<128x16xf32, #tpu.memory_space<vmem>>, vector<1x16xf32>,
        %swap3A_426 = vector.shape_cast %swap3A_425 : vector<1x16xf32> to vector<16xf32>
        %swap3A_427 = vector.shape_cast %mul3A_420 : vector<16xf32> to vector<1x16xf32>
        tpu.vector_store %arg17[%swap3A_423, %swap3A_424], %swap3A_427 {strides = array<i32>} : memref<128x16xf32, #tpu.memory_space<vmem>>, vector<1x16xf32>,
        %add3A_428 = arith.constant 12 : i32
        %add3A_429 = arith.addi %mul3A_226, %add3A_428 : i32
        %get3A_430 = arith.index_cast %add3A_429 : i32 to index
        %get3A_431 = arith.constant 0 : index
        %get3A_432 = tpu.vector_load %arg13[%get3A_430, %get3A_431] {strides = array<i32>} : memref<128x16xf32, #tpu.memory_space<vmem>>, vector<1x16xf32>,
        %get3A_433 = vector.shape_cast %get3A_432 : vector<1x16xf32> to vector<16xf32>
        %slice3A_434 = vector.extract_strided_slice %get3A_224 {offsets = [12], sizes = [1], strides = [1]} : vector<16xf32> to vector<1xf32>
        %squeeze3A_435 = vector.extract %slice3A_434[0] : f32 from vector<1xf32>
        %mul3A_436 = vector.broadcast %squeeze3A_435 : f32 to vector<16xf32>
        %mul3A_437 = arith.mulf %get3A_433, %mul3A_436 : vector<16xf32>
        %add3A_438 = arith.constant 12 : i32
        %add3A_439 = arith.addi %mul3A_226, %add3A_438 : i32
        %swap3A_440 = arith.index_cast %add3A_439 : i32 to index
        %swap3A_441 = arith.constant 0 : index
        %swap3A_442 = tpu.vector_load %arg17[%swap3A_440, %swap3A_441] {strides = array<i32>} : memref<128x16xf32, #tpu.memory_space<vmem>>, vector<1x16xf32>,
        %swap3A_443 = vector.shape_cast %swap3A_442 : vector<1x16xf32> to vector<16xf32>
        %swap3A_444 = vector.shape_cast %mul3A_437 : vector<16xf32> to vector<1x16xf32>
        tpu.vector_store %arg17[%swap3A_440, %swap3A_441], %swap3A_444 {strides = array<i32>} : memref<128x16xf32, #tpu.memory_space<vmem>>, vector<1x16xf32>,
        %add3A_445 = arith.constant 13 : i32
        %add3A_446 = arith.addi %mul3A_226, %add3A_445 : i32
        %get3A_447 = arith.index_cast %add3A_446 : i32 to index
        %get3A_448 = arith.constant 0 : index
        %get3A_449 = tpu.vector_load %arg13[%get3A_447, %get3A_448] {strides = array<i32>} : memref<128x16xf32, #tpu.memory_space<vmem>>, vector<1x16xf32>,
        %get3A_450 = vector.shape_cast %get3A_449 : vector<1x16xf32> to vector<16xf32>
        %slice3A_451 = vector.extract_strided_slice %get3A_224 {offsets = [13], sizes = [1], strides = [1]} : vector<16xf32> to vector<1xf32>
        %squeeze3A_452 = vector.extract %slice3A_451[0] : f32 from vector<1xf32>
        %mul3A_453 = vector.broadcast %squeeze3A_452 : f32 to vector<16xf32>
        %mul3A_454 = arith.mulf %get3A_450, %mul3A_453 : vector<16xf32>
        %add3A_455 = arith.constant 13 : i32
        %add3A_456 = arith.addi %mul3A_226, %add3A_455 : i32
        %swap3A_457 = arith.index_cast %add3A_456 : i32 to index
        %swap3A_458 = arith.constant 0 : index
        %swap3A_459 = tpu.vector_load %arg17[%swap3A_457, %swap3A_458] {strides = array<i32>} : memref<128x16xf32, #tpu.memory_space<vmem>>, vector<1x16xf32>,
        %swap3A_460 = vector.shape_cast %swap3A_459 : vector<1x16xf32> to vector<16xf32>
        %swap3A_461 = vector.shape_cast %mul3A_454 : vector<16xf32> to vector<1x16xf32>
        tpu.vector_store %arg17[%swap3A_457, %swap3A_458], %swap3A_461 {strides = array<i32>} : memref<128x16xf32, #tpu.memory_space<vmem>>, vector<1x16xf32>,
        %add3A_462 = arith.constant 14 : i32
        %add3A_463 = arith.addi %mul3A_226, %add3A_462 : i32
        %get3A_464 = arith.index_cast %add3A_463 : i32 to index
        %get3A_465 = arith.constant 0 : index
        %get3A_466 = tpu.vector_load %arg13[%get3A_464, %get3A_465] {strides = array<i32>} : memref<128x16xf32, #tpu.memory_space<vmem>>, vector<1x16xf32>,
        %get3A_467 = vector.shape_cast %get3A_466 : vector<1x16xf32> to vector<16xf32>
        %slice3A_468 = vector.extract_strided_slice %get3A_224 {offsets = [14], sizes = [1], strides = [1]} : vector<16xf32> to vector<1xf32>
        %squeeze3A_469 = vector.extract %slice3A_468[0] : f32 from vector<1xf32>
        %mul3A_470 = vector.broadcast %squeeze3A_469 : f32 to vector<16xf32>
        %mul3A_471 = arith.mulf %get3A_467, %mul3A_470 : vector<16xf32>
        %add3A_472 = arith.constant 14 : i32
        %add3A_473 = arith.addi %mul3A_226, %add3A_472 : i32
        %swap3A_474 = arith.index_cast %add3A_473 : i32 to index
        %swap3A_475 = arith.constant 0 : index
        %swap3A_476 = tpu.vector_load %arg17[%swap3A_474, %swap3A_475] {strides = array<i32>} : memref<128x16xf32, #tpu.memory_space<vmem>>, vector<1x16xf32>,
        %swap3A_477 = vector.shape_cast %swap3A_476 : vector<1x16xf32> to vector<16xf32>
        %swap3A_478 = vector.shape_cast %mul3A_471 : vector<16xf32> to vector<1x16xf32>
        tpu.vector_store %arg17[%swap3A_474, %swap3A_475], %swap3A_478 {strides = array<i32>} : memref<128x16xf32, #tpu.memory_space<vmem>>, vector<1x16xf32>,
        %add3A_479 = arith.constant 15 : i32
        %add3A_480 = arith.addi %mul3A_226, %add3A_479 : i32
        %get3A_481 = arith.index_cast %add3A_480 : i32 to index
        %get3A_482 = arith.constant 0 : index
        %get3A_483 = tpu.vector_load %arg13[%get3A_481, %get3A_482] {strides = array<i32>} : memref<128x16xf32, #tpu.memory_space<vmem>>, vector<1x16xf32>,
        %get3A_484 = vector.shape_cast %get3A_483 : vector<1x16xf32> to vector<16xf32>
        %slice3A_485 = vector.extract_strided_slice %get3A_224 {offsets = [15], sizes = [1], strides = [1]} : vector<16xf32> to vector<1xf32>
        %squeeze3A_486 = vector.extract %slice3A_485[0] : f32 from vector<1xf32>
        %mul3A_487 = vector.broadcast %squeeze3A_486 : f32 to vector<16xf32>
        %mul3A_488 = arith.mulf %get3A_484, %mul3A_487 : vector<16xf32>
        %add3A_489 = arith.constant 15 : i32
        %add3A_490 = arith.addi %mul3A_226, %add3A_489 : i32
        %swap3A_491 = arith.index_cast %add3A_490 : i32 to index
        %swap3A_492 = arith.constant 0 : index
        %swap3A_493 = tpu.vector_load %arg17[%swap3A_491, %swap3A_492] {strides = array<i32>} : memref<128x16xf32, #tpu.memory_space<vmem>>, vector<1x16xf32>,
        %swap3A_494 = vector.shape_cast %swap3A_493 : vector<1x16xf32> to vector<16xf32>
        %swap3A_495 = vector.shape_cast %mul3A_488 : vector<16xf32> to vector<1x16xf32>
        tpu.vector_store %arg17[%swap3A_491, %swap3A_492], %swap3A_495 {strides = array<i32>} : memref<128x16xf32, #tpu.memory_space<vmem>>, vector<1x16xf32>,
      }
      %scan3A_137 = arith.constant 8 : i32
      %add3A_138 = arith.constant 4 : i32
      %add3A_139 = arith.addi %add3A_120, %add3A_138 : i32
      %lt3A_140 = arith.constant 80 : i32
      %lt3A_141 = arith.cmpi slt, %add3A_139, %lt3A_140 : i32
      %convert_element_type3A_142 = arith.extui %lt3A_141 : i1 to i32
      %cond3A_143 = arith.constant 0 : i32
      %cond3A_144 = arith.cmpi ne, %convert_element_type3A_142, %cond3A_143 : i32
      scf.if %cond3A_144 {
        %add3A_219 = arith.constant 4 : i32
        %add3A_220 = arith.addi %add3A_120, %add3A_219 : i32
        %dma_start3A_221 = arith.constant 0 : i32
        %dma_start3A_222 = tpu.memref_slice %arg9[%add3A_220, %dma_start3A_221] : memref<80x128xi32, #tpu.memory_space<vmem>> -> memref<1x128xi32, #tpu.memory_space<vmem>>
        %dma_start3A_223 = tpu.memref_squeeze %dma_start3A_222 : memref<1x128xi32, #tpu.memory_space<vmem>> -> memref<128xi32, #tpu.memory_space<vmem>>
        %dma_start3A_224 = arith.constant 0 : i32
        %dma_start3A_225 = arith.constant 0 : i32
        %dma_start3A_226 = tpu.memref_slice %arg2[%dma_start3A_224, %dma_start3A_225] : memref<10000x16xf32, #tpu.memory_space<hbm>> -> memref<10000x16xf32, #tpu.memory_space<hbm>>
        tpu.enqueue_indirect_dma source(%dma_start3A_226 : memref<10000x16xf32, #tpu.memory_space<hbm>>) target(%arg13 : memref<128x16xf32, #tpu.memory_space<vmem>>) offsets(%dma_start3A_223 : memref<128xi32, #tpu.memory_space<vmem>>) semaphore(%arg21 : memref<!tpu.dma_semaphore, #tpu.memory_space<semaphore_mem>>)
      } else {
      }
      %dma_start3A_145 = arith.constant 0 : i32
      %dma_start3A_146 = tpu.memref_slice %arg10[%add3A_120, %dma_start3A_145] : memref<80x128xi32, #tpu.memory_space<vmem>> -> memref<1x128xi32, #tpu.memory_space<vmem>>
      %dma_start3A_147 = tpu.memref_squeeze %dma_start3A_146 : memref<1x128xi32, #tpu.memory_space<vmem>> -> memref<128xi32, #tpu.memory_space<vmem>>
      %dma_start3A_148 = arith.constant 0 : i32
      %dma_start3A_149 = arith.constant 0 : i32
      %dma_start3A_150 = tpu.memref_slice %arg8[%dma_start3A_148, %dma_start3A_149] : memref<10000x16xf32, #tpu.memory_space<vmem_shared>> -> memref<10000x16xf32, #tpu.memory_space<vmem_shared>>
      tpu.enqueue_indirect_dma source(%arg17 : memref<128x16xf32, #tpu.memory_space<vmem>>) target(%dma_start3A_150 : memref<10000x16xf32, #tpu.memory_space<vmem_shared>>) offsets(%dma_start3A_147 : memref<128xi32, #tpu.memory_space<vmem>>) semaphore(%arg25 : memref<!tpu.dma_semaphore, #tpu.memory_space<semaphore_mem>>) {add = true}
      %mul3A_151 = arith.constant 4 : i32
      %mul3A_152 = arith.muli %scan3A_84, %mul3A_151 : i32
      %add3A_153 = arith.constant 2 : i32
      %add3A_154 = arith.addi %mul3A_152, %add3A_153 : i32
      %dma_wait3A_155 = arith.constant 0 : i32
      %dma_wait3A_156 = tpu.memref_slice %arg9[%add3A_154, %dma_wait3A_155] : memref<80x128xi32, #tpu.memory_space<vmem>> -> memref<1x128xi32, #tpu.memory_space<vmem>>
      %dma_wait3A_157 = tpu.memref_squeeze %dma_wait3A_156 : memref<1x128xi32, #tpu.memory_space<vmem>> -> memref<128xi32, #tpu.memory_space<vmem>>
      %dma_wait3A_158 = arith.constant 0 : i32
      %dma_wait3A_159 = arith.constant 0 : i32
      %dma_wait3A_160 = tpu.memref_slice %arg2[%dma_wait3A_158, %dma_wait3A_159] : memref<10000x16xf32, #tpu.memory_space<hbm>> -> memref<10000x16xf32, #tpu.memory_space<hbm>>
      tpu.wait_indirect_dma semaphore(%arg22 : memref<!tpu.dma_semaphore, #tpu.memory_space<semaphore_mem>>) src(%dma_wait3A_160 : memref<10000x16xf32, #tpu.memory_space<hbm>>) dst(%arg14 : memref<128x16xf32, #tpu.memory_space<vmem>>)
      %ge3A_161 = arith.constant 4 : i32
      %ge3A_162 = arith.cmpi sge, %add3A_154, %ge3A_161 : i32
      %convert_element_type3A_163 = arith.extui %ge3A_162 : i1 to i32
      %cond3A_164 = arith.constant 0 : i32
      %cond3A_165 = arith.cmpi ne, %convert_element_type3A_163, %cond3A_164 : i32
      scf.if %cond3A_165 {
        %sub3A = arith.constant 4 : i32
        %sub3A_219 = arith.subi %add3A_154, %sub3A : i32
        %dma_wait3A_220 = arith.constant 0 : i32
        %dma_wait3A_221 = tpu.memref_slice %arg10[%sub3A_219, %dma_wait3A_220] : memref<80x128xi32, #tpu.memory_space<vmem>> -> memref<1x128xi32, #tpu.memory_space<vmem>>
        %dma_wait3A_222 = tpu.memref_squeeze %dma_wait3A_221 : memref<1x128xi32, #tpu.memory_space<vmem>> -> memref<128xi32, #tpu.memory_space<vmem>>
        %dma_wait3A_223 = arith.constant 0 : i32
        %dma_wait3A_224 = arith.constant 0 : i32
        %dma_wait3A_225 = tpu.memref_slice %arg8[%dma_wait3A_223, %dma_wait3A_224] : memref<10000x16xf32, #tpu.memory_space<vmem_shared>> -> memref<10000x16xf32, #tpu.memory_space<vmem_shared>>
        tpu.wait_indirect_dma semaphore(%arg26 : memref<!tpu.dma_semaphore, #tpu.memory_space<semaphore_mem>>) src(%arg18 : memref<128x16xf32, #tpu.memory_space<vmem>>) dst(%dma_wait3A_225 : memref<10000x16xf32, #tpu.memory_space<vmem_shared>>)
      } else {
      }
      %scan3A_166 = arith.constant 0 : i32
      %scan3A_167 = arith.constant 0 : i32
      %scan3A_168 = arith.constant 8 : i32
      %scan3A_169 = arith.addi %scan3A_167, %scan3A_168 : i32
      %scan3A_170 = arith.constant 1 : i32
      scf.for %scan3A_219 = %scan3A_167 to %scan3A_169 step %scan3A_170  : i32 {
        %mul3A_220 = arith.constant 16 : i32
        %mul3A_221 = arith.muli %scan3A_219, %mul3A_220 : i32
        %get3A = arith.index_cast %add3A_154 : i32 to index
        %get3A_222 = arith.index_cast %mul3A_221 : i32 to index
        %get3A_223 = tpu.vector_load %arg11[%get3A, %get3A_222] {strides = array<i32>} : memref<80x128xf32, #tpu.memory_space<vmem>>, vector<1x16xf32>,
        %get3A_224 = vector.shape_cast %get3A_223 : vector<1x16xf32> to vector<16xf32>
        %mul3A_225 = arith.constant 16 : i32
        %mul3A_226 = arith.muli %scan3A_219, %mul3A_225 : i32
        %add3A_227 = arith.constant 0 : i32
        %add3A_228 = arith.addi %mul3A_226, %add3A_227 : i32
        %get3A_229 = arith.index_cast %add3A_228 : i32 to index
        %get3A_230 = arith.constant 0 : index
        %get3A_231 = tpu.vector_load %arg14[%get3A_229, %get3A_230] {strides = array<i32>} : memref<128x16xf32, #tpu.memory_space<vmem>>, vector<1x16xf32>,
        %get3A_232 = vector.shape_cast %get3A_231 : vector<1x16xf32> to vector<16xf32>
        %slice3A = vector.extract_strided_slice %get3A_224 {offsets = [0], sizes = [1], strides = [1]} : vector<16xf32> to vector<1xf32>
        %squeeze3A = vector.extract %slice3A[0] : f32 from vector<1xf32>
        %mul3A_233 = vector.broadcast %squeeze3A : f32 to vector<16xf32>
        %mul3A_234 = arith.mulf %get3A_232, %mul3A_233 : vector<16xf32>
        %add3A_235 = arith.constant 0 : i32
        %add3A_236 = arith.addi %mul3A_226, %add3A_235 : i32
        %swap3A = arith.index_cast %add3A_236 : i32 to index
        %swap3A_237 = arith.constant 0 : index
        %swap3A_238 = tpu.vector_load %arg18[%swap3A, %swap3A_237] {strides = array<i32>} : memref<128x16xf32, #tpu.memory_space<vmem>>, vector<1x16xf32>,
        %swap3A_239 = vector.shape_cast %swap3A_238 : vector<1x16xf32> to vector<16xf32>
        %swap3A_240 = vector.shape_cast %mul3A_234 : vector<16xf32> to vector<1x16xf32>
        tpu.vector_store %arg18[%swap3A, %swap3A_237], %swap3A_240 {strides = array<i32>} : memref<128x16xf32, #tpu.memory_space<vmem>>, vector<1x16xf32>,
        %add3A_241 = arith.constant 1 : i32
        %add3A_242 = arith.addi %mul3A_226, %add3A_241 : i32
        %get3A_243 = arith.index_cast %add3A_242 : i32 to index
        %get3A_244 = arith.constant 0 : index
        %get3A_245 = tpu.vector_load %arg14[%get3A_243, %get3A_244] {strides = array<i32>} : memref<128x16xf32, #tpu.memory_space<vmem>>, vector<1x16xf32>,
        %get3A_246 = vector.shape_cast %get3A_245 : vector<1x16xf32> to vector<16xf32>
        %slice3A_247 = vector.extract_strided_slice %get3A_224 {offsets = [1], sizes = [1], strides = [1]} : vector<16xf32> to vector<1xf32>
        %squeeze3A_248 = vector.extract %slice3A_247[0] : f32 from vector<1xf32>
        %mul3A_249 = vector.broadcast %squeeze3A_248 : f32 to vector<16xf32>
        %mul3A_250 = arith.mulf %get3A_246, %mul3A_249 : vector<16xf32>
        %add3A_251 = arith.constant 1 : i32
        %add3A_252 = arith.addi %mul3A_226, %add3A_251 : i32
        %swap3A_253 = arith.index_cast %add3A_252 : i32 to index
        %swap3A_254 = arith.constant 0 : index
        %swap3A_255 = tpu.vector_load %arg18[%swap3A_253, %swap3A_254] {strides = array<i32>} : memref<128x16xf32, #tpu.memory_space<vmem>>, vector<1x16xf32>,
        %swap3A_256 = vector.shape_cast %swap3A_255 : vector<1x16xf32> to vector<16xf32>
        %swap3A_257 = vector.shape_cast %mul3A_250 : vector<16xf32> to vector<1x16xf32>
        tpu.vector_store %arg18[%swap3A_253, %swap3A_254], %swap3A_257 {strides = array<i32>} : memref<128x16xf32, #tpu.memory_space<vmem>>, vector<1x16xf32>,
        %add3A_258 = arith.constant 2 : i32
        %add3A_259 = arith.addi %mul3A_226, %add3A_258 : i32
        %get3A_260 = arith.index_cast %add3A_259 : i32 to index
        %get3A_261 = arith.constant 0 : index
        %get3A_262 = tpu.vector_load %arg14[%get3A_260, %get3A_261] {strides = array<i32>} : memref<128x16xf32, #tpu.memory_space<vmem>>, vector<1x16xf32>,
        %get3A_263 = vector.shape_cast %get3A_262 : vector<1x16xf32> to vector<16xf32>
        %slice3A_264 = vector.extract_strided_slice %get3A_224 {offsets = [2], sizes = [1], strides = [1]} : vector<16xf32> to vector<1xf32>
        %squeeze3A_265 = vector.extract %slice3A_264[0] : f32 from vector<1xf32>
        %mul3A_266 = vector.broadcast %squeeze3A_265 : f32 to vector<16xf32>
        %mul3A_267 = arith.mulf %get3A_263, %mul3A_266 : vector<16xf32>
        %add3A_268 = arith.constant 2 : i32
        %add3A_269 = arith.addi %mul3A_226, %add3A_268 : i32
        %swap3A_270 = arith.index_cast %add3A_269 : i32 to index
        %swap3A_271 = arith.constant 0 : index
        %swap3A_272 = tpu.vector_load %arg18[%swap3A_270, %swap3A_271] {strides = array<i32>} : memref<128x16xf32, #tpu.memory_space<vmem>>, vector<1x16xf32>,
        %swap3A_273 = vector.shape_cast %swap3A_272 : vector<1x16xf32> to vector<16xf32>
        %swap3A_274 = vector.shape_cast %mul3A_267 : vector<16xf32> to vector<1x16xf32>
        tpu.vector_store %arg18[%swap3A_270, %swap3A_271], %swap3A_274 {strides = array<i32>} : memref<128x16xf32, #tpu.memory_space<vmem>>, vector<1x16xf32>,
        %add3A_275 = arith.constant 3 : i32
        %add3A_276 = arith.addi %mul3A_226, %add3A_275 : i32
        %get3A_277 = arith.index_cast %add3A_276 : i32 to index
        %get3A_278 = arith.constant 0 : index
        %get3A_279 = tpu.vector_load %arg14[%get3A_277, %get3A_278] {strides = array<i32>} : memref<128x16xf32, #tpu.memory_space<vmem>>, vector<1x16xf32>,
        %get3A_280 = vector.shape_cast %get3A_279 : vector<1x16xf32> to vector<16xf32>
        %slice3A_281 = vector.extract_strided_slice %get3A_224 {offsets = [3], sizes = [1], strides = [1]} : vector<16xf32> to vector<1xf32>
        %squeeze3A_282 = vector.extract %slice3A_281[0] : f32 from vector<1xf32>
        %mul3A_283 = vector.broadcast %squeeze3A_282 : f32 to vector<16xf32>
        %mul3A_284 = arith.mulf %get3A_280, %mul3A_283 : vector<16xf32>
        %add3A_285 = arith.constant 3 : i32
        %add3A_286 = arith.addi %mul3A_226, %add3A_285 : i32
        %swap3A_287 = arith.index_cast %add3A_286 : i32 to index
        %swap3A_288 = arith.constant 0 : index
        %swap3A_289 = tpu.vector_load %arg18[%swap3A_287, %swap3A_288] {strides = array<i32>} : memref<128x16xf32, #tpu.memory_space<vmem>>, vector<1x16xf32>,
        %swap3A_290 = vector.shape_cast %swap3A_289 : vector<1x16xf32> to vector<16xf32>
        %swap3A_291 = vector.shape_cast %mul3A_284 : vector<16xf32> to vector<1x16xf32>
        tpu.vector_store %arg18[%swap3A_287, %swap3A_288], %swap3A_291 {strides = array<i32>} : memref<128x16xf32, #tpu.memory_space<vmem>>, vector<1x16xf32>,
        %add3A_292 = arith.constant 4 : i32
        %add3A_293 = arith.addi %mul3A_226, %add3A_292 : i32
        %get3A_294 = arith.index_cast %add3A_293 : i32 to index
        %get3A_295 = arith.constant 0 : index
        %get3A_296 = tpu.vector_load %arg14[%get3A_294, %get3A_295] {strides = array<i32>} : memref<128x16xf32, #tpu.memory_space<vmem>>, vector<1x16xf32>,
        %get3A_297 = vector.shape_cast %get3A_296 : vector<1x16xf32> to vector<16xf32>
        %slice3A_298 = vector.extract_strided_slice %get3A_224 {offsets = [4], sizes = [1], strides = [1]} : vector<16xf32> to vector<1xf32>
        %squeeze3A_299 = vector.extract %slice3A_298[0] : f32 from vector<1xf32>
        %mul3A_300 = vector.broadcast %squeeze3A_299 : f32 to vector<16xf32>
        %mul3A_301 = arith.mulf %get3A_297, %mul3A_300 : vector<16xf32>
        %add3A_302 = arith.constant 4 : i32
        %add3A_303 = arith.addi %mul3A_226, %add3A_302 : i32
        %swap3A_304 = arith.index_cast %add3A_303 : i32 to index
        %swap3A_305 = arith.constant 0 : index
        %swap3A_306 = tpu.vector_load %arg18[%swap3A_304, %swap3A_305] {strides = array<i32>} : memref<128x16xf32, #tpu.memory_space<vmem>>, vector<1x16xf32>,
        %swap3A_307 = vector.shape_cast %swap3A_306 : vector<1x16xf32> to vector<16xf32>
        %swap3A_308 = vector.shape_cast %mul3A_301 : vector<16xf32> to vector<1x16xf32>
        tpu.vector_store %arg18[%swap3A_304, %swap3A_305], %swap3A_308 {strides = array<i32>} : memref<128x16xf32, #tpu.memory_space<vmem>>, vector<1x16xf32>,
        %add3A_309 = arith.constant 5 : i32
        %add3A_310 = arith.addi %mul3A_226, %add3A_309 : i32
        %get3A_311 = arith.index_cast %add3A_310 : i32 to index
        %get3A_312 = arith.constant 0 : index
        %get3A_313 = tpu.vector_load %arg14[%get3A_311, %get3A_312] {strides = array<i32>} : memref<128x16xf32, #tpu.memory_space<vmem>>, vector<1x16xf32>,
        %get3A_314 = vector.shape_cast %get3A_313 : vector<1x16xf32> to vector<16xf32>
        %slice3A_315 = vector.extract_strided_slice %get3A_224 {offsets = [5], sizes = [1], strides = [1]} : vector<16xf32> to vector<1xf32>
        %squeeze3A_316 = vector.extract %slice3A_315[0] : f32 from vector<1xf32>
        %mul3A_317 = vector.broadcast %squeeze3A_316 : f32 to vector<16xf32>
        %mul3A_318 = arith.mulf %get3A_314, %mul3A_317 : vector<16xf32>
        %add3A_319 = arith.constant 5 : i32
        %add3A_320 = arith.addi %mul3A_226, %add3A_319 : i32
        %swap3A_321 = arith.index_cast %add3A_320 : i32 to index
        %swap3A_322 = arith.constant 0 : index
        %swap3A_323 = tpu.vector_load %arg18[%swap3A_321, %swap3A_322] {strides = array<i32>} : memref<128x16xf32, #tpu.memory_space<vmem>>, vector<1x16xf32>,
        %swap3A_324 = vector.shape_cast %swap3A_323 : vector<1x16xf32> to vector<16xf32>
        %swap3A_325 = vector.shape_cast %mul3A_318 : vector<16xf32> to vector<1x16xf32>
        tpu.vector_store %arg18[%swap3A_321, %swap3A_322], %swap3A_325 {strides = array<i32>} : memref<128x16xf32, #tpu.memory_space<vmem>>, vector<1x16xf32>,
        %add3A_326 = arith.constant 6 : i32
        %add3A_327 = arith.addi %mul3A_226, %add3A_326 : i32
        %get3A_328 = arith.index_cast %add3A_327 : i32 to index
        %get3A_329 = arith.constant 0 : index
        %get3A_330 = tpu.vector_load %arg14[%get3A_328, %get3A_329] {strides = array<i32>} : memref<128x16xf32, #tpu.memory_space<vmem>>, vector<1x16xf32>,
        %get3A_331 = vector.shape_cast %get3A_330 : vector<1x16xf32> to vector<16xf32>
        %slice3A_332 = vector.extract_strided_slice %get3A_224 {offsets = [6], sizes = [1], strides = [1]} : vector<16xf32> to vector<1xf32>
        %squeeze3A_333 = vector.extract %slice3A_332[0] : f32 from vector<1xf32>
        %mul3A_334 = vector.broadcast %squeeze3A_333 : f32 to vector<16xf32>
        %mul3A_335 = arith.mulf %get3A_331, %mul3A_334 : vector<16xf32>
        %add3A_336 = arith.constant 6 : i32
        %add3A_337 = arith.addi %mul3A_226, %add3A_336 : i32
        %swap3A_338 = arith.index_cast %add3A_337 : i32 to index
        %swap3A_339 = arith.constant 0 : index
        %swap3A_340 = tpu.vector_load %arg18[%swap3A_338, %swap3A_339] {strides = array<i32>} : memref<128x16xf32, #tpu.memory_space<vmem>>, vector<1x16xf32>,
        %swap3A_341 = vector.shape_cast %swap3A_340 : vector<1x16xf32> to vector<16xf32>
        %swap3A_342 = vector.shape_cast %mul3A_335 : vector<16xf32> to vector<1x16xf32>
        tpu.vector_store %arg18[%swap3A_338, %swap3A_339], %swap3A_342 {strides = array<i32>} : memref<128x16xf32, #tpu.memory_space<vmem>>, vector<1x16xf32>,
        %add3A_343 = arith.constant 7 : i32
        %add3A_344 = arith.addi %mul3A_226, %add3A_343 : i32
        %get3A_345 = arith.index_cast %add3A_344 : i32 to index
        %get3A_346 = arith.constant 0 : index
        %get3A_347 = tpu.vector_load %arg14[%get3A_345, %get3A_346] {strides = array<i32>} : memref<128x16xf32, #tpu.memory_space<vmem>>, vector<1x16xf32>,
        %get3A_348 = vector.shape_cast %get3A_347 : vector<1x16xf32> to vector<16xf32>
        %slice3A_349 = vector.extract_strided_slice %get3A_224 {offsets = [7], sizes = [1], strides = [1]} : vector<16xf32> to vector<1xf32>
        %squeeze3A_350 = vector.extract %slice3A_349[0] : f32 from vector<1xf32>
        %mul3A_351 = vector.broadcast %squeeze3A_350 : f32 to vector<16xf32>
        %mul3A_352 = arith.mulf %get3A_348, %mul3A_351 : vector<16xf32>
        %add3A_353 = arith.constant 7 : i32
        %add3A_354 = arith.addi %mul3A_226, %add3A_353 : i32
        %swap3A_355 = arith.index_cast %add3A_354 : i32 to index
        %swap3A_356 = arith.constant 0 : index
        %swap3A_357 = tpu.vector_load %arg18[%swap3A_355, %swap3A_356] {strides = array<i32>} : memref<128x16xf32, #tpu.memory_space<vmem>>, vector<1x16xf32>,
        %swap3A_358 = vector.shape_cast %swap3A_357 : vector<1x16xf32> to vector<16xf32>
        %swap3A_359 = vector.shape_cast %mul3A_352 : vector<16xf32> to vector<1x16xf32>
        tpu.vector_store %arg18[%swap3A_355, %swap3A_356], %swap3A_359 {strides = array<i32>} : memref<128x16xf32, #tpu.memory_space<vmem>>, vector<1x16xf32>,
        %add3A_360 = arith.constant 8 : i32
        %add3A_361 = arith.addi %mul3A_226, %add3A_360 : i32
        %get3A_362 = arith.index_cast %add3A_361 : i32 to index
        %get3A_363 = arith.constant 0 : index
        %get3A_364 = tpu.vector_load %arg14[%get3A_362, %get3A_363] {strides = array<i32>} : memref<128x16xf32, #tpu.memory_space<vmem>>, vector<1x16xf32>,
        %get3A_365 = vector.shape_cast %get3A_364 : vector<1x16xf32> to vector<16xf32>
        %slice3A_366 = vector.extract_strided_slice %get3A_224 {offsets = [8], sizes = [1], strides = [1]} : vector<16xf32> to vector<1xf32>
        %squeeze3A_367 = vector.extract %slice3A_366[0] : f32 from vector<1xf32>
        %mul3A_368 = vector.broadcast %squeeze3A_367 : f32 to vector<16xf32>
        %mul3A_369 = arith.mulf %get3A_365, %mul3A_368 : vector<16xf32>
        %add3A_370 = arith.constant 8 : i32
        %add3A_371 = arith.addi %mul3A_226, %add3A_370 : i32
        %swap3A_372 = arith.index_cast %add3A_371 : i32 to index
        %swap3A_373 = arith.constant 0 : index
        %swap3A_374 = tpu.vector_load %arg18[%swap3A_372, %swap3A_373] {strides = array<i32>} : memref<128x16xf32, #tpu.memory_space<vmem>>, vector<1x16xf32>,
        %swap3A_375 = vector.shape_cast %swap3A_374 : vector<1x16xf32> to vector<16xf32>
        %swap3A_376 = vector.shape_cast %mul3A_369 : vector<16xf32> to vector<1x16xf32>
        tpu.vector_store %arg18[%swap3A_372, %swap3A_373], %swap3A_376 {strides = array<i32>} : memref<128x16xf32, #tpu.memory_space<vmem>>, vector<1x16xf32>,
        %add3A_377 = arith.constant 9 : i32
        %add3A_378 = arith.addi %mul3A_226, %add3A_377 : i32
        %get3A_379 = arith.index_cast %add3A_378 : i32 to index
        %get3A_380 = arith.constant 0 : index
        %get3A_381 = tpu.vector_load %arg14[%get3A_379, %get3A_380] {strides = array<i32>} : memref<128x16xf32, #tpu.memory_space<vmem>>, vector<1x16xf32>,
        %get3A_382 = vector.shape_cast %get3A_381 : vector<1x16xf32> to vector<16xf32>
        %slice3A_383 = vector.extract_strided_slice %get3A_224 {offsets = [9], sizes = [1], strides = [1]} : vector<16xf32> to vector<1xf32>
        %squeeze3A_384 = vector.extract %slice3A_383[0] : f32 from vector<1xf32>
        %mul3A_385 = vector.broadcast %squeeze3A_384 : f32 to vector<16xf32>
        %mul3A_386 = arith.mulf %get3A_382, %mul3A_385 : vector<16xf32>
        %add3A_387 = arith.constant 9 : i32
        %add3A_388 = arith.addi %mul3A_226, %add3A_387 : i32
        %swap3A_389 = arith.index_cast %add3A_388 : i32 to index
        %swap3A_390 = arith.constant 0 : index
        %swap3A_391 = tpu.vector_load %arg18[%swap3A_389, %swap3A_390] {strides = array<i32>} : memref<128x16xf32, #tpu.memory_space<vmem>>, vector<1x16xf32>,
        %swap3A_392 = vector.shape_cast %swap3A_391 : vector<1x16xf32> to vector<16xf32>
        %swap3A_393 = vector.shape_cast %mul3A_386 : vector<16xf32> to vector<1x16xf32>
        tpu.vector_store %arg18[%swap3A_389, %swap3A_390], %swap3A_393 {strides = array<i32>} : memref<128x16xf32, #tpu.memory_space<vmem>>, vector<1x16xf32>,
        %add3A_394 = arith.constant 10 : i32
        %add3A_395 = arith.addi %mul3A_226, %add3A_394 : i32
        %get3A_396 = arith.index_cast %add3A_395 : i32 to index
        %get3A_397 = arith.constant 0 : index
        %get3A_398 = tpu.vector_load %arg14[%get3A_396, %get3A_397] {strides = array<i32>} : memref<128x16xf32, #tpu.memory_space<vmem>>, vector<1x16xf32>,
        %get3A_399 = vector.shape_cast %get3A_398 : vector<1x16xf32> to vector<16xf32>
        %slice3A_400 = vector.extract_strided_slice %get3A_224 {offsets = [10], sizes = [1], strides = [1]} : vector<16xf32> to vector<1xf32>
        %squeeze3A_401 = vector.extract %slice3A_400[0] : f32 from vector<1xf32>
        %mul3A_402 = vector.broadcast %squeeze3A_401 : f32 to vector<16xf32>
        %mul3A_403 = arith.mulf %get3A_399, %mul3A_402 : vector<16xf32>
        %add3A_404 = arith.constant 10 : i32
        %add3A_405 = arith.addi %mul3A_226, %add3A_404 : i32
        %swap3A_406 = arith.index_cast %add3A_405 : i32 to index
        %swap3A_407 = arith.constant 0 : index
        %swap3A_408 = tpu.vector_load %arg18[%swap3A_406, %swap3A_407] {strides = array<i32>} : memref<128x16xf32, #tpu.memory_space<vmem>>, vector<1x16xf32>,
        %swap3A_409 = vector.shape_cast %swap3A_408 : vector<1x16xf32> to vector<16xf32>
        %swap3A_410 = vector.shape_cast %mul3A_403 : vector<16xf32> to vector<1x16xf32>
        tpu.vector_store %arg18[%swap3A_406, %swap3A_407], %swap3A_410 {strides = array<i32>} : memref<128x16xf32, #tpu.memory_space<vmem>>, vector<1x16xf32>,
        %add3A_411 = arith.constant 11 : i32
        %add3A_412 = arith.addi %mul3A_226, %add3A_411 : i32
        %get3A_413 = arith.index_cast %add3A_412 : i32 to index
        %get3A_414 = arith.constant 0 : index
        %get3A_415 = tpu.vector_load %arg14[%get3A_413, %get3A_414] {strides = array<i32>} : memref<128x16xf32, #tpu.memory_space<vmem>>, vector<1x16xf32>,
        %get3A_416 = vector.shape_cast %get3A_415 : vector<1x16xf32> to vector<16xf32>
        %slice3A_417 = vector.extract_strided_slice %get3A_224 {offsets = [11], sizes = [1], strides = [1]} : vector<16xf32> to vector<1xf32>
        %squeeze3A_418 = vector.extract %slice3A_417[0] : f32 from vector<1xf32>
        %mul3A_419 = vector.broadcast %squeeze3A_418 : f32 to vector<16xf32>
        %mul3A_420 = arith.mulf %get3A_416, %mul3A_419 : vector<16xf32>
        %add3A_421 = arith.constant 11 : i32
        %add3A_422 = arith.addi %mul3A_226, %add3A_421 : i32
        %swap3A_423 = arith.index_cast %add3A_422 : i32 to index
        %swap3A_424 = arith.constant 0 : index
        %swap3A_425 = tpu.vector_load %arg18[%swap3A_423, %swap3A_424] {strides = array<i32>} : memref<128x16xf32, #tpu.memory_space<vmem>>, vector<1x16xf32>,
        %swap3A_426 = vector.shape_cast %swap3A_425 : vector<1x16xf32> to vector<16xf32>
        %swap3A_427 = vector.shape_cast %mul3A_420 : vector<16xf32> to vector<1x16xf32>
        tpu.vector_store %arg18[%swap3A_423, %swap3A_424], %swap3A_427 {strides = array<i32>} : memref<128x16xf32, #tpu.memory_space<vmem>>, vector<1x16xf32>,
        %add3A_428 = arith.constant 12 : i32
        %add3A_429 = arith.addi %mul3A_226, %add3A_428 : i32
        %get3A_430 = arith.index_cast %add3A_429 : i32 to index
        %get3A_431 = arith.constant 0 : index
        %get3A_432 = tpu.vector_load %arg14[%get3A_430, %get3A_431] {strides = array<i32>} : memref<128x16xf32, #tpu.memory_space<vmem>>, vector<1x16xf32>,
        %get3A_433 = vector.shape_cast %get3A_432 : vector<1x16xf32> to vector<16xf32>
        %slice3A_434 = vector.extract_strided_slice %get3A_224 {offsets = [12], sizes = [1], strides = [1]} : vector<16xf32> to vector<1xf32>
        %squeeze3A_435 = vector.extract %slice3A_434[0] : f32 from vector<1xf32>
        %mul3A_436 = vector.broadcast %squeeze3A_435 : f32 to vector<16xf32>
        %mul3A_437 = arith.mulf %get3A_433, %mul3A_436 : vector<16xf32>
        %add3A_438 = arith.constant 12 : i32
        %add3A_439 = arith.addi %mul3A_226, %add3A_438 : i32
        %swap3A_440 = arith.index_cast %add3A_439 : i32 to index
        %swap3A_441 = arith.constant 0 : index
        %swap3A_442 = tpu.vector_load %arg18[%swap3A_440, %swap3A_441] {strides = array<i32>} : memref<128x16xf32, #tpu.memory_space<vmem>>, vector<1x16xf32>,
        %swap3A_443 = vector.shape_cast %swap3A_442 : vector<1x16xf32> to vector<16xf32>
        %swap3A_444 = vector.shape_cast %mul3A_437 : vector<16xf32> to vector<1x16xf32>
        tpu.vector_store %arg18[%swap3A_440, %swap3A_441], %swap3A_444 {strides = array<i32>} : memref<128x16xf32, #tpu.memory_space<vmem>>, vector<1x16xf32>,
        %add3A_445 = arith.constant 13 : i32
        %add3A_446 = arith.addi %mul3A_226, %add3A_445 : i32
        %get3A_447 = arith.index_cast %add3A_446 : i32 to index
        %get3A_448 = arith.constant 0 : index
        %get3A_449 = tpu.vector_load %arg14[%get3A_447, %get3A_448] {strides = array<i32>} : memref<128x16xf32, #tpu.memory_space<vmem>>, vector<1x16xf32>,
        %get3A_450 = vector.shape_cast %get3A_449 : vector<1x16xf32> to vector<16xf32>
        %slice3A_451 = vector.extract_strided_slice %get3A_224 {offsets = [13], sizes = [1], strides = [1]} : vector<16xf32> to vector<1xf32>
        %squeeze3A_452 = vector.extract %slice3A_451[0] : f32 from vector<1xf32>
        %mul3A_453 = vector.broadcast %squeeze3A_452 : f32 to vector<16xf32>
        %mul3A_454 = arith.mulf %get3A_450, %mul3A_453 : vector<16xf32>
        %add3A_455 = arith.constant 13 : i32
        %add3A_456 = arith.addi %mul3A_226, %add3A_455 : i32
        %swap3A_457 = arith.index_cast %add3A_456 : i32 to index
        %swap3A_458 = arith.constant 0 : index
        %swap3A_459 = tpu.vector_load %arg18[%swap3A_457, %swap3A_458] {strides = array<i32>} : memref<128x16xf32, #tpu.memory_space<vmem>>, vector<1x16xf32>,
        %swap3A_460 = vector.shape_cast %swap3A_459 : vector<1x16xf32> to vector<16xf32>
        %swap3A_461 = vector.shape_cast %mul3A_454 : vector<16xf32> to vector<1x16xf32>
        tpu.vector_store %arg18[%swap3A_457, %swap3A_458], %swap3A_461 {strides = array<i32>} : memref<128x16xf32, #tpu.memory_space<vmem>>, vector<1x16xf32>,
        %add3A_462 = arith.constant 14 : i32
        %add3A_463 = arith.addi %mul3A_226, %add3A_462 : i32
        %get3A_464 = arith.index_cast %add3A_463 : i32 to index
        %get3A_465 = arith.constant 0 : index
        %get3A_466 = tpu.vector_load %arg14[%get3A_464, %get3A_465] {strides = array<i32>} : memref<128x16xf32, #tpu.memory_space<vmem>>, vector<1x16xf32>,
        %get3A_467 = vector.shape_cast %get3A_466 : vector<1x16xf32> to vector<16xf32>
        %slice3A_468 = vector.extract_strided_slice %get3A_224 {offsets = [14], sizes = [1], strides = [1]} : vector<16xf32> to vector<1xf32>
        %squeeze3A_469 = vector.extract %slice3A_468[0] : f32 from vector<1xf32>
        %mul3A_470 = vector.broadcast %squeeze3A_469 : f32 to vector<16xf32>
        %mul3A_471 = arith.mulf %get3A_467, %mul3A_470 : vector<16xf32>
        %add3A_472 = arith.constant 14 : i32
        %add3A_473 = arith.addi %mul3A_226, %add3A_472 : i32
        %swap3A_474 = arith.index_cast %add3A_473 : i32 to index
        %swap3A_475 = arith.constant 0 : index
        %swap3A_476 = tpu.vector_load %arg18[%swap3A_474, %swap3A_475] {strides = array<i32>} : memref<128x16xf32, #tpu.memory_space<vmem>>, vector<1x16xf32>,
        %swap3A_477 = vector.shape_cast %swap3A_476 : vector<1x16xf32> to vector<16xf32>
        %swap3A_478 = vector.shape_cast %mul3A_471 : vector<16xf32> to vector<1x16xf32>
        tpu.vector_store %arg18[%swap3A_474, %swap3A_475], %swap3A_478 {strides = array<i32>} : memref<128x16xf32, #tpu.memory_space<vmem>>, vector<1x16xf32>,
        %add3A_479 = arith.constant 15 : i32
        %add3A_480 = arith.addi %mul3A_226, %add3A_479 : i32
        %get3A_481 = arith.index_cast %add3A_480 : i32 to index
        %get3A_482 = arith.constant 0 : index
        %get3A_483 = tpu.vector_load %arg14[%get3A_481, %get3A_482] {strides = array<i32>} : memref<128x16xf32, #tpu.memory_space<vmem>>, vector<1x16xf32>,
        %get3A_484 = vector.shape_cast %get3A_483 : vector<1x16xf32> to vector<16xf32>
        %slice3A_485 = vector.extract_strided_slice %get3A_224 {offsets = [15], sizes = [1], strides = [1]} : vector<16xf32> to vector<1xf32>
        %squeeze3A_486 = vector.extract %slice3A_485[0] : f32 from vector<1xf32>
        %mul3A_487 = vector.broadcast %squeeze3A_486 : f32 to vector<16xf32>
        %mul3A_488 = arith.mulf %get3A_484, %mul3A_487 : vector<16xf32>
        %add3A_489 = arith.constant 15 : i32
        %add3A_490 = arith.addi %mul3A_226, %add3A_489 : i32
        %swap3A_491 = arith.index_cast %add3A_490 : i32 to index
        %swap3A_492 = arith.constant 0 : index
        %swap3A_493 = tpu.vector_load %arg18[%swap3A_491, %swap3A_492] {strides = array<i32>} : memref<128x16xf32, #tpu.memory_space<vmem>>, vector<1x16xf32>,
        %swap3A_494 = vector.shape_cast %swap3A_493 : vector<1x16xf32> to vector<16xf32>
        %swap3A_495 = vector.shape_cast %mul3A_488 : vector<16xf32> to vector<1x16xf32>
        tpu.vector_store %arg18[%swap3A_491, %swap3A_492], %swap3A_495 {strides = array<i32>} : memref<128x16xf32, #tpu.memory_space<vmem>>, vector<1x16xf32>,
      }
      %scan3A_171 = arith.constant 8 : i32
      %add3A_172 = arith.constant 4 : i32
      %add3A_173 = arith.addi %add3A_154, %add3A_172 : i32
      %lt3A_174 = arith.constant 80 : i32
      %lt3A_175 = arith.cmpi slt, %add3A_173, %lt3A_174 : i32
      %convert_element_type3A_176 = arith.extui %lt3A_175 : i1 to i32
      %cond3A_177 = arith.constant 0 : i32
      %cond3A_178 = arith.cmpi ne, %convert_element_type3A_176, %cond3A_177 : i32
      scf.if %cond3A_178 {
        %add3A_219 = arith.constant 4 : i32
        %add3A_220 = arith.addi %add3A_154, %add3A_219 : i32
        %dma_start3A_221 = arith.constant 0 : i32
        %dma_start3A_222 = tpu.memref_slice %arg9[%add3A_220, %dma_start3A_221] : memref<80x128xi32, #tpu.memory_space<vmem>> -> memref<1x128xi32, #tpu.memory_space<vmem>>
        %dma_start3A_223 = tpu.memref_squeeze %dma_start3A_222 : memref<1x128xi32, #tpu.memory_space<vmem>> -> memref<128xi32, #tpu.memory_space<vmem>>
        %dma_start3A_224 = arith.constant 0 : i32
        %dma_start3A_225 = arith.constant 0 : i32
        %dma_start3A_226 = tpu.memref_slice %arg2[%dma_start3A_224, %dma_start3A_225] : memref<10000x16xf32, #tpu.memory_space<hbm>> -> memref<10000x16xf32, #tpu.memory_space<hbm>>
        tpu.enqueue_indirect_dma source(%dma_start3A_226 : memref<10000x16xf32, #tpu.memory_space<hbm>>) target(%arg14 : memref<128x16xf32, #tpu.memory_space<vmem>>) offsets(%dma_start3A_223 : memref<128xi32, #tpu.memory_space<vmem>>) semaphore(%arg22 : memref<!tpu.dma_semaphore, #tpu.memory_space<semaphore_mem>>)
      } else {
      }
      %dma_start3A_179 = arith.constant 0 : i32
      %dma_start3A_180 = tpu.memref_slice %arg10[%add3A_154, %dma_start3A_179] : memref<80x128xi32, #tpu.memory_space<vmem>> -> memref<1x128xi32, #tpu.memory_space<vmem>>
      %dma_start3A_181 = tpu.memref_squeeze %dma_start3A_180 : memref<1x128xi32, #tpu.memory_space<vmem>> -> memref<128xi32, #tpu.memory_space<vmem>>
      %dma_start3A_182 = arith.constant 0 : i32
      %dma_start3A_183 = arith.constant 0 : i32
      %dma_start3A_184 = tpu.memref_slice %arg8[%dma_start3A_182, %dma_start3A_183] : memref<10000x16xf32, #tpu.memory_space<vmem_shared>> -> memref<10000x16xf32, #tpu.memory_space<vmem_shared>>
      tpu.enqueue_indirect_dma source(%arg18 : memref<128x16xf32, #tpu.memory_space<vmem>>) target(%dma_start3A_184 : memref<10000x16xf32, #tpu.memory_space<vmem_shared>>) offsets(%dma_start3A_181 : memref<128xi32, #tpu.memory_space<vmem>>) semaphore(%arg26 : memref<!tpu.dma_semaphore, #tpu.memory_space<semaphore_mem>>) {add = true}
      %mul3A_185 = arith.constant 4 : i32
      %mul3A_186 = arith.muli %scan3A_84, %mul3A_185 : i32
      %add3A_187 = arith.constant 3 : i32
      %add3A_188 = arith.addi %mul3A_186, %add3A_187 : i32
      %dma_wait3A_189 = arith.constant 0 : i32
      %dma_wait3A_190 = tpu.memref_slice %arg9[%add3A_188, %dma_wait3A_189] : memref<80x128xi32, #tpu.memory_space<vmem>> -> memref<1x128xi32, #tpu.memory_space<vmem>>
      %dma_wait3A_191 = tpu.memref_squeeze %dma_wait3A_190 : memref<1x128xi32, #tpu.memory_space<vmem>> -> memref<128xi32, #tpu.memory_space<vmem>>
      %dma_wait3A_192 = arith.constant 0 : i32
      %dma_wait3A_193 = arith.constant 0 : i32
      %dma_wait3A_194 = tpu.memref_slice %arg2[%dma_wait3A_192, %dma_wait3A_193] : memref<10000x16xf32, #tpu.memory_space<hbm>> -> memref<10000x16xf32, #tpu.memory_space<hbm>>
      tpu.wait_indirect_dma semaphore(%arg23 : memref<!tpu.dma_semaphore, #tpu.memory_space<semaphore_mem>>) src(%dma_wait3A_194 : memref<10000x16xf32, #tpu.memory_space<hbm>>) dst(%arg15 : memref<128x16xf32, #tpu.memory_space<vmem>>)
      %ge3A_195 = arith.constant 4 : i32
      %ge3A_196 = arith.cmpi sge, %add3A_188, %ge3A_195 : i32
      %convert_element_type3A_197 = arith.extui %ge3A_196 : i1 to i32
      %cond3A_198 = arith.constant 0 : i32
      %cond3A_199 = arith.cmpi ne, %convert_element_type3A_197, %cond3A_198 : i32
      scf.if %cond3A_199 {
        %sub3A = arith.constant 4 : i32
        %sub3A_219 = arith.subi %add3A_188, %sub3A : i32
        %dma_wait3A_220 = arith.constant 0 : i32
        %dma_wait3A_221 = tpu.memref_slice %arg10[%sub3A_219, %dma_wait3A_220] : memref<80x128xi32, #tpu.memory_space<vmem>> -> memref<1x128xi32, #tpu.memory_space<vmem>>
        %dma_wait3A_222 = tpu.memref_squeeze %dma_wait3A_221 : memref<1x128xi32, #tpu.memory_space<vmem>> -> memref<128xi32, #tpu.memory_space<vmem>>
        %dma_wait3A_223 = arith.constant 0 : i32
        %dma_wait3A_224 = arith.constant 0 : i32
        %dma_wait3A_225 = tpu.memref_slice %arg8[%dma_wait3A_223, %dma_wait3A_224] : memref<10000x16xf32, #tpu.memory_space<vmem_shared>> -> memref<10000x16xf32, #tpu.memory_space<vmem_shared>>
        tpu.wait_indirect_dma semaphore(%arg27 : memref<!tpu.dma_semaphore, #tpu.memory_space<semaphore_mem>>) src(%arg19 : memref<128x16xf32, #tpu.memory_space<vmem>>) dst(%dma_wait3A_225 : memref<10000x16xf32, #tpu.memory_space<vmem_shared>>)
      } else {
      }
      %scan3A_200 = arith.constant 0 : i32
      %scan3A_201 = arith.constant 0 : i32
      %scan3A_202 = arith.constant 8 : i32
      %scan3A_203 = arith.addi %scan3A_201, %scan3A_202 : i32
      %scan3A_204 = arith.constant 1 : i32
      scf.for %scan3A_219 = %scan3A_201 to %scan3A_203 step %scan3A_204  : i32 {
        %mul3A_220 = arith.constant 16 : i32
        %mul3A_221 = arith.muli %scan3A_219, %mul3A_220 : i32
        %get3A = arith.index_cast %add3A_188 : i32 to index
        %get3A_222 = arith.index_cast %mul3A_221 : i32 to index
        %get3A_223 = tpu.vector_load %arg11[%get3A, %get3A_222] {strides = array<i32>} : memref<80x128xf32, #tpu.memory_space<vmem>>, vector<1x16xf32>,
        %get3A_224 = vector.shape_cast %get3A_223 : vector<1x16xf32> to vector<16xf32>
        %mul3A_225 = arith.constant 16 : i32
        %mul3A_226 = arith.muli %scan3A_219, %mul3A_225 : i32
        %add3A_227 = arith.constant 0 : i32
        %add3A_228 = arith.addi %mul3A_226, %add3A_227 : i32
        %get3A_229 = arith.index_cast %add3A_228 : i32 to index
        %get3A_230 = arith.constant 0 : index
        %get3A_231 = tpu.vector_load %arg15[%get3A_229, %get3A_230] {strides = array<i32>} : memref<128x16xf32, #tpu.memory_space<vmem>>, vector<1x16xf32>,
        %get3A_232 = vector.shape_cast %get3A_231 : vector<1x16xf32> to vector<16xf32>
        %slice3A = vector.extract_strided_slice %get3A_224 {offsets = [0], sizes = [1], strides = [1]} : vector<16xf32> to vector<1xf32>
        %squeeze3A = vector.extract %slice3A[0] : f32 from vector<1xf32>
        %mul3A_233 = vector.broadcast %squeeze3A : f32 to vector<16xf32>
        %mul3A_234 = arith.mulf %get3A_232, %mul3A_233 : vector<16xf32>
        %add3A_235 = arith.constant 0 : i32
        %add3A_236 = arith.addi %mul3A_226, %add3A_235 : i32
        %swap3A = arith.index_cast %add3A_236 : i32 to index
        %swap3A_237 = arith.constant 0 : index
        %swap3A_238 = tpu.vector_load %arg19[%swap3A, %swap3A_237] {strides = array<i32>} : memref<128x16xf32, #tpu.memory_space<vmem>>, vector<1x16xf32>,
        %swap3A_239 = vector.shape_cast %swap3A_238 : vector<1x16xf32> to vector<16xf32>
        %swap3A_240 = vector.shape_cast %mul3A_234 : vector<16xf32> to vector<1x16xf32>
        tpu.vector_store %arg19[%swap3A, %swap3A_237], %swap3A_240 {strides = array<i32>} : memref<128x16xf32, #tpu.memory_space<vmem>>, vector<1x16xf32>,
        %add3A_241 = arith.constant 1 : i32
        %add3A_242 = arith.addi %mul3A_226, %add3A_241 : i32
        %get3A_243 = arith.index_cast %add3A_242 : i32 to index
        %get3A_244 = arith.constant 0 : index
        %get3A_245 = tpu.vector_load %arg15[%get3A_243, %get3A_244] {strides = array<i32>} : memref<128x16xf32, #tpu.memory_space<vmem>>, vector<1x16xf32>,
        %get3A_246 = vector.shape_cast %get3A_245 : vector<1x16xf32> to vector<16xf32>
        %slice3A_247 = vector.extract_strided_slice %get3A_224 {offsets = [1], sizes = [1], strides = [1]} : vector<16xf32> to vector<1xf32>
        %squeeze3A_248 = vector.extract %slice3A_247[0] : f32 from vector<1xf32>
        %mul3A_249 = vector.broadcast %squeeze3A_248 : f32 to vector<16xf32>
        %mul3A_250 = arith.mulf %get3A_246, %mul3A_249 : vector<16xf32>
        %add3A_251 = arith.constant 1 : i32
        %add3A_252 = arith.addi %mul3A_226, %add3A_251 : i32
        %swap3A_253 = arith.index_cast %add3A_252 : i32 to index
        %swap3A_254 = arith.constant 0 : index
        %swap3A_255 = tpu.vector_load %arg19[%swap3A_253, %swap3A_254] {strides = array<i32>} : memref<128x16xf32, #tpu.memory_space<vmem>>, vector<1x16xf32>,
        %swap3A_256 = vector.shape_cast %swap3A_255 : vector<1x16xf32> to vector<16xf32>
        %swap3A_257 = vector.shape_cast %mul3A_250 : vector<16xf32> to vector<1x16xf32>
        tpu.vector_store %arg19[%swap3A_253, %swap3A_254], %swap3A_257 {strides = array<i32>} : memref<128x16xf32, #tpu.memory_space<vmem>>, vector<1x16xf32>,
        %add3A_258 = arith.constant 2 : i32
        %add3A_259 = arith.addi %mul3A_226, %add3A_258 : i32
        %get3A_260 = arith.index_cast %add3A_259 : i32 to index
        %get3A_261 = arith.constant 0 : index
        %get3A_262 = tpu.vector_load %arg15[%get3A_260, %get3A_261] {strides = array<i32>} : memref<128x16xf32, #tpu.memory_space<vmem>>, vector<1x16xf32>,
        %get3A_263 = vector.shape_cast %get3A_262 : vector<1x16xf32> to vector<16xf32>
        %slice3A_264 = vector.extract_strided_slice %get3A_224 {offsets = [2], sizes = [1], strides = [1]} : vector<16xf32> to vector<1xf32>
        %squeeze3A_265 = vector.extract %slice3A_264[0] : f32 from vector<1xf32>
        %mul3A_266 = vector.broadcast %squeeze3A_265 : f32 to vector<16xf32>
        %mul3A_267 = arith.mulf %get3A_263, %mul3A_266 : vector<16xf32>
        %add3A_268 = arith.constant 2 : i32
        %add3A_269 = arith.addi %mul3A_226, %add3A_268 : i32
        %swap3A_270 = arith.index_cast %add3A_269 : i32 to index
        %swap3A_271 = arith.constant 0 : index
        %swap3A_272 = tpu.vector_load %arg19[%swap3A_270, %swap3A_271] {strides = array<i32>} : memref<128x16xf32, #tpu.memory_space<vmem>>, vector<1x16xf32>,
        %swap3A_273 = vector.shape_cast %swap3A_272 : vector<1x16xf32> to vector<16xf32>
        %swap3A_274 = vector.shape_cast %mul3A_267 : vector<16xf32> to vector<1x16xf32>
        tpu.vector_store %arg19[%swap3A_270, %swap3A_271], %swap3A_274 {strides = array<i32>} : memref<128x16xf32, #tpu.memory_space<vmem>>, vector<1x16xf32>,
        %add3A_275 = arith.constant 3 : i32
        %add3A_276 = arith.addi %mul3A_226, %add3A_275 : i32
        %get3A_277 = arith.index_cast %add3A_276 : i32 to index
        %get3A_278 = arith.constant 0 : index
        %get3A_279 = tpu.vector_load %arg15[%get3A_277, %get3A_278] {strides = array<i32>} : memref<128x16xf32, #tpu.memory_space<vmem>>, vector<1x16xf32>,
        %get3A_280 = vector.shape_cast %get3A_279 : vector<1x16xf32> to vector<16xf32>
        %slice3A_281 = vector.extract_strided_slice %get3A_224 {offsets = [3], sizes = [1], strides = [1]} : vector<16xf32> to vector<1xf32>
        %squeeze3A_282 = vector.extract %slice3A_281[0] : f32 from vector<1xf32>
        %mul3A_283 = vector.broadcast %squeeze3A_282 : f32 to vector<16xf32>
        %mul3A_284 = arith.mulf %get3A_280, %mul3A_283 : vector<16xf32>
        %add3A_285 = arith.constant 3 : i32
        %add3A_286 = arith.addi %mul3A_226, %add3A_285 : i32
        %swap3A_287 = arith.index_cast %add3A_286 : i32 to index
        %swap3A_288 = arith.constant 0 : index
        %swap3A_289 = tpu.vector_load %arg19[%swap3A_287, %swap3A_288] {strides = array<i32>} : memref<128x16xf32, #tpu.memory_space<vmem>>, vector<1x16xf32>,
        %swap3A_290 = vector.shape_cast %swap3A_289 : vector<1x16xf32> to vector<16xf32>
        %swap3A_291 = vector.shape_cast %mul3A_284 : vector<16xf32> to vector<1x16xf32>
        tpu.vector_store %arg19[%swap3A_287, %swap3A_288], %swap3A_291 {strides = array<i32>} : memref<128x16xf32, #tpu.memory_space<vmem>>, vector<1x16xf32>,
        %add3A_292 = arith.constant 4 : i32
        %add3A_293 = arith.addi %mul3A_226, %add3A_292 : i32
        %get3A_294 = arith.index_cast %add3A_293 : i32 to index
        %get3A_295 = arith.constant 0 : index
        %get3A_296 = tpu.vector_load %arg15[%get3A_294, %get3A_295] {strides = array<i32>} : memref<128x16xf32, #tpu.memory_space<vmem>>, vector<1x16xf32>,
        %get3A_297 = vector.shape_cast %get3A_296 : vector<1x16xf32> to vector<16xf32>
        %slice3A_298 = vector.extract_strided_slice %get3A_224 {offsets = [4], sizes = [1], strides = [1]} : vector<16xf32> to vector<1xf32>
        %squeeze3A_299 = vector.extract %slice3A_298[0] : f32 from vector<1xf32>
        %mul3A_300 = vector.broadcast %squeeze3A_299 : f32 to vector<16xf32>
        %mul3A_301 = arith.mulf %get3A_297, %mul3A_300 : vector<16xf32>
        %add3A_302 = arith.constant 4 : i32
        %add3A_303 = arith.addi %mul3A_226, %add3A_302 : i32
        %swap3A_304 = arith.index_cast %add3A_303 : i32 to index
        %swap3A_305 = arith.constant 0 : index
        %swap3A_306 = tpu.vector_load %arg19[%swap3A_304, %swap3A_305] {strides = array<i32>} : memref<128x16xf32, #tpu.memory_space<vmem>>, vector<1x16xf32>,
        %swap3A_307 = vector.shape_cast %swap3A_306 : vector<1x16xf32> to vector<16xf32>
        %swap3A_308 = vector.shape_cast %mul3A_301 : vector<16xf32> to vector<1x16xf32>
        tpu.vector_store %arg19[%swap3A_304, %swap3A_305], %swap3A_308 {strides = array<i32>} : memref<128x16xf32, #tpu.memory_space<vmem>>, vector<1x16xf32>,
        %add3A_309 = arith.constant 5 : i32
        %add3A_310 = arith.addi %mul3A_226, %add3A_309 : i32
        %get3A_311 = arith.index_cast %add3A_310 : i32 to index
        %get3A_312 = arith.constant 0 : index
        %get3A_313 = tpu.vector_load %arg15[%get3A_311, %get3A_312] {strides = array<i32>} : memref<128x16xf32, #tpu.memory_space<vmem>>, vector<1x16xf32>,
        %get3A_314 = vector.shape_cast %get3A_313 : vector<1x16xf32> to vector<16xf32>
        %slice3A_315 = vector.extract_strided_slice %get3A_224 {offsets = [5], sizes = [1], strides = [1]} : vector<16xf32> to vector<1xf32>
        %squeeze3A_316 = vector.extract %slice3A_315[0] : f32 from vector<1xf32>
        %mul3A_317 = vector.broadcast %squeeze3A_316 : f32 to vector<16xf32>
        %mul3A_318 = arith.mulf %get3A_314, %mul3A_317 : vector<16xf32>
        %add3A_319 = arith.constant 5 : i32
        %add3A_320 = arith.addi %mul3A_226, %add3A_319 : i32
        %swap3A_321 = arith.index_cast %add3A_320 : i32 to index
        %swap3A_322 = arith.constant 0 : index
        %swap3A_323 = tpu.vector_load %arg19[%swap3A_321, %swap3A_322] {strides = array<i32>} : memref<128x16xf32, #tpu.memory_space<vmem>>, vector<1x16xf32>,
        %swap3A_324 = vector.shape_cast %swap3A_323 : vector<1x16xf32> to vector<16xf32>
        %swap3A_325 = vector.shape_cast %mul3A_318 : vector<16xf32> to vector<1x16xf32>
        tpu.vector_store %arg19[%swap3A_321, %swap3A_322], %swap3A_325 {strides = array<i32>} : memref<128x16xf32, #tpu.memory_space<vmem>>, vector<1x16xf32>,
        %add3A_326 = arith.constant 6 : i32
        %add3A_327 = arith.addi %mul3A_226, %add3A_326 : i32
        %get3A_328 = arith.index_cast %add3A_327 : i32 to index
        %get3A_329 = arith.constant 0 : index
        %get3A_330 = tpu.vector_load %arg15[%get3A_328, %get3A_329] {strides = array<i32>} : memref<128x16xf32, #tpu.memory_space<vmem>>, vector<1x16xf32>,
        %get3A_331 = vector.shape_cast %get3A_330 : vector<1x16xf32> to vector<16xf32>
        %slice3A_332 = vector.extract_strided_slice %get3A_224 {offsets = [6], sizes = [1], strides = [1]} : vector<16xf32> to vector<1xf32>
        %squeeze3A_333 = vector.extract %slice3A_332[0] : f32 from vector<1xf32>
        %mul3A_334 = vector.broadcast %squeeze3A_333 : f32 to vector<16xf32>
        %mul3A_335 = arith.mulf %get3A_331, %mul3A_334 : vector<16xf32>
        %add3A_336 = arith.constant 6 : i32
        %add3A_337 = arith.addi %mul3A_226, %add3A_336 : i32
        %swap3A_338 = arith.index_cast %add3A_337 : i32 to index
        %swap3A_339 = arith.constant 0 : index
        %swap3A_340 = tpu.vector_load %arg19[%swap3A_338, %swap3A_339] {strides = array<i32>} : memref<128x16xf32, #tpu.memory_space<vmem>>, vector<1x16xf32>,
        %swap3A_341 = vector.shape_cast %swap3A_340 : vector<1x16xf32> to vector<16xf32>
        %swap3A_342 = vector.shape_cast %mul3A_335 : vector<16xf32> to vector<1x16xf32>
        tpu.vector_store %arg19[%swap3A_338, %swap3A_339], %swap3A_342 {strides = array<i32>} : memref<128x16xf32, #tpu.memory_space<vmem>>, vector<1x16xf32>,
        %add3A_343 = arith.constant 7 : i32
        %add3A_344 = arith.addi %mul3A_226, %add3A_343 : i32
        %get3A_345 = arith.index_cast %add3A_344 : i32 to index
        %get3A_346 = arith.constant 0 : index
        %get3A_347 = tpu.vector_load %arg15[%get3A_345, %get3A_346] {strides = array<i32>} : memref<128x16xf32, #tpu.memory_space<vmem>>, vector<1x16xf32>,
        %get3A_348 = vector.shape_cast %get3A_347 : vector<1x16xf32> to vector<16xf32>
        %slice3A_349 = vector.extract_strided_slice %get3A_224 {offsets = [7], sizes = [1], strides = [1]} : vector<16xf32> to vector<1xf32>
        %squeeze3A_350 = vector.extract %slice3A_349[0] : f32 from vector<1xf32>
        %mul3A_351 = vector.broadcast %squeeze3A_350 : f32 to vector<16xf32>
        %mul3A_352 = arith.mulf %get3A_348, %mul3A_351 : vector<16xf32>
        %add3A_353 = arith.constant 7 : i32
        %add3A_354 = arith.addi %mul3A_226, %add3A_353 : i32
        %swap3A_355 = arith.index_cast %add3A_354 : i32 to index
        %swap3A_356 = arith.constant 0 : index
        %swap3A_357 = tpu.vector_load %arg19[%swap3A_355, %swap3A_356] {strides = array<i32>} : memref<128x16xf32, #tpu.memory_space<vmem>>, vector<1x16xf32>,
        %swap3A_358 = vector.shape_cast %swap3A_357 : vector<1x16xf32> to vector<16xf32>
        %swap3A_359 = vector.shape_cast %mul3A_352 : vector<16xf32> to vector<1x16xf32>
        tpu.vector_store %arg19[%swap3A_355, %swap3A_356], %swap3A_359 {strides = array<i32>} : memref<128x16xf32, #tpu.memory_space<vmem>>, vector<1x16xf32>,
        %add3A_360 = arith.constant 8 : i32
        %add3A_361 = arith.addi %mul3A_226, %add3A_360 : i32
        %get3A_362 = arith.index_cast %add3A_361 : i32 to index
        %get3A_363 = arith.constant 0 : index
        %get3A_364 = tpu.vector_load %arg15[%get3A_362, %get3A_363] {strides = array<i32>} : memref<128x16xf32, #tpu.memory_space<vmem>>, vector<1x16xf32>,
        %get3A_365 = vector.shape_cast %get3A_364 : vector<1x16xf32> to vector<16xf32>
        %slice3A_366 = vector.extract_strided_slice %get3A_224 {offsets = [8], sizes = [1], strides = [1]} : vector<16xf32> to vector<1xf32>
        %squeeze3A_367 = vector.extract %slice3A_366[0] : f32 from vector<1xf32>
        %mul3A_368 = vector.broadcast %squeeze3A_367 : f32 to vector<16xf32>
        %mul3A_369 = arith.mulf %get3A_365, %mul3A_368 : vector<16xf32>
        %add3A_370 = arith.constant 8 : i32
        %add3A_371 = arith.addi %mul3A_226, %add3A_370 : i32
        %swap3A_372 = arith.index_cast %add3A_371 : i32 to index
        %swap3A_373 = arith.constant 0 : index
        %swap3A_374 = tpu.vector_load %arg19[%swap3A_372, %swap3A_373] {strides = array<i32>} : memref<128x16xf32, #tpu.memory_space<vmem>>, vector<1x16xf32>,
        %swap3A_375 = vector.shape_cast %swap3A_374 : vector<1x16xf32> to vector<16xf32>
        %swap3A_376 = vector.shape_cast %mul3A_369 : vector<16xf32> to vector<1x16xf32>
        tpu.vector_store %arg19[%swap3A_372, %swap3A_373], %swap3A_376 {strides = array<i32>} : memref<128x16xf32, #tpu.memory_space<vmem>>, vector<1x16xf32>,
        %add3A_377 = arith.constant 9 : i32
        %add3A_378 = arith.addi %mul3A_226, %add3A_377 : i32
        %get3A_379 = arith.index_cast %add3A_378 : i32 to index
        %get3A_380 = arith.constant 0 : index
        %get3A_381 = tpu.vector_load %arg15[%get3A_379, %get3A_380] {strides = array<i32>} : memref<128x16xf32, #tpu.memory_space<vmem>>, vector<1x16xf32>,
        %get3A_382 = vector.shape_cast %get3A_381 : vector<1x16xf32> to vector<16xf32>
        %slice3A_383 = vector.extract_strided_slice %get3A_224 {offsets = [9], sizes = [1], strides = [1]} : vector<16xf32> to vector<1xf32>
        %squeeze3A_384 = vector.extract %slice3A_383[0] : f32 from vector<1xf32>
        %mul3A_385 = vector.broadcast %squeeze3A_384 : f32 to vector<16xf32>
        %mul3A_386 = arith.mulf %get3A_382, %mul3A_385 : vector<16xf32>
        %add3A_387 = arith.constant 9 : i32
        %add3A_388 = arith.addi %mul3A_226, %add3A_387 : i32
        %swap3A_389 = arith.index_cast %add3A_388 : i32 to index
        %swap3A_390 = arith.constant 0 : index
        %swap3A_391 = tpu.vector_load %arg19[%swap3A_389, %swap3A_390] {strides = array<i32>} : memref<128x16xf32, #tpu.memory_space<vmem>>, vector<1x16xf32>,
        %swap3A_392 = vector.shape_cast %swap3A_391 : vector<1x16xf32> to vector<16xf32>
        %swap3A_393 = vector.shape_cast %mul3A_386 : vector<16xf32> to vector<1x16xf32>
        tpu.vector_store %arg19[%swap3A_389, %swap3A_390], %swap3A_393 {strides = array<i32>} : memref<128x16xf32, #tpu.memory_space<vmem>>, vector<1x16xf32>,
        %add3A_394 = arith.constant 10 : i32
        %add3A_395 = arith.addi %mul3A_226, %add3A_394 : i32
        %get3A_396 = arith.index_cast %add3A_395 : i32 to index
        %get3A_397 = arith.constant 0 : index
        %get3A_398 = tpu.vector_load %arg15[%get3A_396, %get3A_397] {strides = array<i32>} : memref<128x16xf32, #tpu.memory_space<vmem>>, vector<1x16xf32>,
        %get3A_399 = vector.shape_cast %get3A_398 : vector<1x16xf32> to vector<16xf32>
        %slice3A_400 = vector.extract_strided_slice %get3A_224 {offsets = [10], sizes = [1], strides = [1]} : vector<16xf32> to vector<1xf32>
        %squeeze3A_401 = vector.extract %slice3A_400[0] : f32 from vector<1xf32>
        %mul3A_402 = vector.broadcast %squeeze3A_401 : f32 to vector<16xf32>
        %mul3A_403 = arith.mulf %get3A_399, %mul3A_402 : vector<16xf32>
        %add3A_404 = arith.constant 10 : i32
        %add3A_405 = arith.addi %mul3A_226, %add3A_404 : i32
        %swap3A_406 = arith.index_cast %add3A_405 : i32 to index
        %swap3A_407 = arith.constant 0 : index
        %swap3A_408 = tpu.vector_load %arg19[%swap3A_406, %swap3A_407] {strides = array<i32>} : memref<128x16xf32, #tpu.memory_space<vmem>>, vector<1x16xf32>,
        %swap3A_409 = vector.shape_cast %swap3A_408 : vector<1x16xf32> to vector<16xf32>
        %swap3A_410 = vector.shape_cast %mul3A_403 : vector<16xf32> to vector<1x16xf32>
        tpu.vector_store %arg19[%swap3A_406, %swap3A_407], %swap3A_410 {strides = array<i32>} : memref<128x16xf32, #tpu.memory_space<vmem>>, vector<1x16xf32>,
        %add3A_411 = arith.constant 11 : i32
        %add3A_412 = arith.addi %mul3A_226, %add3A_411 : i32
        %get3A_413 = arith.index_cast %add3A_412 : i32 to index
        %get3A_414 = arith.constant 0 : index
        %get3A_415 = tpu.vector_load %arg15[%get3A_413, %get3A_414] {strides = array<i32>} : memref<128x16xf32, #tpu.memory_space<vmem>>, vector<1x16xf32>,
        %get3A_416 = vector.shape_cast %get3A_415 : vector<1x16xf32> to vector<16xf32>
        %slice3A_417 = vector.extract_strided_slice %get3A_224 {offsets = [11], sizes = [1], strides = [1]} : vector<16xf32> to vector<1xf32>
        %squeeze3A_418 = vector.extract %slice3A_417[0] : f32 from vector<1xf32>
        %mul3A_419 = vector.broadcast %squeeze3A_418 : f32 to vector<16xf32>
        %mul3A_420 = arith.mulf %get3A_416, %mul3A_419 : vector<16xf32>
        %add3A_421 = arith.constant 11 : i32
        %add3A_422 = arith.addi %mul3A_226, %add3A_421 : i32
        %swap3A_423 = arith.index_cast %add3A_422 : i32 to index
        %swap3A_424 = arith.constant 0 : index
        %swap3A_425 = tpu.vector_load %arg19[%swap3A_423, %swap3A_424] {strides = array<i32>} : memref<128x16xf32, #tpu.memory_space<vmem>>, vector<1x16xf32>,
        %swap3A_426 = vector.shape_cast %swap3A_425 : vector<1x16xf32> to vector<16xf32>
        %swap3A_427 = vector.shape_cast %mul3A_420 : vector<16xf32> to vector<1x16xf32>
        tpu.vector_store %arg19[%swap3A_423, %swap3A_424], %swap3A_427 {strides = array<i32>} : memref<128x16xf32, #tpu.memory_space<vmem>>, vector<1x16xf32>,
        %add3A_428 = arith.constant 12 : i32
        %add3A_429 = arith.addi %mul3A_226, %add3A_428 : i32
        %get3A_430 = arith.index_cast %add3A_429 : i32 to index
        %get3A_431 = arith.constant 0 : index
        %get3A_432 = tpu.vector_load %arg15[%get3A_430, %get3A_431] {strides = array<i32>} : memref<128x16xf32, #tpu.memory_space<vmem>>, vector<1x16xf32>,
        %get3A_433 = vector.shape_cast %get3A_432 : vector<1x16xf32> to vector<16xf32>
        %slice3A_434 = vector.extract_strided_slice %get3A_224 {offsets = [12], sizes = [1], strides = [1]} : vector<16xf32> to vector<1xf32>
        %squeeze3A_435 = vector.extract %slice3A_434[0] : f32 from vector<1xf32>
        %mul3A_436 = vector.broadcast %squeeze3A_435 : f32 to vector<16xf32>
        %mul3A_437 = arith.mulf %get3A_433, %mul3A_436 : vector<16xf32>
        %add3A_438 = arith.constant 12 : i32
        %add3A_439 = arith.addi %mul3A_226, %add3A_438 : i32
        %swap3A_440 = arith.index_cast %add3A_439 : i32 to index
        %swap3A_441 = arith.constant 0 : index
        %swap3A_442 = tpu.vector_load %arg19[%swap3A_440, %swap3A_441] {strides = array<i32>} : memref<128x16xf32, #tpu.memory_space<vmem>>, vector<1x16xf32>,
        %swap3A_443 = vector.shape_cast %swap3A_442 : vector<1x16xf32> to vector<16xf32>
        %swap3A_444 = vector.shape_cast %mul3A_437 : vector<16xf32> to vector<1x16xf32>
        tpu.vector_store %arg19[%swap3A_440, %swap3A_441], %swap3A_444 {strides = array<i32>} : memref<128x16xf32, #tpu.memory_space<vmem>>, vector<1x16xf32>,
        %add3A_445 = arith.constant 13 : i32
        %add3A_446 = arith.addi %mul3A_226, %add3A_445 : i32
        %get3A_447 = arith.index_cast %add3A_446 : i32 to index
        %get3A_448 = arith.constant 0 : index
        %get3A_449 = tpu.vector_load %arg15[%get3A_447, %get3A_448] {strides = array<i32>} : memref<128x16xf32, #tpu.memory_space<vmem>>, vector<1x16xf32>,
        %get3A_450 = vector.shape_cast %get3A_449 : vector<1x16xf32> to vector<16xf32>
        %slice3A_451 = vector.extract_strided_slice %get3A_224 {offsets = [13], sizes = [1], strides = [1]} : vector<16xf32> to vector<1xf32>
        %squeeze3A_452 = vector.extract %slice3A_451[0] : f32 from vector<1xf32>
        %mul3A_453 = vector.broadcast %squeeze3A_452 : f32 to vector<16xf32>
        %mul3A_454 = arith.mulf %get3A_450, %mul3A_453 : vector<16xf32>
        %add3A_455 = arith.constant 13 : i32
        %add3A_456 = arith.addi %mul3A_226, %add3A_455 : i32
        %swap3A_457 = arith.index_cast %add3A_456 : i32 to index
        %swap3A_458 = arith.constant 0 : index
        %swap3A_459 = tpu.vector_load %arg19[%swap3A_457, %swap3A_458] {strides = array<i32>} : memref<128x16xf32, #tpu.memory_space<vmem>>, vector<1x16xf32>,
        %swap3A_460 = vector.shape_cast %swap3A_459 : vector<1x16xf32> to vector<16xf32>
        %swap3A_461 = vector.shape_cast %mul3A_454 : vector<16xf32> to vector<1x16xf32>
        tpu.vector_store %arg19[%swap3A_457, %swap3A_458], %swap3A_461 {strides = array<i32>} : memref<128x16xf32, #tpu.memory_space<vmem>>, vector<1x16xf32>,
        %add3A_462 = arith.constant 14 : i32
        %add3A_463 = arith.addi %mul3A_226, %add3A_462 : i32
        %get3A_464 = arith.index_cast %add3A_463 : i32 to index
        %get3A_465 = arith.constant 0 : index
        %get3A_466 = tpu.vector_load %arg15[%get3A_464, %get3A_465] {strides = array<i32>} : memref<128x16xf32, #tpu.memory_space<vmem>>, vector<1x16xf32>,
        %get3A_467 = vector.shape_cast %get3A_466 : vector<1x16xf32> to vector<16xf32>
        %slice3A_468 = vector.extract_strided_slice %get3A_224 {offsets = [14], sizes = [1], strides = [1]} : vector<16xf32> to vector<1xf32>
        %squeeze3A_469 = vector.extract %slice3A_468[0] : f32 from vector<1xf32>
        %mul3A_470 = vector.broadcast %squeeze3A_469 : f32 to vector<16xf32>
        %mul3A_471 = arith.mulf %get3A_467, %mul3A_470 : vector<16xf32>
        %add3A_472 = arith.constant 14 : i32
        %add3A_473 = arith.addi %mul3A_226, %add3A_472 : i32
        %swap3A_474 = arith.index_cast %add3A_473 : i32 to index
        %swap3A_475 = arith.constant 0 : index
        %swap3A_476 = tpu.vector_load %arg19[%swap3A_474, %swap3A_475] {strides = array<i32>} : memref<128x16xf32, #tpu.memory_space<vmem>>, vector<1x16xf32>,
        %swap3A_477 = vector.shape_cast %swap3A_476 : vector<1x16xf32> to vector<16xf32>
        %swap3A_478 = vector.shape_cast %mul3A_471 : vector<16xf32> to vector<1x16xf32>
        tpu.vector_store %arg19[%swap3A_474, %swap3A_475], %swap3A_478 {strides = array<i32>} : memref<128x16xf32, #tpu.memory_space<vmem>>, vector<1x16xf32>,
        %add3A_479 = arith.constant 15 : i32
        %add3A_480 = arith.addi %mul3A_226, %add3A_479 : i32
        %get3A_481 = arith.index_cast %add3A_480 : i32 to index
        %get3A_482 = arith.constant 0 : index
        %get3A_483 = tpu.vector_load %arg15[%get3A_481, %get3A_482] {strides = array<i32>} : memref<128x16xf32, #tpu.memory_space<vmem>>, vector<1x16xf32>,
        %get3A_484 = vector.shape_cast %get3A_483 : vector<1x16xf32> to vector<16xf32>
        %slice3A_485 = vector.extract_strided_slice %get3A_224 {offsets = [15], sizes = [1], strides = [1]} : vector<16xf32> to vector<1xf32>
        %squeeze3A_486 = vector.extract %slice3A_485[0] : f32 from vector<1xf32>
        %mul3A_487 = vector.broadcast %squeeze3A_486 : f32 to vector<16xf32>
        %mul3A_488 = arith.mulf %get3A_484, %mul3A_487 : vector<16xf32>
        %add3A_489 = arith.constant 15 : i32
        %add3A_490 = arith.addi %mul3A_226, %add3A_489 : i32
        %swap3A_491 = arith.index_cast %add3A_490 : i32 to index
        %swap3A_492 = arith.constant 0 : index
        %swap3A_493 = tpu.vector_load %arg19[%swap3A_491, %swap3A_492] {strides = array<i32>} : memref<128x16xf32, #tpu.memory_space<vmem>>, vector<1x16xf32>,
        %swap3A_494 = vector.shape_cast %swap3A_493 : vector<1x16xf32> to vector<16xf32>
        %swap3A_495 = vector.shape_cast %mul3A_488 : vector<16xf32> to vector<1x16xf32>
        tpu.vector_store %arg19[%swap3A_491, %swap3A_492], %swap3A_495 {strides = array<i32>} : memref<128x16xf32, #tpu.memory_space<vmem>>, vector<1x16xf32>,
      }
      %scan3A_205 = arith.constant 8 : i32
      %add3A_206 = arith.constant 4 : i32
      %add3A_207 = arith.addi %add3A_188, %add3A_206 : i32
      %lt3A_208 = arith.constant 80 : i32
      %lt3A_209 = arith.cmpi slt, %add3A_207, %lt3A_208 : i32
      %convert_element_type3A_210 = arith.extui %lt3A_209 : i1 to i32
      %cond3A_211 = arith.constant 0 : i32
      %cond3A_212 = arith.cmpi ne, %convert_element_type3A_210, %cond3A_211 : i32
      scf.if %cond3A_212 {
        %add3A_219 = arith.constant 4 : i32
        %add3A_220 = arith.addi %add3A_188, %add3A_219 : i32
        %dma_start3A_221 = arith.constant 0 : i32
        %dma_start3A_222 = tpu.memref_slice %arg9[%add3A_220, %dma_start3A_221] : memref<80x128xi32, #tpu.memory_space<vmem>> -> memref<1x128xi32, #tpu.memory_space<vmem>>
        %dma_start3A_223 = tpu.memref_squeeze %dma_start3A_222 : memref<1x128xi32, #tpu.memory_space<vmem>> -> memref<128xi32, #tpu.memory_space<vmem>>
        %dma_start3A_224 = arith.constant 0 : i32
        %dma_start3A_225 = arith.constant 0 : i32
        %dma_start3A_226 = tpu.memref_slice %arg2[%dma_start3A_224, %dma_start3A_225] : memref<10000x16xf32, #tpu.memory_space<hbm>> -> memref<10000x16xf32, #tpu.memory_space<hbm>>
        tpu.enqueue_indirect_dma source(%dma_start3A_226 : memref<10000x16xf32, #tpu.memory_space<hbm>>) target(%arg15 : memref<128x16xf32, #tpu.memory_space<vmem>>) offsets(%dma_start3A_223 : memref<128xi32, #tpu.memory_space<vmem>>) semaphore(%arg23 : memref<!tpu.dma_semaphore, #tpu.memory_space<semaphore_mem>>)
      } else {
      }
      %dma_start3A_213 = arith.constant 0 : i32
      %dma_start3A_214 = tpu.memref_slice %arg10[%add3A_188, %dma_start3A_213] : memref<80x128xi32, #tpu.memory_space<vmem>> -> memref<1x128xi32, #tpu.memory_space<vmem>>
      %dma_start3A_215 = tpu.memref_squeeze %dma_start3A_214 : memref<1x128xi32, #tpu.memory_space<vmem>> -> memref<128xi32, #tpu.memory_space<vmem>>
      %dma_start3A_216 = arith.constant 0 : i32
      %dma_start3A_217 = arith.constant 0 : i32
      %dma_start3A_218 = tpu.memref_slice %arg8[%dma_start3A_216, %dma_start3A_217] : memref<10000x16xf32, #tpu.memory_space<vmem_shared>> -> memref<10000x16xf32, #tpu.memory_space<vmem_shared>>
      tpu.enqueue_indirect_dma source(%arg19 : memref<128x16xf32, #tpu.memory_space<vmem>>) target(%dma_start3A_218 : memref<10000x16xf32, #tpu.memory_space<vmem_shared>>) offsets(%dma_start3A_215 : memref<128xi32, #tpu.memory_space<vmem>>) semaphore(%arg27 : memref<!tpu.dma_semaphore, #tpu.memory_space<semaphore_mem>>) {add = true}
    }
    %scan3A_40 = arith.constant 20 : i32
    %dma_wait3A = arith.constant 76 : i32
    %dma_wait3A_41 = arith.constant 0 : i32
    %dma_wait3A_42 = tpu.memref_slice %arg10[%dma_wait3A, %dma_wait3A_41] : memref<80x128xi32, #tpu.memory_space<vmem>> -> memref<1x128xi32, #tpu.memory_space<vmem>>
    %dma_wait3A_43 = tpu.memref_squeeze %dma_wait3A_42 : memref<1x128xi32, #tpu.memory_space<vmem>> -> memref<128xi32, #tpu.memory_space<vmem>>
    %dma_wait3A_44 = arith.constant 0 : i32
    %dma_wait3A_45 = arith.constant 0 : i32
    %dma_wait3A_46 = tpu.memref_slice %arg8[%dma_wait3A_44, %dma_wait3A_45] : memref<10000x16xf32, #tpu.memory_space<vmem_shared>> -> memref<10000x16xf32, #tpu.memory_space<vmem_shared>>
    tpu.wait_indirect_dma semaphore(%arg24 : memref<!tpu.dma_semaphore, #tpu.memory_space<semaphore_mem>>) src(%arg16 : memref<128x16xf32, #tpu.memory_space<vmem>>) dst(%dma_wait3A_46 : memref<10000x16xf32, #tpu.memory_space<vmem_shared>>)
    %dma_wait3A_47 = arith.constant 77 : i32
    %dma_wait3A_48 = arith.constant 0 : i32
    %dma_wait3A_49 = tpu.memref_slice %arg10[%dma_wait3A_47, %dma_wait3A_48] : memref<80x128xi32, #tpu.memory_space<vmem>> -> memref<1x128xi32, #tpu.memory_space<vmem>>
    %dma_wait3A_50 = tpu.memref_squeeze %dma_wait3A_49 : memref<1x128xi32, #tpu.memory_space<vmem>> -> memref<128xi32, #tpu.memory_space<vmem>>
    %dma_wait3A_51 = arith.constant 0 : i32
    %dma_wait3A_52 = arith.constant 0 : i32
    %dma_wait3A_53 = tpu.memref_slice %arg8[%dma_wait3A_51, %dma_wait3A_52] : memref<10000x16xf32, #tpu.memory_space<vmem_shared>> -> memref<10000x16xf32, #tpu.memory_space<vmem_shared>>
    tpu.wait_indirect_dma semaphore(%arg25 : memref<!tpu.dma_semaphore, #tpu.memory_space<semaphore_mem>>) src(%arg17 : memref<128x16xf32, #tpu.memory_space<vmem>>) dst(%dma_wait3A_53 : memref<10000x16xf32, #tpu.memory_space<vmem_shared>>)
    %dma_wait3A_54 = arith.constant 78 : i32
    %dma_wait3A_55 = arith.constant 0 : i32
    %dma_wait3A_56 = tpu.memref_slice %arg10[%dma_wait3A_54, %dma_wait3A_55] : memref<80x128xi32, #tpu.memory_space<vmem>> -> memref<1x128xi32, #tpu.memory_space<vmem>>
    %dma_wait3A_57 = tpu.memref_squeeze %dma_wait3A_56 : memref<1x128xi32, #tpu.memory_space<vmem>> -> memref<128xi32, #tpu.memory_space<vmem>>
    %dma_wait3A_58 = arith.constant 0 : i32
    %dma_wait3A_59 = arith.constant 0 : i32
    %dma_wait3A_60 = tpu.memref_slice %arg8[%dma_wait3A_58, %dma_wait3A_59] : memref<10000x16xf32, #tpu.memory_space<vmem_shared>> -> memref<10000x16xf32, #tpu.memory_space<vmem_shared>>
    tpu.wait_indirect_dma semaphore(%arg26 : memref<!tpu.dma_semaphore, #tpu.memory_space<semaphore_mem>>) src(%arg18 : memref<128x16xf32, #tpu.memory_space<vmem>>) dst(%dma_wait3A_60 : memref<10000x16xf32, #tpu.memory_space<vmem_shared>>)
    %dma_wait3A_61 = arith.constant 79 : i32
    %dma_wait3A_62 = arith.constant 0 : i32
    %dma_wait3A_63 = tpu.memref_slice %arg10[%dma_wait3A_61, %dma_wait3A_62] : memref<80x128xi32, #tpu.memory_space<vmem>> -> memref<1x128xi32, #tpu.memory_space<vmem>>
    %dma_wait3A_64 = tpu.memref_squeeze %dma_wait3A_63 : memref<1x128xi32, #tpu.memory_space<vmem>> -> memref<128xi32, #tpu.memory_space<vmem>>
    %dma_wait3A_65 = arith.constant 0 : i32
    %dma_wait3A_66 = arith.constant 0 : i32
    %dma_wait3A_67 = tpu.memref_slice %arg8[%dma_wait3A_65, %dma_wait3A_66] : memref<10000x16xf32, #tpu.memory_space<vmem_shared>> -> memref<10000x16xf32, #tpu.memory_space<vmem_shared>>
    tpu.wait_indirect_dma semaphore(%arg27 : memref<!tpu.dma_semaphore, #tpu.memory_space<semaphore_mem>>) src(%arg19 : memref<128x16xf32, #tpu.memory_space<vmem>>) dst(%dma_wait3A_67 : memref<10000x16xf32, #tpu.memory_space<vmem_shared>>)
    %barrier3A_68 = arith.constant 0 : index
    tpu.barrier barrier_id(%barrier3A_68)
    %mul3A_69 = arith.constant 624 : i32
    %mul3A_70 = arith.muli %arg1, %mul3A_69 : i32
    %add3A_71 = arith.constant 0 : i32
    %add3A_72 = arith.addi %add3A_71, %mul3A_70 : i32
    %mul3A_73 = arith.constant 1 : i32
    %mul3A_74 = arith.muli %arg0, %mul3A_73 : i32
    %add3A_75 = arith.constant 0 : i32
    %add3A_76 = arith.addi %mul3A_74, %add3A_75 : i32
    %mul3A_77 = arith.constant 624 : i32
    %mul3A_78 = arith.muli %arg1, %mul3A_77 : i32
    "tpu.region"() ({
      %run_scoped3A = tpu.sem_alloc : memref<!tpu.dma_semaphore, #tpu.memory_space<semaphore_mem>>
      %dma_start3A_84 = arith.constant 0 : i32
      %dma_start3A_85 = tpu.memref_slice %arg7[%add3A_76, %mul3A_78, %dma_start3A_84] : memref<2x10000x16xf32, #tpu.memory_space<hbm>> -> memref<1x624x16xf32, #tpu.memory_space<hbm>>
      %dma_start3A_86 = tpu.memref_squeeze %dma_start3A_85 : memref<1x624x16xf32, #tpu.memory_space<hbm>> -> memref<624x16xf32, #tpu.memory_space<hbm>>
      %dma_start3A_87 = arith.constant 0 : i32
      %dma_start3A_88 = tpu.memref_slice %arg8[%add3A_72, %dma_start3A_87] : memref<10000x16xf32, #tpu.memory_space<vmem_shared>> -> memref<624x16xf32, #tpu.memory_space<vmem_shared>>
      tpu.enqueue_dma source(%dma_start3A_88 : memref<624x16xf32, #tpu.memory_space<vmem_shared>>) target(%dma_start3A_86 : memref<624x16xf32, #tpu.memory_space<hbm>>) target_semaphore(%run_scoped3A : memref<!tpu.dma_semaphore, #tpu.memory_space<semaphore_mem>>)
      %dma_wait3A_89 = arith.constant 0 : i32
      %dma_wait3A_90 = tpu.memref_slice %arg7[%add3A_76, %mul3A_78, %dma_wait3A_89] : memref<2x10000x16xf32, #tpu.memory_space<hbm>> -> memref<1x624x16xf32, #tpu.memory_space<hbm>>
      %dma_wait3A_91 = tpu.memref_squeeze %dma_wait3A_90 : memref<1x624x16xf32, #tpu.memory_space<hbm>> -> memref<624x16xf32, #tpu.memory_space<hbm>>
      %dma_wait3A_92 = arith.constant 0 : i32
      %dma_wait3A_93 = tpu.memref_slice %arg8[%add3A_72, %dma_wait3A_92] : memref<10000x16xf32, #tpu.memory_space<vmem_shared>> -> memref<624x16xf32, #tpu.memory_space<vmem_shared>>
      tpu.wait_dma2 semaphore(%run_scoped3A : memref<!tpu.dma_semaphore, #tpu.memory_space<semaphore_mem>>) src(%dma_wait3A_93 : memref<624x16xf32, #tpu.memory_space<vmem_shared>>) dst(%dma_wait3A_91 : memref<624x16xf32, #tpu.memory_space<hbm>>)
      tpu.yield
    }) : () -> ()
    %eq3A_79 = arith.constant 0 : i32
    %eq3A_80 = arith.cmpi eq, %arg1, %eq3A_79 : i32
    %convert_element_type3A_81 = arith.extui %eq3A_80 : i1 to i32
    %cond3A_82 = arith.constant 0 : i32
    %cond3A_83 = arith.cmpi ne, %convert_element_type3A_81, %cond3A_82 : i32
    scf.if %cond3A_83 {
      %mul3A_84 = arith.constant 1 : i32
      %mul3A_85 = arith.muli %arg0, %mul3A_84 : i32
      %add3A_86 = arith.constant 0 : i32
      %add3A_87 = arith.addi %mul3A_85, %add3A_86 : i32
      "tpu.region"() ({
        %run_scoped3A = tpu.sem_alloc : memref<!tpu.dma_semaphore, #tpu.memory_space<semaphore_mem>>
        %dma_start3A_88 = arith.constant 9984 : i32
        %dma_start3A_89 = arith.constant 0 : i32
        %dma_start3A_90 = tpu.memref_slice %arg7[%add3A_87, %dma_start3A_88, %dma_start3A_89] : memref<2x10000x16xf32, #tpu.memory_space<hbm>> -> memref<1x16x16xf32, #tpu.memory_space<hbm>>
        %dma_start3A_91 = tpu.memref_squeeze %dma_start3A_90 : memref<1x16x16xf32, #tpu.memory_space<hbm>> -> memref<16x16xf32, #tpu.memory_space<hbm>>
        %dma_start3A_92 = arith.constant 9984 : i32
        %dma_start3A_93 = arith.constant 0 : i32
        %dma_start3A_94 = tpu.memref_slice %arg8[%dma_start3A_92, %dma_start3A_93] : memref<10000x16xf32, #tpu.memory_space<vmem_shared>> -> memref<16x16xf32, #tpu.memory_space<vmem_shared>>
        tpu.enqueue_dma source(%dma_start3A_94 : memref<16x16xf32, #tpu.memory_space<vmem_shared>>) target(%dma_start3A_91 : memref<16x16xf32, #tpu.memory_space<hbm>>) target_semaphore(%run_scoped3A : memref<!tpu.dma_semaphore, #tpu.memory_space<semaphore_mem>>)
        %dma_wait3A_95 = arith.constant 9984 : i32
        %dma_wait3A_96 = arith.constant 0 : i32
        %dma_wait3A_97 = tpu.memref_slice %arg7[%add3A_87, %dma_wait3A_95, %dma_wait3A_96] : memref<2x10000x16xf32, #tpu.memory_space<hbm>> -> memref<1x16x16xf32, #tpu.memory_space<hbm>>
        %dma_wait3A_98 = tpu.memref_squeeze %dma_wait3A_97 : memref<1x16x16xf32, #tpu.memory_space<hbm>> -> memref<16x16xf32, #tpu.memory_space<hbm>>
        %dma_wait3A_99 = arith.constant 9984 : i32
        %dma_wait3A_100 = arith.constant 0 : i32
        %dma_wait3A_101 = tpu.memref_slice %arg8[%dma_wait3A_99, %dma_wait3A_100] : memref<10000x16xf32, #tpu.memory_space<vmem_shared>> -> memref<16x16xf32, #tpu.memory_space<vmem_shared>>
        tpu.wait_dma2 semaphore(%run_scoped3A : memref<!tpu.dma_semaphore, #tpu.memory_space<semaphore_mem>>) src(%dma_wait3A_101 : memref<16x16xf32, #tpu.memory_space<vmem_shared>>) dst(%dma_wait3A_98 : memref<16x16xf32, #tpu.memory_space<hbm>>)
        tpu.yield
      }) : () -> ()
    } else {
    }
    return
  }
}

module attributes {stable_mosaic.version = 14 : i64} {
  func.func @_mm1_body(%arg0: memref<10000x128xf32, #tpu.memory_space<vmem>>, %arg1: memref<16x128xf32, #tpu.memory_space<vmem>>, %arg2: memref<1x16xf32, #tpu.memory_space<vmem>>, %arg3: memref<10000x16xf32, #tpu.memory_space<vmem>>) attributes {dimension_semantics = [], scalar_prefetch = 0 : i64, scratch_operands = 0 : i64, tpu.core_type = #tpu.core_type<tc>} {
    %get3A = arith.constant 0 : index
    %get3A_0 = arith.constant 0 : index
    %get3A_1 = vector.load %arg0[%get3A, %get3A_0] : memref<10000x128xf32, #tpu.memory_space<vmem>>, vector<10000x128xf32>
    %get3A_2 = arith.constant 0 : index
    %get3A_3 = arith.constant 0 : index
    %get3A_4 = vector.load %arg1[%get3A_2, %get3A_3] : memref<16x128xf32, #tpu.memory_space<vmem>>, vector<16x128xf32>
    %dot_general3A = arith.constant dense<0.000000e+00> : vector<10000x16xf32>
    %dot_general3A_5 = tpu.matmul %get3A_1, %get3A_4, %dot_general3A {dimension_numbers = #tpu.dot_dimension_numbers<[1], [1], [0], [0], [0, 0, 1, 0], [], []>, transpose_lhs_hint = false} : vector<10000x128xf32>, vector<16x128xf32>, vector<10000x16xf32> -> vector<10000x16xf32>
    %get3A_6 = arith.constant 0 : index
    %get3A_7 = arith.constant 0 : index
    %get3A_8 = vector.load %arg2[%get3A_6, %get3A_7] : memref<1x16xf32, #tpu.memory_space<vmem>>, vector<1x16xf32>
    %add3A = vector.broadcast %get3A_8 : vector<1x16xf32> to vector<10000x16xf32>
    %add3A_9 = arith.addf %dot_general3A_5, %add3A : vector<10000x16xf32>
    %swap3A = arith.constant 0 : index
    %swap3A_10 = arith.constant 0 : index
    %swap3A_11 = vector.load %arg3[%swap3A, %swap3A_10] : memref<10000x16xf32, #tpu.memory_space<vmem>>, vector<10000x16xf32>
    tpu.vector_store %arg3[%swap3A, %swap3A_10], %add3A_9 {strides = array<i32>} : memref<10000x16xf32, #tpu.memory_space<vmem>>, vector<10000x16xf32>,
    return
  }
}

module attributes {stable_mosaic.version = 14 : i64} {
  func.func @_combine_relu_body(%arg0: memref<2x10000x16xf32, #tpu.memory_space<vmem>>, %arg1: memref<10000x16xf32, #tpu.memory_space<vmem>>) attributes {dimension_semantics = [], scalar_prefetch = 0 : i64, scratch_operands = 0 : i64, tpu.core_type = #tpu.core_type<tc>} {
    %get3A = arith.constant 0 : index
    %get3A_0 = arith.constant 0 : index
    %get3A_1 = arith.constant 0 : index
    %get3A_2 = vector.load %arg0[%get3A, %get3A_0, %get3A_1] : memref<2x10000x16xf32, #tpu.memory_space<vmem>>, vector<2x10000x16xf32>
    %reduce_sum3A = arith.constant dense<0.000000e+00> : vector<10000x16xf32>
    %reduce_sum3A_3 = vector.multi_reduction <add>, %get3A_2, %reduce_sum3A [0] : vector<2x10000x16xf32> to vector<10000x16xf32>
    %max3A = arith.constant 0.000000e+00 : f32
    %max3A_4 = vector.broadcast %max3A : f32 to vector<10000x16xf32>
    %max3A_5 = arith.maximumf %reduce_sum3A_3, %max3A_4 : vector<10000x16xf32>
    %swap3A = arith.constant 0 : index
    %swap3A_6 = arith.constant 0 : index
    %swap3A_7 = vector.load %arg1[%swap3A, %swap3A_6] : memref<10000x16xf32, #tpu.memory_space<vmem>>, vector<10000x16xf32>
    tpu.vector_store %arg1[%swap3A, %swap3A_6], %max3A_5 {strides = array<i32>} : memref<10000x16xf32, #tpu.memory_space<vmem>>, vector<10000x16xf32>,
    return
  }
}

module attributes {stable_mosaic.version = 14 : i64} {
  func.func @_mm2_body(%arg0: memref<2x10000x16xf32, #tpu.memory_space<vmem>>, %arg1: memref<128x16xf32, #tpu.memory_space<vmem>>, %arg2: memref<1x128xf32, #tpu.memory_space<vmem>>, %arg3: memref<10000x2xf32, #tpu.memory_space<vmem>>, %arg4: memref<10000x128xf32, #tpu.memory_space<vmem>>) attributes {dimension_semantics = [], scalar_prefetch = 0 : i64, scratch_operands = 0 : i64, tpu.core_type = #tpu.core_type<tc>} {
    %get3A = arith.constant 0 : index
    %get3A_0 = arith.constant 0 : index
    %get3A_1 = arith.constant 0 : index
    %get3A_2 = vector.load %arg0[%get3A, %get3A_0, %get3A_1] : memref<2x10000x16xf32, #tpu.memory_space<vmem>>, vector<2x10000x16xf32>
    %reduce_sum3A = arith.constant dense<0.000000e+00> : vector<10000x16xf32>
    %reduce_sum3A_3 = vector.multi_reduction <add>, %get3A_2, %reduce_sum3A [0] : vector<2x10000x16xf32> to vector<10000x16xf32>
    %get3A_4 = arith.constant 0 : index
    %get3A_5 = arith.constant 0 : index
    %get3A_6 = vector.load %arg3[%get3A_4, %get3A_5] : memref<10000x2xf32, #tpu.memory_space<vmem>>, vector<10000x2xf32>
    %reduce_sum3A_7 = arith.constant dense<0.000000e+00> : vector<10000xf32>
    %reduce_sum3A_8 = vector.multi_reduction <add>, %get3A_6, %reduce_sum3A_7 [1] : vector<10000x2xf32> to vector<10000xf32>
    %broadcast_in_dim3A = vector.shape_cast %reduce_sum3A_8 : vector<10000xf32> to vector<10000x1xf32>
    %get3A_9 = arith.constant 0 : index
    %get3A_10 = arith.constant 0 : index
    %get3A_11 = vector.load %arg1[%get3A_9, %get3A_10] : memref<128x16xf32, #tpu.memory_space<vmem>>, vector<128x16xf32>
    %dot_general3A = arith.constant dense<0.000000e+00> : vector<10000x128xf32>
    %dot_general3A_12 = tpu.matmul %reduce_sum3A_3, %get3A_11, %dot_general3A {dimension_numbers = #tpu.dot_dimension_numbers<[1], [1], [0], [0], [0, 0, 1, 0], [], []>, transpose_lhs_hint = false} : vector<10000x16xf32>, vector<128x16xf32>, vector<10000x128xf32> -> vector<10000x128xf32>
    %get3A_13 = arith.constant 0 : index
    %get3A_14 = arith.constant 0 : index
    %get3A_15 = vector.load %arg2[%get3A_13, %get3A_14] : memref<1x128xf32, #tpu.memory_space<vmem>>, vector<1x128xf32>
    %mul3A = vector.broadcast %broadcast_in_dim3A : vector<10000x1xf32> to vector<10000x128xf32>
    %mul3A_16 = vector.broadcast %get3A_15 : vector<1x128xf32> to vector<10000x128xf32>
    %mul3A_17 = arith.mulf %mul3A, %mul3A_16 : vector<10000x128xf32>
    %add3A = arith.addf %dot_general3A_12, %mul3A_17 : vector<10000x128xf32>
    %swap3A = arith.constant 0 : index
    %swap3A_18 = arith.constant 0 : index
    %swap3A_19 = vector.load %arg4[%swap3A, %swap3A_18] : memref<10000x128xf32, #tpu.memory_space<vmem>>, vector<10000x128xf32>
    tpu.vector_store %arg4[%swap3A, %swap3A_18], %add3A {strides = array<i32>} : memref<10000x128xf32, #tpu.memory_space<vmem>>, vector<10000x128xf32>,
    return
  }
}

</mosaic_0001>

<sc_bundles>
// kernel: kernel.10.cloned.1.call-start
scs
__scs_entry_jumppad:
0x0: {  	(pc) =	sbr.rel $0x88, $3  }
0x1: {  	(tag) =	ssettag $0x0;
	lr =	simm.s32 $0x1  }
0x2: {  	[smem:$0x3F9A] =	sst lr;
	_ =	strace $0xD0000000  }
0x3: {  	_ = 	snop  }
0x4: {  	_ = 	snop  }
0x5: {  	_ = 	snop  }
0x6: {  	_ = 	snop  }
0x7: {  	_ = 	snop  }
__scs_overlays_trampoline_lowered:
0x8: {  	[smem:$0x3FA9] =	sst s0  }
0x9: {  	[smem:$0x3FAA] =	sst s1  }
0xa: {  	[smem:$0x3FAB] =	sst s2  }
0xb: {  	[smem:$0x3FAC] =	sst s3  }
0xc: {  	[smem:$0x3FAD] =	sst s4  }
0xd: {  	[smem:$0x3FAE] =	sst s5  }
0xe: {  	[smem:$0x3FAF] =	sst s6  }
0xf: {  	[smem:$0x3FB0] =	sst s7  }
0x10: {  	[smem:$0x3FB1] =	sst s8  }
0x11: {  	[smem:$0x3FB2] =	sst s9;
	s0 =	simm.s32 @!p0 $0x0  }
0x12: {  	s1 =	sld [smem:$0x3F98];
	s0 =	simm.s32 @p0 $0x1  }
0x13: {  	[smem:$0x3FB3] =	sst s0;
	s0 =	simm.s32 @!p1 $0x0  }
0x14: {  	s2 =	sld [smem:$0x3F97];
	s0 =	simm.s32 @p1 $0x1  }
0x15: {  	[smem:$0x3FB4] =	sst s0;
	s0 =	simm.s32 @!p2 $0x0  }
0x16: {  	s3 =	sld [smem:$0x3FDB];
	s0 =	simm.s32 @p2 $0x1  }
0x17: {  	s4 =	simm.s32 $0x1BF5;
	[smem:$0x3FB6] =	sst s0  }
0x18: {  	s0 =	sld [smem:$0x3F99];
	_ =	swait.ge [sflag:s4], $0x0  }
0x19: {  	s7 =	sld [smem:$0x3F9A]  }
0x1a: {  	s8 =	sadd.s32 $0xFFFFE003, lr  }
0x1b: {  	s9 =	sadd.s32 $0xFFFFFEF7, lr;
	s5 =	simm.s32 $0xFFFFFFFF;
	p2 =	slt.u32 s8, $0xFFFFF086  }
0x1c: {  	p1 =	slt.u32 s9, $0xF7A;
	s5 =	simm.s32 @!p2 $0x0  }
0x1d: {  	s5 =	simm.s32 @p1 $0x1;
	p0 =	seq.s32 s7, s2  }
0x1e: {  	s7 =	smul.u32 @!p0 $0xF7A, s2;
	p2 =	seq.s32 @!p0 s5, $0x0  }
0x1f: {  	s9 =	smul.u32 $0xF7A, s1;
	s8 =	simm.s32 @!p0 $0x1BF5;
	p2 =	por !p2, p0  }
0x20: {  	[sflag:s8] =	ssyncset.s32 @!p0 $0xFFFFF086;
	s6 =	sadd.s32 @!p0 s3, s7;
	s7 =	simm.s32 @!p0 $0x108  }
0x21: {  	s3 =	sadd.s32 s3, s9;
	s6 =	sadd.s32 @!p0 $0x88, s6;
	s7 =	simm.s32 @p2 $0x1082  }
0x22: {  	[simem:s7], [sflag:s8] =	dma.local @!p0 [hbm:s6], $0xF7A  }
0x23: {  	s9 =	sor.u32 $0xD0000000, s2;
	s6 =	simm.s32 $0x108;
	_ =	swait.ge @!p0 [sflag:s8], $0x0  }
0x24: {  	s3 =	sadd.s32 $0x88, s3;
	s6 =	simm.s32 @!p1 $0x1082;
	[sflag:s4] =	ssyncset.s32 $0xFFFFF086  }
0x25: {  	[simem:s6], [sflag:s4] =	dma.local [hbm:s3], $0xF7A  }
0x26: {  	[smem:$0x3F9A] =	sst s1;
	(tag) =	ssettag s2;
	_ =	strace s9  }
0x27: {  	s1 =	sld [smem:$0x3FAA]  }
0x28: {  	s2 =	sld [smem:$0x3FAB]  }
0x29: {  	s4 =	sld [smem:$0x3FAD]  }
0x2a: {  	p0 =	seq.s32 s5, $0x0;
	s5 =	sld [smem:$0x3FAE]  }
0x2b: {  	s6 =	sld [smem:$0x3FAF]  }
0x2c: {  	s7 =	sld [smem:$0x3FB0]  }
0x2d: {  	s3 =	simm.s32 $0x108;
	s8 =	sld [smem:$0x3FB1]  }
0x2e: {  	s3 =	simm.s32 @!p0 $0x1082;
	s9 =	sld [smem:$0x3FB2]  }
0x2f: {  	lr =	sadd.s32 s0, s3;
	s0 =	sld [smem:$0x3FA9]  }
0x30: {  	s3 =	sld [smem:$0x3FAC]  }
0x31: {  	[smem:$0x3FB5] =	sst s10  }
0x32: {  	s10 =	sld [smem:$0x3FB3];
	_ =	sdelay $0x3  }
0x33: {  	p0 =	seq.s32 s10, $0x1;
	s10 =	sld [smem:$0x3FB5];
	_ =	sdelay $0x3  }
0x34: {  	[smem:$0x3FB5] =	sst s10  }
0x35: {  	s10 =	sld [smem:$0x3FB4];
	_ =	sdelay $0x3  }
0x36: {  	p1 =	seq.s32 s10, $0x1;
	s10 =	sld [smem:$0x3FB5];
	_ =	sdelay $0x3  }
0x37: {  	[smem:$0x3FB5] =	sst s10  }
0x38: {  	s10 =	sld [smem:$0x3FB6]  }
0x39: {  	_ = 	snop;
	(pc) =	sbr.ind lr, $3  }
0x3a: {  	_ = 	snop  }
0x3b: {  	_ = 	snop  }
0x3c: {  	p2 =	seq.s32 s10, $0x1;
	s10 =	sld [smem:$0x3FB5]  }
0x3d: {  	_ =	shalt  }
0x3e: {  	_ =	shalt  }
0x3f: {  	_ =	shalt  }
0x40: {  	_ =	shalt  }
0x41: {  	_ =	shalt  }
0x42: {  	_ =	shalt  }
0x43: {  	_ =	shalt  }
0x44: {  	_ =	shalt  }
0x45: {  	_ =	shalt  }
0x46: {  	_ =	shalt  }
0x47: {  	_ =	shalt  }
0x48: {  	_ =	shalt  }
0x49: {  	_ =	shalt  }
0x4a: {  	_ =	shalt  }
0x4b: {  	_ =	shalt  }
0x4c: {  	_ =	shalt  }
0x4d: {  	_ =	shalt  }
0x4e: {  	_ =	shalt  }
0x4f: {  	_ =	shalt  }
0x50: {  	_ =	shalt  }
0x51: {  	_ =	shalt  }
0x52: {  	_ =	shalt  }
0x53: {  	_ =	shalt  }
0x54: {  	_ =	shalt  }
0x55: {  	_ =	shalt  }
0x56: {  	_ =	shalt  }
0x57: {  	_ =	shalt  }
0x58: {  	_ =	shalt  }
0x59: {  	_ =	shalt  }
0x5a: {  	_ =	shalt  }
0x5b: {  	_ =	shalt  }
0x5c: {  	_ =	shalt  }
0x5d: {  	_ =	shalt  }
0x5e: {  	_ =	shalt  }
0x5f: {  	_ =	shalt  }
0x60: {  	_ =	shalt  }
0x61: {  	_ =	shalt  }
0x62: {  	_ =	shalt  }
0x63: {  	_ =	shalt  }
0x64: {  	_ =	shalt  }
0x65: {  	_ =	shalt  }
0x66: {  	_ =	shalt  }
0x67: {  	_ =	shalt  }
0x68: {  	_ =	shalt  }
0x69: {  	_ =	shalt  }
0x6a: {  	_ =	shalt  }
0x6b: {  	_ =	shalt  }
0x6c: {  	_ =	shalt  }
0x6d: {  	_ =	shalt  }
0x6e: {  	_ =	shalt  }
0x6f: {  	_ =	shalt  }
0x70: {  	_ =	shalt  }
0x71: {  	_ =	shalt  }
0x72: {  	_ =	shalt  }
0x73: {  	_ =	shalt  }
0x74: {  	_ =	shalt  }
0x75: {  	_ =	shalt  }
0x76: {  	_ =	shalt  }
0x77: {  	_ =	shalt  }
0x78: {  	_ =	shalt  }
0x79: {  	_ =	shalt  }
0x7a: {  	_ =	shalt  }
0x7b: {  	_ =	shalt  }
0x7c: {  	_ =	shalt  }
0x7d: {  	_ =	shalt  }
0x7e: {  	_ =	shalt  }
0x7f: {  	_ =	shalt  }
0x80: {  	_ =	shalt  }
0x81: {  	_ =	shalt  }
0x82: {  	_ =	shalt  }
0x83: {  	_ =	shalt  }
0x84: {  	_ =	shalt  }
0x85: {  	_ =	shalt  }
0x86: {  	_ =	shalt  }
0x87: {  	_ =	shalt  }
.Lfunc_end0:
.L_simem_size_0:
called_computation.1_lowered:
.L_overlay_start_0:
0x88: {  	s2 =	sld [smem:$0x3FD9]  }
0x89: {  	s3 =	sld [smem:$0x3FFE];
	_ =	sdelay $0x1  }
0x8a: {  	s1 =	srdreg.scid  }
0x8b: {  	s0 =	sand.u32 $0x1, s1  }
0x8c: {  	s17 =	sshll.u32 s0, $0xA;
	s2 =	sadd.s32 s3, s2  }
0x8d: {  	s2 =	sadd.s32 s2, s17  }
0x8e: {  	[smem:$0x3FC1] =	sst s2  }
0x8f: {  	_ = 	snop  }
0x90: {  	s2 =	sld [smem:$0x3FD0];
	(tm) =	ssettm $0x1  }
0x91: {  	s18 =	sld [smem:$0x3FFB];
	_ =	sdelay $0x3  }
0x92: {  	_ =	strace s18  }
0x93: {  	s3 =	sld [smem:$0x3FFC];
	_ =	sdelay $0x3  }
0x94: {  	_ =	strace s3  }
0x95: {  	s3 =	sld [smem:$0x3FFD];
	_ =	sdelay $0x3  }
0x96: {  	_ =	strace s3  }
0x97: {  	_ =	strace $0x8FFFFFFF  }
0x98: {  	s19 =	sld [smem:$0x3FDB];
	_ =	sdelay $0x1  }
0x99: {  	s4 =	simm.s32 $_scs_section_size  }
0x9a: {  	s5 =	simm.s32 $_size__tile_overlayer_lowered;
	s6 =	simm.s32 $_tile_overlayer_lowered  }
0x9b: {  	s22 =	simm.s32 $0x1BFF;
	s21 =	sshll.u32 s6, $0x1;
	s3 =	sadd.s32 s4, s19  }
0x9c: {  	s7 =	simm.s32 $0x0;
	s20 =	sshll.u32 s5, $0x1;
	s5 =	sadd.s32 s21, s3  }
0x9d: {  	[timem:s7], [sflag:s22] =	dma.local [hbm:s5], s20  }
0x9e: {  	_ =	swait.ge [sflag:s22], s20  }
0x9f: {  	s4 =	ssub.s32 $0x0, s20;
	[sflag:s22] =	ssyncset.done $0x0  }
0xa0: {  	[sflag:s22] =	ssyncadd.s32 s4;
	_ =	sdelay $0x1  }
0xa1: {  	s23 =	simm.s32 $0x1B8B  }
0xa2: {  	_ =	swait.ge [sflag:s23], $0x1  }
0xa3: {  	[sflag:s23] =	ssyncset.done $0x0  }
0xa4: {  	s25 =	simm.s32 $0x1B8E;
	s24 =	sld [smem:$0x3FFE];
	[sflag:s23] =	ssyncadd.s32 $0xFFFFFFFF  }
0xa5: {  	s26 =	simm.s32 $execute0_lowered;
	[smem:$0x3FD2] =	sst s25  }
0xa6: {  	s5 =	sshll.u32 s26, $0x1;
	_ =	strace $0x80000049;
	[dreg:$0x1] =	wrdreg $0xFFFFFFFF  }
0xa7: {  	s28 =	simm.s32 $_size_execute0_lowered;
	s3 =	sadd.s32 s3, s5;
	[dreg:$0x0] =	wrdreg $0x0  }
0xa8: {  	s5 =	sshll.u32 s28, $0x1;
	[dreg:$0x2] =	wrdreg s3  }
0xa9: {  	[dreg:$0x3] =	wrdreg s5  }
0xaa: {  	[dreg:$0x4] =	wrdreg $0xC0  }
0xab: {  	_ =	task [dreg:s7], $0x5FFFF  }
0xac: {  	[dreg:$0x1] =	wrdreg $0xFFFFFFFF  }
0xad: {  	[dreg:$0x0] =	wrdreg $0x60  }
0xae: {  	[dreg:$0x2] =	wrdreg s24  }
0xaf: {  	[dreg:$0x3] =	wrdreg s2  }
0xb0: {  	[dreg:$0x4] =	wrdreg $0x0  }
0xb1: {  	[dreg:$0x5] =	wrdreg $0x9  }
0xb2: {  	_ =	task.clear_ibuf [dreg:s7], $0x6FFFF;
	_ =	strace $0x90000049  }
0xb3: {  	s29 =	simm.s32 $0x9;
	_ =	strace $0x8000004B  }
0xb4: {  	_ =	swait.ge [sflag:s29], $0x1  }
0xb5: {  	[sflag:s29] =	ssyncadd.s32 $0xFFFFFFFF  }
0xb6: {  	_ =	strace $0x9000004B  }
0xb7: {  	_ =	sfence  }
0xb8: {  	s30 =	sld [smem:$0x0];
	_ =	sdelay $0x2  }
0xb9: {  	s31 =	sshll.u32 s1, $0xD;
	s1 =	sshrl.u32 s1, $0x2  }
0xba: {  	s3 =	sand.u32 $0x4000, s31;
	s1 =	sadd.s32 s1, s30  }
0xbb: {  	s0 =	sor.u32 s3, s0;
	s1 =	sshll.u32 s1, $0x11  }
0xbc: {  	s0 =	sor.u32 s1, s0  }
0xbd: {  	s0 =	sadd.s32 $0x8F2B, s0  }
0xbe: {  	[sflag:s0] =	ssyncadd.remote.s32 $0x1  }
0xbf: {  	_ =	sfence.sel $0xFFFF  }
0xc0: {  	[dreg:$0x0] =	wrdreg $0xFFFFFFFF;
	(pc) =	sbr.abs _section_cstart, $3  }
0xc1: {  	[dreg:$0x1] =	wrdreg $0xFFFFFFFF  }
0xc2: {  	_ =	task.clear_ibuf [dreg:s7], $0x2FFFF;
	_ =	strace $0x9FFFFFFF  }
0xc3: {  	(tm) =	ssettm $0x7FFFFFFF  }
tec
execute0_lowered:
.L_overlay_start_1:
0x0: {  	(tag) =	ssettag $0x1  }
0x1: {  	s0 =	rddreg [dreg:$0x0]  }
0x2: {  	s1 =	srdreg.scid;
	s2 =	stileid.u32  }
0x3: {  	s4 =	rddreg [dreg:$0x1];
	s7 =	simm.s32 $0x0;
	s13 =	simm.s32 $0x9  }
0x4: {  	s28 =	simm.s32 $0x1;
	s29 =	simm.s32 $0xBF10;
	s30 =	simm.s32 $0x2  }
0x5: {  	s31 =	simm.s32 $0xC710;
	s14 =	simm.s32 $0xCF10;
	s15 =	simm.s32 $0x4  }
0x6: {  	s5 =	sand.u32 $0x1, s1;
	s3 =	sshll.u32 s2, $0x1;
	s1 =	rddreg [dreg:$0x2]  }
0x7: {  	[smem:$0x7FF] =	sst s7;
	s17 =	smul.u32 $0x2700, s2;
	s12 =	sadd.s32 $0x1F200, s0  }
0x8: {  	p0 =	sne.s32 s2, $0x0;
	s26 =	sshll.u32 s2, $0x6;
	s3 =	sor.u32 s5, s3  }
0x9: {  	_ =	strace $0x8000004A;
	s8 =	ssub.s32 $0x2, s5;
	s19 =	smul.u32 $0x27100, s5  }
0xa: {  	s16 =	sor.u32 $0x1C09, s26;
	s26 =	simm.s32 $0xB710;
	s6 =	smul.u32 $0x500, s3  }
0xb: {  	s3 =	sadd.s32 $0xB200, s0;
	s10 =	sshrl.u32 s17, $0x3;
	s11 =	sshrl.u32 s8, $0x1  }
0xc: {  	s21 =	sadd.s32 s17, s1;
	s10 =	sadd.s32 s10, s0;
	s8 =	ssub.s32 s8, s11  }
0xd: {  	s7 =	sadd.s32 s17, s19;
	s17 =	sshrl.u32 s21, $0x3;
	s4 =	sadd.s32 s4, s6  }
0xe: {  	s9 =	sadd.s32 s6, s0;
	s22 =	sadd.s32 $0x1A200, s10;
	[dreg:$0x5] =	wrdreg s4  }
0xf: {  	s6 =	sadd.s32 $0x27000, s1;
	s0 =	sadd.s32 $0x1F000, s0;
	[dreg:$0x7] =	wrdreg s22  }
0x10: {  	s23 =	sshrl.u32 s7, $0x3;
	s25 =	smax.u32 s8, $0x1;
	[dreg:$0x8] =	wrdreg s0  }
0x11: {  	s18 =	sadd.s32 $0x1200, s9;
	s20 =	sadd.s32 $0x10200, s9;
	[dreg:$0xb] =	wrdreg s25  }
.Ltmp0:
0x12: {  	s4 =	sshrl.u32 s19, $0x3;
	[dreg:$0x4] =	wrdreg s18;
	(pc) =	sbr.rel .LBB2_1-.Ltmp0, $4  }
0x13: {  	s0 =	sadd.s32 s12, s23;
	s19 =	simm.s32 $0x80;
	[dreg:$0x6] =	wrdreg s20  }
0x14: {  	s25 =	simm.s32 $0x0;
	s4 =	sadd.s32 s12, s4;
	[dreg:$0x9] =	wrdreg s0  }
0x15: {  	s18 =	sshrl.u32 @!p0 s6, $0x3;
	s0 =	simm.s32 $0x3;
	s24 =	sadd.s32 $0x4E00, s4  }
0x16: {  	s20 =	simm.s32 $0xD710;
	[dreg:$0xa] =	wrdreg s24;
	s24 =	simm.s32 $0x8  }
.LBB2_12:
0x17: {  	[spmem:s1] =	stream.indirect.scatter.add.f32 [tilespmem:s20], [sflag:$0x8], $0x10, s2, s19, $0xb8;
	[tilespmem:$0xDF10] =	vst v63  }
0x18: {  	s12 =	simm.s32 $0x5  }
0x19: {  	_ =	swait.ge [sflag:s12], $0x800  }
0x1a: {  	[sflag:s12] =	ssyncset.done $0x0  }
0x1b: {  	s21 =	simm.s32 $0x6;
	[sflag:s12] =	ssyncadd.s32 $0xFFFFF800  }
0x1c: {  	_ =	swait.ge [sflag:s21], $0x800  }
0x1d: {  	[sflag:s21] =	ssyncset.done $0x0  }
0x1e: {  	s22 =	simm.s32 $0x7;
	[sflag:s21] =	ssyncadd.s32 $0xFFFFF800  }
0x1f: {  	_ =	swait.ge [sflag:s22], $0x800  }
0x20: {  	[sflag:s22] =	ssyncset.done $0x0  }
0x21: {  	[sflag:s22] =	ssyncadd.s32 $0xFFFFF800  }
0x22: {  	_ =	swait.ge [sflag:s24], $0x800  }
0x23: {  	[sflag:s24] =	ssyncset.done $0x0  }
0x24: {  	[sflag:s24] =	ssyncadd.s32 $0xFFFFF800  }
0x25: {  	[bflag:$0x0] =	sbarrier.arrive $0xFFFF  }
0x26: {  	s23 =	rddreg [dreg:$0x9]  }
0x27: {  	[hbm:s23], [sflag:s16] =	dma.local [spmem:s17], $0x4E0  }
0x28: {  	_ =	swait.ge [sflag:s13], $0x4E0  }
0x29: {  	[sflag:s13] =	ssyncset.done $0x0  }
0x2a: {  	s2 =	rddreg [dreg:$0xa];
	[sflag:s13] =	ssyncadd.s32 $0xFFFFFB20  }
0x2b: {  	[hbm:s2], [sflag:s16] =	dma.local @!p0 [spmem:s18], $0x20  }
0x2c: {  	s2 =	simm.s32 @!p0 $0x9  }
0x2d: {  	_ =	swait.ge @!p0 [sflag:s2], $0x20  }
0x2e: {  	s25 =	sadd.s32 $0x1, s25;
	s4 =	rddreg [dreg:$0xb]  }
0x2f: {  	p1 =	sne.s32 s25, s4  }
.Ltmp1:
0x30: {  	_ = 	snop;
	(pc) =	sbr.rel @!p1 .LBB2_13-.Ltmp1, $3  }
0x31: {  	_ =	sdelay $0x1  }
0x32: {  	[sflag:s2] =	ssyncset.done @!p0 $0x0  }
0x33: {  	[sflag:s2] =	ssyncadd.s32 @!p0 $0xFFFFFFE0  }
.LBB2_1:
0x34: {  	s2 =	simm.s32 $0x0;
	s4 =	rddreg [dreg:$0x4];
	s5 =	simm.s32 $0x2710  }
0x35: {  	[tilespmem:s5], [sflag:$0x9] =	stream.linear.gather [hbm4b:s4+s2], $0x2800, $0x38;
	[tilespmem:$0xDF10] =	vst v63  }
0x36: {  	_ =	swait.ge [sflag:s13], $0x2800  }
0x37: {  	[sflag:s13] =	ssyncset.done $0x0  }
0x38: {  	s6 =	simm.s32 $0x4F10;
	s23 =	rddreg [dreg:$0x5];
	[sflag:s13] =	ssyncadd.s32 $0xFFFFD800  }
0x39: {  	[tilespmem:s6], [sflag:$0x9] =	stream.linear.gather [hbm4b:s23+s2], $0x2800, $0x38;
	[tilespmem:$0xDF10] =	vst v63  }
0x3a: {  	_ =	swait.ge [sflag:s13], $0x2800  }
0x3b: {  	[sflag:s13] =	ssyncset.done $0x0  }
0x3c: {  	s8 =	simm.s32 $0x7710;
	s7 =	rddreg [dreg:$0x6];
	[sflag:s13] =	ssyncadd.s32 $0xFFFFD800  }
0x3d: {  	[tilespmem:s8], [sflag:$0x9] =	stream.linear.gather [hbm4b:s7+s2], $0x2800, $0x38;
	[tilespmem:$0xDF10] =	vst v63  }
0x3e: {  	_ =	swait.ge [sflag:s13], $0x2800  }
0x3f: {  	[sflag:s13] =	ssyncset.done $0x0  }
0x40: {  	s9 =	rddreg [dreg:$0x7];
	[sflag:s13] =	ssyncadd.s32 $0xFFFFD800  }
0x41: {  	[spmem:s17], [sflag:s16] =	dma.local [hbm:s9], $0x4E0  }
0x42: {  	_ =	swait.ge [sflag:s13], $0x4E0  }
0x43: {  	[sflag:s13] =	ssyncset.done $0x0  }
0x44: {  	s2 =	rddreg [dreg:$0x8];
	[sflag:s13] =	ssyncadd.s32 $0xFFFFFB20  }
0x45: {  	[spmem:s18], [sflag:s16] =	dma.local @!p0 [hbm:s2], $0x20  }
0x46: {  	s2 =	simm.s32 @!p0 $0x9  }
0x47: {  	_ =	swait.ge @!p0 [sflag:s2], $0x20  }
0x48: {  	[sflag:s2] =	ssyncset.done @!p0 $0x0  }
0x49: {  	s10 =	simm.s32 $0x9F10;
	[sflag:s2] =	ssyncadd.s32 @!p0 $0xFFFFFFE0  }
0x4a: {  	[tilespmem:s10], [sflag:$0x1] =	stream.indirect.gather [hbm4b:s3+s19], $0x10, s5, s19, $0xb8;
	[tilespmem:$0xDF10] =	vst v63  }
0x4b: {  	s11 =	simm.s32 $0x2790;
	s12 =	simm.s32 $0xA710  }
0x4c: {  	[tilespmem:s12], [sflag:$0x2] =	stream.indirect.gather [hbm4b:s3+s19], $0x10, s11, s19, $0xb8;
	[tilespmem:$0xDF10] =	vst v63  }
0x4d: {  	s21 =	simm.s32 $0x2810;
	s22 =	simm.s32 $0xAF10;
	s23 =	simm.s32 $0x2890  }
0x4e: {  	[tilespmem:s22], [sflag:$0x3] =	stream.indirect.gather [hbm4b:s3+s19], $0x10, s21, s19, $0xb8;
	[tilespmem:$0xDF10] =	vst v63  }
0x4f: {  	s6 =	simm.s32 $0x7710;
	s7 =	simm.s32 $0x0;
	s5 =	simm.s32 $0x7810  }
0x50: {  	[tilespmem:s26], [sflag:$0x4] =	stream.indirect.gather [hbm4b:s3+s19], $0x10, s23, s19, $0xb8;
	[tilespmem:$0xDF10] =	vst v63  }
0x51: {  	s12 =	simm.s32 $0x7890;
	s22 =	simm.s32 $0x7790;
	[bflag:$0x0] =	sbarrier.arrive $0xFFFF  }
.LBB2_2:
0x52: {  	_ =	swait.ge [sflag:s28], $0x800  }
0x53: {  	p1 =	seq.s32 s7, $0x0;
	[sflag:s28] =	ssyncset.done $0x0  }
0x54: {  	s2 =	simm.s32 @!p1 $0x5;
	[sflag:s28] =	ssyncadd.s32 $0xFFFFF800  }
0x55: {  	_ =	swait.ge @!p1 [sflag:s2], $0x800  }
0x56: {  	[sflag:s2] =	ssyncset.done @!p1 $0x0  }
0x57: {  	s9 =	simm.s32 $0x0;
	[sflag:s2] =	ssyncadd.s32 @!p1 $0xFFFFF800  }
0x58: {  	v1 =	vld [tilespmem:s9+$0x9F10]  }
0x59: {  	s8 =	sshll.u32 s7, $0xB;
	s10 =	smov.u32 s6;
	s2 =	simm.s32 $0x400;
	v0 =	vld [tilespmem:s6+$0x0]  }
.LBB2_3:
0x5a: {  	p2 =	sne.s32 s2, $0x1C00;
	v2 =	vld [tilespmem:s9+$0x9F20]  }
0x5b: {  	v3 =	vld [tilespmem:s9+$0x9F30]  }
0x5c: {  	v4 =	vld [tilespmem:s9+$0x9F40]  }
0x5d: {  	v5 =	vld [tilespmem:s9+$0x9F50]  }
0x5e: {  	v6 =	vbroadcast v0, $0x0;
	v7 =	vbroadcast v0, $0x1;
	v8 =	vld [tilespmem:s9+$0x9F60]  }
0x5f: {  	v9 =	vbroadcast v0, $0x2;
	v10 =	vbroadcast v0, $0x3;
	v11 =	vld [tilespmem:s9+$0x9F70]  }
0x60: {  	v1 =	vmul.f32 v6, v1;
	v2 =	vmul.f32 v2, v7;
	v6 =	vld [tilespmem:s9+$0x9F80]  }
0x61: {  	v3 =	vmul.f32 v3, v9;
	v4 =	vmul.f32 v4, v10;
	v7 =	vld [tilespmem:s9+$0x9F90]  }
0x62: {  	v9 =	vbroadcast v0, $0x5;
	[tilespmem:s9+$0xBF10] =	vst v1;
	v1 =	vbroadcast v0, $0x4;
	v10 =	vld [tilespmem:s9+$0x9FA0]  }
0x63: {  	v12 =	vbroadcast v0, $0x7;
	[tilespmem:s9+$0xBF20] =	vst v2;
	v2 =	vbroadcast v0, $0x6;
	v13 =	vld [tilespmem:s9+$0x9FB0]  }
0x64: {  	[tilespmem:s9+$0xBF30] =	vst v3;
	v1 =	vmul.f32 v5, v1;
	v3 =	vmul.f32 v8, v9;
	v5 =	vld [tilespmem:s9+$0x9FC0]  }
0x65: {  	[tilespmem:s9+$0xBF40] =	vst v4;
	v2 =	vmul.f32 v11, v2;
	v4 =	vmul.f32 v6, v12;
	v6 =	vld [tilespmem:s9+$0x9FD0]  }
0x66: {  	v8 =	vbroadcast v0, $0x9;
	[tilespmem:s9+$0xBF50] =	vst v1;
	v1 =	vbroadcast v0, $0x8;
	v9 =	vld [tilespmem:s9+$0x9FE0]  }
0x67: {  	v11 =	vbroadcast v0, $0xB;
	[tilespmem:s9+$0xBF60] =	vst v3;
	v3 =	vbroadcast v0, $0xA;
	v12 =	vld [tilespmem:s9+$0x9FF0]  }
0x68: {  	[tilespmem:s9+$0xBF70] =	vst v2;
	v1 =	vmul.f32 v7, v1;
	v2 =	vmul.f32 v10, v8;
	v7 =	vld [tilespmem:s9+$0xA000]  }
0x69: {  	[tilespmem:s9+$0xBF80] =	vst v4;
	v3 =	vmul.f32 v13, v3;
	v4 =	vmul.f32 v5, v11  }
0x6a: {  	v5 =	vbroadcast v0, $0xD;
	[tilespmem:s9+$0xBF90] =	vst v1;
	v1 =	vbroadcast v0, $0xC  }
0x6b: {  	[tilespmem:s9+$0xBFA0] =	vst v2;
	v2 =	vbroadcast v0, $0xE;
	v0 =	vbroadcast v0, $0xF  }
0x6c: {  	[tilespmem:s9+$0xBFB0] =	vst v3;
	v1 =	vmul.f32 v6, v1;
	v3 =	vmul.f32 v9, v5  }
0x6d: {  	[tilespmem:s9+$0xBFC0] =	vst v4;
	v2 =	vmul.f32 v12, v2;
	v0 =	vmul.f32 v7, v0  }
.Ltmp2:
0x6e: {  	[tilespmem:s9+$0xBFD0] =	vst v1;
	(pc) =	sbr.rel @p2 .LBB2_3-.Ltmp2, $4  }
0x6f: {  	[tilespmem:s9+$0xBFE0] =	vst v3  }
0x70: {  	s4 =	sshra.s32 s2, $0x2;
	[tilespmem:s9+$0xBFF0] =	vst v2  }
0x71: {  	s10 =	sadd.s32 $0x10, s10;
	v1 =	vld [tilespmem:s4+$0x9F10];
	[tilespmem:s9+$0xC000] =	vst v0;
	s9 =	smov.u32 s4  }
0x72: {  	s2 =	sadd.s32 $0x400, s2;
	v0 =	vld [tilespmem:s10+$0x0]  }
0x73: {  	_ =	sdelay $0x1  }
0x74: {  	v2 =	vld [tilespmem:s9+$0x9F20]  }
0x75: {  	v3 =	vld [tilespmem:s9+$0x9F30]  }
0x76: {  	v4 =	vld [tilespmem:s9+$0x9F40];
	v6 =	vbroadcast v0, $0x0  }
0x77: {  	v5 =	vld [tilespmem:s9+$0x9F50];
	v9 =	vbroadcast v0, $0x1  }
0x78: {  	v7 =	vld [tilespmem:s9+$0x9F60];
	v11 =	vbroadcast v0, $0x2;
	v1 =	vmul.f32 v6, v1  }
0x79: {  	v8 =	vld [tilespmem:s9+$0x9F70];
	v49 =	vbroadcast v0, $0x3;
	v2 =	vmul.f32 v2, v9  }
0x7a: {  	v48 =	vld [tilespmem:s9+$0x9F80];
	v50 =	vbroadcast v0, $0x4;
	v3 =	vmul.f32 v3, v11;
	[tilespmem:s9+$0xBF10] =	vst v1  }
0x7b: {  	v54 =	vld [tilespmem:s9+$0x9FE0];
	v51 =	vbroadcast v0, $0x5;
	v4 =	vmul.f32 v4, v49;
	[tilespmem:s9+$0xBF20] =	vst v2  }
0x7c: {  	v10 =	vld [tilespmem:s9+$0x9F90];
	v53 =	vbroadcast v0, $0x6;
	v5 =	vmul.f32 v5, v50;
	[tilespmem:s9+$0xBF30] =	vst v3  }
0x7d: {  	v55 =	vbroadcast v0, $0x7;
	v7 =	vmul.f32 v7, v51;
	v1 =	vld [tilespmem:s9+$0x9FA0];
	[tilespmem:s9+$0xBF40] =	vst v4  }
0x7e: {  	v62 =	vbroadcast v0, $0xD;
	v8 =	vmul.f32 v8, v53;
	v2 =	vld [tilespmem:s9+$0x9FB0];
	[tilespmem:s9+$0xBF50] =	vst v5  }
0x7f: {  	v56 =	vbroadcast v0, $0x8;
	v6 =	vmul.f32 v48, v55;
	v3 =	vld [tilespmem:s9+$0x9FC0];
	[tilespmem:s9+$0xBF60] =	vst v7  }
0x80: {  	v52 =	vld [tilespmem:s9+$0x9FD0];
	v58 =	vbroadcast v0, $0x9;
	v63 =	vmul.f32 v54, v62;
	[tilespmem:s9+$0xBF70] =	vst v8  }
0x81: {  	v57 =	vld [tilespmem:s9+$0x9FF0];
	v59 =	vbroadcast v0, $0xA;
	v7 =	vmul.f32 v10, v56;
	[tilespmem:s9+$0xBF80] =	vst v6  }
0x82: {  	v60 =	vld [tilespmem:s9+$0xA000];
	v12 =	vbroadcast v0, $0xB;
	[tilespmem:s9+$0xBFE0] =	vst v63;
	v1 =	vmul.f32 v1, v58  }
0x83: {  	v61 =	vbroadcast v0, $0xC;
	[tilespmem:s9+$0xBF90] =	vst v7;
	v2 =	vmul.f32 v2, v59  }
0x84: {  	v3 =	vmul.f32 v3, v12;
	[tilespmem:s9+$0xBFA0] =	vst v1;
	v1 =	vbroadcast v0, $0xE  }
0x85: {  	[tilespmem:s9+$0xBFB0] =	vst v2;
	v2 =	vmul.f32 v52, v61;
	v0 =	vbroadcast v0, $0xF  }
0x86: {  	[tilespmem:s9+$0xBFC0] =	vst v3;
	v1 =	vmul.f32 v57, v1  }
0x87: {  	p2 =	seq.s32 s7, $0x13;
	[tilespmem:s9+$0xBFD0] =	vst v2;
	v0 =	vmul.f32 v60, v0  }
0x88: {  	s10 =	sshra.s32 @!p2 s8, $0x2;
	[tilespmem:s9+$0xBFF0] =	vst v1  }
0x89: {  	s4 =	simm.s32 @!p2 $0x80;
	s2 =	sadd.s32 @!p2 $0x2910, s10;
	[tilespmem:s9+$0xC000] =	vst v0;
	s9 =	simm.s32 @!p2 $0x9F10  }
0x8a: {  	[tilespmem:s9], [sflag:$0x1] =	stream.indirect.gather @!p2 [hbm4b:s3+s4], $0x10, s2, s4, $0xb8;
	[tilespmem:$0xDF10] =	vst v63  }
0x8b: {  	s9 =	sshra.s32 s8, $0x2  }
0x8c: {  	s23 =	sadd.s32 $0x4F10, s9  }
0x8d: {  	[spmem:s1] =	stream.indirect.scatter.add.f32 [tilespmem:s29], [sflag:$0x5], $0x10, s23, s19, $0xb8;
	[tilespmem:$0xDF10] =	vst v63  }
0x8e: {  	_ =	swait.ge [sflag:s30], $0x800  }
0x8f: {  	[sflag:s30] =	ssyncset.done $0x0  }
0x90: {  	s2 =	simm.s32 @!p1 $0x6;
	[sflag:s30] =	ssyncadd.s32 $0xFFFFF800  }
0x91: {  	_ =	swait.ge @!p1 [sflag:s2], $0x800  }
0x92: {  	[sflag:s2] =	ssyncset.done @!p1 $0x0  }
0x93: {  	[sflag:s2] =	ssyncadd.s32 @!p1 $0xFFFFF800;
	s2 =	simm.s32 $0x0  }
0x94: {  	v1 =	vld [tilespmem:s2+$0xA710]  }
0x95: {  	s11 =	sor.u32 $0x200, s8;
	s21 =	simm.s32 $0x400;
	s4 =	smov.u32 s22;
	v0 =	vld [tilespmem:s22+$0x0]  }
.LBB2_5:
0x96: {  	p3 =	sne.s32 s21, $0x1C00;
	v2 =	vld [tilespmem:s2+$0xA720]  }
0x97: {  	v3 =	vld [tilespmem:s2+$0xA730]  }
0x98: {  	v4 =	vld [tilespmem:s2+$0xA740]  }
0x99: {  	v5 =	vld [tilespmem:s2+$0xA750]  }
0x9a: {  	v6 =	vbroadcast v0, $0x0;
	v7 =	vbroadcast v0, $0x1;
	v8 =	vld [tilespmem:s2+$0xA760]  }
0x9b: {  	v9 =	vbroadcast v0, $0x2;
	v10 =	vbroadcast v0, $0x3;
	v11 =	vld [tilespmem:s2+$0xA770]  }
0x9c: {  	v1 =	vmul.f32 v6, v1;
	v2 =	vmul.f32 v2, v7;
	v6 =	vld [tilespmem:s2+$0xA780]  }
0x9d: {  	v3 =	vmul.f32 v3, v9;
	v4 =	vmul.f32 v4, v10;
	v7 =	vld [tilespmem:s2+$0xA790]  }
0x9e: {  	v9 =	vbroadcast v0, $0x5;
	[tilespmem:s2+$0xC710] =	vst v1;
	v1 =	vbroadcast v0, $0x4;
	v10 =	vld [tilespmem:s2+$0xA7A0]  }
0x9f: {  	v12 =	vbroadcast v0, $0x7;
	[tilespmem:s2+$0xC720] =	vst v2;
	v2 =	vbroadcast v0, $0x6;
	v13 =	vld [tilespmem:s2+$0xA7B0]  }
0xa0: {  	[tilespmem:s2+$0xC730] =	vst v3;
	v1 =	vmul.f32 v5, v1;
	v3 =	vmul.f32 v8, v9;
	v5 =	vld [tilespmem:s2+$0xA7C0]  }
0xa1: {  	[tilespmem:s2+$0xC740] =	vst v4;
	v2 =	vmul.f32 v11, v2;
	v4 =	vmul.f32 v6, v12;
	v6 =	vld [tilespmem:s2+$0xA7D0]  }
0xa2: {  	v8 =	vbroadcast v0, $0x9;
	[tilespmem:s2+$0xC750] =	vst v1;
	v1 =	vbroadcast v0, $0x8;
	v9 =	vld [tilespmem:s2+$0xA7E0]  }
0xa3: {  	v11 =	vbroadcast v0, $0xB;
	[tilespmem:s2+$0xC760] =	vst v3;
	v3 =	vbroadcast v0, $0xA;
	v12 =	vld [tilespmem:s2+$0xA7F0]  }
0xa4: {  	[tilespmem:s2+$0xC770] =	vst v2;
	v1 =	vmul.f32 v7, v1;
	v2 =	vmul.f32 v10, v8;
	v7 =	vld [tilespmem:s2+$0xA800]  }
0xa5: {  	[tilespmem:s2+$0xC780] =	vst v4;
	v3 =	vmul.f32 v13, v3;
	v4 =	vmul.f32 v5, v11  }
0xa6: {  	v5 =	vbroadcast v0, $0xD;
	[tilespmem:s2+$0xC790] =	vst v1;
	v1 =	vbroadcast v0, $0xC  }
0xa7: {  	[tilespmem:s2+$0xC7A0] =	vst v2;
	v2 =	vbroadcast v0, $0xE;
	v0 =	vbroadcast v0, $0xF  }
0xa8: {  	[tilespmem:s2+$0xC7B0] =	vst v3;
	v1 =	vmul.f32 v6, v1;
	v3 =	vmul.f32 v9, v5  }
0xa9: {  	[tilespmem:s2+$0xC7C0] =	vst v4;
	v2 =	vmul.f32 v12, v2;
	v0 =	vmul.f32 v7, v0  }
.Ltmp3:
0xaa: {  	[tilespmem:s2+$0xC7D0] =	vst v1;
	(pc) =	sbr.rel @p3 .LBB2_5-.Ltmp3, $4  }
0xab: {  	[tilespmem:s2+$0xC7E0] =	vst v3  }
0xac: {  	s23 =	sshra.s32 s21, $0x2;
	[tilespmem:s2+$0xC7F0] =	vst v2  }
0xad: {  	s4 =	sadd.s32 $0x10, s4;
	v1 =	vld [tilespmem:s23+$0xA710];
	[tilespmem:s2+$0xC800] =	vst v0;
	s2 =	smov.u32 s23  }
0xae: {  	s21 =	sadd.s32 $0x400, s21;
	v0 =	vld [tilespmem:s4+$0x0]  }
0xaf: {  	_ =	sdelay $0x1  }
0xb0: {  	v2 =	vld [tilespmem:s2+$0xA720]  }
0xb1: {  	v3 =	vld [tilespmem:s2+$0xA730]  }
0xb2: {  	v4 =	vld [tilespmem:s2+$0xA740];
	v6 =	vbroadcast v0, $0x0  }
0xb3: {  	v5 =	vld [tilespmem:s2+$0xA750];
	v9 =	vbroadcast v0, $0x1  }
0xb4: {  	v7 =	vld [tilespmem:s2+$0xA760];
	v11 =	vbroadcast v0, $0x2;
	v1 =	vmul.f32 v6, v1  }
0xb5: {  	v8 =	vld [tilespmem:s2+$0xA770];
	v49 =	vbroadcast v0, $0x3;
	v2 =	vmul.f32 v2, v9  }
0xb6: {  	v48 =	vld [tilespmem:s2+$0xA780];
	v50 =	vbroadcast v0, $0x4;
	v3 =	vmul.f32 v3, v11;
	[tilespmem:s2+$0xC710] =	vst v1  }
0xb7: {  	v54 =	vld [tilespmem:s2+$0xA7E0];
	v51 =	vbroadcast v0, $0x5;
	v4 =	vmul.f32 v4, v49;
	[tilespmem:s2+$0xC720] =	vst v2  }
0xb8: {  	v10 =	vld [tilespmem:s2+$0xA790];
	v53 =	vbroadcast v0, $0x6;
	v5 =	vmul.f32 v5, v50;
	[tilespmem:s2+$0xC730] =	vst v3  }
0xb9: {  	v55 =	vbroadcast v0, $0x7;
	v7 =	vmul.f32 v7, v51;
	v1 =	vld [tilespmem:s2+$0xA7A0];
	[tilespmem:s2+$0xC740] =	vst v4  }
0xba: {  	v62 =	vbroadcast v0, $0xD;
	v8 =	vmul.f32 v8, v53;
	v2 =	vld [tilespmem:s2+$0xA7B0];
	[tilespmem:s2+$0xC750] =	vst v5  }
0xbb: {  	v56 =	vbroadcast v0, $0x8;
	v6 =	vmul.f32 v48, v55;
	v3 =	vld [tilespmem:s2+$0xA7C0];
	[tilespmem:s2+$0xC760] =	vst v7  }
0xbc: {  	v52 =	vld [tilespmem:s2+$0xA7D0];
	v58 =	vbroadcast v0, $0x9;
	v63 =	vmul.f32 v54, v62;
	[tilespmem:s2+$0xC770] =	vst v8  }
0xbd: {  	v57 =	vld [tilespmem:s2+$0xA7F0];
	v59 =	vbroadcast v0, $0xA;
	v7 =	vmul.f32 v10, v56;
	[tilespmem:s2+$0xC780] =	vst v6  }
0xbe: {  	v60 =	vld [tilespmem:s2+$0xA800];
	v12 =	vbroadcast v0, $0xB;
	[tilespmem:s2+$0xC7E0] =	vst v63;
	v1 =	vmul.f32 v1, v58  }
0xbf: {  	v61 =	vbroadcast v0, $0xC;
	[tilespmem:s2+$0xC790] =	vst v7;
	v2 =	vmul.f32 v2, v59  }
0xc0: {  	v3 =	vmul.f32 v3, v12;
	[tilespmem:s2+$0xC7A0] =	vst v1;
	v1 =	vbroadcast v0, $0xE  }
0xc1: {  	[tilespmem:s2+$0xC7B0] =	vst v2;
	v2 =	vmul.f32 v52, v61;
	v0 =	vbroadcast v0, $0xF  }
0xc2: {  	[tilespmem:s2+$0xC7C0] =	vst v3;
	v1 =	vmul.f32 v57, v1  }
0xc3: {  	[tilespmem:s2+$0xC7D0] =	vst v2;
	v0 =	vmul.f32 v60, v0  }
0xc4: {  	s4 =	simm.s32 @!p2 $0x80;
	[tilespmem:s2+$0xC7F0] =	vst v1  }
0xc5: {  	s21 =	simm.s32 @!p2 $0xA710;
	s23 =	sshra.s32 s11, $0x2;
	[tilespmem:s2+$0xC800] =	vst v0;
	s2 =	sadd.s32 @!p2 $0x2990, s10  }
0xc6: {  	[tilespmem:s21], [sflag:$0x2] =	stream.indirect.gather @!p2 [hbm4b:s3+s4], $0x10, s2, s4, $0xb8;
	[tilespmem:$0xDF10] =	vst v63  }
0xc7: {  	s2 =	sadd.s32 $0x4F10, s23  }
0xc8: {  	[spmem:s1] =	stream.indirect.scatter.add.f32 [tilespmem:s31], [sflag:$0x6], $0x10, s2, s19, $0xb8;
	[tilespmem:$0xDF10] =	vst v63  }
0xc9: {  	_ =	swait.ge [sflag:s0], $0x800  }
0xca: {  	[sflag:s0] =	ssyncset.done $0x0  }
0xcb: {  	s2 =	simm.s32 @!p1 $0x7;
	[sflag:s0] =	ssyncadd.s32 $0xFFFFF800  }
0xcc: {  	_ =	swait.ge @!p1 [sflag:s2], $0x800  }
0xcd: {  	[sflag:s2] =	ssyncset.done @!p1 $0x0  }
0xce: {  	[sflag:s2] =	ssyncadd.s32 @!p1 $0xFFFFF800;
	s2 =	simm.s32 $0x0  }
0xcf: {  	v1 =	vld [tilespmem:s2+$0xAF10]  }
0xd0: {  	s11 =	sor.u32 $0x400, s8;
	s21 =	simm.s32 $0x400;
	s4 =	smov.u32 s5;
	v0 =	vld [tilespmem:s5+$0x0]  }
.LBB2_7:
0xd1: {  	p3 =	sne.s32 s21, $0x1C00;
	v2 =	vld [tilespmem:s2+$0xAF20]  }
0xd2: {  	v3 =	vld [tilespmem:s2+$0xAF30]  }
0xd3: {  	v4 =	vld [tilespmem:s2+$0xAF40]  }
0xd4: {  	v5 =	vld [tilespmem:s2+$0xAF50]  }
0xd5: {  	v6 =	vbroadcast v0, $0x0;
	v7 =	vbroadcast v0, $0x1;
	v8 =	vld [tilespmem:s2+$0xAF60]  }
0xd6: {  	v9 =	vbroadcast v0, $0x2;
	v10 =	vbroadcast v0, $0x3;
	v11 =	vld [tilespmem:s2+$0xAF70]  }
0xd7: {  	v1 =	vmul.f32 v6, v1;
	v2 =	vmul.f32 v2, v7;
	v6 =	vld [tilespmem:s2+$0xAF80]  }
0xd8: {  	v3 =	vmul.f32 v3, v9;
	v4 =	vmul.f32 v4, v10;
	v7 =	vld [tilespmem:s2+$0xAF90]  }
0xd9: {  	v9 =	vbroadcast v0, $0x5;
	[tilespmem:s2+$0xCF10] =	vst v1;
	v1 =	vbroadcast v0, $0x4;
	v10 =	vld [tilespmem:s2+$0xAFA0]  }
0xda: {  	v12 =	vbroadcast v0, $0x7;
	[tilespmem:s2+$0xCF20] =	vst v2;
	v2 =	vbroadcast v0, $0x6;
	v13 =	vld [tilespmem:s2+$0xAFB0]  }
0xdb: {  	[tilespmem:s2+$0xCF30] =	vst v3;
	v1 =	vmul.f32 v5, v1;
	v3 =	vmul.f32 v8, v9;
	v5 =	vld [tilespmem:s2+$0xAFC0]  }
0xdc: {  	[tilespmem:s2+$0xCF40] =	vst v4;
	v2 =	vmul.f32 v11, v2;
	v4 =	vmul.f32 v6, v12;
	v6 =	vld [tilespmem:s2+$0xAFD0]  }
0xdd: {  	v8 =	vbroadcast v0, $0x9;
	[tilespmem:s2+$0xCF50] =	vst v1;
	v1 =	vbroadcast v0, $0x8;
	v9 =	vld [tilespmem:s2+$0xAFE0]  }
0xde: {  	v11 =	vbroadcast v0, $0xB;
	[tilespmem:s2+$0xCF60] =	vst v3;
	v3 =	vbroadcast v0, $0xA;
	v12 =	vld [tilespmem:s2+$0xAFF0]  }
0xdf: {  	[tilespmem:s2+$0xCF70] =	vst v2;
	v1 =	vmul.f32 v7, v1;
	v2 =	vmul.f32 v10, v8;
	v7 =	vld [tilespmem:s2+$0xB000]  }
0xe0: {  	[tilespmem:s2+$0xCF80] =	vst v4;
	v3 =	vmul.f32 v13, v3;
	v4 =	vmul.f32 v5, v11  }
0xe1: {  	v5 =	vbroadcast v0, $0xD;
	[tilespmem:s2+$0xCF90] =	vst v1;
	v1 =	vbroadcast v0, $0xC  }
0xe2: {  	[tilespmem:s2+$0xCFA0] =	vst v2;
	v2 =	vbroadcast v0, $0xE;
	v0 =	vbroadcast v0, $0xF  }
0xe3: {  	[tilespmem:s2+$0xCFB0] =	vst v3;
	v1 =	vmul.f32 v6, v1;
	v3 =	vmul.f32 v9, v5  }
0xe4: {  	[tilespmem:s2+$0xCFC0] =	vst v4;
	v2 =	vmul.f32 v12, v2;
	v0 =	vmul.f32 v7, v0  }
.Ltmp4:
0xe5: {  	[tilespmem:s2+$0xCFD0] =	vst v1;
	(pc) =	sbr.rel @p3 .LBB2_7-.Ltmp4, $4  }
0xe6: {  	[tilespmem:s2+$0xCFE0] =	vst v3  }
0xe7: {  	s23 =	sshra.s32 s21, $0x2;
	[tilespmem:s2+$0xCFF0] =	vst v2  }
0xe8: {  	s4 =	sadd.s32 $0x10, s4;
	v1 =	vld [tilespmem:s23+$0xAF10];
	[tilespmem:s2+$0xD000] =	vst v0;
	s2 =	smov.u32 s23  }
0xe9: {  	s21 =	sadd.s32 $0x400, s21;
	v0 =	vld [tilespmem:s4+$0x0]  }
0xea: {  	_ =	sdelay $0x1  }
0xeb: {  	v2 =	vld [tilespmem:s2+$0xAF20]  }
0xec: {  	v3 =	vld [tilespmem:s2+$0xAF30]  }
0xed: {  	v4 =	vld [tilespmem:s2+$0xAF40];
	v6 =	vbroadcast v0, $0x0  }
0xee: {  	v5 =	vld [tilespmem:s2+$0xAF50];
	v9 =	vbroadcast v0, $0x1  }
0xef: {  	v7 =	vld [tilespmem:s2+$0xAF60];
	v11 =	vbroadcast v0, $0x2;
	v1 =	vmul.f32 v6, v1  }
0xf0: {  	v8 =	vld [tilespmem:s2+$0xAF70];
	v49 =	vbroadcast v0, $0x3;
	v2 =	vmul.f32 v2, v9  }
0xf1: {  	v48 =	vld [tilespmem:s2+$0xAF80];
	v50 =	vbroadcast v0, $0x4;
	v3 =	vmul.f32 v3, v11;
	[tilespmem:s2+$0xCF10] =	vst v1  }
0xf2: {  	v54 =	vld [tilespmem:s2+$0xAFE0];
	v51 =	vbroadcast v0, $0x5;
	v4 =	vmul.f32 v4, v49;
	[tilespmem:s2+$0xCF20] =	vst v2  }
0xf3: {  	v10 =	vld [tilespmem:s2+$0xAF90];
	v53 =	vbroadcast v0, $0x6;
	v5 =	vmul.f32 v5, v50;
	[tilespmem:s2+$0xCF30] =	vst v3  }
0xf4: {  	v55 =	vbroadcast v0, $0x7;
	v7 =	vmul.f32 v7, v51;
	v1 =	vld [tilespmem:s2+$0xAFA0];
	[tilespmem:s2+$0xCF40] =	vst v4  }
0xf5: {  	v62 =	vbroadcast v0, $0xD;
	v8 =	vmul.f32 v8, v53;
	v2 =	vld [tilespmem:s2+$0xAFB0];
	[tilespmem:s2+$0xCF50] =	vst v5  }
0xf6: {  	v56 =	vbroadcast v0, $0x8;
	v6 =	vmul.f32 v48, v55;
	v3 =	vld [tilespmem:s2+$0xAFC0];
	[tilespmem:s2+$0xCF60] =	vst v7  }
0xf7: {  	v52 =	vld [tilespmem:s2+$0xAFD0];
	v58 =	vbroadcast v0, $0x9;
	v63 =	vmul.f32 v54, v62;
	[tilespmem:s2+$0xCF70] =	vst v8  }
0xf8: {  	v57 =	vld [tilespmem:s2+$0xAFF0];
	v59 =	vbroadcast v0, $0xA;
	v7 =	vmul.f32 v10, v56;
	[tilespmem:s2+$0xCF80] =	vst v6  }
0xf9: {  	v60 =	vld [tilespmem:s2+$0xB000];
	v12 =	vbroadcast v0, $0xB;
	[tilespmem:s2+$0xCFE0] =	vst v63;
	v1 =	vmul.f32 v1, v58  }
0xfa: {  	v61 =	vbroadcast v0, $0xC;
	[tilespmem:s2+$0xCF90] =	vst v7;
	v2 =	vmul.f32 v2, v59  }
0xfb: {  	v3 =	vmul.f32 v3, v12;
	[tilespmem:s2+$0xCFA0] =	vst v1;
	v1 =	vbroadcast v0, $0xE  }
0xfc: {  	[tilespmem:s2+$0xCFB0] =	vst v2;
	v2 =	vmul.f32 v52, v61;
	v0 =	vbroadcast v0, $0xF  }
0xfd: {  	[tilespmem:s2+$0xCFC0] =	vst v3;
	v1 =	vmul.f32 v57, v1  }
0xfe: {  	[tilespmem:s2+$0xCFD0] =	vst v2;
	v0 =	vmul.f32 v60, v0  }
0xff: {  	s4 =	simm.s32 @!p2 $0x80;
	[tilespmem:s2+$0xCFF0] =	vst v1  }
0x100: {  	s23 =	sshra.s32 s11, $0x2;
	[tilespmem:s2+$0xD000] =	vst v0;
	s2 =	sadd.s32 @!p2 $0x2A10, s10;
	s10 =	simm.s32 @!p2 $0xAF10  }
0x101: {  	[tilespmem:s10], [sflag:$0x3] =	stream.indirect.gather @!p2 [hbm4b:s3+s4], $0x10, s2, s4, $0xb8;
	[tilespmem:$0xDF10] =	vst v63  }
0x102: {  	s2 =	sadd.s32 $0x4F10, s23  }
0x103: {  	[spmem:s1] =	stream.indirect.scatter.add.f32 [tilespmem:s14], [sflag:$0x7], $0x10, s2, s19, $0xb8;
	[tilespmem:$0xDF10] =	vst v63  }
0x104: {  	_ =	swait.ge [sflag:s15], $0x800  }
0x105: {  	[sflag:s15] =	ssyncset.done $0x0  }
0x106: {  	s2 =	simm.s32 @!p1 $0x8;
	[sflag:s15] =	ssyncadd.s32 $0xFFFFF800  }
0x107: {  	_ =	swait.ge @!p1 [sflag:s2], $0x800  }
0x108: {  	[sflag:s2] =	ssyncset.done @!p1 $0x0  }
0x109: {  	s10 =	simm.s32 $0x0;
	[sflag:s2] =	ssyncadd.s32 @!p1 $0xFFFFF800  }
0x10a: {  	v1 =	vld [tilespmem:s10+$0xB710]  }
0x10b: {  	s4 =	smov.u32 s12;
	s2 =	sor.u32 $0x600, s8;
	s8 =	simm.s32 $0x400;
	v0 =	vld [tilespmem:s12+$0x0]  }
.LBB2_9:
0x10c: {  	p1 =	sne.s32 s8, $0x1C00;
	v2 =	vld [tilespmem:s10+$0xB720]  }
0x10d: {  	v3 =	vld [tilespmem:s10+$0xB730]  }
0x10e: {  	v4 =	vld [tilespmem:s10+$0xB740]  }
0x10f: {  	v5 =	vld [tilespmem:s10+$0xB750]  }
0x110: {  	v6 =	vbroadcast v0, $0x0;
	v7 =	vbroadcast v0, $0x1;
	v8 =	vld [tilespmem:s10+$0xB760]  }
0x111: {  	v9 =	vbroadcast v0, $0x2;
	v10 =	vbroadcast v0, $0x3;
	v11 =	vld [tilespmem:s10+$0xB770]  }
0x112: {  	v1 =	vmul.f32 v6, v1;
	v2 =	vmul.f32 v2, v7;
	v6 =	vld [tilespmem:s10+$0xB780]  }
0x113: {  	v3 =	vmul.f32 v3, v9;
	v4 =	vmul.f32 v4, v10;
	v7 =	vld [tilespmem:s10+$0xB790]  }
0x114: {  	v9 =	vbroadcast v0, $0x5;
	[tilespmem:s10+$0xD710] =	vst v1;
	v1 =	vbroadcast v0, $0x4;
	v10 =	vld [tilespmem:s10+$0xB7A0]  }
0x115: {  	v12 =	vbroadcast v0, $0x7;
	[tilespmem:s10+$0xD720] =	vst v2;
	v2 =	vbroadcast v0, $0x6;
	v13 =	vld [tilespmem:s10+$0xB7B0]  }
0x116: {  	[tilespmem:s10+$0xD730] =	vst v3;
	v1 =	vmul.f32 v5, v1;
	v3 =	vmul.f32 v8, v9;
	v5 =	vld [tilespmem:s10+$0xB7C0]  }
0x117: {  	[tilespmem:s10+$0xD740] =	vst v4;
	v2 =	vmul.f32 v11, v2;
	v4 =	vmul.f32 v6, v12;
	v6 =	vld [tilespmem:s10+$0xB7D0]  }
0x118: {  	v8 =	vbroadcast v0, $0x9;
	[tilespmem:s10+$0xD750] =	vst v1;
	v1 =	vbroadcast v0, $0x8;
	v9 =	vld [tilespmem:s10+$0xB7E0]  }
0x119: {  	v11 =	vbroadcast v0, $0xB;
	[tilespmem:s10+$0xD760] =	vst v3;
	v3 =	vbroadcast v0, $0xA;
	v12 =	vld [tilespmem:s10+$0xB7F0]  }
0x11a: {  	[tilespmem:s10+$0xD770] =	vst v2;
	v1 =	vmul.f32 v7, v1;
	v2 =	vmul.f32 v10, v8;
	v7 =	vld [tilespmem:s10+$0xB800]  }
0x11b: {  	[tilespmem:s10+$0xD780] =	vst v4;
	v3 =	vmul.f32 v13, v3;
	v4 =	vmul.f32 v5, v11  }
0x11c: {  	v5 =	vbroadcast v0, $0xD;
	[tilespmem:s10+$0xD790] =	vst v1;
	v1 =	vbroadcast v0, $0xC  }
0x11d: {  	[tilespmem:s10+$0xD7A0] =	vst v2;
	v2 =	vbroadcast v0, $0xE;
	v0 =	vbroadcast v0, $0xF  }
0x11e: {  	[tilespmem:s10+$0xD7B0] =	vst v3;
	v1 =	vmul.f32 v6, v1;
	v3 =	vmul.f32 v9, v5  }
0x11f: {  	[tilespmem:s10+$0xD7C0] =	vst v4;
	v2 =	vmul.f32 v12, v2;
	v0 =	vmul.f32 v7, v0  }
.Ltmp5:
0x120: {  	[tilespmem:s10+$0xD7D0] =	vst v1;
	(pc) =	sbr.rel @p1 .LBB2_9-.Ltmp5, $4  }
0x121: {  	[tilespmem:s10+$0xD7E0] =	vst v3  }
0x122: {  	s11 =	sshra.s32 s8, $0x2;
	[tilespmem:s10+$0xD7F0] =	vst v2  }
0x123: {  	s4 =	sadd.s32 $0x10, s4;
	v1 =	vld [tilespmem:s11+$0xB710];
	[tilespmem:s10+$0xD800] =	vst v0;
	s10 =	smov.u32 s11  }
0x124: {  	s8 =	sadd.s32 $0x400, s8;
	v0 =	vld [tilespmem:s4+$0x0]  }
0x125: {  	_ =	sdelay $0x2  }
0x126: {  	v2 =	vld [tilespmem:s10+$0xB720]  }
0x127: {  	v3 =	vld [tilespmem:s10+$0xB730];
	v6 =	vbroadcast v0, $0x0  }
0x128: {  	v4 =	vld [tilespmem:s10+$0xB740];
	v9 =	vbroadcast v0, $0x1;
	v11 =	vbroadcast v0, $0x2  }
0x129: {  	v5 =	vld [tilespmem:s10+$0xB750];
	v44 =	vbroadcast v0, $0x3;
	v46 =	vbroadcast v0, $0x4  }
0x12a: {  	v7 =	vld [tilespmem:s10+$0xB760];
	v48 =	vbroadcast v0, $0x5;
	v1 =	vmul.f32 v6, v1  }
0x12b: {  	v8 =	vld [tilespmem:s10+$0xB770];
	v50 =	vbroadcast v0, $0x6;
	v2 =	vmul.f32 v2, v9  }
0x12c: {  	v42 =	vld [tilespmem:s10+$0xB780];
	v52 =	vbroadcast v0, $0x7;
	v3 =	vmul.f32 v3, v11;
	[tilespmem:s10+$0xD710] =	vst v1  }
0x12d: {  	v49 =	vld [tilespmem:s10+$0xB7D0];
	v53 =	vbroadcast v0, $0x8;
	v4 =	vmul.f32 v4, v44;
	[tilespmem:s10+$0xD720] =	vst v2  }
0x12e: {  	v51 =	vld [tilespmem:s10+$0xB7E0];
	v55 =	vbroadcast v0, $0x9;
	v5 =	vmul.f32 v5, v46;
	[tilespmem:s10+$0xD730] =	vst v3  }
0x12f: {  	v57 =	vld [tilespmem:s10+$0xB800];
	v56 =	vbroadcast v0, $0xA;
	v7 =	vmul.f32 v7, v48;
	[tilespmem:s10+$0xD740] =	vst v4  }
0x130: {  	v10 =	vld [tilespmem:s10+$0xB790];
	v58 =	vbroadcast v0, $0xC;
	v8 =	vmul.f32 v8, v50;
	[tilespmem:s10+$0xD750] =	vst v5  }
0x131: {  	v43 =	vld [tilespmem:s10+$0xB7A0];
	v59 =	vbroadcast v0, $0xD;
	v6 =	vmul.f32 v42, v52;
	[tilespmem:s10+$0xD760] =	vst v7  }
0x132: {  	v45 =	vld [tilespmem:s10+$0xB7B0];
	v62 =	vbroadcast v0, $0xF;
	v61 =	vmul.f32 v49, v58;
	[tilespmem:s10+$0xD770] =	vst v8  }
0x133: {  	v47 =	vld [tilespmem:s10+$0xB7C0];
	v12 =	vbroadcast v0, $0xB;
	v63 =	vmul.f32 v51, v59;
	[tilespmem:s10+$0xD780] =	vst v6  }
0x134: {  	v54 =	vld [tilespmem:s10+$0xB7F0];
	v60 =	vbroadcast v0, $0xE;
	v0 =	vmul.f32 v57, v62;
	[tilespmem:s10+$0xD7D0] =	vst v61  }
0x135: {  	v7 =	vmul.f32 v10, v53;
	[tilespmem:s10+$0xD7E0] =	vst v63  }
0x136: {  	v1 =	vmul.f32 v43, v55;
	[tilespmem:s10+$0xD800] =	vst v0  }
.Ltmp6:
0x137: {  	v2 =	vmul.f32 v45, v56;
	[tilespmem:s10+$0xD790] =	vst v7;
	(pc) =	sbr.rel @p2 .LBB2_12-.Ltmp6, $4  }
0x138: {  	v3 =	vmul.f32 v47, v12;
	[tilespmem:s10+$0xD7A0] =	vst v1  }
0x139: {  	[tilespmem:s10+$0xD7B0] =	vst v2;
	v1 =	vmul.f32 v54, v60  }
0x13a: {  	s2 =	sshra.s32 s2, $0x2;
	[tilespmem:s10+$0xD7C0] =	vst v3  }
0x13b: {  	s2 =	sadd.s32 $0x4F10, s2;
	[tilespmem:s10+$0xD7F0] =	vst v1  }
.Ltmp7:
0x13c: {  	(pc) =	sbr.rel .LBB2_2-.Ltmp7, $4  }
0x13d: {  	s4 =	sadd.s32 $0x2A90, s9;
	s7 =	sadd.s32 $0x1, s7;
	s6 =	sadd.s32 $0x200, s6  }
0x13e: {  	[tilespmem:s26], [sflag:$0x4] =	stream.indirect.gather [hbm4b:s3+s19], $0x10, s4, s19, $0xb8;
	[tilespmem:$0xDF10] =	vst v63  }
0x13f: {  	s22 =	sadd.s32 $0x200, s22;
	s5 =	sadd.s32 $0x200, s5;
	s12 =	sadd.s32 $0x200, s12  }
0x140: {  	[spmem:s1] =	stream.indirect.scatter.add.f32 [tilespmem:s20], [sflag:$0x8], $0x10, s2, s19, $0xb8;
	[tilespmem:$0xDF10] =	vst v63  }
.LBB2_13:
0x141: {  	_ =	sfence.sel $0x180000  }
0x142: {  	[bflag:$0x0] =	sbarrier.arrive $0xFFFF  }
0x143: {  	_ =	strace $0x9000004A  }
0x144: {  	[bflag:$0x2] =	sbarrier.arrive $0xFFFF  }
0x145: {  	s0 =	rddreg [dreg:$0x3]  }
0x146: {  	s0 =	sadd.s32 @!p0 $0x100000, s0  }
0x147: {  	[sflag:s0] =	ssyncadd.tile.s32 @!p0 $0x1;
	_ =	shalt  }
.Lfunc_end2:
_tile_overlayer_lowered:
.L_overlay_start_2:
0x148: {  	(tag) =	ssettag $0x2  }
0x149: {  	s0 =	rddreg [dreg:$0x0];
	s2 =	stileid.u32  }
0x14a: {  	s1 =	rddreg [dreg:$0x1];
	p0 =	sne.s32 s2, $0x0  }
0x14b: {  	s3 =	rddreg [dreg:$0x2];
	[bflag:$0x3] =	sbarrier.arrive $0xFFFF;
	s2 =	simm.s32 @!p0 $0x1C09  }
0x14c: {  	[timem:s3], [sflag:s2] =	dma.local @!p0 [hbm:s0], s1  }
0x14d: {  	s0 =	simm.s32 @!p0 $0x9  }
0x14e: {  	_ =	swait.ge @!p0 [sflag:s0], s1  }
0x14f: {  	s1 =	ssub.s32 @!p0 $0x0, s1;
	[sflag:s0] =	ssyncset.done @!p0 $0x0  }
0x150: {  	[sflag:s0] =	ssyncadd.s32 @!p0 s1  }
0x151: {  	[bflag:$0x3] =	sbarrier.arrive $0xFFFF  }
0x152: {  	_ =	shalt  }

// kernel: kernel.7.cloned.1.call-start
scs
__scs_entry_jumppad:
0x0: {  	(pc) =	sbr.rel $0x88, $3  }
0x1: {  	(tag) =	ssettag $0x0;
	lr =	simm.s32 $0x1  }
0x2: {  	[smem:$0x3F9A] =	sst lr;
	_ =	strace $0xD0000000  }
0x3: {  	_ = 	snop  }
0x4: {  	_ = 	snop  }
0x5: {  	_ = 	snop  }
0x6: {  	_ = 	snop  }
0x7: {  	_ = 	snop  }
__scs_overlays_trampoline_lowered:
0x8: {  	[smem:$0x3FA9] =	sst s0  }
0x9: {  	[smem:$0x3FAA] =	sst s1  }
0xa: {  	[smem:$0x3FAB] =	sst s2  }
0xb: {  	[smem:$0x3FAC] =	sst s3  }
0xc: {  	[smem:$0x3FAD] =	sst s4  }
0xd: {  	[smem:$0x3FAE] =	sst s5  }
0xe: {  	[smem:$0x3FAF] =	sst s6  }
0xf: {  	[smem:$0x3FB0] =	sst s7  }
0x10: {  	[smem:$0x3FB1] =	sst s8  }
0x11: {  	[smem:$0x3FB2] =	sst s9;
	s0 =	simm.s32 @!p0 $0x0  }
0x12: {  	s1 =	sld [smem:$0x3F98];
	s0 =	simm.s32 @p0 $0x1  }
0x13: {  	[smem:$0x3FB3] =	sst s0;
	s0 =	simm.s32 @!p1 $0x0  }
0x14: {  	s2 =	sld [smem:$0x3F97];
	s0 =	simm.s32 @p1 $0x1  }
0x15: {  	[smem:$0x3FB4] =	sst s0;
	s0 =	simm.s32 @!p2 $0x0  }
0x16: {  	s3 =	sld [smem:$0x3FDB];
	s0 =	simm.s32 @p2 $0x1  }
0x17: {  	s4 =	simm.s32 $0x1BF5;
	[smem:$0x3FB6] =	sst s0  }
0x18: {  	s0 =	sld [smem:$0x3F99];
	_ =	swait.ge [sflag:s4], $0x0  }
0x19: {  	s7 =	sld [smem:$0x3F9A]  }
0x1a: {  	s8 =	sadd.s32 $0xFFFFE003, lr  }
0x1b: {  	s9 =	sadd.s32 $0xFFFFFEF7, lr;
	s5 =	simm.s32 $0xFFFFFFFF;
	p2 =	slt.u32 s8, $0xFFFFF086  }
0x1c: {  	p1 =	slt.u32 s9, $0xF7A;
	s5 =	simm.s32 @!p2 $0x0  }
0x1d: {  	s5 =	simm.s32 @p1 $0x1;
	p0 =	seq.s32 s7, s2  }
0x1e: {  	s7 =	smul.u32 @!p0 $0xF7A, s2;
	p2 =	seq.s32 @!p0 s5, $0x0  }
0x1f: {  	s9 =	smul.u32 $0xF7A, s1;
	s8 =	simm.s32 @!p0 $0x1BF5;
	p2 =	por !p2, p0  }
0x20: {  	[sflag:s8] =	ssyncset.s32 @!p0 $0xFFFFF086;
	s6 =	sadd.s32 @!p0 s3, s7;
	s7 =	simm.s32 @!p0 $0x108  }
0x21: {  	s3 =	sadd.s32 s3, s9;
	s6 =	sadd.s32 @!p0 $0x88, s6;
	s7 =	simm.s32 @p2 $0x1082  }
0x22: {  	[simem:s7], [sflag:s8] =	dma.local @!p0 [hbm:s6], $0xF7A  }
0x23: {  	s9 =	sor.u32 $0xD0000000, s2;
	s6 =	simm.s32 $0x108;
	_ =	swait.ge @!p0 [sflag:s8], $0x0  }
0x24: {  	s3 =	sadd.s32 $0x88, s3;
	s6 =	simm.s32 @!p1 $0x1082;
	[sflag:s4] =	ssyncset.s32 $0xFFFFF086  }
0x25: {  	[simem:s6], [sflag:s4] =	dma.local [hbm:s3], $0xF7A  }
0x26: {  	[smem:$0x3F9A] =	sst s1;
	(tag) =	ssettag s2;
	_ =	strace s9  }
0x27: {  	s1 =	sld [smem:$0x3FAA]  }
0x28: {  	s2 =	sld [smem:$0x3FAB]  }
0x29: {  	s4 =	sld [smem:$0x3FAD]  }
0x2a: {  	p0 =	seq.s32 s5, $0x0;
	s5 =	sld [smem:$0x3FAE]  }
0x2b: {  	s6 =	sld [smem:$0x3FAF]  }
0x2c: {  	s7 =	sld [smem:$0x3FB0]  }
0x2d: {  	s3 =	simm.s32 $0x108;
	s8 =	sld [smem:$0x3FB1]  }
0x2e: {  	s3 =	simm.s32 @!p0 $0x1082;
	s9 =	sld [smem:$0x3FB2]  }
0x2f: {  	lr =	sadd.s32 s0, s3;
	s0 =	sld [smem:$0x3FA9]  }
0x30: {  	s3 =	sld [smem:$0x3FAC]  }
0x31: {  	[smem:$0x3FB5] =	sst s10  }
0x32: {  	s10 =	sld [smem:$0x3FB3];
	_ =	sdelay $0x3  }
0x33: {  	p0 =	seq.s32 s10, $0x1;
	s10 =	sld [smem:$0x3FB5];
	_ =	sdelay $0x3  }
0x34: {  	[smem:$0x3FB5] =	sst s10  }
0x35: {  	s10 =	sld [smem:$0x3FB4];
	_ =	sdelay $0x3  }
0x36: {  	p1 =	seq.s32 s10, $0x1;
	s10 =	sld [smem:$0x3FB5];
	_ =	sdelay $0x3  }
0x37: {  	[smem:$0x3FB5] =	sst s10  }
0x38: {  	s10 =	sld [smem:$0x3FB6]  }
0x39: {  	_ = 	snop;
	(pc) =	sbr.ind lr, $3  }
0x3a: {  	_ = 	snop  }
0x3b: {  	_ = 	snop  }
0x3c: {  	p2 =	seq.s32 s10, $0x1;
	s10 =	sld [smem:$0x3FB5]  }
0x3d: {  	_ =	shalt  }
0x3e: {  	_ =	shalt  }
0x3f: {  	_ =	shalt  }
0x40: {  	_ =	shalt  }
0x41: {  	_ =	shalt  }
0x42: {  	_ =	shalt  }
0x43: {  	_ =	shalt  }
0x44: {  	_ =	shalt  }
0x45: {  	_ =	shalt  }
0x46: {  	_ =	shalt  }
0x47: {  	_ =	shalt  }
0x48: {  	_ =	shalt  }
0x49: {  	_ =	shalt  }
0x4a: {  	_ =	shalt  }
0x4b: {  	_ =	shalt  }
0x4c: {  	_ =	shalt  }
0x4d: {  	_ =	shalt  }
0x4e: {  	_ =	shalt  }
0x4f: {  	_ =	shalt  }
0x50: {  	_ =	shalt  }
0x51: {  	_ =	shalt  }
0x52: {  	_ =	shalt  }
0x53: {  	_ =	shalt  }
0x54: {  	_ =	shalt  }
0x55: {  	_ =	shalt  }
0x56: {  	_ =	shalt  }
0x57: {  	_ =	shalt  }
0x58: {  	_ =	shalt  }
0x59: {  	_ =	shalt  }
0x5a: {  	_ =	shalt  }
0x5b: {  	_ =	shalt  }
0x5c: {  	_ =	shalt  }
0x5d: {  	_ =	shalt  }
0x5e: {  	_ =	shalt  }
0x5f: {  	_ =	shalt  }
0x60: {  	_ =	shalt  }
0x61: {  	_ =	shalt  }
0x62: {  	_ =	shalt  }
0x63: {  	_ =	shalt  }
0x64: {  	_ =	shalt  }
0x65: {  	_ =	shalt  }
0x66: {  	_ =	shalt  }
0x67: {  	_ =	shalt  }
0x68: {  	_ =	shalt  }
0x69: {  	_ =	shalt  }
0x6a: {  	_ =	shalt  }
0x6b: {  	_ =	shalt  }
0x6c: {  	_ =	shalt  }
0x6d: {  	_ =	shalt  }
0x6e: {  	_ =	shalt  }
0x6f: {  	_ =	shalt  }
0x70: {  	_ =	shalt  }
0x71: {  	_ =	shalt  }
0x72: {  	_ =	shalt  }
0x73: {  	_ =	shalt  }
0x74: {  	_ =	shalt  }
0x75: {  	_ =	shalt  }
0x76: {  	_ =	shalt  }
0x77: {  	_ =	shalt  }
0x78: {  	_ =	shalt  }
0x79: {  	_ =	shalt  }
0x7a: {  	_ =	shalt  }
0x7b: {  	_ =	shalt  }
0x7c: {  	_ =	shalt  }
0x7d: {  	_ =	shalt  }
0x7e: {  	_ =	shalt  }
0x7f: {  	_ =	shalt  }
0x80: {  	_ =	shalt  }
0x81: {  	_ =	shalt  }
0x82: {  	_ =	shalt  }
0x83: {  	_ =	shalt  }
0x84: {  	_ =	shalt  }
0x85: {  	_ =	shalt  }
0x86: {  	_ =	shalt  }
0x87: {  	_ =	shalt  }
.Lfunc_end0:
.L_simem_size_0:
called_computation_lowered:
.L_overlay_start_0:
0x88: {  	s2 =	sld [smem:$0x3FD9]  }
0x89: {  	s3 =	sld [smem:$0x3FFE];
	_ =	sdelay $0x1  }
0x8a: {  	s1 =	srdreg.scid  }
0x8b: {  	s0 =	sand.u32 $0x1, s1  }
0x8c: {  	s17 =	sshll.u32 s0, $0xA;
	s2 =	sadd.s32 s3, s2  }
0x8d: {  	s2 =	sadd.s32 s2, s17  }
0x8e: {  	[smem:$0x3FC1] =	sst s2  }
0x8f: {  	_ = 	snop  }
0x90: {  	s2 =	sld [smem:$0x3FD0];
	(tm) =	ssettm $0x1  }
0x91: {  	s18 =	sld [smem:$0x3FFB];
	_ =	sdelay $0x3  }
0x92: {  	_ =	strace s18  }
0x93: {  	s3 =	sld [smem:$0x3FFC];
	_ =	sdelay $0x3  }
0x94: {  	_ =	strace s3  }
0x95: {  	s3 =	sld [smem:$0x3FFD];
	_ =	sdelay $0x3  }
0x96: {  	_ =	strace s3  }
0x97: {  	_ =	strace $0x8FFFFFFF  }
0x98: {  	s19 =	sld [smem:$0x3FDB];
	_ =	sdelay $0x1  }
0x99: {  	s4 =	simm.s32 $_scs_section_size  }
0x9a: {  	s5 =	simm.s32 $_size__tile_overlayer_lowered;
	s6 =	simm.s32 $_tile_overlayer_lowered  }
0x9b: {  	s22 =	simm.s32 $0x1BFF;
	s21 =	sshll.u32 s6, $0x1;
	s3 =	sadd.s32 s4, s19  }
0x9c: {  	s7 =	simm.s32 $0x0;
	s20 =	sshll.u32 s5, $0x1;
	s5 =	sadd.s32 s21, s3  }
0x9d: {  	[timem:s7], [sflag:s22] =	dma.local [hbm:s5], s20  }
0x9e: {  	_ =	swait.ge [sflag:s22], s20  }
0x9f: {  	s4 =	ssub.s32 $0x0, s20;
	[sflag:s22] =	ssyncset.done $0x0  }
0xa0: {  	[sflag:s22] =	ssyncadd.s32 s4;
	_ =	sdelay $0x1  }
0xa1: {  	s23 =	simm.s32 $0x1B8B  }
0xa2: {  	_ =	swait.ge [sflag:s23], $0x1  }
0xa3: {  	[sflag:s23] =	ssyncset.done $0x0  }
0xa4: {  	s25 =	simm.s32 $0x1B8E;
	s24 =	sld [smem:$0x3FFE];
	[sflag:s23] =	ssyncadd.s32 $0xFFFFFFFF  }
0xa5: {  	s26 =	simm.s32 $execute0_lowered;
	[smem:$0x3FD2] =	sst s25  }
0xa6: {  	s5 =	sshll.u32 s26, $0x1;
	_ =	strace $0x80000046;
	[dreg:$0x1] =	wrdreg $0xFFFFFFFF  }
0xa7: {  	s28 =	simm.s32 $_size_execute0_lowered;
	s3 =	sadd.s32 s3, s5;
	[dreg:$0x0] =	wrdreg $0x0  }
0xa8: {  	s5 =	sshll.u32 s28, $0x1;
	[dreg:$0x2] =	wrdreg s3  }
0xa9: {  	[dreg:$0x3] =	wrdreg s5  }
0xaa: {  	[dreg:$0x4] =	wrdreg $0xC0  }
0xab: {  	_ =	task [dreg:s7], $0x5FFFF  }
0xac: {  	[dreg:$0x1] =	wrdreg $0xFFFFFFFF  }
0xad: {  	[dreg:$0x0] =	wrdreg $0x60  }
0xae: {  	[dreg:$0x2] =	wrdreg s24  }
0xaf: {  	[dreg:$0x3] =	wrdreg s2  }
0xb0: {  	[dreg:$0x4] =	wrdreg $0x0  }
0xb1: {  	[dreg:$0x5] =	wrdreg $0xDF100  }
0xb2: {  	[dreg:$0x6] =	wrdreg $0x9  }
0xb3: {  	_ =	task.clear_ibuf [dreg:s7], $0x7FFFF;
	_ =	strace $0x90000046  }
0xb4: {  	s29 =	simm.s32 $0x9;
	_ =	strace $0x80000048  }
0xb5: {  	_ =	swait.ge [sflag:s29], $0x1  }
0xb6: {  	[sflag:s29] =	ssyncadd.s32 $0xFFFFFFFF  }
0xb7: {  	_ =	strace $0x90000048  }
0xb8: {  	_ =	sfence  }
0xb9: {  	s30 =	sld [smem:$0x0];
	_ =	sdelay $0x2  }
0xba: {  	s31 =	sshll.u32 s1, $0xD;
	s1 =	sshrl.u32 s1, $0x2  }
0xbb: {  	s3 =	sand.u32 $0x4000, s31;
	s1 =	sadd.s32 s1, s30  }
0xbc: {  	s0 =	sor.u32 s3, s0;
	s1 =	sshll.u32 s1, $0x11  }
0xbd: {  	s0 =	sor.u32 s1, s0  }
0xbe: {  	s0 =	sadd.s32 $0x8F2B, s0  }
0xbf: {  	[sflag:s0] =	ssyncadd.remote.s32 $0x1  }
0xc0: {  	_ =	sfence.sel $0xFFFF  }
0xc1: {  	[dreg:$0x0] =	wrdreg $0xFFFFFFFF;
	(pc) =	sbr.abs _section_cstart, $3  }
0xc2: {  	[dreg:$0x1] =	wrdreg $0xFFFFFFFF  }
0xc3: {  	_ =	task.clear_ibuf [dreg:s7], $0x2FFFF;
	_ =	strace $0x9FFFFFFF  }
0xc4: {  	(tm) =	ssettm $0x7FFFFFFF  }
0xc5: {  	_ =	shalt  }
tec
execute0_lowered:
.L_overlay_start_1:
0x0: {  	(tag) =	ssettag $0x1  }
0x1: {  	s0 =	rddreg [dreg:$0x0]  }
0x2: {  	s3 =	rddreg [dreg:$0x1]  }
0x3: {  	s1 =	rddreg [dreg:$0x2]  }
0x4: {  	s2 =	rddreg [dreg:$0x3]  }
0x5: {  	s4 =	srdreg.scid;
	s16 =	stileid.u32  }
0x6: {  	s17 =	simm.s32 $0x0;
	s28 =	simm.s32 $0x2;
	s29 =	simm.s32 $0xC710  }
0x7: {  	s30 =	simm.s32 $0x3;
	s31 =	simm.s32 $0xCF10;
	s4 =	sand.u32 $0x1, s4  }
0x8: {  	s5 =	sshll.u32 s16, $0x1;
	s6 =	smul.u32 $0x2700, s16;
	[smem:$0x7FF] =	sst s17  }
0x9: {  	s11 =	sadd.s32 $0x1F200, s0;
	s12 =	sadd.s32 $0x29000, s0;
	s15 =	smul.u32 $0x270, s16  }
0xa: {  	s20 =	sadd.s32 $0x27000, s1;
	p0 =	sne.s32 s16, $0x0;
	s14 =	smul.u32 $0x27100, s4  }
0xb: {  	s5 =	sor.u32 s4, s5;
	s10 =	ssub.s32 $0x2, s4;
	s4 =	smul.u32 $0x2710, s4  }
0xc: {  	_ =	strace $0x80000047;
	[dreg:$0xa] =	wrdreg s20;
	s7 =	smul.u32 $0x500, s5  }
0xd: {  	s5 =	sadd.s32 $0xB200, s0;
	s8 =	sshrl.u32 s6, $0x3;
	s13 =	sshrl.u32 s10, $0x1  }
0xe: {  	s18 =	sadd.s32 s6, s1;
	s8 =	sadd.s32 s8, s0;
	s10 =	ssub.s32 s10, s13  }
0xf: {  	[dreg:$0x8] =	wrdreg s18;
	s21 =	sadd.s32 s6, s14;
	s22 =	sshrl.u32 s14, $0x3  }
0x10: {  	s23 =	sadd.s32 s15, s4;
	s4 =	sshrl.u32 s4, $0x3;
	s9 =	sadd.s32 s7, s0  }
0x11: {  	s3 =	sadd.s32 s3, s7;
	s19 =	sadd.s32 $0x1A200, s8;
	s0 =	sadd.s32 $0x1F000, s0  }
0x12: {  	s7 =	sadd.s32 s15, s2;
	s8 =	sadd.s32 $0x2700, s2;
	[dreg:$0x6] =	wrdreg s3  }
0x13: {  	s25 =	sadd.s32 s12, s4;
	s26 =	sadd.s32 $0x1200, s9;
	[dreg:$0x9] =	wrdreg s19  }
0x14: {  	s13 =	sadd.s32 $0x10200, s9;
	[dreg:$0xb] =	wrdreg s0;
	s0 =	sshrl.u32 s21, $0x3  }
0x15: {  	s3 =	sshrl.u32 s23, $0x3;
	s21 =	simm.s32 $0xA;
	[dreg:$0xc] =	wrdreg s8  }
0x16: {  	s23 =	simm.s32 $0x1;
	s9 =	simm.s32 $0x9;
	[dreg:$0x5] =	wrdreg s26  }
0x17: {  	[dreg:$0x7] =	wrdreg s13;
	s0 =	sadd.s32 s11, s0;
	s24 =	sadd.s32 s12, s3  }
0x18: {  	s26 =	smax.u32 s10, $0x1;
	s13 =	simm.s32 $0xE188;
	[dreg:$0xd] =	wrdreg s0  }
0x19: {  	s10 =	simm.s32 $0x0;
	s0 =	sadd.s32 s11, s22;
	[dreg:$0xf] =	wrdreg s24  }
0x1a: {  	[dreg:$0x11] =	wrdreg s26;
	s26 =	simm.s32 $0xBF10;
	s0 =	sadd.s32 $0x4E00, s0  }
0x1b: {  	s22 =	simm.s32 $0xD710;
	[dreg:$0xe] =	wrdreg s0;
	s0 =	sadd.s32 $0x4E0, s25  }
0x1c: {  	v0 =	vimm.f32 $0.0e+00;
	s25 =	simm.s32 $0x80;
	[dreg:$0x10] =	wrdreg s0;
	s0 =	simm.s32 $0x4  }
.LBB2_1:
0x1d: {  	s3 =	rddreg [dreg:$0x5];
	s6 =	simm.s32 $0x2710  }
0x1e: {  	[tilespmem:s6], [sflag:$0xA] =	stream.linear.gather [hbm4b:s3+s17], $0x2800, $0x38;
	[tilespmem:$0xE3F8] =	vst v63  }
0x1f: {  	_ =	swait.ge [sflag:s21], $0x2800  }
0x20: {  	[sflag:s21] =	ssyncset.done $0x0  }
0x21: {  	s4 =	simm.s32 $0x4F10;
	s16 =	rddreg [dreg:$0x6];
	[sflag:s21] =	ssyncadd.s32 $0xFFFFD800  }
0x22: {  	[tilespmem:s4], [sflag:$0xA] =	stream.linear.gather [hbm4b:s16+s17], $0x2800, $0x38;
	[tilespmem:$0xE3F8] =	vst v63  }
0x23: {  	_ =	swait.ge [sflag:s21], $0x2800  }
0x24: {  	s19 =	simm.s32 $0x7710;
	[sflag:s21] =	ssyncset.done $0x0  }
0x25: {  	s20 =	stileid.u32;
	s18 =	rddreg [dreg:$0x7];
	[sflag:s21] =	ssyncadd.s32 $0xFFFFD800  }
0x26: {  	[tilespmem:s19], [sflag:$0xA] =	stream.linear.gather [hbm4b:s18+s17], $0x2800, $0x38;
	[tilespmem:$0xE3F8] =	vst v63  }
0x27: {  	s3 =	sshll.u32 s20, $0x6;
	_ =	swait.ge [sflag:s21], $0x2800  }
0x28: {  	s11 =	sor.u32 $0x1C0A, s3;
	[sflag:s21] =	ssyncset.done $0x0;
	s24 =	rddreg [dreg:$0x8]  }
0x29: {  	s4 =	rddreg [dreg:$0x9];
	[sflag:s21] =	ssyncadd.s32 $0xFFFFD800;
	s12 =	sshrl.u32 s24, $0x3  }
0x2a: {  	[spmem:s12], [sflag:s11] =	dma.local [hbm:s4], $0x4E0  }
0x2b: {  	_ =	swait.ge [sflag:s21], $0x4E0  }
0x2c: {  	[sflag:s21] =	ssyncset.done $0x0;
	s3 =	rddreg [dreg:$0xa]  }
0x2d: {  	[sflag:s21] =	ssyncadd.s32 $0xFFFFFB20;
	s20 =	sshrl.u32 @!p0 s3, $0x3;
	s3 =	rddreg [dreg:$0xb]  }
0x2e: {  	[spmem:s20], [sflag:s11] =	dma.local @!p0 [hbm:s3], $0x20  }
0x2f: {  	s3 =	simm.s32 @!p0 $0xA  }
0x30: {  	_ =	swait.ge @!p0 [sflag:s3], $0x20  }
0x31: {  	[sflag:s3] =	ssyncset.done @!p0 $0x0  }
0x32: {  	[sflag:s3] =	ssyncadd.s32 @!p0 $0xFFFFFFE0  }
0x33: {  	[tilespmem:$0xE188] =	vst v0  }
0x34: {  	[tilespmem:$0xE198] =	vst v0  }
0x35: {  	[tilespmem:$0xE1A8] =	vst v0  }
0x36: {  	[tilespmem:$0xE1B8] =	vst v0  }
0x37: {  	[tilespmem:$0xE1C8] =	vst v0  }
0x38: {  	[tilespmem:$0xE1D8] =	vst v0  }
0x39: {  	[tilespmem:$0xE1E8] =	vst v0  }
0x3a: {  	[tilespmem:$0xE1F8] =	vst v0  }
0x3b: {  	[tilespmem:$0xE208] =	vst v0  }
0x3c: {  	[tilespmem:$0xE218] =	vst v0  }
0x3d: {  	[tilespmem:$0xE228] =	vst v0  }
0x3e: {  	[tilespmem:$0xE238] =	vst v0  }
0x3f: {  	[tilespmem:$0xE248] =	vst v0  }
0x40: {  	[tilespmem:$0xE258] =	vst v0  }
0x41: {  	[tilespmem:$0xE268] =	vst v0  }
0x42: {  	[tilespmem:$0xE278] =	vst v0  }
0x43: {  	[tilespmem:$0xE288] =	vst v0  }
0x44: {  	[tilespmem:$0xE298] =	vst v0  }
0x45: {  	[tilespmem:$0xE2A8] =	vst v0  }
0x46: {  	[tilespmem:$0xE2B8] =	vst v0  }
0x47: {  	[tilespmem:$0xE2C8] =	vst v0  }
0x48: {  	[tilespmem:$0xE2D8] =	vst v0  }
0x49: {  	[tilespmem:$0xE2E8] =	vst v0  }
0x4a: {  	[tilespmem:$0xE2F8] =	vst v0  }
0x4b: {  	[tilespmem:$0xE308] =	vst v0  }
0x4c: {  	[tilespmem:$0xE318] =	vst v0  }
0x4d: {  	[tilespmem:$0xE328] =	vst v0  }
0x4e: {  	[tilespmem:$0xE338] =	vst v0  }
0x4f: {  	[tilespmem:$0xE348] =	vst v0  }
0x50: {  	[tilespmem:$0xE358] =	vst v0  }
0x51: {  	[tilespmem:$0xE368] =	vst v0  }
0x52: {  	[tilespmem:$0xE378] =	vst v0  }
0x53: {  	[tilespmem:$0xE388] =	vst v0  }
0x54: {  	[tilespmem:$0xE398] =	vst v0  }
0x55: {  	[tilespmem:$0xE3A8] =	vst v0  }
0x56: {  	[tilespmem:$0xE3B8] =	vst v0  }
0x57: {  	[tilespmem:$0xE3C8] =	vst v0  }
0x58: {  	[tilespmem:$0xE3D8] =	vst v0  }
0x59: {  	[tilespmem:$0xE3E8] =	vst v0  }
0x5a: {  	[spmem:s7] =	stream.linear.scatter [tilespmem:s13], [sflag:$0xA], $0x270, $0x38;
	[tilespmem:$0xE3F8] =	vst v63  }
0x5b: {  	_ =	swait.ge [sflag:s21], $0x270  }
0x5c: {  	[sflag:s21] =	ssyncset.done $0x0  }
0x5d: {  	s4 =	simm.s32 @!p0 $0xE188;
	[sflag:s21] =	ssyncadd.s32 $0xFFFFFD90  }
0x5e: {  	[spmem:s8] =	stream.linear.scatter @!p0 [tilespmem:s4], [sflag:$0xA], $0x10, $0x38;
	[tilespmem:$0xE3F8] =	vst v63  }
0x5f: {  	_ =	swait.ge @!p0 [sflag:s3], $0x10  }
0x60: {  	[sflag:s3] =	ssyncset.done @!p0 $0x0  }
0x61: {  	s14 =	smov.u32 s7;
	s13 =	simm.s32 $0x9F10;
	[sflag:s3] =	ssyncadd.s32 @!p0 $0xFFFFFFF0  }
0x62: {  	[tilespmem:s13], [sflag:$0x1] =	stream.indirect.gather [hbm4b:s5+s25], $0x10, s6, s25, $0xb8;
	[tilespmem:$0xE3F8] =	vst v63  }
0x63: {  	s15 =	simm.s32 $0x2790;
	s16 =	simm.s32 $0xA710;
	s17 =	simm.s32 $0x2810  }
0x64: {  	[tilespmem:s16], [sflag:$0x2] =	stream.indirect.gather [hbm4b:s5+s25], $0x10, s15, s25, $0xb8;
	[tilespmem:$0xE3F8] =	vst v63  }
0x65: {  	s18 =	simm.s32 $0xAF10;
	s19 =	simm.s32 $0x2890;
	s24 =	simm.s32 $0xB710  }
0x66: {  	[tilespmem:s18], [sflag:$0x3] =	stream.indirect.gather [hbm4b:s5+s25], $0x10, s17, s25, $0xb8;
	[tilespmem:$0xE3F8] =	vst v63  }
0x67: {  	s4 =	simm.s32 $0x7790;
	s16 =	simm.s32 $0x7810;
	s17 =	simm.s32 $0x7890  }
0x68: {  	[tilespmem:s24], [sflag:$0x4] =	stream.indirect.gather [hbm4b:s5+s25], $0x10, s19, s25, $0xb8;
	[tilespmem:$0xE3F8] =	vst v63  }
0x69: {  	s18 =	simm.s32 $0x7710;
	s19 =	simm.s32 $0x0;
	[bflag:$0x0] =	sbarrier.arrive $0xFFFF  }
.LBB2_2:
0x6a: {  	_ =	swait.ge [sflag:s23], $0x800  }
0x6b: {  	p1 =	seq.s32 s19, $0x0;
	[sflag:s23] =	ssyncset.done $0x0  }
0x6c: {  	s3 =	simm.s32 @!p1 $0x5;
	[sflag:s23] =	ssyncadd.s32 $0xFFFFF800  }
0x6d: {  	_ =	swait.ge @!p1 [sflag:s3], $0x800  }
0x6e: {  	[sflag:s3] =	ssyncset.done @!p1 $0x0  }
0x6f: {  	s6 =	simm.s32 $0x0;
	[sflag:s3] =	ssyncadd.s32 @!p1 $0xFFFFF800  }
0x70: {  	s24 =	sshll.u32 s19, $0x2;
	v2 =	vld [tilespmem:s6+$0x9F10]  }
0x71: {  	s7 =	simm.s32 $0x400;
	s8 =	smov.u32 s18;
	s3 =	sshll.u32 s19, $0xB;
	v1 =	vld [tilespmem:s18+$0x0]  }
.LBB2_3:
0x72: {  	p2 =	sne.s32 s7, $0x1C00;
	v3 =	vld [tilespmem:s6+$0x9F20]  }
0x73: {  	v4 =	vld [tilespmem:s6+$0x9F30]  }
0x74: {  	v5 =	vld [tilespmem:s6+$0x9F40]  }
0x75: {  	v6 =	vld [tilespmem:s6+$0x9F50]  }
0x76: {  	v7 =	vbroadcast v1, $0x0;
	v8 =	vbroadcast v1, $0x1;
	v9 =	vld [tilespmem:s6+$0x9F60]  }
0x77: {  	v10 =	vbroadcast v1, $0x2;
	v11 =	vbroadcast v1, $0x3;
	v12 =	vld [tilespmem:s6+$0x9F70]  }
0x78: {  	v2 =	vmul.f32 v7, v2;
	v3 =	vmul.f32 v3, v8;
	v7 =	vld [tilespmem:s6+$0x9F80]  }
0x79: {  	v4 =	vmul.f32 v4, v10;
	v5 =	vmul.f32 v5, v11;
	v8 =	vld [tilespmem:s6+$0x9F90]  }
0x7a: {  	v10 =	vbroadcast v1, $0x5;
	[tilespmem:s6+$0xBF10] =	vst v2;
	v2 =	vbroadcast v1, $0x4;
	v11 =	vld [tilespmem:s6+$0x9FA0]  }
0x7b: {  	v13 =	vbroadcast v1, $0x7;
	[tilespmem:s6+$0xBF20] =	vst v3;
	v3 =	vbroadcast v1, $0x6;
	v14 =	vld [tilespmem:s6+$0x9FB0]  }
0x7c: {  	[tilespmem:s6+$0xBF30] =	vst v4;
	v2 =	vmul.f32 v6, v2;
	v4 =	vmul.f32 v9, v10;
	v6 =	vld [tilespmem:s6+$0x9FC0]  }
0x7d: {  	[tilespmem:s6+$0xBF40] =	vst v5;
	v3 =	vmul.f32 v12, v3;
	v5 =	vmul.f32 v7, v13;
	v7 =	vld [tilespmem:s6+$0x9FD0]  }
0x7e: {  	v9 =	vbroadcast v1, $0x9;
	[tilespmem:s6+$0xBF50] =	vst v2;
	v2 =	vbroadcast v1, $0x8;
	v10 =	vld [tilespmem:s6+$0x9FE0]  }
0x7f: {  	v12 =	vbroadcast v1, $0xB;
	[tilespmem:s6+$0xBF60] =	vst v4;
	v4 =	vbroadcast v1, $0xA;
	v13 =	vld [tilespmem:s6+$0x9FF0]  }
0x80: {  	[tilespmem:s6+$0xBF70] =	vst v3;
	v2 =	vmul.f32 v8, v2;
	v3 =	vmul.f32 v11, v9;
	v8 =	vld [tilespmem:s6+$0xA000]  }
0x81: {  	[tilespmem:s6+$0xBF80] =	vst v5;
	v4 =	vmul.f32 v14, v4;
	v5 =	vmul.f32 v6, v12  }
0x82: {  	v6 =	vbroadcast v1, $0xD;
	[tilespmem:s6+$0xBF90] =	vst v2;
	v2 =	vbroadcast v1, $0xC  }
0x83: {  	[tilespmem:s6+$0xBFA0] =	vst v3;
	v3 =	vbroadcast v1, $0xE;
	v1 =	vbroadcast v1, $0xF  }
0x84: {  	[tilespmem:s6+$0xBFB0] =	vst v4;
	v2 =	vmul.f32 v7, v2;
	v4 =	vmul.f32 v10, v6  }
0x85: {  	[tilespmem:s6+$0xBFC0] =	vst v5;
	v3 =	vmul.f32 v13, v3;
	v1 =	vmul.f32 v8, v1  }
.Ltmp0:
0x86: {  	[tilespmem:s6+$0xBFD0] =	vst v2;
	(pc) =	sbr.rel @p2 .LBB2_3-.Ltmp0, $4  }
0x87: {  	[tilespmem:s6+$0xBFE0] =	vst v4  }
0x88: {  	s15 =	sshra.s32 s7, $0x2;
	[tilespmem:s6+$0xBFF0] =	vst v3  }
0x89: {  	s8 =	sadd.s32 $0x10, s8;
	v2 =	vld [tilespmem:s15+$0x9F10];
	[tilespmem:s6+$0xC000] =	vst v1;
	s6 =	smov.u32 s15  }
0x8a: {  	s7 =	sadd.s32 $0x400, s7;
	v1 =	vld [tilespmem:s8+$0x0]  }
0x8b: {  	_ =	sdelay $0x1  }
0x8c: {  	v3 =	vld [tilespmem:s6+$0x9F20]  }
0x8d: {  	v4 =	vld [tilespmem:s6+$0x9F30]  }
0x8e: {  	v5 =	vld [tilespmem:s6+$0x9F40];
	v7 =	vbroadcast v1, $0x0  }
0x8f: {  	v6 =	vld [tilespmem:s6+$0x9F50];
	v10 =	vbroadcast v1, $0x1  }
0x90: {  	v8 =	vld [tilespmem:s6+$0x9F60];
	v12 =	vbroadcast v1, $0x2;
	v2 =	vmul.f32 v7, v2  }
0x91: {  	v9 =	vld [tilespmem:s6+$0x9F70];
	v48 =	vbroadcast v1, $0x3;
	v3 =	vmul.f32 v3, v10  }
0x92: {  	v47 =	vld [tilespmem:s6+$0x9F80];
	v49 =	vbroadcast v1, $0x4;
	v4 =	vmul.f32 v4, v12;
	[tilespmem:s6+$0xBF10] =	vst v2  }
0x93: {  	v54 =	vld [tilespmem:s6+$0x9FE0];
	v51 =	vbroadcast v1, $0x5;
	v5 =	vmul.f32 v5, v48;
	[tilespmem:s6+$0xBF20] =	vst v3  }
0x94: {  	v11 =	vld [tilespmem:s6+$0x9F90];
	v53 =	vbroadcast v1, $0x6;
	v6 =	vmul.f32 v6, v49;
	[tilespmem:s6+$0xBF30] =	vst v4  }
0x95: {  	v55 =	vbroadcast v1, $0x7;
	v8 =	vmul.f32 v8, v51;
	v2 =	vld [tilespmem:s6+$0x9FA0];
	[tilespmem:s6+$0xBF40] =	vst v5  }
0x96: {  	v62 =	vbroadcast v1, $0xD;
	v9 =	vmul.f32 v9, v53;
	v3 =	vld [tilespmem:s6+$0x9FB0];
	[tilespmem:s6+$0xBF50] =	vst v6  }
0x97: {  	v50 =	vld [tilespmem:s6+$0x9FC0];
	v56 =	vbroadcast v1, $0x8;
	v7 =	vmul.f32 v47, v55;
	[tilespmem:s6+$0xBF60] =	vst v8  }
0x98: {  	v52 =	vld [tilespmem:s6+$0x9FD0];
	v58 =	vbroadcast v1, $0x9;
	v63 =	vmul.f32 v54, v62;
	[tilespmem:s6+$0xBF70] =	vst v9  }
0x99: {  	v57 =	vld [tilespmem:s6+$0x9FF0];
	v59 =	vbroadcast v1, $0xA;
	v8 =	vmul.f32 v11, v56;
	[tilespmem:s6+$0xBF80] =	vst v7  }
0x9a: {  	v60 =	vld [tilespmem:s6+$0xA000];
	v13 =	vbroadcast v1, $0xB;
	[tilespmem:s6+$0xBFE0] =	vst v63;
	v2 =	vmul.f32 v2, v58  }
0x9b: {  	v61 =	vbroadcast v1, $0xC;
	[tilespmem:s6+$0xBF90] =	vst v8;
	v3 =	vmul.f32 v3, v59  }
0x9c: {  	v4 =	vmul.f32 v50, v13;
	[tilespmem:s6+$0xBFA0] =	vst v2;
	v2 =	vbroadcast v1, $0xE  }
0x9d: {  	[tilespmem:s6+$0xBFB0] =	vst v3;
	v3 =	vmul.f32 v52, v61;
	v1 =	vbroadcast v1, $0xF  }
0x9e: {  	[tilespmem:s6+$0xBFC0] =	vst v4;
	v2 =	vmul.f32 v57, v2  }
0x9f: {  	p2 =	seq.s32 s19, $0x13;
	[tilespmem:s6+$0xBFD0] =	vst v3;
	v1 =	vmul.f32 v60, v1  }
0xa0: {  	s13 =	sshll.u32 s19, $0x9;
	s3 =	sshrl.u32 @!p2 s3, $0x2;
	[tilespmem:s6+$0xBFF0] =	vst v2  }
0xa1: {  	s7 =	simm.s32 @!p2 $0x80;
	s8 =	simm.s32 @!p2 $0x9F10;
	[tilespmem:s6+$0xC000] =	vst v1;
	s6 =	sadd.s32 @!p2 $0x2910, s3  }
0xa2: {  	[tilespmem:s8], [sflag:$0x1] =	stream.indirect.gather @!p2 [hbm4b:s5+s7], $0x10, s6, s7, $0xb8;
	[tilespmem:$0xE3F8] =	vst v63  }
0xa3: {  	s15 =	sadd.s32 $0x4F10, s13  }
0xa4: {  	[spmem:s1] =	stream.indirect.scatter.add.f32 [tilespmem:s26], [sflag:$0x5], $0x10, s15, s25, $0xb8;
	[tilespmem:$0xE3F8] =	vst v63  }
0xa5: {  	s6 =	sadd.s32 $0x7710, s13  }
0xa6: {  	[spmem:s2] =	stream.indirect.scatter.add.f32 [tilespmem:s6], [sflag:$0x9], $0x1, s15, s25, $0xb8;
	[tilespmem:$0xE3F8] =	vst v63  }
0xa7: {  	_ =	swait.ge [sflag:s28], $0x800  }
0xa8: {  	[sflag:s28] =	ssyncset.done $0x0  }
0xa9: {  	s6 =	simm.s32 @!p1 $0x6;
	[sflag:s28] =	ssyncadd.s32 $0xFFFFF800  }
0xaa: {  	_ =	swait.ge @!p1 [sflag:s6], $0x800  }
0xab: {  	[sflag:s6] =	ssyncset.done @!p1 $0x0  }
0xac: {  	s7 =	simm.s32 $0x0;
	[sflag:s6] =	ssyncadd.s32 @!p1 $0xFFFFF800  }
0xad: {  	v2 =	vld [tilespmem:s7+$0xA710]  }
0xae: {  	s8 =	simm.s32 $0x400;
	s15 =	smov.u32 s4;
	s6 =	sor.u32 $0x1, s24;
	v1 =	vld [tilespmem:s4+$0x0]  }
.LBB2_5:
0xaf: {  	p3 =	sne.s32 s8, $0x1C00;
	v3 =	vld [tilespmem:s7+$0xA720]  }
0xb0: {  	v4 =	vld [tilespmem:s7+$0xA730]  }
0xb1: {  	v5 =	vld [tilespmem:s7+$0xA740]  }
0xb2: {  	v6 =	vld [tilespmem:s7+$0xA750]  }
0xb3: {  	v7 =	vbroadcast v1, $0x0;
	v8 =	vbroadcast v1, $0x1;
	v9 =	vld [tilespmem:s7+$0xA760]  }
0xb4: {  	v10 =	vbroadcast v1, $0x2;
	v11 =	vbroadcast v1, $0x3;
	v12 =	vld [tilespmem:s7+$0xA770]  }
0xb5: {  	v2 =	vmul.f32 v7, v2;
	v3 =	vmul.f32 v3, v8;
	v7 =	vld [tilespmem:s7+$0xA780]  }
0xb6: {  	v4 =	vmul.f32 v4, v10;
	v5 =	vmul.f32 v5, v11;
	v8 =	vld [tilespmem:s7+$0xA790]  }
0xb7: {  	v10 =	vbroadcast v1, $0x5;
	[tilespmem:s7+$0xC710] =	vst v2;
	v2 =	vbroadcast v1, $0x4;
	v11 =	vld [tilespmem:s7+$0xA7A0]  }
0xb8: {  	v13 =	vbroadcast v1, $0x7;
	[tilespmem:s7+$0xC720] =	vst v3;
	v3 =	vbroadcast v1, $0x6;
	v14 =	vld [tilespmem:s7+$0xA7B0]  }
0xb9: {  	[tilespmem:s7+$0xC730] =	vst v4;
	v2 =	vmul.f32 v6, v2;
	v4 =	vmul.f32 v9, v10;
	v6 =	vld [tilespmem:s7+$0xA7C0]  }
0xba: {  	[tilespmem:s7+$0xC740] =	vst v5;
	v3 =	vmul.f32 v12, v3;
	v5 =	vmul.f32 v7, v13;
	v7 =	vld [tilespmem:s7+$0xA7D0]  }
0xbb: {  	v9 =	vbroadcast v1, $0x9;
	[tilespmem:s7+$0xC750] =	vst v2;
	v2 =	vbroadcast v1, $0x8;
	v10 =	vld [tilespmem:s7+$0xA7E0]  }
0xbc: {  	v12 =	vbroadcast v1, $0xB;
	[tilespmem:s7+$0xC760] =	vst v4;
	v4 =	vbroadcast v1, $0xA;
	v13 =	vld [tilespmem:s7+$0xA7F0]  }
0xbd: {  	[tilespmem:s7+$0xC770] =	vst v3;
	v2 =	vmul.f32 v8, v2;
	v3 =	vmul.f32 v11, v9;
	v8 =	vld [tilespmem:s7+$0xA800]  }
0xbe: {  	[tilespmem:s7+$0xC780] =	vst v5;
	v4 =	vmul.f32 v14, v4;
	v5 =	vmul.f32 v6, v12  }
0xbf: {  	v6 =	vbroadcast v1, $0xD;
	[tilespmem:s7+$0xC790] =	vst v2;
	v2 =	vbroadcast v1, $0xC  }
0xc0: {  	[tilespmem:s7+$0xC7A0] =	vst v3;
	v3 =	vbroadcast v1, $0xE;
	v1 =	vbroadcast v1, $0xF  }
0xc1: {  	[tilespmem:s7+$0xC7B0] =	vst v4;
	v2 =	vmul.f32 v7, v2;
	v4 =	vmul.f32 v10, v6  }
0xc2: {  	[tilespmem:s7+$0xC7C0] =	vst v5;
	v3 =	vmul.f32 v13, v3;
	v1 =	vmul.f32 v8, v1  }
.Ltmp1:
0xc3: {  	[tilespmem:s7+$0xC7D0] =	vst v2;
	(pc) =	sbr.rel @p3 .LBB2_5-.Ltmp1, $4  }
0xc4: {  	[tilespmem:s7+$0xC7E0] =	vst v4  }
0xc5: {  	s13 =	sshra.s32 s8, $0x2;
	[tilespmem:s7+$0xC7F0] =	vst v3  }
0xc6: {  	s15 =	sadd.s32 $0x10, s15;
	v2 =	vld [tilespmem:s13+$0xA710];
	[tilespmem:s7+$0xC800] =	vst v1;
	s7 =	smov.u32 s13  }
0xc7: {  	s8 =	sadd.s32 $0x400, s8;
	v1 =	vld [tilespmem:s15+$0x0]  }
0xc8: {  	_ =	sdelay $0x1  }
0xc9: {  	v3 =	vld [tilespmem:s7+$0xA720]  }
0xca: {  	v4 =	vld [tilespmem:s7+$0xA730]  }
0xcb: {  	v5 =	vld [tilespmem:s7+$0xA740];
	v7 =	vbroadcast v1, $0x0  }
0xcc: {  	v6 =	vld [tilespmem:s7+$0xA750];
	v10 =	vbroadcast v1, $0x1  }
0xcd: {  	v8 =	vld [tilespmem:s7+$0xA760];
	v12 =	vbroadcast v1, $0x2;
	v2 =	vmul.f32 v7, v2  }
0xce: {  	v9 =	vld [tilespmem:s7+$0xA770];
	v48 =	vbroadcast v1, $0x3;
	v3 =	vmul.f32 v3, v10  }
0xcf: {  	v47 =	vld [tilespmem:s7+$0xA780];
	v49 =	vbroadcast v1, $0x4;
	v4 =	vmul.f32 v4, v12;
	[tilespmem:s7+$0xC710] =	vst v2  }
0xd0: {  	v54 =	vld [tilespmem:s7+$0xA7E0];
	v51 =	vbroadcast v1, $0x5;
	v5 =	vmul.f32 v5, v48;
	[tilespmem:s7+$0xC720] =	vst v3  }
0xd1: {  	v11 =	vld [tilespmem:s7+$0xA790];
	v53 =	vbroadcast v1, $0x6;
	v6 =	vmul.f32 v6, v49;
	[tilespmem:s7+$0xC730] =	vst v4  }
0xd2: {  	v55 =	vbroadcast v1, $0x7;
	v8 =	vmul.f32 v8, v51;
	v2 =	vld [tilespmem:s7+$0xA7A0];
	[tilespmem:s7+$0xC740] =	vst v5  }
0xd3: {  	v62 =	vbroadcast v1, $0xD;
	v9 =	vmul.f32 v9, v53;
	v3 =	vld [tilespmem:s7+$0xA7B0];
	[tilespmem:s7+$0xC750] =	vst v6  }
0xd4: {  	v50 =	vld [tilespmem:s7+$0xA7C0];
	v56 =	vbroadcast v1, $0x8;
	v7 =	vmul.f32 v47, v55;
	[tilespmem:s7+$0xC760] =	vst v8  }
0xd5: {  	v52 =	vld [tilespmem:s7+$0xA7D0];
	v58 =	vbroadcast v1, $0x9;
	v63 =	vmul.f32 v54, v62;
	[tilespmem:s7+$0xC770] =	vst v9  }
0xd6: {  	v57 =	vld [tilespmem:s7+$0xA7F0];
	v59 =	vbroadcast v1, $0xA;
	v8 =	vmul.f32 v11, v56;
	[tilespmem:s7+$0xC780] =	vst v7  }
0xd7: {  	v60 =	vld [tilespmem:s7+$0xA800];
	v13 =	vbroadcast v1, $0xB;
	[tilespmem:s7+$0xC7E0] =	vst v63;
	v2 =	vmul.f32 v2, v58  }
0xd8: {  	v61 =	vbroadcast v1, $0xC;
	[tilespmem:s7+$0xC790] =	vst v8;
	v3 =	vmul.f32 v3, v59  }
0xd9: {  	v4 =	vmul.f32 v50, v13;
	[tilespmem:s7+$0xC7A0] =	vst v2;
	v2 =	vbroadcast v1, $0xE  }
0xda: {  	[tilespmem:s7+$0xC7B0] =	vst v3;
	v3 =	vmul.f32 v52, v61;
	v1 =	vbroadcast v1, $0xF  }
0xdb: {  	[tilespmem:s7+$0xC7C0] =	vst v4;
	v2 =	vmul.f32 v57, v2  }
0xdc: {  	[tilespmem:s7+$0xC7D0] =	vst v3;
	v1 =	vmul.f32 v60, v1  }
0xdd: {  	s8 =	simm.s32 @!p2 $0x80;
	[tilespmem:s7+$0xC7F0] =	vst v2  }
0xde: {  	s13 =	simm.s32 @!p2 $0xA710;
	s6 =	sshll.u32 s6, $0x7;
	[tilespmem:s7+$0xC800] =	vst v1;
	s7 =	sadd.s32 @!p2 $0x2990, s3  }
0xdf: {  	[tilespmem:s13], [sflag:$0x2] =	stream.indirect.gather @!p2 [hbm4b:s5+s8], $0x10, s7, s8, $0xb8;
	[tilespmem:$0xE3F8] =	vst v63  }
0xe0: {  	s15 =	sadd.s32 $0x4F10, s6  }
0xe1: {  	[spmem:s1] =	stream.indirect.scatter.add.f32 [tilespmem:s29], [sflag:$0x6], $0x10, s15, s25, $0xb8;
	[tilespmem:$0xE3F8] =	vst v63  }
0xe2: {  	s6 =	sadd.s32 $0x7710, s6  }
0xe3: {  	[spmem:s2] =	stream.indirect.scatter.add.f32 [tilespmem:s6], [sflag:$0x9], $0x1, s15, s25, $0xb8;
	[tilespmem:$0xE3F8] =	vst v63  }
0xe4: {  	_ =	swait.ge [sflag:s30], $0x800  }
0xe5: {  	[sflag:s30] =	ssyncset.done $0x0  }
0xe6: {  	s6 =	simm.s32 @!p1 $0x7;
	[sflag:s30] =	ssyncadd.s32 $0xFFFFF800  }
0xe7: {  	_ =	swait.ge @!p1 [sflag:s6], $0x800  }
0xe8: {  	[sflag:s6] =	ssyncset.done @!p1 $0x0  }
0xe9: {  	s7 =	simm.s32 $0x0;
	[sflag:s6] =	ssyncadd.s32 @!p1 $0xFFFFF800  }
0xea: {  	v2 =	vld [tilespmem:s7+$0xAF10]  }
0xeb: {  	s8 =	simm.s32 $0x400;
	s15 =	smov.u32 s16;
	s6 =	sor.u32 $0x2, s24;
	v1 =	vld [tilespmem:s16+$0x0]  }
.LBB2_7:
0xec: {  	p3 =	sne.s32 s8, $0x1C00;
	v3 =	vld [tilespmem:s7+$0xAF20]  }
0xed: {  	v4 =	vld [tilespmem:s7+$0xAF30]  }
0xee: {  	v5 =	vld [tilespmem:s7+$0xAF40]  }
0xef: {  	v6 =	vld [tilespmem:s7+$0xAF50]  }
0xf0: {  	v7 =	vbroadcast v1, $0x0;
	v8 =	vbroadcast v1, $0x1;
	v9 =	vld [tilespmem:s7+$0xAF60]  }
0xf1: {  	v10 =	vbroadcast v1, $0x2;
	v11 =	vbroadcast v1, $0x3;
	v12 =	vld [tilespmem:s7+$0xAF70]  }
0xf2: {  	v2 =	vmul.f32 v7, v2;
	v3 =	vmul.f32 v3, v8;
	v7 =	vld [tilespmem:s7+$0xAF80]  }
0xf3: {  	v4 =	vmul.f32 v4, v10;
	v5 =	vmul.f32 v5, v11;
	v8 =	vld [tilespmem:s7+$0xAF90]  }
0xf4: {  	v10 =	vbroadcast v1, $0x5;
	[tilespmem:s7+$0xCF10] =	vst v2;
	v2 =	vbroadcast v1, $0x4;
	v11 =	vld [tilespmem:s7+$0xAFA0]  }
0xf5: {  	v13 =	vbroadcast v1, $0x7;
	[tilespmem:s7+$0xCF20] =	vst v3;
	v3 =	vbroadcast v1, $0x6;
	v14 =	vld [tilespmem:s7+$0xAFB0]  }
0xf6: {  	[tilespmem:s7+$0xCF30] =	vst v4;
	v2 =	vmul.f32 v6, v2;
	v4 =	vmul.f32 v9, v10;
	v6 =	vld [tilespmem:s7+$0xAFC0]  }
0xf7: {  	[tilespmem:s7+$0xCF40] =	vst v5;
	v3 =	vmul.f32 v12, v3;
	v5 =	vmul.f32 v7, v13;
	v7 =	vld [tilespmem:s7+$0xAFD0]  }
0xf8: {  	v9 =	vbroadcast v1, $0x9;
	[tilespmem:s7+$0xCF50] =	vst v2;
	v2 =	vbroadcast v1, $0x8;
	v10 =	vld [tilespmem:s7+$0xAFE0]  }
0xf9: {  	v12 =	vbroadcast v1, $0xB;
	[tilespmem:s7+$0xCF60] =	vst v4;
	v4 =	vbroadcast v1, $0xA;
	v13 =	vld [tilespmem:s7+$0xAFF0]  }
0xfa: {  	[tilespmem:s7+$0xCF70] =	vst v3;
	v2 =	vmul.f32 v8, v2;
	v3 =	vmul.f32 v11, v9;
	v8 =	vld [tilespmem:s7+$0xB000]  }
0xfb: {  	[tilespmem:s7+$0xCF80] =	vst v5;
	v4 =	vmul.f32 v14, v4;
	v5 =	vmul.f32 v6, v12  }
0xfc: {  	v6 =	vbroadcast v1, $0xD;
	[tilespmem:s7+$0xCF90] =	vst v2;
	v2 =	vbroadcast v1, $0xC  }
0xfd: {  	[tilespmem:s7+$0xCFA0] =	vst v3;
	v3 =	vbroadcast v1, $0xE;
	v1 =	vbroadcast v1, $0xF  }
0xfe: {  	[tilespmem:s7+$0xCFB0] =	vst v4;
	v2 =	vmul.f32 v7, v2;
	v4 =	vmul.f32 v10, v6  }
0xff: {  	[tilespmem:s7+$0xCFC0] =	vst v5;
	v3 =	vmul.f32 v13, v3;
	v1 =	vmul.f32 v8, v1  }
.Ltmp2:
0x100: {  	[tilespmem:s7+$0xCFD0] =	vst v2;
	(pc) =	sbr.rel @p3 .LBB2_7-.Ltmp2, $4  }
0x101: {  	[tilespmem:s7+$0xCFE0] =	vst v4  }
0x102: {  	s13 =	sshra.s32 s8, $0x2;
	[tilespmem:s7+$0xCFF0] =	vst v3  }
0x103: {  	s15 =	sadd.s32 $0x10, s15;
	v2 =	vld [tilespmem:s13+$0xAF10];
	[tilespmem:s7+$0xD000] =	vst v1;
	s7 =	smov.u32 s13  }
0x104: {  	s8 =	sadd.s32 $0x400, s8;
	v1 =	vld [tilespmem:s15+$0x0]  }
0x105: {  	_ =	sdelay $0x1  }
0x106: {  	v3 =	vld [tilespmem:s7+$0xAF20]  }
0x107: {  	v4 =	vld [tilespmem:s7+$0xAF30]  }
0x108: {  	v5 =	vld [tilespmem:s7+$0xAF40];
	v7 =	vbroadcast v1, $0x0  }
0x109: {  	v6 =	vld [tilespmem:s7+$0xAF50];
	v10 =	vbroadcast v1, $0x1  }
0x10a: {  	v8 =	vld [tilespmem:s7+$0xAF60];
	v12 =	vbroadcast v1, $0x2;
	v2 =	vmul.f32 v7, v2  }
0x10b: {  	v9 =	vld [tilespmem:s7+$0xAF70];
	v48 =	vbroadcast v1, $0x3;
	v3 =	vmul.f32 v3, v10  }
0x10c: {  	v47 =	vld [tilespmem:s7+$0xAF80];
	v49 =	vbroadcast v1, $0x4;
	v4 =	vmul.f32 v4, v12;
	[tilespmem:s7+$0xCF10] =	vst v2  }
0x10d: {  	v54 =	vld [tilespmem:s7+$0xAFE0];
	v51 =	vbroadcast v1, $0x5;
	v5 =	vmul.f32 v5, v48;
	[tilespmem:s7+$0xCF20] =	vst v3  }
0x10e: {  	v11 =	vld [tilespmem:s7+$0xAF90];
	v53 =	vbroadcast v1, $0x6;
	v6 =	vmul.f32 v6, v49;
	[tilespmem:s7+$0xCF30] =	vst v4  }
0x10f: {  	v55 =	vbroadcast v1, $0x7;
	v8 =	vmul.f32 v8, v51;
	v2 =	vld [tilespmem:s7+$0xAFA0];
	[tilespmem:s7+$0xCF40] =	vst v5  }
0x110: {  	v62 =	vbroadcast v1, $0xD;
	v9 =	vmul.f32 v9, v53;
	v3 =	vld [tilespmem:s7+$0xAFB0];
	[tilespmem:s7+$0xCF50] =	vst v6  }
0x111: {  	v50 =	vld [tilespmem:s7+$0xAFC0];
	v56 =	vbroadcast v1, $0x8;
	v7 =	vmul.f32 v47, v55;
	[tilespmem:s7+$0xCF60] =	vst v8  }
0x112: {  	v52 =	vld [tilespmem:s7+$0xAFD0];
	v58 =	vbroadcast v1, $0x9;
	v63 =	vmul.f32 v54, v62;
	[tilespmem:s7+$0xCF70] =	vst v9  }
0x113: {  	v57 =	vld [tilespmem:s7+$0xAFF0];
	v59 =	vbroadcast v1, $0xA;
	v8 =	vmul.f32 v11, v56;
	[tilespmem:s7+$0xCF80] =	vst v7  }
0x114: {  	v60 =	vld [tilespmem:s7+$0xB000];
	v13 =	vbroadcast v1, $0xB;
	[tilespmem:s7+$0xCFE0] =	vst v63;
	v2 =	vmul.f32 v2, v58  }
0x115: {  	v61 =	vbroadcast v1, $0xC;
	[tilespmem:s7+$0xCF90] =	vst v8;
	v3 =	vmul.f32 v3, v59  }
0x116: {  	v4 =	vmul.f32 v50, v13;
	[tilespmem:s7+$0xCFA0] =	vst v2;
	v2 =	vbroadcast v1, $0xE  }
0x117: {  	[tilespmem:s7+$0xCFB0] =	vst v3;
	v3 =	vmul.f32 v52, v61;
	v1 =	vbroadcast v1, $0xF  }
0x118: {  	[tilespmem:s7+$0xCFC0] =	vst v4;
	v2 =	vmul.f32 v57, v2  }
0x119: {  	[tilespmem:s7+$0xCFD0] =	vst v3;
	v1 =	vmul.f32 v60, v1  }
0x11a: {  	s8 =	simm.s32 @!p2 $0x80;
	[tilespmem:s7+$0xCFF0] =	vst v2  }
0x11b: {  	s13 =	simm.s32 @!p2 $0xAF10;
	s6 =	sshll.u32 s6, $0x7;
	[tilespmem:s7+$0xD000] =	vst v1;
	s7 =	sadd.s32 @!p2 $0x2A10, s3  }
0x11c: {  	[tilespmem:s13], [sflag:$0x3] =	stream.indirect.gather @!p2 [hbm4b:s5+s8], $0x10, s7, s8, $0xb8;
	[tilespmem:$0xE3F8] =	vst v63  }
0x11d: {  	s15 =	sadd.s32 $0x4F10, s6  }
0x11e: {  	[spmem:s1] =	stream.indirect.scatter.add.f32 [tilespmem:s31], [sflag:$0x7], $0x10, s15, s25, $0xb8;
	[tilespmem:$0xE3F8] =	vst v63  }
0x11f: {  	s6 =	sadd.s32 $0x7710, s6  }
0x120: {  	[spmem:s2] =	stream.indirect.scatter.add.f32 [tilespmem:s6], [sflag:$0x9], $0x1, s15, s25, $0xb8;
	[tilespmem:$0xE3F8] =	vst v63  }
0x121: {  	_ =	swait.ge [sflag:s0], $0x800  }
0x122: {  	[sflag:s0] =	ssyncset.done $0x0  }
0x123: {  	s6 =	simm.s32 @!p1 $0x8;
	[sflag:s0] =	ssyncadd.s32 $0xFFFFF800  }
0x124: {  	_ =	swait.ge @!p1 [sflag:s6], $0x800  }
0x125: {  	[sflag:s6] =	ssyncset.done @!p1 $0x0  }
0x126: {  	s7 =	simm.s32 $0x0;
	[sflag:s6] =	ssyncadd.s32 @!p1 $0xFFFFF800  }
0x127: {  	v2 =	vld [tilespmem:s7+$0xB710]  }
0x128: {  	s8 =	simm.s32 $0x400;
	s15 =	smov.u32 s17;
	s6 =	sor.u32 $0x3, s24;
	v1 =	vld [tilespmem:s17+$0x0]  }
.LBB2_9:
0x129: {  	p1 =	sne.s32 s8, $0x1C00;
	v3 =	vld [tilespmem:s7+$0xB720]  }
0x12a: {  	v4 =	vld [tilespmem:s7+$0xB730]  }
0x12b: {  	v5 =	vld [tilespmem:s7+$0xB740]  }
0x12c: {  	v6 =	vld [tilespmem:s7+$0xB750]  }
0x12d: {  	v7 =	vbroadcast v1, $0x0;
	v8 =	vbroadcast v1, $0x1;
	v9 =	vld [tilespmem:s7+$0xB760]  }
0x12e: {  	v10 =	vbroadcast v1, $0x2;
	v11 =	vbroadcast v1, $0x3;
	v12 =	vld [tilespmem:s7+$0xB770]  }
0x12f: {  	v2 =	vmul.f32 v7, v2;
	v3 =	vmul.f32 v3, v8;
	v7 =	vld [tilespmem:s7+$0xB780]  }
0x130: {  	v4 =	vmul.f32 v4, v10;
	v5 =	vmul.f32 v5, v11;
	v8 =	vld [tilespmem:s7+$0xB790]  }
0x131: {  	v10 =	vbroadcast v1, $0x5;
	[tilespmem:s7+$0xD710] =	vst v2;
	v2 =	vbroadcast v1, $0x4;
	v11 =	vld [tilespmem:s7+$0xB7A0]  }
0x132: {  	v13 =	vbroadcast v1, $0x7;
	[tilespmem:s7+$0xD720] =	vst v3;
	v3 =	vbroadcast v1, $0x6;
	v14 =	vld [tilespmem:s7+$0xB7B0]  }
0x133: {  	[tilespmem:s7+$0xD730] =	vst v4;
	v2 =	vmul.f32 v6, v2;
	v4 =	vmul.f32 v9, v10;
	v6 =	vld [tilespmem:s7+$0xB7C0]  }
0x134: {  	[tilespmem:s7+$0xD740] =	vst v5;
	v3 =	vmul.f32 v12, v3;
	v5 =	vmul.f32 v7, v13;
	v7 =	vld [tilespmem:s7+$0xB7D0]  }
0x135: {  	v9 =	vbroadcast v1, $0x9;
	[tilespmem:s7+$0xD750] =	vst v2;
	v2 =	vbroadcast v1, $0x8;
	v10 =	vld [tilespmem:s7+$0xB7E0]  }
0x136: {  	v12 =	vbroadcast v1, $0xB;
	[tilespmem:s7+$0xD760] =	vst v4;
	v4 =	vbroadcast v1, $0xA;
	v13 =	vld [tilespmem:s7+$0xB7F0]  }
0x137: {  	[tilespmem:s7+$0xD770] =	vst v3;
	v2 =	vmul.f32 v8, v2;
	v3 =	vmul.f32 v11, v9;
	v8 =	vld [tilespmem:s7+$0xB800]  }
0x138: {  	[tilespmem:s7+$0xD780] =	vst v5;
	v4 =	vmul.f32 v14, v4;
	v5 =	vmul.f32 v6, v12  }
0x139: {  	v6 =	vbroadcast v1, $0xD;
	[tilespmem:s7+$0xD790] =	vst v2;
	v2 =	vbroadcast v1, $0xC  }
0x13a: {  	[tilespmem:s7+$0xD7A0] =	vst v3;
	v3 =	vbroadcast v1, $0xE;
	v1 =	vbroadcast v1, $0xF  }
0x13b: {  	[tilespmem:s7+$0xD7B0] =	vst v4;
	v2 =	vmul.f32 v7, v2;
	v4 =	vmul.f32 v10, v6  }
0x13c: {  	[tilespmem:s7+$0xD7C0] =	vst v5;
	v3 =	vmul.f32 v13, v3;
	v1 =	vmul.f32 v8, v1  }
.Ltmp3:
0x13d: {  	[tilespmem:s7+$0xD7D0] =	vst v2;
	(pc) =	sbr.rel @p1 .LBB2_9-.Ltmp3, $4  }
0x13e: {  	[tilespmem:s7+$0xD7E0] =	vst v4  }
0x13f: {  	s13 =	sshra.s32 s8, $0x2;
	[tilespmem:s7+$0xD7F0] =	vst v3  }
0x140: {  	s15 =	sadd.s32 $0x10, s15;
	v2 =	vld [tilespmem:s13+$0xB710];
	[tilespmem:s7+$0xD800] =	vst v1;
	s7 =	smov.u32 s13  }
0x141: {  	s8 =	sadd.s32 $0x400, s8;
	v1 =	vld [tilespmem:s15+$0x0]  }
0x142: {  	_ =	sdelay $0x1  }
0x143: {  	v3 =	vld [tilespmem:s7+$0xB720]  }
0x144: {  	v4 =	vld [tilespmem:s7+$0xB730]  }
0x145: {  	v5 =	vld [tilespmem:s7+$0xB740];
	v7 =	vbroadcast v1, $0x0  }
0x146: {  	v6 =	vld [tilespmem:s7+$0xB750];
	v10 =	vbroadcast v1, $0x1  }
0x147: {  	v8 =	vld [tilespmem:s7+$0xB760];
	v12 =	vbroadcast v1, $0x2;
	v2 =	vmul.f32 v7, v2  }
0x148: {  	v9 =	vld [tilespmem:s7+$0xB770];
	v48 =	vbroadcast v1, $0x3;
	v3 =	vmul.f32 v3, v10  }
0x149: {  	v47 =	vld [tilespmem:s7+$0xB780];
	v49 =	vbroadcast v1, $0x4;
	v4 =	vmul.f32 v4, v12;
	[tilespmem:s7+$0xD710] =	vst v2  }
0x14a: {  	v54 =	vld [tilespmem:s7+$0xB7E0];
	v51 =	vbroadcast v1, $0x5;
	v5 =	vmul.f32 v5, v48;
	[tilespmem:s7+$0xD720] =	vst v3  }
0x14b: {  	v11 =	vld [tilespmem:s7+$0xB790];
	v53 =	vbroadcast v1, $0x6;
	v6 =	vmul.f32 v6, v49;
	[tilespmem:s7+$0xD730] =	vst v4  }
0x14c: {  	v55 =	vbroadcast v1, $0x7;
	v8 =	vmul.f32 v8, v51;
	v2 =	vld [tilespmem:s7+$0xB7A0];
	[tilespmem:s7+$0xD740] =	vst v5  }
0x14d: {  	v62 =	vbroadcast v1, $0xD;
	v9 =	vmul.f32 v9, v53;
	v3 =	vld [tilespmem:s7+$0xB7B0];
	[tilespmem:s7+$0xD750] =	vst v6  }
0x14e: {  	v50 =	vld [tilespmem:s7+$0xB7C0];
	v56 =	vbroadcast v1, $0x8;
	v7 =	vmul.f32 v47, v55;
	[tilespmem:s7+$0xD760] =	vst v8  }
0x14f: {  	v52 =	vld [tilespmem:s7+$0xB7D0];
	v58 =	vbroadcast v1, $0x9;
	v63 =	vmul.f32 v54, v62;
	[tilespmem:s7+$0xD770] =	vst v9  }
0x150: {  	v57 =	vld [tilespmem:s7+$0xB7F0];
	v59 =	vbroadcast v1, $0xA;
	v8 =	vmul.f32 v11, v56;
	[tilespmem:s7+$0xD780] =	vst v7  }
0x151: {  	v60 =	vld [tilespmem:s7+$0xB800];
	v13 =	vbroadcast v1, $0xB;
	[tilespmem:s7+$0xD7E0] =	vst v63;
	v2 =	vmul.f32 v2, v58  }
0x152: {  	v61 =	vbroadcast v1, $0xC;
	[tilespmem:s7+$0xD790] =	vst v8;
	v3 =	vmul.f32 v3, v59  }
0x153: {  	v4 =	vmul.f32 v50, v13;
	[tilespmem:s7+$0xD7A0] =	vst v2;
	v2 =	vbroadcast v1, $0xE  }
0x154: {  	[tilespmem:s7+$0xD7B0] =	vst v3;
	v3 =	vmul.f32 v52, v61;
	v1 =	vbroadcast v1, $0xF  }
0x155: {  	[tilespmem:s7+$0xD7C0] =	vst v4;
	v2 =	vmul.f32 v57, v2  }
0x156: {  	[tilespmem:s7+$0xD7D0] =	vst v3;
	v1 =	vmul.f32 v60, v1  }
0x157: {  	s3 =	sadd.s32 @!p2 $0x2A90, s3;
	s19 =	sadd.s32 $0x1, s19;
	[tilespmem:s7+$0xD7F0] =	vst v2  }
0x158: {  	s8 =	simm.s32 @!p2 $0xB710;
	p1 =	sne.s32 s19, $0x14;
	[tilespmem:s7+$0xD800] =	vst v1;
	s7 =	simm.s32 @!p2 $0x80  }
0x159: {  	[tilespmem:s8], [sflag:$0x4] =	stream.indirect.gather @!p2 [hbm4b:s5+s7], $0x10, s3, s7, $0xb8;
	[tilespmem:$0xE3F8] =	vst v63  }
.Ltmp4:
0x15a: {  	s24 =	sshll.u32 s6, $0x7;
	(pc) =	sbr.rel @p1 .LBB2_2-.Ltmp4, $4  }
0x15b: {  	s18 =	sadd.s32 $0x200, s18;
	s4 =	sadd.s32 $0x200, s4;
	s6 =	sadd.s32 $0x4F10, s24  }
0x15c: {  	[spmem:s1] =	stream.indirect.scatter.add.f32 [tilespmem:s22], [sflag:$0x8], $0x10, s6, s25, $0xb8;
	[tilespmem:$0xE3F8] =	vst v63  }
0x15d: {  	s16 =	sadd.s32 $0x200, s16;
	s17 =	sadd.s32 $0x200, s17;
	s3 =	sadd.s32 $0x7710, s24  }
0x15e: {  	[spmem:s2] =	stream.indirect.scatter.add.f32 [tilespmem:s3], [sflag:$0x9], $0x1, s6, s25, $0xb8;
	[tilespmem:$0xE3F8] =	vst v63  }
0x15f: {  	s3 =	simm.s32 $0x5  }
0x160: {  	_ =	swait.ge [sflag:s3], $0x800  }
0x161: {  	[sflag:s3] =	ssyncset.done $0x0  }
0x162: {  	s18 =	simm.s32 $0x6;
	[sflag:s3] =	ssyncadd.s32 $0xFFFFF800  }
0x163: {  	_ =	swait.ge [sflag:s18], $0x800  }
0x164: {  	[sflag:s18] =	ssyncset.done $0x0  }
0x165: {  	s19 =	simm.s32 $0x7;
	[sflag:s18] =	ssyncadd.s32 $0xFFFFF800  }
0x166: {  	_ =	swait.ge [sflag:s19], $0x800  }
0x167: {  	[sflag:s19] =	ssyncset.done $0x0  }
0x168: {  	s24 =	simm.s32 $0x8;
	[sflag:s19] =	ssyncadd.s32 $0xFFFFF800  }
0x169: {  	_ =	swait.ge [sflag:s24], $0x800  }
0x16a: {  	[sflag:s24] =	ssyncset.done $0x0  }
0x16b: {  	[sflag:s24] =	ssyncadd.s32 $0xFFFFF800  }
0x16c: {  	_ =	swait.ge [sflag:s9], $0x80  }
0x16d: {  	s3 =	simm.s32 $0x4F;
	[sflag:s9] =	ssyncset.done $0x0  }
.LBB2_12:
0x16e: {  	p1 =	sne.s32 s3, $0x1;
	s3 =	sadd.s32 $0xFFFFFFFF, s3;
	[sflag:s9] =	ssyncadd.s32 $0xFFFFFF80  }
.Ltmp5:
0x16f: {  	(pc) =	sbr.rel @p1 .LBB2_12-.Ltmp5, $3  }
0x170: {  	_ =	sdelay $0x1  }
0x171: {  	_ =	swait.ge [sflag:s9], $0x80  }
0x172: {  	[sflag:s9] =	ssyncset.done $0x0  }
0x173: {  	[sflag:s9] =	ssyncadd.s32 $0xFFFFFF80  }
0x174: {  	[bflag:$0x0] =	sbarrier.arrive $0xFFFF  }
0x175: {  	s3 =	rddreg [dreg:$0xd]  }
0x176: {  	[hbm:s3], [sflag:s11] =	dma.local [spmem:s12], $0x4E0  }
0x177: {  	_ =	swait.ge [sflag:s21], $0x4E0  }
0x178: {  	[sflag:s21] =	ssyncset.done $0x0  }
0x179: {  	s3 =	rddreg [dreg:$0xe];
	[sflag:s21] =	ssyncadd.s32 $0xFFFFFB20  }
0x17a: {  	[hbm:s3], [sflag:s11] =	dma.local @!p0 [spmem:s20], $0x20  }
0x17b: {  	s3 =	simm.s32 @!p0 $0xA  }
0x17c: {  	_ =	swait.ge @!p0 [sflag:s3], $0x20  }
0x17d: {  	[sflag:s3] =	ssyncset.done @!p0 $0x0  }
0x17e: {  	s13 =	simm.s32 $0xE188;
	[sflag:s3] =	ssyncadd.s32 @!p0 $0xFFFFFFE0  }
0x17f: {  	[tilespmem:s13], [sflag:$0xA] =	stream.linear.gather [spmem:s14], $0x270, $0x38;
	[tilespmem:$0xE3F8] =	vst v63  }
0x180: {  	_ =	swait.ge [sflag:s21], $0x270  }
0x181: {  	[sflag:s21] =	ssyncset.done $0x0  }
0x182: {  	s17 =	simm.s32 $0x0;
	s4 =	rddreg [dreg:$0xf];
	[sflag:s21] =	ssyncadd.s32 $0xFFFFFD90  }
0x183: {  	[hbm4b:s4+s17] =	stream.linear.scatter [tilespmem:s13], [sflag:$0xA], $0x270, $0x38;
	[tilespmem:$0xE3F8] =	vst v63  }
0x184: {  	_ =	swait.ge [sflag:s21], $0x270  }
0x185: {  	[sflag:s21] =	ssyncset.done $0x0  }
0x186: {  	s4 =	simm.s32 @!p0 $0xE188;
	s8 =	rddreg [dreg:$0xc];
	[sflag:s21] =	ssyncadd.s32 $0xFFFFFD90  }
0x187: {  	[tilespmem:s4], [sflag:$0xA] =	stream.linear.gather @!p0 [spmem:s8], $0x10, $0x38;
	[tilespmem:$0xE3F8] =	vst v63  }
0x188: {  	_ =	swait.ge @!p0 [sflag:s3], $0x10  }
0x189: {  	[sflag:s3] =	ssyncset.done @!p0 $0x0  }
0x18a: {  	s6 =	simm.s32 @!p0 $0x0;
	s11 =	rddreg [dreg:$0x10];
	[sflag:s3] =	ssyncadd.s32 @!p0 $0xFFFFFFF0  }
0x18b: {  	[hbm4b:s11+s6] =	stream.linear.scatter @!p0 [tilespmem:s4], [sflag:$0xA], $0x10, $0x38;
	[tilespmem:$0xE3F8] =	vst v63  }
0x18c: {  	_ =	swait.ge @!p0 [sflag:s3], $0x10  }
0x18d: {  	s10 =	sadd.s32 $0x1, s10;
	s24 =	rddreg [dreg:$0x11]  }
0x18e: {  	p1 =	sne.s32 s10, s24  }
.Ltmp6:
0x18f: {  	_ = 	snop;
	(pc) =	sbr.rel @p1 .LBB2_1-.Ltmp6, $3  }
0x190: {  	_ =	sdelay $0x1  }
0x191: {  	[sflag:s3] =	ssyncset.done @!p0 $0x0  }
0x192: {  	s7 =	smov.u32 s14;
	[sflag:s3] =	ssyncadd.s32 @!p0 $0xFFFFFFF0  }
0x193: {  	_ =	sfence.sel $0x180000  }
0x194: {  	[bflag:$0x0] =	sbarrier.arrive $0xFFFF  }
0x195: {  	_ =	strace $0x90000047  }
0x196: {  	[bflag:$0x2] =	sbarrier.arrive $0xFFFF  }
0x197: {  	s0 =	rddreg [dreg:$0x4]  }
0x198: {  	s0 =	sadd.s32 @!p0 $0x100000, s0  }
0x199: {  	[sflag:s0] =	ssyncadd.tile.s32 @!p0 $0x1;
	_ =	shalt  }
.Lfunc_end2:
_tile_overlayer_lowered:
.L_overlay_start_2:
0x19a: {  	(tag) =	ssettag $0x2  }
0x19b: {  	s0 =	rddreg [dreg:$0x0];
	s2 =	stileid.u32  }
0x19c: {  	s1 =	rddreg [dreg:$0x1];
	p0 =	sne.s32 s2, $0x0  }
0x19d: {  	s3 =	rddreg [dreg:$0x2];
	[bflag:$0x3] =	sbarrier.arrive $0xFFFF;
	s2 =	simm.s32 @!p0 $0x1C0A  }
0x19e: {  	[timem:s3], [sflag:s2] =	dma.local @!p0 [hbm:s0], s1  }
0x19f: {  	s0 =	simm.s32 @!p0 $0xA  }
0x1a0: {  	_ =	swait.ge @!p0 [sflag:s0], s1  }
0x1a1: {  	s1 =	ssub.s32 @!p0 $0x0, s1;
	[sflag:s0] =	ssyncset.done @!p0 $0x0  }
0x1a2: {  	[sflag:s0] =	ssyncadd.s32 @!p0 s1  }
0x1a3: {  	[bflag:$0x3] =	sbarrier.arrive $0xFFFF  }
0x1a4: {  	_ =	shalt  }

</sc_bundles>
